<compile_context>
chip_gen: v7x
topology: tpu7x:2x2x1
jax: 0.10.2.dev20260603
libtpu: 0.0.44.dev20260713+nightly
codegen_flags: <defaults>
</compile_context>

<pallas_src>
import functools

import jax
import jax.numpy as jnp
from jax import lax
from jax.experimental import pallas as pl
from jax.experimental.pallas import tpu as pltpu
from jax.experimental.pallas import tpu_sc as plsc

VOCAB = 128
DIM = 128
SEQ = 512
BATCH = 1024

NC = 2
NS = 16
NW = NC * NS
LANES = 16

ROWS = BATCH * SEQ
RPW = ROWS // NW
BPT = BATCH // NW
HB = 8
SB = 32
NQ = BPT // HB
NJ = SEQ // SB
NBLK = NQ * NJ
NBUF = 2
KD = DIM // LANES


def _emb_body(xr_hbm, lw_hbm, pw_hbm, out_hbm,
              idx_v, l_v, pp0, pp1, buf0, buf1,
              q0, q1, s0, s1):
    wid = lax.axis_index("s") * NC + lax.axis_index("c")
    row0 = wid * RPW

    bufs = (buf0, buf1)
    pps = (pp0, pp1)
    psem = (q0, q1)
    ssem = (s0, s1)

    pltpu.sync_copy(xr_hbm.at[wid], idx_v)
    pltpu.sync_copy(lw_hbm, l_v)

    pltpu.async_copy(pw_hbm.at[pl.ds(0, SB)], pps[0], psem[0])

    def outer(i, carry):
        for par in range(NBUF):
            jb = i * NBUF + par
            q = jb % NQ
            pbase = (jb // NQ) * SB
            jn = jb + 1
            bn = (par + 1) % NBUF

            if par == 0:
                pltpu.async_copy(
                    pw_hbm.at[pl.ds((jn // NQ) * SB, SB)], pps[bn], psem[bn]
                )
            else:
                @pl.when(i < NBLK // NBUF - 1)
                def _():
                    pltpu.async_copy(
                        pw_hbm.at[pl.ds((jn // NQ) * SB, SB)],
                        pps[bn], psem[bn],
                    )

            @pl.when(i >= 1)
            def _():
                for _ in range(HB):
                    pltpu.make_async_copy(
                        bufs[par].at[pl.ds(0, SB)],
                        out_hbm.at[pl.ds(0, SB)],
                        ssem[par],
                    ).wait()
            pltpu.make_async_copy(
                pw_hbm.at[pl.ds(pbase, SB)], pps[par], psem[par]
            ).wait()

            def pair_body(p, carry2):
                toks = idx_v[jb, pl.ds(p * 2 * HB, 2 * HB)]
                prow0 = [
                    pps[par][2 * p, pl.ds(k * LANES, LANES)]
                    for k in range(KD)
                ]
                prow1 = [
                    pps[par][2 * p + 1, pl.ds(k * LANES, LANES)]
                    for k in range(KD)
                ]
                for bi in range(HB):
                    ta = toks[bi]
                    tb = toks[HB + bi]
                    la = [
                        l_v[ta, pl.ds(k * LANES, LANES)] for k in range(KD)
                    ]
                    lb = [
                        l_v[tb, pl.ds(k * LANES, LANES)] for k in range(KD)
                    ]
                    for k in range(KD):
                        sl = pl.ds(k * LANES, LANES)
                        bufs[par][bi * SB + 2 * p, sl] = la[k] + prow0[k]
                        bufs[par][bi * SB + 2 * p + 1, sl] = (
                            lb[k] + prow1[k]
                        )
                return carry2

            lax.fori_loop(0, SB // 2, pair_body, 0, unroll=False)

            for bi in range(HB):
                pltpu.async_copy(
                    bufs[par].at[pl.ds(bi * SB, SB)],
                    out_hbm.at[
                        pl.ds(row0 + (q * HB + bi) * SEQ + pbase, SB)
                    ],
                    ssem[par],
                )
        return carry

    lax.fori_loop(0, NBLK // NBUF, outer, 0, unroll=False)

    for par in range(NBUF):
        for _ in range(HB):
            pltpu.make_async_copy(
                bufs[par].at[pl.ds(0, SB)],
                out_hbm.at[pl.ds(0, SB)],
                ssem[par],
            ).wait()


_emb = functools.partial(
    pl.kernel,
    out_type=jax.ShapeDtypeStruct((ROWS, DIM), jnp.float32),
    mesh=plsc.VectorSubcoreMesh(core_axis_name="c", subcore_axis_name="s"),
    scratch_types=[
        pltpu.VMEM((NBLK, SB * HB), jnp.int32),
        pltpu.VMEM((VOCAB, DIM), jnp.float32),
        pltpu.VMEM((SB, DIM), jnp.float32),
        pltpu.VMEM((SB, DIM), jnp.float32),
        pltpu.VMEM((HB * SB, DIM), jnp.float32),
        pltpu.VMEM((HB * SB, DIM), jnp.float32),
        pltpu.SemaphoreType.DMA,
        pltpu.SemaphoreType.DMA,
        pltpu.SemaphoreType.DMA,
        pltpu.SemaphoreType.DMA,
    ],
)(_emb_body)


@jax.jit
def kernel(x, embedLettre_w, embedPosition_w):
    xr = (
        x.reshape(NW, NQ, HB, NJ, SB)
        .transpose(0, 3, 1, 4, 2)
        .reshape(NW, NBLK, SB * HB)
    )
    out = _emb(xr, embedLettre_w, embedPosition_w)
    return out.reshape(BATCH, SEQ, DIM)

# --- scband reference (transcript-rebuilt; emitter-appended) ---
"""Pipeline reference for scband-embedding-37778532336462 (READ-ONLY COPY).

The authoritative reference and input builder live on the scoring server;
editing this copy changes nothing except your own understanding.
"""

import jax, jax.numpy as jnp
import numpy as np

VOCAB = 128
DIM_EMB = 128
BLOCK_SIZE = 512
BATCH = 1024


def setup_inputs(seed: int = 0) -> dict:
    key = jax.random.key(seed)
    k1, k2, k3 = jax.random.split(key, 3)
    x = jax.random.randint(k1, (BATCH, BLOCK_SIZE), 0, VOCAB, dtype=jnp.int32)
    embedLettre_w = jax.random.normal(k2, (VOCAB, DIM_EMB), dtype=jnp.float32)
    embedPosition_w = jax.random.normal(k3, (BLOCK_SIZE, DIM_EMB), dtype=jnp.float32)
    return {"x": x, "embedLettre_w": embedLettre_w, "embedPosition_w": embedPosition_w}


def reference(x, embedLettre_w, embedPosition_w):
    # y1 = self.embedLettre(x)
    y1 = jnp.take(embedLettre_w, x, axis=0)
    # position = torch.arange(x.size(-1)); y2 = self.embedPosition(position)
    position = jnp.arange(x.shape[-1])
    y2 = jnp.take(embedPosition_w, position, axis=0)
    # dropout is defined in __init__ but never applied in forward
    return y1 + y2

if __name__ == "__main__":
    import jax
    _d = setup_inputs()
    print(jax.jit(kernel)(*tuple(_d.values())))

</pallas_src>

<mosaic_0001>
#map = affine_map<(d0, d1) -> (0, 0, 0)>
#map1 = affine_map<(d0, d1) -> (0, 0)>
module attributes {stable_mosaic.version = 14 : i64} {
  func.func @_emb_body(%arg0: i32, %arg1: i32, %arg2: memref<32x64x256xi32, #tpu.memory_space<hbm>>, %arg3: memref<128x128xf32, #tpu.memory_space<hbm>>, %arg4: memref<512x128xf32, #tpu.memory_space<hbm>>, %arg5: memref<524288x128xf32, #tpu.memory_space<hbm>>, %arg6: memref<64x256xi32, #tpu.memory_space<vmem>>, %arg7: memref<128x128xf32, #tpu.memory_space<vmem>>, %arg8: memref<32x128xf32, #tpu.memory_space<vmem>>, %arg9: memref<32x128xf32, #tpu.memory_space<vmem>>, %arg10: memref<256x128xf32, #tpu.memory_space<vmem>>, %arg11: memref<256x128xf32, #tpu.memory_space<vmem>>, %arg12: memref<!tpu.dma_semaphore, #tpu.memory_space<semaphore_mem>>, %arg13: memref<!tpu.dma_semaphore, #tpu.memory_space<semaphore_mem>>, %arg14: memref<!tpu.dma_semaphore, #tpu.memory_space<semaphore_mem>>, %arg15: memref<!tpu.dma_semaphore, #tpu.memory_space<semaphore_mem>>) attributes {dimension_semantics = [#tpu.dimension_semantics<core_parallel>, #tpu.dimension_semantics<subcore_parallel>], iteration_bounds = array<i64: 2, 16>, scalar_prefetch = 0 : i64, scratch_operands = 10 : i64, tpu.core_type = #tpu.core_type<sc_vector_subcore>, window_params = [{transform_indices = #map}, {transform_indices = #map1}, {transform_indices = #map1}, {transform_indices = #map1}]} {
    %mul3A = arith.constant 2 : i32
    %mul3A_0 = arith.muli %arg1, %mul3A : i32
    %add3A = arith.addi %mul3A_0, %arg0 : i32
    %mul3A_1 = arith.constant 16384 : i32
    %mul3A_2 = arith.muli %add3A, %mul3A_1 : i32
    "tpu.region"() ({
      %run_scoped3A = tpu.sem_alloc : memref<!tpu.dma_semaphore, #tpu.memory_space<semaphore_mem>>
      %dma_start3A_204 = arith.constant 0 : i32
      %dma_start3A_205 = arith.constant 0 : i32
      %dma_start3A_206 = tpu.memref_slice %arg2[%add3A, %dma_start3A_204, %dma_start3A_205] : memref<32x64x256xi32, #tpu.memory_space<hbm>> -> memref<1x64x256xi32, #tpu.memory_space<hbm>>
      %dma_start3A_207 = tpu.memref_squeeze %dma_start3A_206 : memref<1x64x256xi32, #tpu.memory_space<hbm>> -> memref<64x256xi32, #tpu.memory_space<hbm>>
      %dma_start3A_208 = arith.constant 0 : i32
      %dma_start3A_209 = arith.constant 0 : i32
      %dma_start3A_210 = tpu.memref_slice %arg2[%add3A, %dma_start3A_208, %dma_start3A_209] : memref<32x64x256xi32, #tpu.memory_space<hbm>> -> memref<1x64x256xi32, #tpu.memory_space<hbm>>
      %dma_start3A_211 = tpu.memref_squeeze %dma_start3A_210 : memref<1x64x256xi32, #tpu.memory_space<hbm>> -> memref<64x256xi32, #tpu.memory_space<hbm>>
      tpu.enqueue_dma source(%dma_start3A_211 : memref<64x256xi32, #tpu.memory_space<hbm>>) target(%arg6 : memref<64x256xi32, #tpu.memory_space<vmem>>) target_semaphore(%run_scoped3A : memref<!tpu.dma_semaphore, #tpu.memory_space<semaphore_mem>>)
      %dma_wait3A_212 = arith.constant 0 : i32
      %dma_wait3A_213 = arith.constant 0 : i32
      %dma_wait3A_214 = tpu.memref_slice %arg2[%add3A, %dma_wait3A_212, %dma_wait3A_213] : memref<32x64x256xi32, #tpu.memory_space<hbm>> -> memref<1x64x256xi32, #tpu.memory_space<hbm>>
      %dma_wait3A_215 = tpu.memref_squeeze %dma_wait3A_214 : memref<1x64x256xi32, #tpu.memory_space<hbm>> -> memref<64x256xi32, #tpu.memory_space<hbm>>
      %dma_wait3A_216 = arith.constant 0 : i32
      %dma_wait3A_217 = arith.constant 0 : i32
      %dma_wait3A_218 = tpu.memref_slice %arg2[%add3A, %dma_wait3A_216, %dma_wait3A_217] : memref<32x64x256xi32, #tpu.memory_space<hbm>> -> memref<1x64x256xi32, #tpu.memory_space<hbm>>
      %dma_wait3A_219 = tpu.memref_squeeze %dma_wait3A_218 : memref<1x64x256xi32, #tpu.memory_space<hbm>> -> memref<64x256xi32, #tpu.memory_space<hbm>>
      tpu.wait_dma2 semaphore(%run_scoped3A : memref<!tpu.dma_semaphore, #tpu.memory_space<semaphore_mem>>) src(%dma_wait3A_219 : memref<64x256xi32, #tpu.memory_space<hbm>>) dst(%arg6 : memref<64x256xi32, #tpu.memory_space<vmem>>)
      tpu.yield
    }) : () -> ()
    "tpu.region"() ({
      %run_scoped3A = tpu.sem_alloc : memref<!tpu.dma_semaphore, #tpu.memory_space<semaphore_mem>>
      tpu.enqueue_dma source(%arg3 : memref<128x128xf32, #tpu.memory_space<hbm>>) target(%arg7 : memref<128x128xf32, #tpu.memory_space<vmem>>) target_semaphore(%run_scoped3A : memref<!tpu.dma_semaphore, #tpu.memory_space<semaphore_mem>>)
      tpu.wait_dma2 semaphore(%run_scoped3A : memref<!tpu.dma_semaphore, #tpu.memory_space<semaphore_mem>>) src(%arg3 : memref<128x128xf32, #tpu.memory_space<hbm>>) dst(%arg7 : memref<128x128xf32, #tpu.memory_space<vmem>>)
      tpu.yield
    }) : () -> ()
    %dma_start3A = arith.constant 0 : i32
    %dma_start3A_3 = arith.constant 0 : i32
    %dma_start3A_4 = tpu.memref_slice %arg4[%dma_start3A, %dma_start3A_3] : memref<512x128xf32, #tpu.memory_space<hbm>> -> memref<32x128xf32, #tpu.memory_space<hbm>>
    %dma_start3A_5 = arith.constant 0 : i32
    %dma_start3A_6 = arith.constant 0 : i32
    %dma_start3A_7 = tpu.memref_slice %arg4[%dma_start3A_5, %dma_start3A_6] : memref<512x128xf32, #tpu.memory_space<hbm>> -> memref<32x128xf32, #tpu.memory_space<hbm>>
    tpu.enqueue_dma source(%dma_start3A_7 : memref<32x128xf32, #tpu.memory_space<hbm>>) target(%arg8 : memref<32x128xf32, #tpu.memory_space<vmem>>) target_semaphore(%arg12 : memref<!tpu.dma_semaphore, #tpu.memory_space<semaphore_mem>>)
    %scan3A = arith.constant 0 : i32
    %scan3A_8 = arith.constant 0 : i32
    %scan3A_9 = arith.constant 32 : i32
    %scan3A_10 = arith.addi %scan3A_8, %scan3A_9 : i32
    %scan3A_11 = arith.constant 1 : i32
    scf.for %scan3A_204 = %scan3A_8 to %scan3A_10 step %scan3A_11  : i32 {
      %mul3A_205 = arith.constant 2 : i32
      %mul3A_206 = arith.muli %scan3A_204, %mul3A_205 : i32
      %add3A_207 = arith.constant 0 : i32
      %add3A_208 = arith.addi %mul3A_206, %add3A_207 : i32
      %jit3A = arith.constant 4 : i32
      %eq3A = arith.constant 0 : i32
      %eq3A_209 = arith.cmpi eq, %jit3A, %eq3A : i32
      %jit3A_210 = arith.constant 1 : i32
      %select_n3A = arith.select %eq3A_209, %jit3A_210, %jit3A : i32
      %rem3A = arith.remsi %add3A_208, %select_n3A : i32
      %ne3A = arith.constant 0 : i32
      %ne3A_211 = arith.cmpi ne, %rem3A, %ne3A : i32
      %lt3A = arith.constant 0 : i32
      %lt3A_212 = arith.cmpi slt, %rem3A, %lt3A : i32
      %lt3A_213 = arith.constant 0 : i32
      %lt3A_214 = arith.cmpi slt, %select_n3A, %lt3A_213 : i32
      %ne3A_215 = arith.xori %lt3A_212, %lt3A_214 : i1
      %and3A = arith.andi %ne3A_215, %ne3A_211 : i1
      %add3A_216 = arith.addi %rem3A, %select_n3A : i32
      %select_n3A_217 = arith.select %and3A, %add3A_216, %rem3A : i32
      %jit3A_218 = arith.constant 4 : i32
      %div3A = arith.divsi %add3A_208, %jit3A_218 : i32
      %sign3A = arith.constant 0 : i32
      %sign3A_219 = arith.cmpi sgt, %add3A_208, %sign3A : i32
      %sign3A_220 = arith.extui %sign3A_219 : i1 to i32
      %sign3A_221 = arith.constant 0 : i32
      %sign3A_222 = arith.cmpi slt, %add3A_208, %sign3A_221 : i32
      %sign3A_223 = arith.extui %sign3A_222 : i1 to i32
      %sign3A_224 = arith.subi %sign3A_220, %sign3A_223 : i32
      %sign3A_225 = arith.constant 0 : i32
      %sign3A_226 = arith.cmpi sgt, %jit3A_218, %sign3A_225 : i32
      %sign3A_227 = arith.extui %sign3A_226 : i1 to i32
      %sign3A_228 = arith.constant 0 : i32
      %sign3A_229 = arith.cmpi slt, %jit3A_218, %sign3A_228 : i32
      %sign3A_230 = arith.extui %sign3A_229 : i1 to i32
      %sign3A_231 = arith.subi %sign3A_227, %sign3A_230 : i32
      %ne3A_232 = arith.cmpi ne, %sign3A_224, %sign3A_231 : i32
      %rem3A_233 = arith.remsi %add3A_208, %jit3A_218 : i32
      %ne3A_234 = arith.constant 0 : i32
      %ne3A_235 = arith.cmpi ne, %rem3A_233, %ne3A_234 : i32
      %and3A_236 = arith.andi %ne3A_232, %ne3A_235 : i1
      %sub3A = arith.constant 1 : i32
      %sub3A_237 = arith.subi %div3A, %sub3A : i32
      %select_n3A_238 = arith.select %and3A_236, %sub3A_237, %div3A : i32
      %mul3A_239 = arith.constant 32 : i32
      %mul3A_240 = arith.muli %select_n3A_238, %mul3A_239 : i32
      %add3A_241 = arith.constant 1 : i32
      %add3A_242 = arith.addi %add3A_208, %add3A_241 : i32
      %jit3A_243 = arith.constant 4 : i32
      %div3A_244 = arith.divsi %add3A_242, %jit3A_243 : i32
      %sign3A_245 = arith.constant 0 : i32
      %sign3A_246 = arith.cmpi sgt, %add3A_242, %sign3A_245 : i32
      %sign3A_247 = arith.extui %sign3A_246 : i1 to i32
      %sign3A_248 = arith.constant 0 : i32
      %sign3A_249 = arith.cmpi slt, %add3A_242, %sign3A_248 : i32
      %sign3A_250 = arith.extui %sign3A_249 : i1 to i32
      %sign3A_251 = arith.subi %sign3A_247, %sign3A_250 : i32
      %sign3A_252 = arith.constant 0 : i32
      %sign3A_253 = arith.cmpi sgt, %jit3A_243, %sign3A_252 : i32
      %sign3A_254 = arith.extui %sign3A_253 : i1 to i32
      %sign3A_255 = arith.constant 0 : i32
      %sign3A_256 = arith.cmpi slt, %jit3A_243, %sign3A_255 : i32
      %sign3A_257 = arith.extui %sign3A_256 : i1 to i32
      %sign3A_258 = arith.subi %sign3A_254, %sign3A_257 : i32
      %ne3A_259 = arith.cmpi ne, %sign3A_251, %sign3A_258 : i32
      %rem3A_260 = arith.remsi %add3A_242, %jit3A_243 : i32
      %ne3A_261 = arith.constant 0 : i32
      %ne3A_262 = arith.cmpi ne, %rem3A_260, %ne3A_261 : i32
      %and3A_263 = arith.andi %ne3A_259, %ne3A_262 : i1
      %sub3A_264 = arith.constant 1 : i32
      %sub3A_265 = arith.subi %div3A_244, %sub3A_264 : i32
      %select_n3A_266 = arith.select %and3A_263, %sub3A_265, %div3A_244 : i32
      %mul3A_267 = arith.constant 32 : i32
      %mul3A_268 = arith.muli %select_n3A_266, %mul3A_267 : i32
      %dma_start3A_269 = arith.constant 0 : i32
      %dma_start3A_270 = tpu.memref_slice %arg4[%mul3A_268, %dma_start3A_269] : memref<512x128xf32, #tpu.memory_space<hbm>> -> memref<32x128xf32, #tpu.memory_space<hbm>>
      %dma_start3A_271 = arith.constant 0 : i32
      %dma_start3A_272 = tpu.memref_slice %arg4[%mul3A_268, %dma_start3A_271] : memref<512x128xf32, #tpu.memory_space<hbm>> -> memref<32x128xf32, #tpu.memory_space<hbm>>
      tpu.enqueue_dma source(%dma_start3A_272 : memref<32x128xf32, #tpu.memory_space<hbm>>) target(%arg9 : memref<32x128xf32, #tpu.memory_space<vmem>>) target_semaphore(%arg13 : memref<!tpu.dma_semaphore, #tpu.memory_space<semaphore_mem>>)
      %ge3A = arith.constant 1 : i32
      %ge3A_273 = arith.cmpi sge, %scan3A_204, %ge3A : i32
      %convert_element_type3A = arith.extui %ge3A_273 : i1 to i32
      %cond3A = arith.constant 0 : i32
      %cond3A_274 = arith.cmpi ne, %convert_element_type3A, %cond3A : i32
      scf.if %cond3A_274 {
        %dma_wait3A_641 = arith.constant 0 : i32
        %dma_wait3A_642 = arith.constant 0 : i32
        %dma_wait3A_643 = tpu.memref_slice %arg10[%dma_wait3A_641, %dma_wait3A_642] : memref<256x128xf32, #tpu.memory_space<vmem>> -> memref<32x128xf32, #tpu.memory_space<vmem>>
        %dma_wait3A_644 = arith.constant 0 : i32
        %dma_wait3A_645 = arith.constant 0 : i32
        %dma_wait3A_646 = tpu.memref_slice %arg5[%dma_wait3A_644, %dma_wait3A_645] : memref<524288x128xf32, #tpu.memory_space<hbm>> -> memref<32x128xf32, #tpu.memory_space<hbm>>
        %dma_wait3A_647 = arith.constant 0 : i32
        %dma_wait3A_648 = arith.constant 0 : i32
        %dma_wait3A_649 = tpu.memref_slice %arg5[%dma_wait3A_647, %dma_wait3A_648] : memref<524288x128xf32, #tpu.memory_space<hbm>> -> memref<32x128xf32, #tpu.memory_space<hbm>>
        %dma_wait3A_650 = arith.constant 0 : i32
        %dma_wait3A_651 = arith.constant 0 : i32
        %dma_wait3A_652 = tpu.memref_slice %arg10[%dma_wait3A_650, %dma_wait3A_651] : memref<256x128xf32, #tpu.memory_space<vmem>> -> memref<32x128xf32, #tpu.memory_space<vmem>>
        tpu.wait_dma2 semaphore(%arg14 : memref<!tpu.dma_semaphore, #tpu.memory_space<semaphore_mem>>) src(%dma_wait3A_652 : memref<32x128xf32, #tpu.memory_space<vmem>>) dst(%dma_wait3A_649 : memref<32x128xf32, #tpu.memory_space<hbm>>)
        %dma_wait3A_653 = arith.constant 0 : i32
        %dma_wait3A_654 = arith.constant 0 : i32
        %dma_wait3A_655 = tpu.memref_slice %arg10[%dma_wait3A_653, %dma_wait3A_654] : memref<256x128xf32, #tpu.memory_space<vmem>> -> memref<32x128xf32, #tpu.memory_space<vmem>>
        %dma_wait3A_656 = arith.constant 0 : i32
        %dma_wait3A_657 = arith.constant 0 : i32
        %dma_wait3A_658 = tpu.memref_slice %arg5[%dma_wait3A_656, %dma_wait3A_657] : memref<524288x128xf32, #tpu.memory_space<hbm>> -> memref<32x128xf32, #tpu.memory_space<hbm>>
        %dma_wait3A_659 = arith.constant 0 : i32
        %dma_wait3A_660 = arith.constant 0 : i32
        %dma_wait3A_661 = tpu.memref_slice %arg5[%dma_wait3A_659, %dma_wait3A_660] : memref<524288x128xf32, #tpu.memory_space<hbm>> -> memref<32x128xf32, #tpu.memory_space<hbm>>
        %dma_wait3A_662 = arith.constant 0 : i32
        %dma_wait3A_663 = arith.constant 0 : i32
        %dma_wait3A_664 = tpu.memref_slice %arg10[%dma_wait3A_662, %dma_wait3A_663] : memref<256x128xf32, #tpu.memory_space<vmem>> -> memref<32x128xf32, #tpu.memory_space<vmem>>
        tpu.wait_dma2 semaphore(%arg14 : memref<!tpu.dma_semaphore, #tpu.memory_space<semaphore_mem>>) src(%dma_wait3A_664 : memref<32x128xf32, #tpu.memory_space<vmem>>) dst(%dma_wait3A_661 : memref<32x128xf32, #tpu.memory_space<hbm>>)
        %dma_wait3A_665 = arith.constant 0 : i32
        %dma_wait3A_666 = arith.constant 0 : i32
        %dma_wait3A_667 = tpu.memref_slice %arg10[%dma_wait3A_665, %dma_wait3A_666] : memref<256x128xf32, #tpu.memory_space<vmem>> -> memref<32x128xf32, #tpu.memory_space<vmem>>
        %dma_wait3A_668 = arith.constant 0 : i32
        %dma_wait3A_669 = arith.constant 0 : i32
        %dma_wait3A_670 = tpu.memref_slice %arg5[%dma_wait3A_668, %dma_wait3A_669] : memref<524288x128xf32, #tpu.memory_space<hbm>> -> memref<32x128xf32, #tpu.memory_space<hbm>>
        %dma_wait3A_671 = arith.constant 0 : i32
        %dma_wait3A_672 = arith.constant 0 : i32
        %dma_wait3A_673 = tpu.memref_slice %arg5[%dma_wait3A_671, %dma_wait3A_672] : memref<524288x128xf32, #tpu.memory_space<hbm>> -> memref<32x128xf32, #tpu.memory_space<hbm>>
        %dma_wait3A_674 = arith.constant 0 : i32
        %dma_wait3A_675 = arith.constant 0 : i32
        %dma_wait3A_676 = tpu.memref_slice %arg10[%dma_wait3A_674, %dma_wait3A_675] : memref<256x128xf32, #tpu.memory_space<vmem>> -> memref<32x128xf32, #tpu.memory_space<vmem>>
        tpu.wait_dma2 semaphore(%arg14 : memref<!tpu.dma_semaphore, #tpu.memory_space<semaphore_mem>>) src(%dma_wait3A_676 : memref<32x128xf32, #tpu.memory_space<vmem>>) dst(%dma_wait3A_673 : memref<32x128xf32, #tpu.memory_space<hbm>>)
        %dma_wait3A_677 = arith.constant 0 : i32
        %dma_wait3A_678 = arith.constant 0 : i32
        %dma_wait3A_679 = tpu.memref_slice %arg10[%dma_wait3A_677, %dma_wait3A_678] : memref<256x128xf32, #tpu.memory_space<vmem>> -> memref<32x128xf32, #tpu.memory_space<vmem>>
        %dma_wait3A_680 = arith.constant 0 : i32
        %dma_wait3A_681 = arith.constant 0 : i32
        %dma_wait3A_682 = tpu.memref_slice %arg5[%dma_wait3A_680, %dma_wait3A_681] : memref<524288x128xf32, #tpu.memory_space<hbm>> -> memref<32x128xf32, #tpu.memory_space<hbm>>
        %dma_wait3A_683 = arith.constant 0 : i32
        %dma_wait3A_684 = arith.constant 0 : i32
        %dma_wait3A_685 = tpu.memref_slice %arg5[%dma_wait3A_683, %dma_wait3A_684] : memref<524288x128xf32, #tpu.memory_space<hbm>> -> memref<32x128xf32, #tpu.memory_space<hbm>>
        %dma_wait3A_686 = arith.constant 0 : i32
        %dma_wait3A_687 = arith.constant 0 : i32
        %dma_wait3A_688 = tpu.memref_slice %arg10[%dma_wait3A_686, %dma_wait3A_687] : memref<256x128xf32, #tpu.memory_space<vmem>> -> memref<32x128xf32, #tpu.memory_space<vmem>>
        tpu.wait_dma2 semaphore(%arg14 : memref<!tpu.dma_semaphore, #tpu.memory_space<semaphore_mem>>) src(%dma_wait3A_688 : memref<32x128xf32, #tpu.memory_space<vmem>>) dst(%dma_wait3A_685 : memref<32x128xf32, #tpu.memory_space<hbm>>)
        %dma_wait3A_689 = arith.constant 0 : i32
        %dma_wait3A_690 = arith.constant 0 : i32
        %dma_wait3A_691 = tpu.memref_slice %arg10[%dma_wait3A_689, %dma_wait3A_690] : memref<256x128xf32, #tpu.memory_space<vmem>> -> memref<32x128xf32, #tpu.memory_space<vmem>>
        %dma_wait3A_692 = arith.constant 0 : i32
        %dma_wait3A_693 = arith.constant 0 : i32
        %dma_wait3A_694 = tpu.memref_slice %arg5[%dma_wait3A_692, %dma_wait3A_693] : memref<524288x128xf32, #tpu.memory_space<hbm>> -> memref<32x128xf32, #tpu.memory_space<hbm>>
        %dma_wait3A_695 = arith.constant 0 : i32
        %dma_wait3A_696 = arith.constant 0 : i32
        %dma_wait3A_697 = tpu.memref_slice %arg5[%dma_wait3A_695, %dma_wait3A_696] : memref<524288x128xf32, #tpu.memory_space<hbm>> -> memref<32x128xf32, #tpu.memory_space<hbm>>
        %dma_wait3A_698 = arith.constant 0 : i32
        %dma_wait3A_699 = arith.constant 0 : i32
        %dma_wait3A_700 = tpu.memref_slice %arg10[%dma_wait3A_698, %dma_wait3A_699] : memref<256x128xf32, #tpu.memory_space<vmem>> -> memref<32x128xf32, #tpu.memory_space<vmem>>
        tpu.wait_dma2 semaphore(%arg14 : memref<!tpu.dma_semaphore, #tpu.memory_space<semaphore_mem>>) src(%dma_wait3A_700 : memref<32x128xf32, #tpu.memory_space<vmem>>) dst(%dma_wait3A_697 : memref<32x128xf32, #tpu.memory_space<hbm>>)
        %dma_wait3A_701 = arith.constant 0 : i32
        %dma_wait3A_702 = arith.constant 0 : i32
        %dma_wait3A_703 = tpu.memref_slice %arg10[%dma_wait3A_701, %dma_wait3A_702] : memref<256x128xf32, #tpu.memory_space<vmem>> -> memref<32x128xf32, #tpu.memory_space<vmem>>
        %dma_wait3A_704 = arith.constant 0 : i32
        %dma_wait3A_705 = arith.constant 0 : i32
        %dma_wait3A_706 = tpu.memref_slice %arg5[%dma_wait3A_704, %dma_wait3A_705] : memref<524288x128xf32, #tpu.memory_space<hbm>> -> memref<32x128xf32, #tpu.memory_space<hbm>>
        %dma_wait3A_707 = arith.constant 0 : i32
        %dma_wait3A_708 = arith.constant 0 : i32
        %dma_wait3A_709 = tpu.memref_slice %arg5[%dma_wait3A_707, %dma_wait3A_708] : memref<524288x128xf32, #tpu.memory_space<hbm>> -> memref<32x128xf32, #tpu.memory_space<hbm>>
        %dma_wait3A_710 = arith.constant 0 : i32
        %dma_wait3A_711 = arith.constant 0 : i32
        %dma_wait3A_712 = tpu.memref_slice %arg10[%dma_wait3A_710, %dma_wait3A_711] : memref<256x128xf32, #tpu.memory_space<vmem>> -> memref<32x128xf32, #tpu.memory_space<vmem>>
        tpu.wait_dma2 semaphore(%arg14 : memref<!tpu.dma_semaphore, #tpu.memory_space<semaphore_mem>>) src(%dma_wait3A_712 : memref<32x128xf32, #tpu.memory_space<vmem>>) dst(%dma_wait3A_709 : memref<32x128xf32, #tpu.memory_space<hbm>>)
        %dma_wait3A_713 = arith.constant 0 : i32
        %dma_wait3A_714 = arith.constant 0 : i32
        %dma_wait3A_715 = tpu.memref_slice %arg10[%dma_wait3A_713, %dma_wait3A_714] : memref<256x128xf32, #tpu.memory_space<vmem>> -> memref<32x128xf32, #tpu.memory_space<vmem>>
        %dma_wait3A_716 = arith.constant 0 : i32
        %dma_wait3A_717 = arith.constant 0 : i32
        %dma_wait3A_718 = tpu.memref_slice %arg5[%dma_wait3A_716, %dma_wait3A_717] : memref<524288x128xf32, #tpu.memory_space<hbm>> -> memref<32x128xf32, #tpu.memory_space<hbm>>
        %dma_wait3A_719 = arith.constant 0 : i32
        %dma_wait3A_720 = arith.constant 0 : i32
        %dma_wait3A_721 = tpu.memref_slice %arg5[%dma_wait3A_719, %dma_wait3A_720] : memref<524288x128xf32, #tpu.memory_space<hbm>> -> memref<32x128xf32, #tpu.memory_space<hbm>>
        %dma_wait3A_722 = arith.constant 0 : i32
        %dma_wait3A_723 = arith.constant 0 : i32
        %dma_wait3A_724 = tpu.memref_slice %arg10[%dma_wait3A_722, %dma_wait3A_723] : memref<256x128xf32, #tpu.memory_space<vmem>> -> memref<32x128xf32, #tpu.memory_space<vmem>>
        tpu.wait_dma2 semaphore(%arg14 : memref<!tpu.dma_semaphore, #tpu.memory_space<semaphore_mem>>) src(%dma_wait3A_724 : memref<32x128xf32, #tpu.memory_space<vmem>>) dst(%dma_wait3A_721 : memref<32x128xf32, #tpu.memory_space<hbm>>)
        %dma_wait3A_725 = arith.constant 0 : i32
        %dma_wait3A_726 = arith.constant 0 : i32
        %dma_wait3A_727 = tpu.memref_slice %arg10[%dma_wait3A_725, %dma_wait3A_726] : memref<256x128xf32, #tpu.memory_space<vmem>> -> memref<32x128xf32, #tpu.memory_space<vmem>>
        %dma_wait3A_728 = arith.constant 0 : i32
        %dma_wait3A_729 = arith.constant 0 : i32
        %dma_wait3A_730 = tpu.memref_slice %arg5[%dma_wait3A_728, %dma_wait3A_729] : memref<524288x128xf32, #tpu.memory_space<hbm>> -> memref<32x128xf32, #tpu.memory_space<hbm>>
        %dma_wait3A_731 = arith.constant 0 : i32
        %dma_wait3A_732 = arith.constant 0 : i32
        %dma_wait3A_733 = tpu.memref_slice %arg5[%dma_wait3A_731, %dma_wait3A_732] : memref<524288x128xf32, #tpu.memory_space<hbm>> -> memref<32x128xf32, #tpu.memory_space<hbm>>
        %dma_wait3A_734 = arith.constant 0 : i32
        %dma_wait3A_735 = arith.constant 0 : i32
        %dma_wait3A_736 = tpu.memref_slice %arg10[%dma_wait3A_734, %dma_wait3A_735] : memref<256x128xf32, #tpu.memory_space<vmem>> -> memref<32x128xf32, #tpu.memory_space<vmem>>
        tpu.wait_dma2 semaphore(%arg14 : memref<!tpu.dma_semaphore, #tpu.memory_space<semaphore_mem>>) src(%dma_wait3A_736 : memref<32x128xf32, #tpu.memory_space<vmem>>) dst(%dma_wait3A_733 : memref<32x128xf32, #tpu.memory_space<hbm>>)
      } else {
      }
      %dma_wait3A_275 = arith.constant 0 : i32
      %dma_wait3A_276 = tpu.memref_slice %arg4[%mul3A_240, %dma_wait3A_275] : memref<512x128xf32, #tpu.memory_space<hbm>> -> memref<32x128xf32, #tpu.memory_space<hbm>>
      %dma_wait3A_277 = arith.constant 0 : i32
      %dma_wait3A_278 = tpu.memref_slice %arg4[%mul3A_240, %dma_wait3A_277] : memref<512x128xf32, #tpu.memory_space<hbm>> -> memref<32x128xf32, #tpu.memory_space<hbm>>
      tpu.wait_dma2 semaphore(%arg12 : memref<!tpu.dma_semaphore, #tpu.memory_space<semaphore_mem>>) src(%dma_wait3A_278 : memref<32x128xf32, #tpu.memory_space<hbm>>) dst(%arg8 : memref<32x128xf32, #tpu.memory_space<vmem>>)
      %scan3A_279 = arith.constant 0 : i32
      %scan3A_280 = arith.constant 0 : i32
      %scan3A_281 = arith.constant 16 : i32
      %scan3A_282 = arith.addi %scan3A_280, %scan3A_281 : i32
      %scan3A_283 = arith.constant 1 : i32
      scf.for %scan3A_641 = %scan3A_280 to %scan3A_282 step %scan3A_283  : i32 {
        %mul3A_642 = arith.constant 2 : i32
        %mul3A_643 = arith.muli %scan3A_641, %mul3A_642 : i32
        %mul3A_644 = arith.constant 8 : i32
        %mul3A_645 = arith.muli %mul3A_643, %mul3A_644 : i32
        %get3A = arith.index_cast %add3A_208 : i32 to index
        %get3A_646 = arith.index_cast %mul3A_645 : i32 to index
        %get3A_647 = tpu.vector_load %arg6[%get3A, %get3A_646] {strides = array<i32>} : memref<64x256xi32, #tpu.memory_space<vmem>>, vector<1x16xi32>,
        %get3A_648 = vector.shape_cast %get3A_647 : vector<1x16xi32> to vector<16xi32>
        %mul3A_649 = arith.constant 2 : i32
        %mul3A_650 = arith.muli %mul3A_649, %scan3A_641 : i32
        %get3A_651 = arith.index_cast %mul3A_650 : i32 to index
        %get3A_652 = arith.constant 0 : index
        %get3A_653 = tpu.vector_load %arg8[%get3A_651, %get3A_652] {strides = array<i32>} : memref<32x128xf32, #tpu.memory_space<vmem>>, vector<1x16xf32>,
        %get3A_654 = vector.shape_cast %get3A_653 : vector<1x16xf32> to vector<16xf32>
        %mul3A_655 = arith.constant 2 : i32
        %mul3A_656 = arith.muli %mul3A_655, %scan3A_641 : i32
        %get3A_657 = arith.index_cast %mul3A_656 : i32 to index
        %get3A_658 = arith.constant 16 : index
        %get3A_659 = tpu.vector_load %arg8[%get3A_657, %get3A_658] {strides = array<i32>} : memref<32x128xf32, #tpu.memory_space<vmem>>, vector<1x16xf32>,
        %get3A_660 = vector.shape_cast %get3A_659 : vector<1x16xf32> to vector<16xf32>
        %mul3A_661 = arith.constant 2 : i32
        %mul3A_662 = arith.muli %mul3A_661, %scan3A_641 : i32
        %get3A_663 = arith.index_cast %mul3A_662 : i32 to index
        %get3A_664 = arith.constant 32 : index
        %get3A_665 = tpu.vector_load %arg8[%get3A_663, %get3A_664] {strides = array<i32>} : memref<32x128xf32, #tpu.memory_space<vmem>>, vector<1x16xf32>,
        %get3A_666 = vector.shape_cast %get3A_665 : vector<1x16xf32> to vector<16xf32>
        %mul3A_667 = arith.constant 2 : i32
        %mul3A_668 = arith.muli %mul3A_667, %scan3A_641 : i32
        %get3A_669 = arith.index_cast %mul3A_668 : i32 to index
        %get3A_670 = arith.constant 48 : index
        %get3A_671 = tpu.vector_load %arg8[%get3A_669, %get3A_670] {strides = array<i32>} : memref<32x128xf32, #tpu.memory_space<vmem>>, vector<1x16xf32>,
        %get3A_672 = vector.shape_cast %get3A_671 : vector<1x16xf32> to vector<16xf32>
        %mul3A_673 = arith.constant 2 : i32
        %mul3A_674 = arith.muli %mul3A_673, %scan3A_641 : i32
        %get3A_675 = arith.index_cast %mul3A_674 : i32 to index
        %get3A_676 = arith.constant 64 : index
        %get3A_677 = tpu.vector_load %arg8[%get3A_675, %get3A_676] {strides = array<i32>} : memref<32x128xf32, #tpu.memory_space<vmem>>, vector<1x16xf32>,
        %get3A_678 = vector.shape_cast %get3A_677 : vector<1x16xf32> to vector<16xf32>
        %mul3A_679 = arith.constant 2 : i32
        %mul3A_680 = arith.muli %mul3A_679, %scan3A_641 : i32
        %get3A_681 = arith.index_cast %mul3A_680 : i32 to index
        %get3A_682 = arith.constant 80 : index
        %get3A_683 = tpu.vector_load %arg8[%get3A_681, %get3A_682] {strides = array<i32>} : memref<32x128xf32, #tpu.memory_space<vmem>>, vector<1x16xf32>,
        %get3A_684 = vector.shape_cast %get3A_683 : vector<1x16xf32> to vector<16xf32>
        %mul3A_685 = arith.constant 2 : i32
        %mul3A_686 = arith.muli %mul3A_685, %scan3A_641 : i32
        %get3A_687 = arith.index_cast %mul3A_686 : i32 to index
        %get3A_688 = arith.constant 96 : index
        %get3A_689 = tpu.vector_load %arg8[%get3A_687, %get3A_688] {strides = array<i32>} : memref<32x128xf32, #tpu.memory_space<vmem>>, vector<1x16xf32>,
        %get3A_690 = vector.shape_cast %get3A_689 : vector<1x16xf32> to vector<16xf32>
        %mul3A_691 = arith.constant 2 : i32
        %mul3A_692 = arith.muli %mul3A_691, %scan3A_641 : i32
        %get3A_693 = arith.index_cast %mul3A_692 : i32 to index
        %get3A_694 = arith.constant 112 : index
        %get3A_695 = tpu.vector_load %arg8[%get3A_693, %get3A_694] {strides = array<i32>} : memref<32x128xf32, #tpu.memory_space<vmem>>, vector<1x16xf32>,
        %get3A_696 = vector.shape_cast %get3A_695 : vector<1x16xf32> to vector<16xf32>
        %mul3A_697 = arith.constant 2 : i32
        %mul3A_698 = arith.muli %mul3A_697, %scan3A_641 : i32
        %add3A_699 = arith.constant 1 : i32
        %add3A_700 = arith.addi %mul3A_698, %add3A_699 : i32
        %get3A_701 = arith.index_cast %add3A_700 : i32 to index
        %get3A_702 = arith.constant 0 : index
        %get3A_703 = tpu.vector_load %arg8[%get3A_701, %get3A_702] {strides = array<i32>} : memref<32x128xf32, #tpu.memory_space<vmem>>, vector<1x16xf32>,
        %get3A_704 = vector.shape_cast %get3A_703 : vector<1x16xf32> to vector<16xf32>
        %mul3A_705 = arith.constant 2 : i32
        %mul3A_706 = arith.muli %mul3A_705, %scan3A_641 : i32
        %add3A_707 = arith.constant 1 : i32
        %add3A_708 = arith.addi %mul3A_706, %add3A_707 : i32
        %get3A_709 = arith.index_cast %add3A_708 : i32 to index
        %get3A_710 = arith.constant 16 : index
        %get3A_711 = tpu.vector_load %arg8[%get3A_709, %get3A_710] {strides = array<i32>} : memref<32x128xf32, #tpu.memory_space<vmem>>, vector<1x16xf32>,
        %get3A_712 = vector.shape_cast %get3A_711 : vector<1x16xf32> to vector<16xf32>
        %mul3A_713 = arith.constant 2 : i32
        %mul3A_714 = arith.muli %mul3A_713, %scan3A_641 : i32
        %add3A_715 = arith.constant 1 : i32
        %add3A_716 = arith.addi %mul3A_714, %add3A_715 : i32
        %get3A_717 = arith.index_cast %add3A_716 : i32 to index
        %get3A_718 = arith.constant 32 : index
        %get3A_719 = tpu.vector_load %arg8[%get3A_717, %get3A_718] {strides = array<i32>} : memref<32x128xf32, #tpu.memory_space<vmem>>, vector<1x16xf32>,
        %get3A_720 = vector.shape_cast %get3A_719 : vector<1x16xf32> to vector<16xf32>
        %mul3A_721 = arith.constant 2 : i32
        %mul3A_722 = arith.muli %mul3A_721, %scan3A_641 : i32
        %add3A_723 = arith.constant 1 : i32
        %add3A_724 = arith.addi %mul3A_722, %add3A_723 : i32
        %get3A_725 = arith.index_cast %add3A_724 : i32 to index
        %get3A_726 = arith.constant 48 : index
        %get3A_727 = tpu.vector_load %arg8[%get3A_725, %get3A_726] {strides = array<i32>} : memref<32x128xf32, #tpu.memory_space<vmem>>, vector<1x16xf32>,
        %get3A_728 = vector.shape_cast %get3A_727 : vector<1x16xf32> to vector<16xf32>
        %mul3A_729 = arith.constant 2 : i32
        %mul3A_730 = arith.muli %mul3A_729, %scan3A_641 : i32
        %add3A_731 = arith.constant 1 : i32
        %add3A_732 = arith.addi %mul3A_730, %add3A_731 : i32
        %get3A_733 = arith.index_cast %add3A_732 : i32 to index
        %get3A_734 = arith.constant 64 : index
        %get3A_735 = tpu.vector_load %arg8[%get3A_733, %get3A_734] {strides = array<i32>} : memref<32x128xf32, #tpu.memory_space<vmem>>, vector<1x16xf32>,
        %get3A_736 = vector.shape_cast %get3A_735 : vector<1x16xf32> to vector<16xf32>
        %mul3A_737 = arith.constant 2 : i32
        %mul3A_738 = arith.muli %mul3A_737, %scan3A_641 : i32
        %add3A_739 = arith.constant 1 : i32
        %add3A_740 = arith.addi %mul3A_738, %add3A_739 : i32
        %get3A_741 = arith.index_cast %add3A_740 : i32 to index
        %get3A_742 = arith.constant 80 : index
        %get3A_743 = tpu.vector_load %arg8[%get3A_741, %get3A_742] {strides = array<i32>} : memref<32x128xf32, #tpu.memory_space<vmem>>, vector<1x16xf32>,
        %get3A_744 = vector.shape_cast %get3A_743 : vector<1x16xf32> to vector<16xf32>
        %mul3A_745 = arith.constant 2 : i32
        %mul3A_746 = arith.muli %mul3A_745, %scan3A_641 : i32
        %add3A_747 = arith.constant 1 : i32
        %add3A_748 = arith.addi %mul3A_746, %add3A_747 : i32
        %get3A_749 = arith.index_cast %add3A_748 : i32 to index
        %get3A_750 = arith.constant 96 : index
        %get3A_751 = tpu.vector_load %arg8[%get3A_749, %get3A_750] {strides = array<i32>} : memref<32x128xf32, #tpu.memory_space<vmem>>, vector<1x16xf32>,
        %get3A_752 = vector.shape_cast %get3A_751 : vector<1x16xf32> to vector<16xf32>
        %mul3A_753 = arith.constant 2 : i32
        %mul3A_754 = arith.muli %mul3A_753, %scan3A_641 : i32
        %add3A_755 = arith.constant 1 : i32
        %add3A_756 = arith.addi %mul3A_754, %add3A_755 : i32
        %get3A_757 = arith.index_cast %add3A_756 : i32 to index
        %get3A_758 = arith.constant 112 : index
        %get3A_759 = tpu.vector_load %arg8[%get3A_757, %get3A_758] {strides = array<i32>} : memref<32x128xf32, #tpu.memory_space<vmem>>, vector<1x16xf32>,
        %get3A_760 = vector.shape_cast %get3A_759 : vector<1x16xf32> to vector<16xf32>
        %slice3A = vector.extract_strided_slice %get3A_648 {offsets = [0], sizes = [1], strides = [1]} : vector<16xi32> to vector<1xi32>
        %squeeze3A = vector.extract %slice3A[0] : i32 from vector<1xi32>
        %slice3A_761 = vector.extract_strided_slice %get3A_648 {offsets = [8], sizes = [1], strides = [1]} : vector<16xi32> to vector<1xi32>
        %squeeze3A_762 = vector.extract %slice3A_761[0] : i32 from vector<1xi32>
        %get3A_763 = arith.index_cast %squeeze3A : i32 to index
        %get3A_764 = arith.constant 0 : index
        %get3A_765 = tpu.vector_load %arg7[%get3A_763, %get3A_764] {strides = array<i32>} : memref<128x128xf32, #tpu.memory_space<vmem>>, vector<1x16xf32>,
        %get3A_766 = vector.shape_cast %get3A_765 : vector<1x16xf32> to vector<16xf32>
        %get3A_767 = arith.index_cast %squeeze3A : i32 to index
        %get3A_768 = arith.constant 16 : index
        %get3A_769 = tpu.vector_load %arg7[%get3A_767, %get3A_768] {strides = array<i32>} : memref<128x128xf32, #tpu.memory_space<vmem>>, vector<1x16xf32>,
        %get3A_770 = vector.shape_cast %get3A_769 : vector<1x16xf32> to vector<16xf32>
        %get3A_771 = arith.index_cast %squeeze3A : i32 to index
        %get3A_772 = arith.constant 32 : index
        %get3A_773 = tpu.vector_load %arg7[%get3A_771, %get3A_772] {strides = array<i32>} : memref<128x128xf32, #tpu.memory_space<vmem>>, vector<1x16xf32>,
        %get3A_774 = vector.shape_cast %get3A_773 : vector<1x16xf32> to vector<16xf32>
        %get3A_775 = arith.index_cast %squeeze3A : i32 to index
        %get3A_776 = arith.constant 48 : index
        %get3A_777 = tpu.vector_load %arg7[%get3A_775, %get3A_776] {strides = array<i32>} : memref<128x128xf32, #tpu.memory_space<vmem>>, vector<1x16xf32>,
        %get3A_778 = vector.shape_cast %get3A_777 : vector<1x16xf32> to vector<16xf32>
        %get3A_779 = arith.index_cast %squeeze3A : i32 to index
        %get3A_780 = arith.constant 64 : index
        %get3A_781 = tpu.vector_load %arg7[%get3A_779, %get3A_780] {strides = array<i32>} : memref<128x128xf32, #tpu.memory_space<vmem>>, vector<1x16xf32>,
        %get3A_782 = vector.shape_cast %get3A_781 : vector<1x16xf32> to vector<16xf32>
        %get3A_783 = arith.index_cast %squeeze3A : i32 to index
        %get3A_784 = arith.constant 80 : index
        %get3A_785 = tpu.vector_load %arg7[%get3A_783, %get3A_784] {strides = array<i32>} : memref<128x128xf32, #tpu.memory_space<vmem>>, vector<1x16xf32>,
        %get3A_786 = vector.shape_cast %get3A_785 : vector<1x16xf32> to vector<16xf32>
        %get3A_787 = arith.index_cast %squeeze3A : i32 to index
        %get3A_788 = arith.constant 96 : index
        %get3A_789 = tpu.vector_load %arg7[%get3A_787, %get3A_788] {strides = array<i32>} : memref<128x128xf32, #tpu.memory_space<vmem>>, vector<1x16xf32>,
        %get3A_790 = vector.shape_cast %get3A_789 : vector<1x16xf32> to vector<16xf32>
        %get3A_791 = arith.index_cast %squeeze3A : i32 to index
        %get3A_792 = arith.constant 112 : index
        %get3A_793 = tpu.vector_load %arg7[%get3A_791, %get3A_792] {strides = array<i32>} : memref<128x128xf32, #tpu.memory_space<vmem>>, vector<1x16xf32>,
        %get3A_794 = vector.shape_cast %get3A_793 : vector<1x16xf32> to vector<16xf32>
        %get3A_795 = arith.index_cast %squeeze3A_762 : i32 to index
        %get3A_796 = arith.constant 0 : index
        %get3A_797 = tpu.vector_load %arg7[%get3A_795, %get3A_796] {strides = array<i32>} : memref<128x128xf32, #tpu.memory_space<vmem>>, vector<1x16xf32>,
        %get3A_798 = vector.shape_cast %get3A_797 : vector<1x16xf32> to vector<16xf32>
        %get3A_799 = arith.index_cast %squeeze3A_762 : i32 to index
        %get3A_800 = arith.constant 16 : index
        %get3A_801 = tpu.vector_load %arg7[%get3A_799, %get3A_800] {strides = array<i32>} : memref<128x128xf32, #tpu.memory_space<vmem>>, vector<1x16xf32>,
        %get3A_802 = vector.shape_cast %get3A_801 : vector<1x16xf32> to vector<16xf32>
        %get3A_803 = arith.index_cast %squeeze3A_762 : i32 to index
        %get3A_804 = arith.constant 32 : index
        %get3A_805 = tpu.vector_load %arg7[%get3A_803, %get3A_804] {strides = array<i32>} : memref<128x128xf32, #tpu.memory_space<vmem>>, vector<1x16xf32>,
        %get3A_806 = vector.shape_cast %get3A_805 : vector<1x16xf32> to vector<16xf32>
        %get3A_807 = arith.index_cast %squeeze3A_762 : i32 to index
        %get3A_808 = arith.constant 48 : index
        %get3A_809 = tpu.vector_load %arg7[%get3A_807, %get3A_808] {strides = array<i32>} : memref<128x128xf32, #tpu.memory_space<vmem>>, vector<1x16xf32>,
        %get3A_810 = vector.shape_cast %get3A_809 : vector<1x16xf32> to vector<16xf32>
        %get3A_811 = arith.index_cast %squeeze3A_762 : i32 to index
        %get3A_812 = arith.constant 64 : index
        %get3A_813 = tpu.vector_load %arg7[%get3A_811, %get3A_812] {strides = array<i32>} : memref<128x128xf32, #tpu.memory_space<vmem>>, vector<1x16xf32>,
        %get3A_814 = vector.shape_cast %get3A_813 : vector<1x16xf32> to vector<16xf32>
        %get3A_815 = arith.index_cast %squeeze3A_762 : i32 to index
        %get3A_816 = arith.constant 80 : index
        %get3A_817 = tpu.vector_load %arg7[%get3A_815, %get3A_816] {strides = array<i32>} : memref<128x128xf32, #tpu.memory_space<vmem>>, vector<1x16xf32>,
        %get3A_818 = vector.shape_cast %get3A_817 : vector<1x16xf32> to vector<16xf32>
        %get3A_819 = arith.index_cast %squeeze3A_762 : i32 to index
        %get3A_820 = arith.constant 96 : index
        %get3A_821 = tpu.vector_load %arg7[%get3A_819, %get3A_820] {strides = array<i32>} : memref<128x128xf32, #tpu.memory_space<vmem>>, vector<1x16xf32>,
        %get3A_822 = vector.shape_cast %get3A_821 : vector<1x16xf32> to vector<16xf32>
        %get3A_823 = arith.index_cast %squeeze3A_762 : i32 to index
        %get3A_824 = arith.constant 112 : index
        %get3A_825 = tpu.vector_load %arg7[%get3A_823, %get3A_824] {strides = array<i32>} : memref<128x128xf32, #tpu.memory_space<vmem>>, vector<1x16xf32>,
        %get3A_826 = vector.shape_cast %get3A_825 : vector<1x16xf32> to vector<16xf32>
        %add3A_827 = arith.addf %get3A_766, %get3A_654 : vector<16xf32>
        %mul3A_828 = arith.constant 2 : i32
        %mul3A_829 = arith.muli %mul3A_828, %scan3A_641 : i32
        %add3A_830 = arith.constant 0 : i32
        %add3A_831 = arith.addi %add3A_830, %mul3A_829 : i32
        %swap3A = arith.index_cast %add3A_831 : i32 to index
        %swap3A_832 = arith.constant 0 : index
        %swap3A_833 = tpu.vector_load %arg10[%swap3A, %swap3A_832] {strides = array<i32>} : memref<256x128xf32, #tpu.memory_space<vmem>>, vector<1x16xf32>,
        %swap3A_834 = vector.shape_cast %swap3A_833 : vector<1x16xf32> to vector<16xf32>
        %swap3A_835 = vector.shape_cast %add3A_827 : vector<16xf32> to vector<1x16xf32>
        tpu.vector_store %arg10[%swap3A, %swap3A_832], %swap3A_835 {strides = array<i32>} : memref<256x128xf32, #tpu.memory_space<vmem>>, vector<1x16xf32>,
        %add3A_836 = arith.addf %get3A_798, %get3A_704 : vector<16xf32>
        %mul3A_837 = arith.constant 2 : i32
        %mul3A_838 = arith.muli %mul3A_837, %scan3A_641 : i32
        %add3A_839 = arith.constant 0 : i32
        %add3A_840 = arith.addi %add3A_839, %mul3A_838 : i32
        %add3A_841 = arith.constant 1 : i32
        %add3A_842 = arith.addi %add3A_840, %add3A_841 : i32
        %swap3A_843 = arith.index_cast %add3A_842 : i32 to index
        %swap3A_844 = arith.constant 0 : index
        %swap3A_845 = tpu.vector_load %arg10[%swap3A_843, %swap3A_844] {strides = array<i32>} : memref<256x128xf32, #tpu.memory_space<vmem>>, vector<1x16xf32>,
        %swap3A_846 = vector.shape_cast %swap3A_845 : vector<1x16xf32> to vector<16xf32>
        %swap3A_847 = vector.shape_cast %add3A_836 : vector<16xf32> to vector<1x16xf32>
        tpu.vector_store %arg10[%swap3A_843, %swap3A_844], %swap3A_847 {strides = array<i32>} : memref<256x128xf32, #tpu.memory_space<vmem>>, vector<1x16xf32>,
        %add3A_848 = arith.addf %get3A_770, %get3A_660 : vector<16xf32>
        %mul3A_849 = arith.constant 2 : i32
        %mul3A_850 = arith.muli %mul3A_849, %scan3A_641 : i32
        %add3A_851 = arith.constant 0 : i32
        %add3A_852 = arith.addi %add3A_851, %mul3A_850 : i32
        %swap3A_853 = arith.index_cast %add3A_852 : i32 to index
        %swap3A_854 = arith.constant 16 : index
        %swap3A_855 = tpu.vector_load %arg10[%swap3A_853, %swap3A_854] {strides = array<i32>} : memref<256x128xf32, #tpu.memory_space<vmem>>, vector<1x16xf32>,
        %swap3A_856 = vector.shape_cast %swap3A_855 : vector<1x16xf32> to vector<16xf32>
        %swap3A_857 = vector.shape_cast %add3A_848 : vector<16xf32> to vector<1x16xf32>
        tpu.vector_store %arg10[%swap3A_853, %swap3A_854], %swap3A_857 {strides = array<i32>} : memref<256x128xf32, #tpu.memory_space<vmem>>, vector<1x16xf32>,
        %add3A_858 = arith.addf %get3A_802, %get3A_712 : vector<16xf32>
        %mul3A_859 = arith.constant 2 : i32
        %mul3A_860 = arith.muli %mul3A_859, %scan3A_641 : i32
        %add3A_861 = arith.constant 0 : i32
        %add3A_862 = arith.addi %add3A_861, %mul3A_860 : i32
        %add3A_863 = arith.constant 1 : i32
        %add3A_864 = arith.addi %add3A_862, %add3A_863 : i32
        %swap3A_865 = arith.index_cast %add3A_864 : i32 to index
        %swap3A_866 = arith.constant 16 : index
        %swap3A_867 = tpu.vector_load %arg10[%swap3A_865, %swap3A_866] {strides = array<i32>} : memref<256x128xf32, #tpu.memory_space<vmem>>, vector<1x16xf32>,
        %swap3A_868 = vector.shape_cast %swap3A_867 : vector<1x16xf32> to vector<16xf32>
        %swap3A_869 = vector.shape_cast %add3A_858 : vector<16xf32> to vector<1x16xf32>
        tpu.vector_store %arg10[%swap3A_865, %swap3A_866], %swap3A_869 {strides = array<i32>} : memref<256x128xf32, #tpu.memory_space<vmem>>, vector<1x16xf32>,
        %add3A_870 = arith.addf %get3A_774, %get3A_666 : vector<16xf32>
        %mul3A_871 = arith.constant 2 : i32
        %mul3A_872 = arith.muli %mul3A_871, %scan3A_641 : i32
        %add3A_873 = arith.constant 0 : i32
        %add3A_874 = arith.addi %add3A_873, %mul3A_872 : i32
        %swap3A_875 = arith.index_cast %add3A_874 : i32 to index
        %swap3A_876 = arith.constant 32 : index
        %swap3A_877 = tpu.vector_load %arg10[%swap3A_875, %swap3A_876] {strides = array<i32>} : memref<256x128xf32, #tpu.memory_space<vmem>>, vector<1x16xf32>,
        %swap3A_878 = vector.shape_cast %swap3A_877 : vector<1x16xf32> to vector<16xf32>
        %swap3A_879 = vector.shape_cast %add3A_870 : vector<16xf32> to vector<1x16xf32>
        tpu.vector_store %arg10[%swap3A_875, %swap3A_876], %swap3A_879 {strides = array<i32>} : memref<256x128xf32, #tpu.memory_space<vmem>>, vector<1x16xf32>,
        %add3A_880 = arith.addf %get3A_806, %get3A_720 : vector<16xf32>
        %mul3A_881 = arith.constant 2 : i32
        %mul3A_882 = arith.muli %mul3A_881, %scan3A_641 : i32
        %add3A_883 = arith.constant 0 : i32
        %add3A_884 = arith.addi %add3A_883, %mul3A_882 : i32
        %add3A_885 = arith.constant 1 : i32
        %add3A_886 = arith.addi %add3A_884, %add3A_885 : i32
        %swap3A_887 = arith.index_cast %add3A_886 : i32 to index
        %swap3A_888 = arith.constant 32 : index
        %swap3A_889 = tpu.vector_load %arg10[%swap3A_887, %swap3A_888] {strides = array<i32>} : memref<256x128xf32, #tpu.memory_space<vmem>>, vector<1x16xf32>,
        %swap3A_890 = vector.shape_cast %swap3A_889 : vector<1x16xf32> to vector<16xf32>
        %swap3A_891 = vector.shape_cast %add3A_880 : vector<16xf32> to vector<1x16xf32>
        tpu.vector_store %arg10[%swap3A_887, %swap3A_888], %swap3A_891 {strides = array<i32>} : memref<256x128xf32, #tpu.memory_space<vmem>>, vector<1x16xf32>,
        %add3A_892 = arith.addf %get3A_778, %get3A_672 : vector<16xf32>
        %mul3A_893 = arith.constant 2 : i32
        %mul3A_894 = arith.muli %mul3A_893, %scan3A_641 : i32
        %add3A_895 = arith.constant 0 : i32
        %add3A_896 = arith.addi %add3A_895, %mul3A_894 : i32
        %swap3A_897 = arith.index_cast %add3A_896 : i32 to index
        %swap3A_898 = arith.constant 48 : index
        %swap3A_899 = tpu.vector_load %arg10[%swap3A_897, %swap3A_898] {strides = array<i32>} : memref<256x128xf32, #tpu.memory_space<vmem>>, vector<1x16xf32>,
        %swap3A_900 = vector.shape_cast %swap3A_899 : vector<1x16xf32> to vector<16xf32>
        %swap3A_901 = vector.shape_cast %add3A_892 : vector<16xf32> to vector<1x16xf32>
        tpu.vector_store %arg10[%swap3A_897, %swap3A_898], %swap3A_901 {strides = array<i32>} : memref<256x128xf32, #tpu.memory_space<vmem>>, vector<1x16xf32>,
        %add3A_902 = arith.addf %get3A_810, %get3A_728 : vector<16xf32>
        %mul3A_903 = arith.constant 2 : i32
        %mul3A_904 = arith.muli %mul3A_903, %scan3A_641 : i32
        %add3A_905 = arith.constant 0 : i32
        %add3A_906 = arith.addi %add3A_905, %mul3A_904 : i32
        %add3A_907 = arith.constant 1 : i32
        %add3A_908 = arith.addi %add3A_906, %add3A_907 : i32
        %swap3A_909 = arith.index_cast %add3A_908 : i32 to index
        %swap3A_910 = arith.constant 48 : index
        %swap3A_911 = tpu.vector_load %arg10[%swap3A_909, %swap3A_910] {strides = array<i32>} : memref<256x128xf32, #tpu.memory_space<vmem>>, vector<1x16xf32>,
        %swap3A_912 = vector.shape_cast %swap3A_911 : vector<1x16xf32> to vector<16xf32>
        %swap3A_913 = vector.shape_cast %add3A_902 : vector<16xf32> to vector<1x16xf32>
        tpu.vector_store %arg10[%swap3A_909, %swap3A_910], %swap3A_913 {strides = array<i32>} : memref<256x128xf32, #tpu.memory_space<vmem>>, vector<1x16xf32>,
        %add3A_914 = arith.addf %get3A_782, %get3A_678 : vector<16xf32>
        %mul3A_915 = arith.constant 2 : i32
        %mul3A_916 = arith.muli %mul3A_915, %scan3A_641 : i32
        %add3A_917 = arith.constant 0 : i32
        %add3A_918 = arith.addi %add3A_917, %mul3A_916 : i32
        %swap3A_919 = arith.index_cast %add3A_918 : i32 to index
        %swap3A_920 = arith.constant 64 : index
        %swap3A_921 = tpu.vector_load %arg10[%swap3A_919, %swap3A_920] {strides = array<i32>} : memref<256x128xf32, #tpu.memory_space<vmem>>, vector<1x16xf32>,
        %swap3A_922 = vector.shape_cast %swap3A_921 : vector<1x16xf32> to vector<16xf32>
        %swap3A_923 = vector.shape_cast %add3A_914 : vector<16xf32> to vector<1x16xf32>
        tpu.vector_store %arg10[%swap3A_919, %swap3A_920], %swap3A_923 {strides = array<i32>} : memref<256x128xf32, #tpu.memory_space<vmem>>, vector<1x16xf32>,
        %add3A_924 = arith.addf %get3A_814, %get3A_736 : vector<16xf32>
        %mul3A_925 = arith.constant 2 : i32
        %mul3A_926 = arith.muli %mul3A_925, %scan3A_641 : i32
        %add3A_927 = arith.constant 0 : i32
        %add3A_928 = arith.addi %add3A_927, %mul3A_926 : i32
        %add3A_929 = arith.constant 1 : i32
        %add3A_930 = arith.addi %add3A_928, %add3A_929 : i32
        %swap3A_931 = arith.index_cast %add3A_930 : i32 to index
        %swap3A_932 = arith.constant 64 : index
        %swap3A_933 = tpu.vector_load %arg10[%swap3A_931, %swap3A_932] {strides = array<i32>} : memref<256x128xf32, #tpu.memory_space<vmem>>, vector<1x16xf32>,
        %swap3A_934 = vector.shape_cast %swap3A_933 : vector<1x16xf32> to vector<16xf32>
        %swap3A_935 = vector.shape_cast %add3A_924 : vector<16xf32> to vector<1x16xf32>
        tpu.vector_store %arg10[%swap3A_931, %swap3A_932], %swap3A_935 {strides = array<i32>} : memref<256x128xf32, #tpu.memory_space<vmem>>, vector<1x16xf32>,
        %add3A_936 = arith.addf %get3A_786, %get3A_684 : vector<16xf32>
        %mul3A_937 = arith.constant 2 : i32
        %mul3A_938 = arith.muli %mul3A_937, %scan3A_641 : i32
        %add3A_939 = arith.constant 0 : i32
        %add3A_940 = arith.addi %add3A_939, %mul3A_938 : i32
        %swap3A_941 = arith.index_cast %add3A_940 : i32 to index
        %swap3A_942 = arith.constant 80 : index
        %swap3A_943 = tpu.vector_load %arg10[%swap3A_941, %swap3A_942] {strides = array<i32>} : memref<256x128xf32, #tpu.memory_space<vmem>>, vector<1x16xf32>,
        %swap3A_944 = vector.shape_cast %swap3A_943 : vector<1x16xf32> to vector<16xf32>
        %swap3A_945 = vector.shape_cast %add3A_936 : vector<16xf32> to vector<1x16xf32>
        tpu.vector_store %arg10[%swap3A_941, %swap3A_942], %swap3A_945 {strides = array<i32>} : memref<256x128xf32, #tpu.memory_space<vmem>>, vector<1x16xf32>,
        %add3A_946 = arith.addf %get3A_818, %get3A_744 : vector<16xf32>
        %mul3A_947 = arith.constant 2 : i32
        %mul3A_948 = arith.muli %mul3A_947, %scan3A_641 : i32
        %add3A_949 = arith.constant 0 : i32
        %add3A_950 = arith.addi %add3A_949, %mul3A_948 : i32
        %add3A_951 = arith.constant 1 : i32
        %add3A_952 = arith.addi %add3A_950, %add3A_951 : i32
        %swap3A_953 = arith.index_cast %add3A_952 : i32 to index
        %swap3A_954 = arith.constant 80 : index
        %swap3A_955 = tpu.vector_load %arg10[%swap3A_953, %swap3A_954] {strides = array<i32>} : memref<256x128xf32, #tpu.memory_space<vmem>>, vector<1x16xf32>,
        %swap3A_956 = vector.shape_cast %swap3A_955 : vector<1x16xf32> to vector<16xf32>
        %swap3A_957 = vector.shape_cast %add3A_946 : vector<16xf32> to vector<1x16xf32>
        tpu.vector_store %arg10[%swap3A_953, %swap3A_954], %swap3A_957 {strides = array<i32>} : memref<256x128xf32, #tpu.memory_space<vmem>>, vector<1x16xf32>,
        %add3A_958 = arith.addf %get3A_790, %get3A_690 : vector<16xf32>
        %mul3A_959 = arith.constant 2 : i32
        %mul3A_960 = arith.muli %mul3A_959, %scan3A_641 : i32
        %add3A_961 = arith.constant 0 : i32
        %add3A_962 = arith.addi %add3A_961, %mul3A_960 : i32
        %swap3A_963 = arith.index_cast %add3A_962 : i32 to index
        %swap3A_964 = arith.constant 96 : index
        %swap3A_965 = tpu.vector_load %arg10[%swap3A_963, %swap3A_964] {strides = array<i32>} : memref<256x128xf32, #tpu.memory_space<vmem>>, vector<1x16xf32>,
        %swap3A_966 = vector.shape_cast %swap3A_965 : vector<1x16xf32> to vector<16xf32>
        %swap3A_967 = vector.shape_cast %add3A_958 : vector<16xf32> to vector<1x16xf32>
        tpu.vector_store %arg10[%swap3A_963, %swap3A_964], %swap3A_967 {strides = array<i32>} : memref<256x128xf32, #tpu.memory_space<vmem>>, vector<1x16xf32>,
        %add3A_968 = arith.addf %get3A_822, %get3A_752 : vector<16xf32>
        %mul3A_969 = arith.constant 2 : i32
        %mul3A_970 = arith.muli %mul3A_969, %scan3A_641 : i32
        %add3A_971 = arith.constant 0 : i32
        %add3A_972 = arith.addi %add3A_971, %mul3A_970 : i32
        %add3A_973 = arith.constant 1 : i32
        %add3A_974 = arith.addi %add3A_972, %add3A_973 : i32
        %swap3A_975 = arith.index_cast %add3A_974 : i32 to index
        %swap3A_976 = arith.constant 96 : index
        %swap3A_977 = tpu.vector_load %arg10[%swap3A_975, %swap3A_976] {strides = array<i32>} : memref<256x128xf32, #tpu.memory_space<vmem>>, vector<1x16xf32>,
        %swap3A_978 = vector.shape_cast %swap3A_977 : vector<1x16xf32> to vector<16xf32>
        %swap3A_979 = vector.shape_cast %add3A_968 : vector<16xf32> to vector<1x16xf32>
        tpu.vector_store %arg10[%swap3A_975, %swap3A_976], %swap3A_979 {strides = array<i32>} : memref<256x128xf32, #tpu.memory_space<vmem>>, vector<1x16xf32>,
        %add3A_980 = arith.addf %get3A_794, %get3A_696 : vector<16xf32>
        %mul3A_981 = arith.constant 2 : i32
        %mul3A_982 = arith.muli %mul3A_981, %scan3A_641 : i32
        %add3A_983 = arith.constant 0 : i32
        %add3A_984 = arith.addi %add3A_983, %mul3A_982 : i32
        %swap3A_985 = arith.index_cast %add3A_984 : i32 to index
        %swap3A_986 = arith.constant 112 : index
        %swap3A_987 = tpu.vector_load %arg10[%swap3A_985, %swap3A_986] {strides = array<i32>} : memref<256x128xf32, #tpu.memory_space<vmem>>, vector<1x16xf32>,
        %swap3A_988 = vector.shape_cast %swap3A_987 : vector<1x16xf32> to vector<16xf32>
        %swap3A_989 = vector.shape_cast %add3A_980 : vector<16xf32> to vector<1x16xf32>
        tpu.vector_store %arg10[%swap3A_985, %swap3A_986], %swap3A_989 {strides = array<i32>} : memref<256x128xf32, #tpu.memory_space<vmem>>, vector<1x16xf32>,
        %add3A_990 = arith.addf %get3A_826, %get3A_760 : vector<16xf32>
        %mul3A_991 = arith.constant 2 : i32
        %mul3A_992 = arith.muli %mul3A_991, %scan3A_641 : i32
        %add3A_993 = arith.constant 0 : i32
        %add3A_994 = arith.addi %add3A_993, %mul3A_992 : i32
        %add3A_995 = arith.constant 1 : i32
        %add3A_996 = arith.addi %add3A_994, %add3A_995 : i32
        %swap3A_997 = arith.index_cast %add3A_996 : i32 to index
        %swap3A_998 = arith.constant 112 : index
        %swap3A_999 = tpu.vector_load %arg10[%swap3A_997, %swap3A_998] {strides = array<i32>} : memref<256x128xf32, #tpu.memory_space<vmem>>, vector<1x16xf32>,
        %swap3A_1000 = vector.shape_cast %swap3A_999 : vector<1x16xf32> to vector<16xf32>
        %swap3A_1001 = vector.shape_cast %add3A_990 : vector<16xf32> to vector<1x16xf32>
        tpu.vector_store %arg10[%swap3A_997, %swap3A_998], %swap3A_1001 {strides = array<i32>} : memref<256x128xf32, #tpu.memory_space<vmem>>, vector<1x16xf32>,
        %slice3A_1002 = vector.extract_strided_slice %get3A_648 {offsets = [1], sizes = [1], strides = [1]} : vector<16xi32> to vector<1xi32>
        %squeeze3A_1003 = vector.extract %slice3A_1002[0] : i32 from vector<1xi32>
        %slice3A_1004 = vector.extract_strided_slice %get3A_648 {offsets = [9], sizes = [1], strides = [1]} : vector<16xi32> to vector<1xi32>
        %squeeze3A_1005 = vector.extract %slice3A_1004[0] : i32 from vector<1xi32>
        %get3A_1006 = arith.index_cast %squeeze3A_1003 : i32 to index
        %get3A_1007 = arith.constant 0 : index
        %get3A_1008 = tpu.vector_load %arg7[%get3A_1006, %get3A_1007] {strides = array<i32>} : memref<128x128xf32, #tpu.memory_space<vmem>>, vector<1x16xf32>,
        %get3A_1009 = vector.shape_cast %get3A_1008 : vector<1x16xf32> to vector<16xf32>
        %get3A_1010 = arith.index_cast %squeeze3A_1003 : i32 to index
        %get3A_1011 = arith.constant 16 : index
        %get3A_1012 = tpu.vector_load %arg7[%get3A_1010, %get3A_1011] {strides = array<i32>} : memref<128x128xf32, #tpu.memory_space<vmem>>, vector<1x16xf32>,
        %get3A_1013 = vector.shape_cast %get3A_1012 : vector<1x16xf32> to vector<16xf32>
        %get3A_1014 = arith.index_cast %squeeze3A_1003 : i32 to index
        %get3A_1015 = arith.constant 32 : index
        %get3A_1016 = tpu.vector_load %arg7[%get3A_1014, %get3A_1015] {strides = array<i32>} : memref<128x128xf32, #tpu.memory_space<vmem>>, vector<1x16xf32>,
        %get3A_1017 = vector.shape_cast %get3A_1016 : vector<1x16xf32> to vector<16xf32>
        %get3A_1018 = arith.index_cast %squeeze3A_1003 : i32 to index
        %get3A_1019 = arith.constant 48 : index
        %get3A_1020 = tpu.vector_load %arg7[%get3A_1018, %get3A_1019] {strides = array<i32>} : memref<128x128xf32, #tpu.memory_space<vmem>>, vector<1x16xf32>,
        %get3A_1021 = vector.shape_cast %get3A_1020 : vector<1x16xf32> to vector<16xf32>
        %get3A_1022 = arith.index_cast %squeeze3A_1003 : i32 to index
        %get3A_1023 = arith.constant 64 : index
        %get3A_1024 = tpu.vector_load %arg7[%get3A_1022, %get3A_1023] {strides = array<i32>} : memref<128x128xf32, #tpu.memory_space<vmem>>, vector<1x16xf32>,
        %get3A_1025 = vector.shape_cast %get3A_1024 : vector<1x16xf32> to vector<16xf32>
        %get3A_1026 = arith.index_cast %squeeze3A_1003 : i32 to index
        %get3A_1027 = arith.constant 80 : index
        %get3A_1028 = tpu.vector_load %arg7[%get3A_1026, %get3A_1027] {strides = array<i32>} : memref<128x128xf32, #tpu.memory_space<vmem>>, vector<1x16xf32>,
        %get3A_1029 = vector.shape_cast %get3A_1028 : vector<1x16xf32> to vector<16xf32>
        %get3A_1030 = arith.index_cast %squeeze3A_1003 : i32 to index
        %get3A_1031 = arith.constant 96 : index
        %get3A_1032 = tpu.vector_load %arg7[%get3A_1030, %get3A_1031] {strides = array<i32>} : memref<128x128xf32, #tpu.memory_space<vmem>>, vector<1x16xf32>,
        %get3A_1033 = vector.shape_cast %get3A_1032 : vector<1x16xf32> to vector<16xf32>
        %get3A_1034 = arith.index_cast %squeeze3A_1003 : i32 to index
        %get3A_1035 = arith.constant 112 : index
        %get3A_1036 = tpu.vector_load %arg7[%get3A_1034, %get3A_1035] {strides = array<i32>} : memref<128x128xf32, #tpu.memory_space<vmem>>, vector<1x16xf32>,
        %get3A_1037 = vector.shape_cast %get3A_1036 : vector<1x16xf32> to vector<16xf32>
        %get3A_1038 = arith.index_cast %squeeze3A_1005 : i32 to index
        %get3A_1039 = arith.constant 0 : index
        %get3A_1040 = tpu.vector_load %arg7[%get3A_1038, %get3A_1039] {strides = array<i32>} : memref<128x128xf32, #tpu.memory_space<vmem>>, vector<1x16xf32>,
        %get3A_1041 = vector.shape_cast %get3A_1040 : vector<1x16xf32> to vector<16xf32>
        %get3A_1042 = arith.index_cast %squeeze3A_1005 : i32 to index
        %get3A_1043 = arith.constant 16 : index
        %get3A_1044 = tpu.vector_load %arg7[%get3A_1042, %get3A_1043] {strides = array<i32>} : memref<128x128xf32, #tpu.memory_space<vmem>>, vector<1x16xf32>,
        %get3A_1045 = vector.shape_cast %get3A_1044 : vector<1x16xf32> to vector<16xf32>
        %get3A_1046 = arith.index_cast %squeeze3A_1005 : i32 to index
        %get3A_1047 = arith.constant 32 : index
        %get3A_1048 = tpu.vector_load %arg7[%get3A_1046, %get3A_1047] {strides = array<i32>} : memref<128x128xf32, #tpu.memory_space<vmem>>, vector<1x16xf32>,
        %get3A_1049 = vector.shape_cast %get3A_1048 : vector<1x16xf32> to vector<16xf32>
        %get3A_1050 = arith.index_cast %squeeze3A_1005 : i32 to index
        %get3A_1051 = arith.constant 48 : index
        %get3A_1052 = tpu.vector_load %arg7[%get3A_1050, %get3A_1051] {strides = array<i32>} : memref<128x128xf32, #tpu.memory_space<vmem>>, vector<1x16xf32>,
        %get3A_1053 = vector.shape_cast %get3A_1052 : vector<1x16xf32> to vector<16xf32>
        %get3A_1054 = arith.index_cast %squeeze3A_1005 : i32 to index
        %get3A_1055 = arith.constant 64 : index
        %get3A_1056 = tpu.vector_load %arg7[%get3A_1054, %get3A_1055] {strides = array<i32>} : memref<128x128xf32, #tpu.memory_space<vmem>>, vector<1x16xf32>,
        %get3A_1057 = vector.shape_cast %get3A_1056 : vector<1x16xf32> to vector<16xf32>
        %get3A_1058 = arith.index_cast %squeeze3A_1005 : i32 to index
        %get3A_1059 = arith.constant 80 : index
        %get3A_1060 = tpu.vector_load %arg7[%get3A_1058, %get3A_1059] {strides = array<i32>} : memref<128x128xf32, #tpu.memory_space<vmem>>, vector<1x16xf32>,
        %get3A_1061 = vector.shape_cast %get3A_1060 : vector<1x16xf32> to vector<16xf32>
        %get3A_1062 = arith.index_cast %squeeze3A_1005 : i32 to index
        %get3A_1063 = arith.constant 96 : index
        %get3A_1064 = tpu.vector_load %arg7[%get3A_1062, %get3A_1063] {strides = array<i32>} : memref<128x128xf32, #tpu.memory_space<vmem>>, vector<1x16xf32>,
        %get3A_1065 = vector.shape_cast %get3A_1064 : vector<1x16xf32> to vector<16xf32>
        %get3A_1066 = arith.index_cast %squeeze3A_1005 : i32 to index
        %get3A_1067 = arith.constant 112 : index
        %get3A_1068 = tpu.vector_load %arg7[%get3A_1066, %get3A_1067] {strides = array<i32>} : memref<128x128xf32, #tpu.memory_space<vmem>>, vector<1x16xf32>,
        %get3A_1069 = vector.shape_cast %get3A_1068 : vector<1x16xf32> to vector<16xf32>
        %add3A_1070 = arith.addf %get3A_1009, %get3A_654 : vector<16xf32>
        %mul3A_1071 = arith.constant 2 : i32
        %mul3A_1072 = arith.muli %mul3A_1071, %scan3A_641 : i32
        %add3A_1073 = arith.constant 32 : i32
        %add3A_1074 = arith.addi %add3A_1073, %mul3A_1072 : i32
        %swap3A_1075 = arith.index_cast %add3A_1074 : i32 to index
        %swap3A_1076 = arith.constant 0 : index
        %swap3A_1077 = tpu.vector_load %arg10[%swap3A_1075, %swap3A_1076] {strides = array<i32>} : memref<256x128xf32, #tpu.memory_space<vmem>>, vector<1x16xf32>,
        %swap3A_1078 = vector.shape_cast %swap3A_1077 : vector<1x16xf32> to vector<16xf32>
        %swap3A_1079 = vector.shape_cast %add3A_1070 : vector<16xf32> to vector<1x16xf32>
        tpu.vector_store %arg10[%swap3A_1075, %swap3A_1076], %swap3A_1079 {strides = array<i32>} : memref<256x128xf32, #tpu.memory_space<vmem>>, vector<1x16xf32>,
        %add3A_1080 = arith.addf %get3A_1041, %get3A_704 : vector<16xf32>
        %mul3A_1081 = arith.constant 2 : i32
        %mul3A_1082 = arith.muli %mul3A_1081, %scan3A_641 : i32
        %add3A_1083 = arith.constant 32 : i32
        %add3A_1084 = arith.addi %add3A_1083, %mul3A_1082 : i32
        %add3A_1085 = arith.constant 1 : i32
        %add3A_1086 = arith.addi %add3A_1084, %add3A_1085 : i32
        %swap3A_1087 = arith.index_cast %add3A_1086 : i32 to index
        %swap3A_1088 = arith.constant 0 : index
        %swap3A_1089 = tpu.vector_load %arg10[%swap3A_1087, %swap3A_1088] {strides = array<i32>} : memref<256x128xf32, #tpu.memory_space<vmem>>, vector<1x16xf32>,
        %swap3A_1090 = vector.shape_cast %swap3A_1089 : vector<1x16xf32> to vector<16xf32>
        %swap3A_1091 = vector.shape_cast %add3A_1080 : vector<16xf32> to vector<1x16xf32>
        tpu.vector_store %arg10[%swap3A_1087, %swap3A_1088], %swap3A_1091 {strides = array<i32>} : memref<256x128xf32, #tpu.memory_space<vmem>>, vector<1x16xf32>,
        %add3A_1092 = arith.addf %get3A_1013, %get3A_660 : vector<16xf32>
        %mul3A_1093 = arith.constant 2 : i32
        %mul3A_1094 = arith.muli %mul3A_1093, %scan3A_641 : i32
        %add3A_1095 = arith.constant 32 : i32
        %add3A_1096 = arith.addi %add3A_1095, %mul3A_1094 : i32
        %swap3A_1097 = arith.index_cast %add3A_1096 : i32 to index
        %swap3A_1098 = arith.constant 16 : index
        %swap3A_1099 = tpu.vector_load %arg10[%swap3A_1097, %swap3A_1098] {strides = array<i32>} : memref<256x128xf32, #tpu.memory_space<vmem>>, vector<1x16xf32>,
        %swap3A_1100 = vector.shape_cast %swap3A_1099 : vector<1x16xf32> to vector<16xf32>
        %swap3A_1101 = vector.shape_cast %add3A_1092 : vector<16xf32> to vector<1x16xf32>
        tpu.vector_store %arg10[%swap3A_1097, %swap3A_1098], %swap3A_1101 {strides = array<i32>} : memref<256x128xf32, #tpu.memory_space<vmem>>, vector<1x16xf32>,
        %add3A_1102 = arith.addf %get3A_1045, %get3A_712 : vector<16xf32>
        %mul3A_1103 = arith.constant 2 : i32
        %mul3A_1104 = arith.muli %mul3A_1103, %scan3A_641 : i32
        %add3A_1105 = arith.constant 32 : i32
        %add3A_1106 = arith.addi %add3A_1105, %mul3A_1104 : i32
        %add3A_1107 = arith.constant 1 : i32
        %add3A_1108 = arith.addi %add3A_1106, %add3A_1107 : i32
        %swap3A_1109 = arith.index_cast %add3A_1108 : i32 to index
        %swap3A_1110 = arith.constant 16 : index
        %swap3A_1111 = tpu.vector_load %arg10[%swap3A_1109, %swap3A_1110] {strides = array<i32>} : memref<256x128xf32, #tpu.memory_space<vmem>>, vector<1x16xf32>,
        %swap3A_1112 = vector.shape_cast %swap3A_1111 : vector<1x16xf32> to vector<16xf32>
        %swap3A_1113 = vector.shape_cast %add3A_1102 : vector<16xf32> to vector<1x16xf32>
        tpu.vector_store %arg10[%swap3A_1109, %swap3A_1110], %swap3A_1113 {strides = array<i32>} : memref<256x128xf32, #tpu.memory_space<vmem>>, vector<1x16xf32>,
        %add3A_1114 = arith.addf %get3A_1017, %get3A_666 : vector<16xf32>
        %mul3A_1115 = arith.constant 2 : i32
        %mul3A_1116 = arith.muli %mul3A_1115, %scan3A_641 : i32
        %add3A_1117 = arith.constant 32 : i32
        %add3A_1118 = arith.addi %add3A_1117, %mul3A_1116 : i32
        %swap3A_1119 = arith.index_cast %add3A_1118 : i32 to index
        %swap3A_1120 = arith.constant 32 : index
        %swap3A_1121 = tpu.vector_load %arg10[%swap3A_1119, %swap3A_1120] {strides = array<i32>} : memref<256x128xf32, #tpu.memory_space<vmem>>, vector<1x16xf32>,
        %swap3A_1122 = vector.shape_cast %swap3A_1121 : vector<1x16xf32> to vector<16xf32>
        %swap3A_1123 = vector.shape_cast %add3A_1114 : vector<16xf32> to vector<1x16xf32>
        tpu.vector_store %arg10[%swap3A_1119, %swap3A_1120], %swap3A_1123 {strides = array<i32>} : memref<256x128xf32, #tpu.memory_space<vmem>>, vector<1x16xf32>,
        %add3A_1124 = arith.addf %get3A_1049, %get3A_720 : vector<16xf32>
        %mul3A_1125 = arith.constant 2 : i32
        %mul3A_1126 = arith.muli %mul3A_1125, %scan3A_641 : i32
        %add3A_1127 = arith.constant 32 : i32
        %add3A_1128 = arith.addi %add3A_1127, %mul3A_1126 : i32
        %add3A_1129 = arith.constant 1 : i32
        %add3A_1130 = arith.addi %add3A_1128, %add3A_1129 : i32
        %swap3A_1131 = arith.index_cast %add3A_1130 : i32 to index
        %swap3A_1132 = arith.constant 32 : index
        %swap3A_1133 = tpu.vector_load %arg10[%swap3A_1131, %swap3A_1132] {strides = array<i32>} : memref<256x128xf32, #tpu.memory_space<vmem>>, vector<1x16xf32>,
        %swap3A_1134 = vector.shape_cast %swap3A_1133 : vector<1x16xf32> to vector<16xf32>
        %swap3A_1135 = vector.shape_cast %add3A_1124 : vector<16xf32> to vector<1x16xf32>
        tpu.vector_store %arg10[%swap3A_1131, %swap3A_1132], %swap3A_1135 {strides = array<i32>} : memref<256x128xf32, #tpu.memory_space<vmem>>, vector<1x16xf32>,
        %add3A_1136 = arith.addf %get3A_1021, %get3A_672 : vector<16xf32>
        %mul3A_1137 = arith.constant 2 : i32
        %mul3A_1138 = arith.muli %mul3A_1137, %scan3A_641 : i32
        %add3A_1139 = arith.constant 32 : i32
        %add3A_1140 = arith.addi %add3A_1139, %mul3A_1138 : i32
        %swap3A_1141 = arith.index_cast %add3A_1140 : i32 to index
        %swap3A_1142 = arith.constant 48 : index
        %swap3A_1143 = tpu.vector_load %arg10[%swap3A_1141, %swap3A_1142] {strides = array<i32>} : memref<256x128xf32, #tpu.memory_space<vmem>>, vector<1x16xf32>,
        %swap3A_1144 = vector.shape_cast %swap3A_1143 : vector<1x16xf32> to vector<16xf32>
        %swap3A_1145 = vector.shape_cast %add3A_1136 : vector<16xf32> to vector<1x16xf32>
        tpu.vector_store %arg10[%swap3A_1141, %swap3A_1142], %swap3A_1145 {strides = array<i32>} : memref<256x128xf32, #tpu.memory_space<vmem>>, vector<1x16xf32>,
        %add3A_1146 = arith.addf %get3A_1053, %get3A_728 : vector<16xf32>
        %mul3A_1147 = arith.constant 2 : i32
        %mul3A_1148 = arith.muli %mul3A_1147, %scan3A_641 : i32
        %add3A_1149 = arith.constant 32 : i32
        %add3A_1150 = arith.addi %add3A_1149, %mul3A_1148 : i32
        %add3A_1151 = arith.constant 1 : i32
        %add3A_1152 = arith.addi %add3A_1150, %add3A_1151 : i32
        %swap3A_1153 = arith.index_cast %add3A_1152 : i32 to index
        %swap3A_1154 = arith.constant 48 : index
        %swap3A_1155 = tpu.vector_load %arg10[%swap3A_1153, %swap3A_1154] {strides = array<i32>} : memref<256x128xf32, #tpu.memory_space<vmem>>, vector<1x16xf32>,
        %swap3A_1156 = vector.shape_cast %swap3A_1155 : vector<1x16xf32> to vector<16xf32>
        %swap3A_1157 = vector.shape_cast %add3A_1146 : vector<16xf32> to vector<1x16xf32>
        tpu.vector_store %arg10[%swap3A_1153, %swap3A_1154], %swap3A_1157 {strides = array<i32>} : memref<256x128xf32, #tpu.memory_space<vmem>>, vector<1x16xf32>,
        %add3A_1158 = arith.addf %get3A_1025, %get3A_678 : vector<16xf32>
        %mul3A_1159 = arith.constant 2 : i32
        %mul3A_1160 = arith.muli %mul3A_1159, %scan3A_641 : i32
        %add3A_1161 = arith.constant 32 : i32
        %add3A_1162 = arith.addi %add3A_1161, %mul3A_1160 : i32
        %swap3A_1163 = arith.index_cast %add3A_1162 : i32 to index
        %swap3A_1164 = arith.constant 64 : index
        %swap3A_1165 = tpu.vector_load %arg10[%swap3A_1163, %swap3A_1164] {strides = array<i32>} : memref<256x128xf32, #tpu.memory_space<vmem>>, vector<1x16xf32>,
        %swap3A_1166 = vector.shape_cast %swap3A_1165 : vector<1x16xf32> to vector<16xf32>
        %swap3A_1167 = vector.shape_cast %add3A_1158 : vector<16xf32> to vector<1x16xf32>
        tpu.vector_store %arg10[%swap3A_1163, %swap3A_1164], %swap3A_1167 {strides = array<i32>} : memref<256x128xf32, #tpu.memory_space<vmem>>, vector<1x16xf32>,
        %add3A_1168 = arith.addf %get3A_1057, %get3A_736 : vector<16xf32>
        %mul3A_1169 = arith.constant 2 : i32
        %mul3A_1170 = arith.muli %mul3A_1169, %scan3A_641 : i32
        %add3A_1171 = arith.constant 32 : i32
        %add3A_1172 = arith.addi %add3A_1171, %mul3A_1170 : i32
        %add3A_1173 = arith.constant 1 : i32
        %add3A_1174 = arith.addi %add3A_1172, %add3A_1173 : i32
        %swap3A_1175 = arith.index_cast %add3A_1174 : i32 to index
        %swap3A_1176 = arith.constant 64 : index
        %swap3A_1177 = tpu.vector_load %arg10[%swap3A_1175, %swap3A_1176] {strides = array<i32>} : memref<256x128xf32, #tpu.memory_space<vmem>>, vector<1x16xf32>,
        %swap3A_1178 = vector.shape_cast %swap3A_1177 : vector<1x16xf32> to vector<16xf32>
        %swap3A_1179 = vector.shape_cast %add3A_1168 : vector<16xf32> to vector<1x16xf32>
        tpu.vector_store %arg10[%swap3A_1175, %swap3A_1176], %swap3A_1179 {strides = array<i32>} : memref<256x128xf32, #tpu.memory_space<vmem>>, vector<1x16xf32>,
        %add3A_1180 = arith.addf %get3A_1029, %get3A_684 : vector<16xf32>
        %mul3A_1181 = arith.constant 2 : i32
        %mul3A_1182 = arith.muli %mul3A_1181, %scan3A_641 : i32
        %add3A_1183 = arith.constant 32 : i32
        %add3A_1184 = arith.addi %add3A_1183, %mul3A_1182 : i32
        %swap3A_1185 = arith.index_cast %add3A_1184 : i32 to index
        %swap3A_1186 = arith.constant 80 : index
        %swap3A_1187 = tpu.vector_load %arg10[%swap3A_1185, %swap3A_1186] {strides = array<i32>} : memref<256x128xf32, #tpu.memory_space<vmem>>, vector<1x16xf32>,
        %swap3A_1188 = vector.shape_cast %swap3A_1187 : vector<1x16xf32> to vector<16xf32>
        %swap3A_1189 = vector.shape_cast %add3A_1180 : vector<16xf32> to vector<1x16xf32>
        tpu.vector_store %arg10[%swap3A_1185, %swap3A_1186], %swap3A_1189 {strides = array<i32>} : memref<256x128xf32, #tpu.memory_space<vmem>>, vector<1x16xf32>,
        %add3A_1190 = arith.addf %get3A_1061, %get3A_744 : vector<16xf32>
        %mul3A_1191 = arith.constant 2 : i32
        %mul3A_1192 = arith.muli %mul3A_1191, %scan3A_641 : i32
        %add3A_1193 = arith.constant 32 : i32
        %add3A_1194 = arith.addi %add3A_1193, %mul3A_1192 : i32
        %add3A_1195 = arith.constant 1 : i32
        %add3A_1196 = arith.addi %add3A_1194, %add3A_1195 : i32
        %swap3A_1197 = arith.index_cast %add3A_1196 : i32 to index
        %swap3A_1198 = arith.constant 80 : index
        %swap3A_1199 = tpu.vector_load %arg10[%swap3A_1197, %swap3A_1198] {strides = array<i32>} : memref<256x128xf32, #tpu.memory_space<vmem>>, vector<1x16xf32>,
        %swap3A_1200 = vector.shape_cast %swap3A_1199 : vector<1x16xf32> to vector<16xf32>
        %swap3A_1201 = vector.shape_cast %add3A_1190 : vector<16xf32> to vector<1x16xf32>
        tpu.vector_store %arg10[%swap3A_1197, %swap3A_1198], %swap3A_1201 {strides = array<i32>} : memref<256x128xf32, #tpu.memory_space<vmem>>, vector<1x16xf32>,
        %add3A_1202 = arith.addf %get3A_1033, %get3A_690 : vector<16xf32>
        %mul3A_1203 = arith.constant 2 : i32
        %mul3A_1204 = arith.muli %mul3A_1203, %scan3A_641 : i32
        %add3A_1205 = arith.constant 32 : i32
        %add3A_1206 = arith.addi %add3A_1205, %mul3A_1204 : i32
        %swap3A_1207 = arith.index_cast %add3A_1206 : i32 to index
        %swap3A_1208 = arith.constant 96 : index
        %swap3A_1209 = tpu.vector_load %arg10[%swap3A_1207, %swap3A_1208] {strides = array<i32>} : memref<256x128xf32, #tpu.memory_space<vmem>>, vector<1x16xf32>,
        %swap3A_1210 = vector.shape_cast %swap3A_1209 : vector<1x16xf32> to vector<16xf32>
        %swap3A_1211 = vector.shape_cast %add3A_1202 : vector<16xf32> to vector<1x16xf32>
        tpu.vector_store %arg10[%swap3A_1207, %swap3A_1208], %swap3A_1211 {strides = array<i32>} : memref<256x128xf32, #tpu.memory_space<vmem>>, vector<1x16xf32>,
        %add3A_1212 = arith.addf %get3A_1065, %get3A_752 : vector<16xf32>
        %mul3A_1213 = arith.constant 2 : i32
        %mul3A_1214 = arith.muli %mul3A_1213, %scan3A_641 : i32
        %add3A_1215 = arith.constant 32 : i32
        %add3A_1216 = arith.addi %add3A_1215, %mul3A_1214 : i32
        %add3A_1217 = arith.constant 1 : i32
        %add3A_1218 = arith.addi %add3A_1216, %add3A_1217 : i32
        %swap3A_1219 = arith.index_cast %add3A_1218 : i32 to index
        %swap3A_1220 = arith.constant 96 : index
        %swap3A_1221 = tpu.vector_load %arg10[%swap3A_1219, %swap3A_1220] {strides = array<i32>} : memref<256x128xf32, #tpu.memory_space<vmem>>, vector<1x16xf32>,
        %swap3A_1222 = vector.shape_cast %swap3A_1221 : vector<1x16xf32> to vector<16xf32>
        %swap3A_1223 = vector.shape_cast %add3A_1212 : vector<16xf32> to vector<1x16xf32>
        tpu.vector_store %arg10[%swap3A_1219, %swap3A_1220], %swap3A_1223 {strides = array<i32>} : memref<256x128xf32, #tpu.memory_space<vmem>>, vector<1x16xf32>,
        %add3A_1224 = arith.addf %get3A_1037, %get3A_696 : vector<16xf32>
        %mul3A_1225 = arith.constant 2 : i32
        %mul3A_1226 = arith.muli %mul3A_1225, %scan3A_641 : i32
        %add3A_1227 = arith.constant 32 : i32
        %add3A_1228 = arith.addi %add3A_1227, %mul3A_1226 : i32
        %swap3A_1229 = arith.index_cast %add3A_1228 : i32 to index
        %swap3A_1230 = arith.constant 112 : index
        %swap3A_1231 = tpu.vector_load %arg10[%swap3A_1229, %swap3A_1230] {strides = array<i32>} : memref<256x128xf32, #tpu.memory_space<vmem>>, vector<1x16xf32>,
        %swap3A_1232 = vector.shape_cast %swap3A_1231 : vector<1x16xf32> to vector<16xf32>
        %swap3A_1233 = vector.shape_cast %add3A_1224 : vector<16xf32> to vector<1x16xf32>
        tpu.vector_store %arg10[%swap3A_1229, %swap3A_1230], %swap3A_1233 {strides = array<i32>} : memref<256x128xf32, #tpu.memory_space<vmem>>, vector<1x16xf32>,
        %add3A_1234 = arith.addf %get3A_1069, %get3A_760 : vector<16xf32>
        %mul3A_1235 = arith.constant 2 : i32
        %mul3A_1236 = arith.muli %mul3A_1235, %scan3A_641 : i32
        %add3A_1237 = arith.constant 32 : i32
        %add3A_1238 = arith.addi %add3A_1237, %mul3A_1236 : i32
        %add3A_1239 = arith.constant 1 : i32
        %add3A_1240 = arith.addi %add3A_1238, %add3A_1239 : i32
        %swap3A_1241 = arith.index_cast %add3A_1240 : i32 to index
        %swap3A_1242 = arith.constant 112 : index
        %swap3A_1243 = tpu.vector_load %arg10[%swap3A_1241, %swap3A_1242] {strides = array<i32>} : memref<256x128xf32, #tpu.memory_space<vmem>>, vector<1x16xf32>,
        %swap3A_1244 = vector.shape_cast %swap3A_1243 : vector<1x16xf32> to vector<16xf32>
        %swap3A_1245 = vector.shape_cast %add3A_1234 : vector<16xf32> to vector<1x16xf32>
        tpu.vector_store %arg10[%swap3A_1241, %swap3A_1242], %swap3A_1245 {strides = array<i32>} : memref<256x128xf32, #tpu.memory_space<vmem>>, vector<1x16xf32>,
        %slice3A_1246 = vector.extract_strided_slice %get3A_648 {offsets = [2], sizes = [1], strides = [1]} : vector<16xi32> to vector<1xi32>
        %squeeze3A_1247 = vector.extract %slice3A_1246[0] : i32 from vector<1xi32>
        %slice3A_1248 = vector.extract_strided_slice %get3A_648 {offsets = [10], sizes = [1], strides = [1]} : vector<16xi32> to vector<1xi32>
        %squeeze3A_1249 = vector.extract %slice3A_1248[0] : i32 from vector<1xi32>
        %get3A_1250 = arith.index_cast %squeeze3A_1247 : i32 to index
        %get3A_1251 = arith.constant 0 : index
        %get3A_1252 = tpu.vector_load %arg7[%get3A_1250, %get3A_1251] {strides = array<i32>} : memref<128x128xf32, #tpu.memory_space<vmem>>, vector<1x16xf32>,
        %get3A_1253 = vector.shape_cast %get3A_1252 : vector<1x16xf32> to vector<16xf32>
        %get3A_1254 = arith.index_cast %squeeze3A_1247 : i32 to index
        %get3A_1255 = arith.constant 16 : index
        %get3A_1256 = tpu.vector_load %arg7[%get3A_1254, %get3A_1255] {strides = array<i32>} : memref<128x128xf32, #tpu.memory_space<vmem>>, vector<1x16xf32>,
        %get3A_1257 = vector.shape_cast %get3A_1256 : vector<1x16xf32> to vector<16xf32>
        %get3A_1258 = arith.index_cast %squeeze3A_1247 : i32 to index
        %get3A_1259 = arith.constant 32 : index
        %get3A_1260 = tpu.vector_load %arg7[%get3A_1258, %get3A_1259] {strides = array<i32>} : memref<128x128xf32, #tpu.memory_space<vmem>>, vector<1x16xf32>,
        %get3A_1261 = vector.shape_cast %get3A_1260 : vector<1x16xf32> to vector<16xf32>
        %get3A_1262 = arith.index_cast %squeeze3A_1247 : i32 to index
        %get3A_1263 = arith.constant 48 : index
        %get3A_1264 = tpu.vector_load %arg7[%get3A_1262, %get3A_1263] {strides = array<i32>} : memref<128x128xf32, #tpu.memory_space<vmem>>, vector<1x16xf32>,
        %get3A_1265 = vector.shape_cast %get3A_1264 : vector<1x16xf32> to vector<16xf32>
        %get3A_1266 = arith.index_cast %squeeze3A_1247 : i32 to index
        %get3A_1267 = arith.constant 64 : index
        %get3A_1268 = tpu.vector_load %arg7[%get3A_1266, %get3A_1267] {strides = array<i32>} : memref<128x128xf32, #tpu.memory_space<vmem>>, vector<1x16xf32>,
        %get3A_1269 = vector.shape_cast %get3A_1268 : vector<1x16xf32> to vector<16xf32>
        %get3A_1270 = arith.index_cast %squeeze3A_1247 : i32 to index
        %get3A_1271 = arith.constant 80 : index
        %get3A_1272 = tpu.vector_load %arg7[%get3A_1270, %get3A_1271] {strides = array<i32>} : memref<128x128xf32, #tpu.memory_space<vmem>>, vector<1x16xf32>,
        %get3A_1273 = vector.shape_cast %get3A_1272 : vector<1x16xf32> to vector<16xf32>
        %get3A_1274 = arith.index_cast %squeeze3A_1247 : i32 to index
        %get3A_1275 = arith.constant 96 : index
        %get3A_1276 = tpu.vector_load %arg7[%get3A_1274, %get3A_1275] {strides = array<i32>} : memref<128x128xf32, #tpu.memory_space<vmem>>, vector<1x16xf32>,
        %get3A_1277 = vector.shape_cast %get3A_1276 : vector<1x16xf32> to vector<16xf32>
        %get3A_1278 = arith.index_cast %squeeze3A_1247 : i32 to index
        %get3A_1279 = arith.constant 112 : index
        %get3A_1280 = tpu.vector_load %arg7[%get3A_1278, %get3A_1279] {strides = array<i32>} : memref<128x128xf32, #tpu.memory_space<vmem>>, vector<1x16xf32>,
        %get3A_1281 = vector.shape_cast %get3A_1280 : vector<1x16xf32> to vector<16xf32>
        %get3A_1282 = arith.index_cast %squeeze3A_1249 : i32 to index
        %get3A_1283 = arith.constant 0 : index
        %get3A_1284 = tpu.vector_load %arg7[%get3A_1282, %get3A_1283] {strides = array<i32>} : memref<128x128xf32, #tpu.memory_space<vmem>>, vector<1x16xf32>,
        %get3A_1285 = vector.shape_cast %get3A_1284 : vector<1x16xf32> to vector<16xf32>
        %get3A_1286 = arith.index_cast %squeeze3A_1249 : i32 to index
        %get3A_1287 = arith.constant 16 : index
        %get3A_1288 = tpu.vector_load %arg7[%get3A_1286, %get3A_1287] {strides = array<i32>} : memref<128x128xf32, #tpu.memory_space<vmem>>, vector<1x16xf32>,
        %get3A_1289 = vector.shape_cast %get3A_1288 : vector<1x16xf32> to vector<16xf32>
        %get3A_1290 = arith.index_cast %squeeze3A_1249 : i32 to index
        %get3A_1291 = arith.constant 32 : index
        %get3A_1292 = tpu.vector_load %arg7[%get3A_1290, %get3A_1291] {strides = array<i32>} : memref<128x128xf32, #tpu.memory_space<vmem>>, vector<1x16xf32>,
        %get3A_1293 = vector.shape_cast %get3A_1292 : vector<1x16xf32> to vector<16xf32>
        %get3A_1294 = arith.index_cast %squeeze3A_1249 : i32 to index
        %get3A_1295 = arith.constant 48 : index
        %get3A_1296 = tpu.vector_load %arg7[%get3A_1294, %get3A_1295] {strides = array<i32>} : memref<128x128xf32, #tpu.memory_space<vmem>>, vector<1x16xf32>,
        %get3A_1297 = vector.shape_cast %get3A_1296 : vector<1x16xf32> to vector<16xf32>
        %get3A_1298 = arith.index_cast %squeeze3A_1249 : i32 to index
        %get3A_1299 = arith.constant 64 : index
        %get3A_1300 = tpu.vector_load %arg7[%get3A_1298, %get3A_1299] {strides = array<i32>} : memref<128x128xf32, #tpu.memory_space<vmem>>, vector<1x16xf32>,
        %get3A_1301 = vector.shape_cast %get3A_1300 : vector<1x16xf32> to vector<16xf32>
        %get3A_1302 = arith.index_cast %squeeze3A_1249 : i32 to index
        %get3A_1303 = arith.constant 80 : index
        %get3A_1304 = tpu.vector_load %arg7[%get3A_1302, %get3A_1303] {strides = array<i32>} : memref<128x128xf32, #tpu.memory_space<vmem>>, vector<1x16xf32>,
        %get3A_1305 = vector.shape_cast %get3A_1304 : vector<1x16xf32> to vector<16xf32>
        %get3A_1306 = arith.index_cast %squeeze3A_1249 : i32 to index
        %get3A_1307 = arith.constant 96 : index
        %get3A_1308 = tpu.vector_load %arg7[%get3A_1306, %get3A_1307] {strides = array<i32>} : memref<128x128xf32, #tpu.memory_space<vmem>>, vector<1x16xf32>,
        %get3A_1309 = vector.shape_cast %get3A_1308 : vector<1x16xf32> to vector<16xf32>
        %get3A_1310 = arith.index_cast %squeeze3A_1249 : i32 to index
        %get3A_1311 = arith.constant 112 : index
        %get3A_1312 = tpu.vector_load %arg7[%get3A_1310, %get3A_1311] {strides = array<i32>} : memref<128x128xf32, #tpu.memory_space<vmem>>, vector<1x16xf32>,
        %get3A_1313 = vector.shape_cast %get3A_1312 : vector<1x16xf32> to vector<16xf32>
        %add3A_1314 = arith.addf %get3A_1253, %get3A_654 : vector<16xf32>
        %mul3A_1315 = arith.constant 2 : i32
        %mul3A_1316 = arith.muli %mul3A_1315, %scan3A_641 : i32
        %add3A_1317 = arith.constant 64 : i32
        %add3A_1318 = arith.addi %add3A_1317, %mul3A_1316 : i32
        %swap3A_1319 = arith.index_cast %add3A_1318 : i32 to index
        %swap3A_1320 = arith.constant 0 : index
        %swap3A_1321 = tpu.vector_load %arg10[%swap3A_1319, %swap3A_1320] {strides = array<i32>} : memref<256x128xf32, #tpu.memory_space<vmem>>, vector<1x16xf32>,
        %swap3A_1322 = vector.shape_cast %swap3A_1321 : vector<1x16xf32> to vector<16xf32>
        %swap3A_1323 = vector.shape_cast %add3A_1314 : vector<16xf32> to vector<1x16xf32>
        tpu.vector_store %arg10[%swap3A_1319, %swap3A_1320], %swap3A_1323 {strides = array<i32>} : memref<256x128xf32, #tpu.memory_space<vmem>>, vector<1x16xf32>,
        %add3A_1324 = arith.addf %get3A_1285, %get3A_704 : vector<16xf32>
        %mul3A_1325 = arith.constant 2 : i32
        %mul3A_1326 = arith.muli %mul3A_1325, %scan3A_641 : i32
        %add3A_1327 = arith.constant 64 : i32
        %add3A_1328 = arith.addi %add3A_1327, %mul3A_1326 : i32
        %add3A_1329 = arith.constant 1 : i32
        %add3A_1330 = arith.addi %add3A_1328, %add3A_1329 : i32
        %swap3A_1331 = arith.index_cast %add3A_1330 : i32 to index
        %swap3A_1332 = arith.constant 0 : index
        %swap3A_1333 = tpu.vector_load %arg10[%swap3A_1331, %swap3A_1332] {strides = array<i32>} : memref<256x128xf32, #tpu.memory_space<vmem>>, vector<1x16xf32>,
        %swap3A_1334 = vector.shape_cast %swap3A_1333 : vector<1x16xf32> to vector<16xf32>
        %swap3A_1335 = vector.shape_cast %add3A_1324 : vector<16xf32> to vector<1x16xf32>
        tpu.vector_store %arg10[%swap3A_1331, %swap3A_1332], %swap3A_1335 {strides = array<i32>} : memref<256x128xf32, #tpu.memory_space<vmem>>, vector<1x16xf32>,
        %add3A_1336 = arith.addf %get3A_1257, %get3A_660 : vector<16xf32>
        %mul3A_1337 = arith.constant 2 : i32
        %mul3A_1338 = arith.muli %mul3A_1337, %scan3A_641 : i32
        %add3A_1339 = arith.constant 64 : i32
        %add3A_1340 = arith.addi %add3A_1339, %mul3A_1338 : i32
        %swap3A_1341 = arith.index_cast %add3A_1340 : i32 to index
        %swap3A_1342 = arith.constant 16 : index
        %swap3A_1343 = tpu.vector_load %arg10[%swap3A_1341, %swap3A_1342] {strides = array<i32>} : memref<256x128xf32, #tpu.memory_space<vmem>>, vector<1x16xf32>,
        %swap3A_1344 = vector.shape_cast %swap3A_1343 : vector<1x16xf32> to vector<16xf32>
        %swap3A_1345 = vector.shape_cast %add3A_1336 : vector<16xf32> to vector<1x16xf32>
        tpu.vector_store %arg10[%swap3A_1341, %swap3A_1342], %swap3A_1345 {strides = array<i32>} : memref<256x128xf32, #tpu.memory_space<vmem>>, vector<1x16xf32>,
        %add3A_1346 = arith.addf %get3A_1289, %get3A_712 : vector<16xf32>
        %mul3A_1347 = arith.constant 2 : i32
        %mul3A_1348 = arith.muli %mul3A_1347, %scan3A_641 : i32
        %add3A_1349 = arith.constant 64 : i32
        %add3A_1350 = arith.addi %add3A_1349, %mul3A_1348 : i32
        %add3A_1351 = arith.constant 1 : i32
        %add3A_1352 = arith.addi %add3A_1350, %add3A_1351 : i32
        %swap3A_1353 = arith.index_cast %add3A_1352 : i32 to index
        %swap3A_1354 = arith.constant 16 : index
        %swap3A_1355 = tpu.vector_load %arg10[%swap3A_1353, %swap3A_1354] {strides = array<i32>} : memref<256x128xf32, #tpu.memory_space<vmem>>, vector<1x16xf32>,
        %swap3A_1356 = vector.shape_cast %swap3A_1355 : vector<1x16xf32> to vector<16xf32>
        %swap3A_1357 = vector.shape_cast %add3A_1346 : vector<16xf32> to vector<1x16xf32>
        tpu.vector_store %arg10[%swap3A_1353, %swap3A_1354], %swap3A_1357 {strides = array<i32>} : memref<256x128xf32, #tpu.memory_space<vmem>>, vector<1x16xf32>,
        %add3A_1358 = arith.addf %get3A_1261, %get3A_666 : vector<16xf32>
        %mul3A_1359 = arith.constant 2 : i32
        %mul3A_1360 = arith.muli %mul3A_1359, %scan3A_641 : i32
        %add3A_1361 = arith.constant 64 : i32
        %add3A_1362 = arith.addi %add3A_1361, %mul3A_1360 : i32
        %swap3A_1363 = arith.index_cast %add3A_1362 : i32 to index
        %swap3A_1364 = arith.constant 32 : index
        %swap3A_1365 = tpu.vector_load %arg10[%swap3A_1363, %swap3A_1364] {strides = array<i32>} : memref<256x128xf32, #tpu.memory_space<vmem>>, vector<1x16xf32>,
        %swap3A_1366 = vector.shape_cast %swap3A_1365 : vector<1x16xf32> to vector<16xf32>
        %swap3A_1367 = vector.shape_cast %add3A_1358 : vector<16xf32> to vector<1x16xf32>
        tpu.vector_store %arg10[%swap3A_1363, %swap3A_1364], %swap3A_1367 {strides = array<i32>} : memref<256x128xf32, #tpu.memory_space<vmem>>, vector<1x16xf32>,
        %add3A_1368 = arith.addf %get3A_1293, %get3A_720 : vector<16xf32>
        %mul3A_1369 = arith.constant 2 : i32
        %mul3A_1370 = arith.muli %mul3A_1369, %scan3A_641 : i32
        %add3A_1371 = arith.constant 64 : i32
        %add3A_1372 = arith.addi %add3A_1371, %mul3A_1370 : i32
        %add3A_1373 = arith.constant 1 : i32
        %add3A_1374 = arith.addi %add3A_1372, %add3A_1373 : i32
        %swap3A_1375 = arith.index_cast %add3A_1374 : i32 to index
        %swap3A_1376 = arith.constant 32 : index
        %swap3A_1377 = tpu.vector_load %arg10[%swap3A_1375, %swap3A_1376] {strides = array<i32>} : memref<256x128xf32, #tpu.memory_space<vmem>>, vector<1x16xf32>,
        %swap3A_1378 = vector.shape_cast %swap3A_1377 : vector<1x16xf32> to vector<16xf32>
        %swap3A_1379 = vector.shape_cast %add3A_1368 : vector<16xf32> to vector<1x16xf32>
        tpu.vector_store %arg10[%swap3A_1375, %swap3A_1376], %swap3A_1379 {strides = array<i32>} : memref<256x128xf32, #tpu.memory_space<vmem>>, vector<1x16xf32>,
        %add3A_1380 = arith.addf %get3A_1265, %get3A_672 : vector<16xf32>
        %mul3A_1381 = arith.constant 2 : i32
        %mul3A_1382 = arith.muli %mul3A_1381, %scan3A_641 : i32
        %add3A_1383 = arith.constant 64 : i32
        %add3A_1384 = arith.addi %add3A_1383, %mul3A_1382 : i32
        %swap3A_1385 = arith.index_cast %add3A_1384 : i32 to index
        %swap3A_1386 = arith.constant 48 : index
        %swap3A_1387 = tpu.vector_load %arg10[%swap3A_1385, %swap3A_1386] {strides = array<i32>} : memref<256x128xf32, #tpu.memory_space<vmem>>, vector<1x16xf32>,
        %swap3A_1388 = vector.shape_cast %swap3A_1387 : vector<1x16xf32> to vector<16xf32>
        %swap3A_1389 = vector.shape_cast %add3A_1380 : vector<16xf32> to vector<1x16xf32>
        tpu.vector_store %arg10[%swap3A_1385, %swap3A_1386], %swap3A_1389 {strides = array<i32>} : memref<256x128xf32, #tpu.memory_space<vmem>>, vector<1x16xf32>,
        %add3A_1390 = arith.addf %get3A_1297, %get3A_728 : vector<16xf32>
        %mul3A_1391 = arith.constant 2 : i32
        %mul3A_1392 = arith.muli %mul3A_1391, %scan3A_641 : i32
        %add3A_1393 = arith.constant 64 : i32
        %add3A_1394 = arith.addi %add3A_1393, %mul3A_1392 : i32
        %add3A_1395 = arith.constant 1 : i32
        %add3A_1396 = arith.addi %add3A_1394, %add3A_1395 : i32
        %swap3A_1397 = arith.index_cast %add3A_1396 : i32 to index
        %swap3A_1398 = arith.constant 48 : index
        %swap3A_1399 = tpu.vector_load %arg10[%swap3A_1397, %swap3A_1398] {strides = array<i32>} : memref<256x128xf32, #tpu.memory_space<vmem>>, vector<1x16xf32>,
        %swap3A_1400 = vector.shape_cast %swap3A_1399 : vector<1x16xf32> to vector<16xf32>
        %swap3A_1401 = vector.shape_cast %add3A_1390 : vector<16xf32> to vector<1x16xf32>
        tpu.vector_store %arg10[%swap3A_1397, %swap3A_1398], %swap3A_1401 {strides = array<i32>} : memref<256x128xf32, #tpu.memory_space<vmem>>, vector<1x16xf32>,
        %add3A_1402 = arith.addf %get3A_1269, %get3A_678 : vector<16xf32>
        %mul3A_1403 = arith.constant 2 : i32
        %mul3A_1404 = arith.muli %mul3A_1403, %scan3A_641 : i32
        %add3A_1405 = arith.constant 64 : i32
        %add3A_1406 = arith.addi %add3A_1405, %mul3A_1404 : i32
        %swap3A_1407 = arith.index_cast %add3A_1406 : i32 to index
        %swap3A_1408 = arith.constant 64 : index
        %swap3A_1409 = tpu.vector_load %arg10[%swap3A_1407, %swap3A_1408] {strides = array<i32>} : memref<256x128xf32, #tpu.memory_space<vmem>>, vector<1x16xf32>,
        %swap3A_1410 = vector.shape_cast %swap3A_1409 : vector<1x16xf32> to vector<16xf32>
        %swap3A_1411 = vector.shape_cast %add3A_1402 : vector<16xf32> to vector<1x16xf32>
        tpu.vector_store %arg10[%swap3A_1407, %swap3A_1408], %swap3A_1411 {strides = array<i32>} : memref<256x128xf32, #tpu.memory_space<vmem>>, vector<1x16xf32>,
        %add3A_1412 = arith.addf %get3A_1301, %get3A_736 : vector<16xf32>
        %mul3A_1413 = arith.constant 2 : i32
        %mul3A_1414 = arith.muli %mul3A_1413, %scan3A_641 : i32
        %add3A_1415 = arith.constant 64 : i32
        %add3A_1416 = arith.addi %add3A_1415, %mul3A_1414 : i32
        %add3A_1417 = arith.constant 1 : i32
        %add3A_1418 = arith.addi %add3A_1416, %add3A_1417 : i32
        %swap3A_1419 = arith.index_cast %add3A_1418 : i32 to index
        %swap3A_1420 = arith.constant 64 : index
        %swap3A_1421 = tpu.vector_load %arg10[%swap3A_1419, %swap3A_1420] {strides = array<i32>} : memref<256x128xf32, #tpu.memory_space<vmem>>, vector<1x16xf32>,
        %swap3A_1422 = vector.shape_cast %swap3A_1421 : vector<1x16xf32> to vector<16xf32>
        %swap3A_1423 = vector.shape_cast %add3A_1412 : vector<16xf32> to vector<1x16xf32>
        tpu.vector_store %arg10[%swap3A_1419, %swap3A_1420], %swap3A_1423 {strides = array<i32>} : memref<256x128xf32, #tpu.memory_space<vmem>>, vector<1x16xf32>,
        %add3A_1424 = arith.addf %get3A_1273, %get3A_684 : vector<16xf32>
        %mul3A_1425 = arith.constant 2 : i32
        %mul3A_1426 = arith.muli %mul3A_1425, %scan3A_641 : i32
        %add3A_1427 = arith.constant 64 : i32
        %add3A_1428 = arith.addi %add3A_1427, %mul3A_1426 : i32
        %swap3A_1429 = arith.index_cast %add3A_1428 : i32 to index
        %swap3A_1430 = arith.constant 80 : index
        %swap3A_1431 = tpu.vector_load %arg10[%swap3A_1429, %swap3A_1430] {strides = array<i32>} : memref<256x128xf32, #tpu.memory_space<vmem>>, vector<1x16xf32>,
        %swap3A_1432 = vector.shape_cast %swap3A_1431 : vector<1x16xf32> to vector<16xf32>
        %swap3A_1433 = vector.shape_cast %add3A_1424 : vector<16xf32> to vector<1x16xf32>
        tpu.vector_store %arg10[%swap3A_1429, %swap3A_1430], %swap3A_1433 {strides = array<i32>} : memref<256x128xf32, #tpu.memory_space<vmem>>, vector<1x16xf32>,
        %add3A_1434 = arith.addf %get3A_1305, %get3A_744 : vector<16xf32>
        %mul3A_1435 = arith.constant 2 : i32
        %mul3A_1436 = arith.muli %mul3A_1435, %scan3A_641 : i32
        %add3A_1437 = arith.constant 64 : i32
        %add3A_1438 = arith.addi %add3A_1437, %mul3A_1436 : i32
        %add3A_1439 = arith.constant 1 : i32
        %add3A_1440 = arith.addi %add3A_1438, %add3A_1439 : i32
        %swap3A_1441 = arith.index_cast %add3A_1440 : i32 to index
        %swap3A_1442 = arith.constant 80 : index
        %swap3A_1443 = tpu.vector_load %arg10[%swap3A_1441, %swap3A_1442] {strides = array<i32>} : memref<256x128xf32, #tpu.memory_space<vmem>>, vector<1x16xf32>,
        %swap3A_1444 = vector.shape_cast %swap3A_1443 : vector<1x16xf32> to vector<16xf32>
        %swap3A_1445 = vector.shape_cast %add3A_1434 : vector<16xf32> to vector<1x16xf32>
        tpu.vector_store %arg10[%swap3A_1441, %swap3A_1442], %swap3A_1445 {strides = array<i32>} : memref<256x128xf32, #tpu.memory_space<vmem>>, vector<1x16xf32>,
        %add3A_1446 = arith.addf %get3A_1277, %get3A_690 : vector<16xf32>
        %mul3A_1447 = arith.constant 2 : i32
        %mul3A_1448 = arith.muli %mul3A_1447, %scan3A_641 : i32
        %add3A_1449 = arith.constant 64 : i32
        %add3A_1450 = arith.addi %add3A_1449, %mul3A_1448 : i32
        %swap3A_1451 = arith.index_cast %add3A_1450 : i32 to index
        %swap3A_1452 = arith.constant 96 : index
        %swap3A_1453 = tpu.vector_load %arg10[%swap3A_1451, %swap3A_1452] {strides = array<i32>} : memref<256x128xf32, #tpu.memory_space<vmem>>, vector<1x16xf32>,
        %swap3A_1454 = vector.shape_cast %swap3A_1453 : vector<1x16xf32> to vector<16xf32>
        %swap3A_1455 = vector.shape_cast %add3A_1446 : vector<16xf32> to vector<1x16xf32>
        tpu.vector_store %arg10[%swap3A_1451, %swap3A_1452], %swap3A_1455 {strides = array<i32>} : memref<256x128xf32, #tpu.memory_space<vmem>>, vector<1x16xf32>,
        %add3A_1456 = arith.addf %get3A_1309, %get3A_752 : vector<16xf32>
        %mul3A_1457 = arith.constant 2 : i32
        %mul3A_1458 = arith.muli %mul3A_1457, %scan3A_641 : i32
        %add3A_1459 = arith.constant 64 : i32
        %add3A_1460 = arith.addi %add3A_1459, %mul3A_1458 : i32
        %add3A_1461 = arith.constant 1 : i32
        %add3A_1462 = arith.addi %add3A_1460, %add3A_1461 : i32
        %swap3A_1463 = arith.index_cast %add3A_1462 : i32 to index
        %swap3A_1464 = arith.constant 96 : index
        %swap3A_1465 = tpu.vector_load %arg10[%swap3A_1463, %swap3A_1464] {strides = array<i32>} : memref<256x128xf32, #tpu.memory_space<vmem>>, vector<1x16xf32>,
        %swap3A_1466 = vector.shape_cast %swap3A_1465 : vector<1x16xf32> to vector<16xf32>
        %swap3A_1467 = vector.shape_cast %add3A_1456 : vector<16xf32> to vector<1x16xf32>
        tpu.vector_store %arg10[%swap3A_1463, %swap3A_1464], %swap3A_1467 {strides = array<i32>} : memref<256x128xf32, #tpu.memory_space<vmem>>, vector<1x16xf32>,
        %add3A_1468 = arith.addf %get3A_1281, %get3A_696 : vector<16xf32>
        %mul3A_1469 = arith.constant 2 : i32
        %mul3A_1470 = arith.muli %mul3A_1469, %scan3A_641 : i32
        %add3A_1471 = arith.constant 64 : i32
        %add3A_1472 = arith.addi %add3A_1471, %mul3A_1470 : i32
        %swap3A_1473 = arith.index_cast %add3A_1472 : i32 to index
        %swap3A_1474 = arith.constant 112 : index
        %swap3A_1475 = tpu.vector_load %arg10[%swap3A_1473, %swap3A_1474] {strides = array<i32>} : memref<256x128xf32, #tpu.memory_space<vmem>>, vector<1x16xf32>,
        %swap3A_1476 = vector.shape_cast %swap3A_1475 : vector<1x16xf32> to vector<16xf32>
        %swap3A_1477 = vector.shape_cast %add3A_1468 : vector<16xf32> to vector<1x16xf32>
        tpu.vector_store %arg10[%swap3A_1473, %swap3A_1474], %swap3A_1477 {strides = array<i32>} : memref<256x128xf32, #tpu.memory_space<vmem>>, vector<1x16xf32>,
        %add3A_1478 = arith.addf %get3A_1313, %get3A_760 : vector<16xf32>
        %mul3A_1479 = arith.constant 2 : i32
        %mul3A_1480 = arith.muli %mul3A_1479, %scan3A_641 : i32
        %add3A_1481 = arith.constant 64 : i32
        %add3A_1482 = arith.addi %add3A_1481, %mul3A_1480 : i32
        %add3A_1483 = arith.constant 1 : i32
        %add3A_1484 = arith.addi %add3A_1482, %add3A_1483 : i32
        %swap3A_1485 = arith.index_cast %add3A_1484 : i32 to index
        %swap3A_1486 = arith.constant 112 : index
        %swap3A_1487 = tpu.vector_load %arg10[%swap3A_1485, %swap3A_1486] {strides = array<i32>} : memref<256x128xf32, #tpu.memory_space<vmem>>, vector<1x16xf32>,
        %swap3A_1488 = vector.shape_cast %swap3A_1487 : vector<1x16xf32> to vector<16xf32>
        %swap3A_1489 = vector.shape_cast %add3A_1478 : vector<16xf32> to vector<1x16xf32>
        tpu.vector_store %arg10[%swap3A_1485, %swap3A_1486], %swap3A_1489 {strides = array<i32>} : memref<256x128xf32, #tpu.memory_space<vmem>>, vector<1x16xf32>,
        %slice3A_1490 = vector.extract_strided_slice %get3A_648 {offsets = [3], sizes = [1], strides = [1]} : vector<16xi32> to vector<1xi32>
        %squeeze3A_1491 = vector.extract %slice3A_1490[0] : i32 from vector<1xi32>
        %slice3A_1492 = vector.extract_strided_slice %get3A_648 {offsets = [11], sizes = [1], strides = [1]} : vector<16xi32> to vector<1xi32>
        %squeeze3A_1493 = vector.extract %slice3A_1492[0] : i32 from vector<1xi32>
        %get3A_1494 = arith.index_cast %squeeze3A_1491 : i32 to index
        %get3A_1495 = arith.constant 0 : index
        %get3A_1496 = tpu.vector_load %arg7[%get3A_1494, %get3A_1495] {strides = array<i32>} : memref<128x128xf32, #tpu.memory_space<vmem>>, vector<1x16xf32>,
        %get3A_1497 = vector.shape_cast %get3A_1496 : vector<1x16xf32> to vector<16xf32>
        %get3A_1498 = arith.index_cast %squeeze3A_1491 : i32 to index
        %get3A_1499 = arith.constant 16 : index
        %get3A_1500 = tpu.vector_load %arg7[%get3A_1498, %get3A_1499] {strides = array<i32>} : memref<128x128xf32, #tpu.memory_space<vmem>>, vector<1x16xf32>,
        %get3A_1501 = vector.shape_cast %get3A_1500 : vector<1x16xf32> to vector<16xf32>
        %get3A_1502 = arith.index_cast %squeeze3A_1491 : i32 to index
        %get3A_1503 = arith.constant 32 : index
        %get3A_1504 = tpu.vector_load %arg7[%get3A_1502, %get3A_1503] {strides = array<i32>} : memref<128x128xf32, #tpu.memory_space<vmem>>, vector<1x16xf32>,
        %get3A_1505 = vector.shape_cast %get3A_1504 : vector<1x16xf32> to vector<16xf32>
        %get3A_1506 = arith.index_cast %squeeze3A_1491 : i32 to index
        %get3A_1507 = arith.constant 48 : index
        %get3A_1508 = tpu.vector_load %arg7[%get3A_1506, %get3A_1507] {strides = array<i32>} : memref<128x128xf32, #tpu.memory_space<vmem>>, vector<1x16xf32>,
        %get3A_1509 = vector.shape_cast %get3A_1508 : vector<1x16xf32> to vector<16xf32>
        %get3A_1510 = arith.index_cast %squeeze3A_1491 : i32 to index
        %get3A_1511 = arith.constant 64 : index
        %get3A_1512 = tpu.vector_load %arg7[%get3A_1510, %get3A_1511] {strides = array<i32>} : memref<128x128xf32, #tpu.memory_space<vmem>>, vector<1x16xf32>,
        %get3A_1513 = vector.shape_cast %get3A_1512 : vector<1x16xf32> to vector<16xf32>
        %get3A_1514 = arith.index_cast %squeeze3A_1491 : i32 to index
        %get3A_1515 = arith.constant 80 : index
        %get3A_1516 = tpu.vector_load %arg7[%get3A_1514, %get3A_1515] {strides = array<i32>} : memref<128x128xf32, #tpu.memory_space<vmem>>, vector<1x16xf32>,
        %get3A_1517 = vector.shape_cast %get3A_1516 : vector<1x16xf32> to vector<16xf32>
        %get3A_1518 = arith.index_cast %squeeze3A_1491 : i32 to index
        %get3A_1519 = arith.constant 96 : index
        %get3A_1520 = tpu.vector_load %arg7[%get3A_1518, %get3A_1519] {strides = array<i32>} : memref<128x128xf32, #tpu.memory_space<vmem>>, vector<1x16xf32>,
        %get3A_1521 = vector.shape_cast %get3A_1520 : vector<1x16xf32> to vector<16xf32>
        %get3A_1522 = arith.index_cast %squeeze3A_1491 : i32 to index
        %get3A_1523 = arith.constant 112 : index
        %get3A_1524 = tpu.vector_load %arg7[%get3A_1522, %get3A_1523] {strides = array<i32>} : memref<128x128xf32, #tpu.memory_space<vmem>>, vector<1x16xf32>,
        %get3A_1525 = vector.shape_cast %get3A_1524 : vector<1x16xf32> to vector<16xf32>
        %get3A_1526 = arith.index_cast %squeeze3A_1493 : i32 to index
        %get3A_1527 = arith.constant 0 : index
        %get3A_1528 = tpu.vector_load %arg7[%get3A_1526, %get3A_1527] {strides = array<i32>} : memref<128x128xf32, #tpu.memory_space<vmem>>, vector<1x16xf32>,
        %get3A_1529 = vector.shape_cast %get3A_1528 : vector<1x16xf32> to vector<16xf32>
        %get3A_1530 = arith.index_cast %squeeze3A_1493 : i32 to index
        %get3A_1531 = arith.constant 16 : index
        %get3A_1532 = tpu.vector_load %arg7[%get3A_1530, %get3A_1531] {strides = array<i32>} : memref<128x128xf32, #tpu.memory_space<vmem>>, vector<1x16xf32>,
        %get3A_1533 = vector.shape_cast %get3A_1532 : vector<1x16xf32> to vector<16xf32>
        %get3A_1534 = arith.index_cast %squeeze3A_1493 : i32 to index
        %get3A_1535 = arith.constant 32 : index
        %get3A_1536 = tpu.vector_load %arg7[%get3A_1534, %get3A_1535] {strides = array<i32>} : memref<128x128xf32, #tpu.memory_space<vmem>>, vector<1x16xf32>,
        %get3A_1537 = vector.shape_cast %get3A_1536 : vector<1x16xf32> to vector<16xf32>
        %get3A_1538 = arith.index_cast %squeeze3A_1493 : i32 to index
        %get3A_1539 = arith.constant 48 : index
        %get3A_1540 = tpu.vector_load %arg7[%get3A_1538, %get3A_1539] {strides = array<i32>} : memref<128x128xf32, #tpu.memory_space<vmem>>, vector<1x16xf32>,
        %get3A_1541 = vector.shape_cast %get3A_1540 : vector<1x16xf32> to vector<16xf32>
        %get3A_1542 = arith.index_cast %squeeze3A_1493 : i32 to index
        %get3A_1543 = arith.constant 64 : index
        %get3A_1544 = tpu.vector_load %arg7[%get3A_1542, %get3A_1543] {strides = array<i32>} : memref<128x128xf32, #tpu.memory_space<vmem>>, vector<1x16xf32>,
        %get3A_1545 = vector.shape_cast %get3A_1544 : vector<1x16xf32> to vector<16xf32>
        %get3A_1546 = arith.index_cast %squeeze3A_1493 : i32 to index
        %get3A_1547 = arith.constant 80 : index
        %get3A_1548 = tpu.vector_load %arg7[%get3A_1546, %get3A_1547] {strides = array<i32>} : memref<128x128xf32, #tpu.memory_space<vmem>>, vector<1x16xf32>,
        %get3A_1549 = vector.shape_cast %get3A_1548 : vector<1x16xf32> to vector<16xf32>
        %get3A_1550 = arith.index_cast %squeeze3A_1493 : i32 to index
        %get3A_1551 = arith.constant 96 : index
        %get3A_1552 = tpu.vector_load %arg7[%get3A_1550, %get3A_1551] {strides = array<i32>} : memref<128x128xf32, #tpu.memory_space<vmem>>, vector<1x16xf32>,
        %get3A_1553 = vector.shape_cast %get3A_1552 : vector<1x16xf32> to vector<16xf32>
        %get3A_1554 = arith.index_cast %squeeze3A_1493 : i32 to index
        %get3A_1555 = arith.constant 112 : index
        %get3A_1556 = tpu.vector_load %arg7[%get3A_1554, %get3A_1555] {strides = array<i32>} : memref<128x128xf32, #tpu.memory_space<vmem>>, vector<1x16xf32>,
        %get3A_1557 = vector.shape_cast %get3A_1556 : vector<1x16xf32> to vector<16xf32>
        %add3A_1558 = arith.addf %get3A_1497, %get3A_654 : vector<16xf32>
        %mul3A_1559 = arith.constant 2 : i32
        %mul3A_1560 = arith.muli %mul3A_1559, %scan3A_641 : i32
        %add3A_1561 = arith.constant 96 : i32
        %add3A_1562 = arith.addi %add3A_1561, %mul3A_1560 : i32
        %swap3A_1563 = arith.index_cast %add3A_1562 : i32 to index
        %swap3A_1564 = arith.constant 0 : index
        %swap3A_1565 = tpu.vector_load %arg10[%swap3A_1563, %swap3A_1564] {strides = array<i32>} : memref<256x128xf32, #tpu.memory_space<vmem>>, vector<1x16xf32>,
        %swap3A_1566 = vector.shape_cast %swap3A_1565 : vector<1x16xf32> to vector<16xf32>
        %swap3A_1567 = vector.shape_cast %add3A_1558 : vector<16xf32> to vector<1x16xf32>
        tpu.vector_store %arg10[%swap3A_1563, %swap3A_1564], %swap3A_1567 {strides = array<i32>} : memref<256x128xf32, #tpu.memory_space<vmem>>, vector<1x16xf32>,
        %add3A_1568 = arith.addf %get3A_1529, %get3A_704 : vector<16xf32>
        %mul3A_1569 = arith.constant 2 : i32
        %mul3A_1570 = arith.muli %mul3A_1569, %scan3A_641 : i32
        %add3A_1571 = arith.constant 96 : i32
        %add3A_1572 = arith.addi %add3A_1571, %mul3A_1570 : i32
        %add3A_1573 = arith.constant 1 : i32
        %add3A_1574 = arith.addi %add3A_1572, %add3A_1573 : i32
        %swap3A_1575 = arith.index_cast %add3A_1574 : i32 to index
        %swap3A_1576 = arith.constant 0 : index
        %swap3A_1577 = tpu.vector_load %arg10[%swap3A_1575, %swap3A_1576] {strides = array<i32>} : memref<256x128xf32, #tpu.memory_space<vmem>>, vector<1x16xf32>,
        %swap3A_1578 = vector.shape_cast %swap3A_1577 : vector<1x16xf32> to vector<16xf32>
        %swap3A_1579 = vector.shape_cast %add3A_1568 : vector<16xf32> to vector<1x16xf32>
        tpu.vector_store %arg10[%swap3A_1575, %swap3A_1576], %swap3A_1579 {strides = array<i32>} : memref<256x128xf32, #tpu.memory_space<vmem>>, vector<1x16xf32>,
        %add3A_1580 = arith.addf %get3A_1501, %get3A_660 : vector<16xf32>
        %mul3A_1581 = arith.constant 2 : i32
        %mul3A_1582 = arith.muli %mul3A_1581, %scan3A_641 : i32
        %add3A_1583 = arith.constant 96 : i32
        %add3A_1584 = arith.addi %add3A_1583, %mul3A_1582 : i32
        %swap3A_1585 = arith.index_cast %add3A_1584 : i32 to index
        %swap3A_1586 = arith.constant 16 : index
        %swap3A_1587 = tpu.vector_load %arg10[%swap3A_1585, %swap3A_1586] {strides = array<i32>} : memref<256x128xf32, #tpu.memory_space<vmem>>, vector<1x16xf32>,
        %swap3A_1588 = vector.shape_cast %swap3A_1587 : vector<1x16xf32> to vector<16xf32>
        %swap3A_1589 = vector.shape_cast %add3A_1580 : vector<16xf32> to vector<1x16xf32>
        tpu.vector_store %arg10[%swap3A_1585, %swap3A_1586], %swap3A_1589 {strides = array<i32>} : memref<256x128xf32, #tpu.memory_space<vmem>>, vector<1x16xf32>,
        %add3A_1590 = arith.addf %get3A_1533, %get3A_712 : vector<16xf32>
        %mul3A_1591 = arith.constant 2 : i32
        %mul3A_1592 = arith.muli %mul3A_1591, %scan3A_641 : i32
        %add3A_1593 = arith.constant 96 : i32
        %add3A_1594 = arith.addi %add3A_1593, %mul3A_1592 : i32
        %add3A_1595 = arith.constant 1 : i32
        %add3A_1596 = arith.addi %add3A_1594, %add3A_1595 : i32
        %swap3A_1597 = arith.index_cast %add3A_1596 : i32 to index
        %swap3A_1598 = arith.constant 16 : index
        %swap3A_1599 = tpu.vector_load %arg10[%swap3A_1597, %swap3A_1598] {strides = array<i32>} : memref<256x128xf32, #tpu.memory_space<vmem>>, vector<1x16xf32>,
        %swap3A_1600 = vector.shape_cast %swap3A_1599 : vector<1x16xf32> to vector<16xf32>
        %swap3A_1601 = vector.shape_cast %add3A_1590 : vector<16xf32> to vector<1x16xf32>
        tpu.vector_store %arg10[%swap3A_1597, %swap3A_1598], %swap3A_1601 {strides = array<i32>} : memref<256x128xf32, #tpu.memory_space<vmem>>, vector<1x16xf32>,
        %add3A_1602 = arith.addf %get3A_1505, %get3A_666 : vector<16xf32>
        %mul3A_1603 = arith.constant 2 : i32
        %mul3A_1604 = arith.muli %mul3A_1603, %scan3A_641 : i32
        %add3A_1605 = arith.constant 96 : i32
        %add3A_1606 = arith.addi %add3A_1605, %mul3A_1604 : i32
        %swap3A_1607 = arith.index_cast %add3A_1606 : i32 to index
        %swap3A_1608 = arith.constant 32 : index
        %swap3A_1609 = tpu.vector_load %arg10[%swap3A_1607, %swap3A_1608] {strides = array<i32>} : memref<256x128xf32, #tpu.memory_space<vmem>>, vector<1x16xf32>,
        %swap3A_1610 = vector.shape_cast %swap3A_1609 : vector<1x16xf32> to vector<16xf32>
        %swap3A_1611 = vector.shape_cast %add3A_1602 : vector<16xf32> to vector<1x16xf32>
        tpu.vector_store %arg10[%swap3A_1607, %swap3A_1608], %swap3A_1611 {strides = array<i32>} : memref<256x128xf32, #tpu.memory_space<vmem>>, vector<1x16xf32>,
        %add3A_1612 = arith.addf %get3A_1537, %get3A_720 : vector<16xf32>
        %mul3A_1613 = arith.constant 2 : i32
        %mul3A_1614 = arith.muli %mul3A_1613, %scan3A_641 : i32
        %add3A_1615 = arith.constant 96 : i32
        %add3A_1616 = arith.addi %add3A_1615, %mul3A_1614 : i32
        %add3A_1617 = arith.constant 1 : i32
        %add3A_1618 = arith.addi %add3A_1616, %add3A_1617 : i32
        %swap3A_1619 = arith.index_cast %add3A_1618 : i32 to index
        %swap3A_1620 = arith.constant 32 : index
        %swap3A_1621 = tpu.vector_load %arg10[%swap3A_1619, %swap3A_1620] {strides = array<i32>} : memref<256x128xf32, #tpu.memory_space<vmem>>, vector<1x16xf32>,
        %swap3A_1622 = vector.shape_cast %swap3A_1621 : vector<1x16xf32> to vector<16xf32>
        %swap3A_1623 = vector.shape_cast %add3A_1612 : vector<16xf32> to vector<1x16xf32>
        tpu.vector_store %arg10[%swap3A_1619, %swap3A_1620], %swap3A_1623 {strides = array<i32>} : memref<256x128xf32, #tpu.memory_space<vmem>>, vector<1x16xf32>,
        %add3A_1624 = arith.addf %get3A_1509, %get3A_672 : vector<16xf32>
        %mul3A_1625 = arith.constant 2 : i32
        %mul3A_1626 = arith.muli %mul3A_1625, %scan3A_641 : i32
        %add3A_1627 = arith.constant 96 : i32
        %add3A_1628 = arith.addi %add3A_1627, %mul3A_1626 : i32
        %swap3A_1629 = arith.index_cast %add3A_1628 : i32 to index
        %swap3A_1630 = arith.constant 48 : index
        %swap3A_1631 = tpu.vector_load %arg10[%swap3A_1629, %swap3A_1630] {strides = array<i32>} : memref<256x128xf32, #tpu.memory_space<vmem>>, vector<1x16xf32>,
        %swap3A_1632 = vector.shape_cast %swap3A_1631 : vector<1x16xf32> to vector<16xf32>
        %swap3A_1633 = vector.shape_cast %add3A_1624 : vector<16xf32> to vector<1x16xf32>
        tpu.vector_store %arg10[%swap3A_1629, %swap3A_1630], %swap3A_1633 {strides = array<i32>} : memref<256x128xf32, #tpu.memory_space<vmem>>, vector<1x16xf32>,
        %add3A_1634 = arith.addf %get3A_1541, %get3A_728 : vector<16xf32>
        %mul3A_1635 = arith.constant 2 : i32
        %mul3A_1636 = arith.muli %mul3A_1635, %scan3A_641 : i32
        %add3A_1637 = arith.constant 96 : i32
        %add3A_1638 = arith.addi %add3A_1637, %mul3A_1636 : i32
        %add3A_1639 = arith.constant 1 : i32
        %add3A_1640 = arith.addi %add3A_1638, %add3A_1639 : i32
        %swap3A_1641 = arith.index_cast %add3A_1640 : i32 to index
        %swap3A_1642 = arith.constant 48 : index
        %swap3A_1643 = tpu.vector_load %arg10[%swap3A_1641, %swap3A_1642] {strides = array<i32>} : memref<256x128xf32, #tpu.memory_space<vmem>>, vector<1x16xf32>,
        %swap3A_1644 = vector.shape_cast %swap3A_1643 : vector<1x16xf32> to vector<16xf32>
        %swap3A_1645 = vector.shape_cast %add3A_1634 : vector<16xf32> to vector<1x16xf32>
        tpu.vector_store %arg10[%swap3A_1641, %swap3A_1642], %swap3A_1645 {strides = array<i32>} : memref<256x128xf32, #tpu.memory_space<vmem>>, vector<1x16xf32>,
        %add3A_1646 = arith.addf %get3A_1513, %get3A_678 : vector<16xf32>
        %mul3A_1647 = arith.constant 2 : i32
        %mul3A_1648 = arith.muli %mul3A_1647, %scan3A_641 : i32
        %add3A_1649 = arith.constant 96 : i32
        %add3A_1650 = arith.addi %add3A_1649, %mul3A_1648 : i32
        %swap3A_1651 = arith.index_cast %add3A_1650 : i32 to index
        %swap3A_1652 = arith.constant 64 : index
        %swap3A_1653 = tpu.vector_load %arg10[%swap3A_1651, %swap3A_1652] {strides = array<i32>} : memref<256x128xf32, #tpu.memory_space<vmem>>, vector<1x16xf32>,
        %swap3A_1654 = vector.shape_cast %swap3A_1653 : vector<1x16xf32> to vector<16xf32>
        %swap3A_1655 = vector.shape_cast %add3A_1646 : vector<16xf32> to vector<1x16xf32>
        tpu.vector_store %arg10[%swap3A_1651, %swap3A_1652], %swap3A_1655 {strides = array<i32>} : memref<256x128xf32, #tpu.memory_space<vmem>>, vector<1x16xf32>,
        %add3A_1656 = arith.addf %get3A_1545, %get3A_736 : vector<16xf32>
        %mul3A_1657 = arith.constant 2 : i32
        %mul3A_1658 = arith.muli %mul3A_1657, %scan3A_641 : i32
        %add3A_1659 = arith.constant 96 : i32
        %add3A_1660 = arith.addi %add3A_1659, %mul3A_1658 : i32
        %add3A_1661 = arith.constant 1 : i32
        %add3A_1662 = arith.addi %add3A_1660, %add3A_1661 : i32
        %swap3A_1663 = arith.index_cast %add3A_1662 : i32 to index
        %swap3A_1664 = arith.constant 64 : index
        %swap3A_1665 = tpu.vector_load %arg10[%swap3A_1663, %swap3A_1664] {strides = array<i32>} : memref<256x128xf32, #tpu.memory_space<vmem>>, vector<1x16xf32>,
        %swap3A_1666 = vector.shape_cast %swap3A_1665 : vector<1x16xf32> to vector<16xf32>
        %swap3A_1667 = vector.shape_cast %add3A_1656 : vector<16xf32> to vector<1x16xf32>
        tpu.vector_store %arg10[%swap3A_1663, %swap3A_1664], %swap3A_1667 {strides = array<i32>} : memref<256x128xf32, #tpu.memory_space<vmem>>, vector<1x16xf32>,
        %add3A_1668 = arith.addf %get3A_1517, %get3A_684 : vector<16xf32>
        %mul3A_1669 = arith.constant 2 : i32
        %mul3A_1670 = arith.muli %mul3A_1669, %scan3A_641 : i32
        %add3A_1671 = arith.constant 96 : i32
        %add3A_1672 = arith.addi %add3A_1671, %mul3A_1670 : i32
        %swap3A_1673 = arith.index_cast %add3A_1672 : i32 to index
        %swap3A_1674 = arith.constant 80 : index
        %swap3A_1675 = tpu.vector_load %arg10[%swap3A_1673, %swap3A_1674] {strides = array<i32>} : memref<256x128xf32, #tpu.memory_space<vmem>>, vector<1x16xf32>,
        %swap3A_1676 = vector.shape_cast %swap3A_1675 : vector<1x16xf32> to vector<16xf32>
        %swap3A_1677 = vector.shape_cast %add3A_1668 : vector<16xf32> to vector<1x16xf32>
        tpu.vector_store %arg10[%swap3A_1673, %swap3A_1674], %swap3A_1677 {strides = array<i32>} : memref<256x128xf32, #tpu.memory_space<vmem>>, vector<1x16xf32>,
        %add3A_1678 = arith.addf %get3A_1549, %get3A_744 : vector<16xf32>
        %mul3A_1679 = arith.constant 2 : i32
        %mul3A_1680 = arith.muli %mul3A_1679, %scan3A_641 : i32
        %add3A_1681 = arith.constant 96 : i32
        %add3A_1682 = arith.addi %add3A_1681, %mul3A_1680 : i32
        %add3A_1683 = arith.constant 1 : i32
        %add3A_1684 = arith.addi %add3A_1682, %add3A_1683 : i32
        %swap3A_1685 = arith.index_cast %add3A_1684 : i32 to index
        %swap3A_1686 = arith.constant 80 : index
        %swap3A_1687 = tpu.vector_load %arg10[%swap3A_1685, %swap3A_1686] {strides = array<i32>} : memref<256x128xf32, #tpu.memory_space<vmem>>, vector<1x16xf32>,
        %swap3A_1688 = vector.shape_cast %swap3A_1687 : vector<1x16xf32> to vector<16xf32>
        %swap3A_1689 = vector.shape_cast %add3A_1678 : vector<16xf32> to vector<1x16xf32>
        tpu.vector_store %arg10[%swap3A_1685, %swap3A_1686], %swap3A_1689 {strides = array<i32>} : memref<256x128xf32, #tpu.memory_space<vmem>>, vector<1x16xf32>,
        %add3A_1690 = arith.addf %get3A_1521, %get3A_690 : vector<16xf32>
        %mul3A_1691 = arith.constant 2 : i32
        %mul3A_1692 = arith.muli %mul3A_1691, %scan3A_641 : i32
        %add3A_1693 = arith.constant 96 : i32
        %add3A_1694 = arith.addi %add3A_1693, %mul3A_1692 : i32
        %swap3A_1695 = arith.index_cast %add3A_1694 : i32 to index
        %swap3A_1696 = arith.constant 96 : index
        %swap3A_1697 = tpu.vector_load %arg10[%swap3A_1695, %swap3A_1696] {strides = array<i32>} : memref<256x128xf32, #tpu.memory_space<vmem>>, vector<1x16xf32>,
        %swap3A_1698 = vector.shape_cast %swap3A_1697 : vector<1x16xf32> to vector<16xf32>
        %swap3A_1699 = vector.shape_cast %add3A_1690 : vector<16xf32> to vector<1x16xf32>
        tpu.vector_store %arg10[%swap3A_1695, %swap3A_1696], %swap3A_1699 {strides = array<i32>} : memref<256x128xf32, #tpu.memory_space<vmem>>, vector<1x16xf32>,
        %add3A_1700 = arith.addf %get3A_1553, %get3A_752 : vector<16xf32>
        %mul3A_1701 = arith.constant 2 : i32
        %mul3A_1702 = arith.muli %mul3A_1701, %scan3A_641 : i32
        %add3A_1703 = arith.constant 96 : i32
        %add3A_1704 = arith.addi %add3A_1703, %mul3A_1702 : i32
        %add3A_1705 = arith.constant 1 : i32
        %add3A_1706 = arith.addi %add3A_1704, %add3A_1705 : i32
        %swap3A_1707 = arith.index_cast %add3A_1706 : i32 to index
        %swap3A_1708 = arith.constant 96 : index
        %swap3A_1709 = tpu.vector_load %arg10[%swap3A_1707, %swap3A_1708] {strides = array<i32>} : memref<256x128xf32, #tpu.memory_space<vmem>>, vector<1x16xf32>,
        %swap3A_1710 = vector.shape_cast %swap3A_1709 : vector<1x16xf32> to vector<16xf32>
        %swap3A_1711 = vector.shape_cast %add3A_1700 : vector<16xf32> to vector<1x16xf32>
        tpu.vector_store %arg10[%swap3A_1707, %swap3A_1708], %swap3A_1711 {strides = array<i32>} : memref<256x128xf32, #tpu.memory_space<vmem>>, vector<1x16xf32>,
        %add3A_1712 = arith.addf %get3A_1525, %get3A_696 : vector<16xf32>
        %mul3A_1713 = arith.constant 2 : i32
        %mul3A_1714 = arith.muli %mul3A_1713, %scan3A_641 : i32
        %add3A_1715 = arith.constant 96 : i32
        %add3A_1716 = arith.addi %add3A_1715, %mul3A_1714 : i32
        %swap3A_1717 = arith.index_cast %add3A_1716 : i32 to index
        %swap3A_1718 = arith.constant 112 : index
        %swap3A_1719 = tpu.vector_load %arg10[%swap3A_1717, %swap3A_1718] {strides = array<i32>} : memref<256x128xf32, #tpu.memory_space<vmem>>, vector<1x16xf32>,
        %swap3A_1720 = vector.shape_cast %swap3A_1719 : vector<1x16xf32> to vector<16xf32>
        %swap3A_1721 = vector.shape_cast %add3A_1712 : vector<16xf32> to vector<1x16xf32>
        tpu.vector_store %arg10[%swap3A_1717, %swap3A_1718], %swap3A_1721 {strides = array<i32>} : memref<256x128xf32, #tpu.memory_space<vmem>>, vector<1x16xf32>,
        %add3A_1722 = arith.addf %get3A_1557, %get3A_760 : vector<16xf32>
        %mul3A_1723 = arith.constant 2 : i32
        %mul3A_1724 = arith.muli %mul3A_1723, %scan3A_641 : i32
        %add3A_1725 = arith.constant 96 : i32
        %add3A_1726 = arith.addi %add3A_1725, %mul3A_1724 : i32
        %add3A_1727 = arith.constant 1 : i32
        %add3A_1728 = arith.addi %add3A_1726, %add3A_1727 : i32
        %swap3A_1729 = arith.index_cast %add3A_1728 : i32 to index
        %swap3A_1730 = arith.constant 112 : index
        %swap3A_1731 = tpu.vector_load %arg10[%swap3A_1729, %swap3A_1730] {strides = array<i32>} : memref<256x128xf32, #tpu.memory_space<vmem>>, vector<1x16xf32>,
        %swap3A_1732 = vector.shape_cast %swap3A_1731 : vector<1x16xf32> to vector<16xf32>
        %swap3A_1733 = vector.shape_cast %add3A_1722 : vector<16xf32> to vector<1x16xf32>
        tpu.vector_store %arg10[%swap3A_1729, %swap3A_1730], %swap3A_1733 {strides = array<i32>} : memref<256x128xf32, #tpu.memory_space<vmem>>, vector<1x16xf32>,
        %slice3A_1734 = vector.extract_strided_slice %get3A_648 {offsets = [4], sizes = [1], strides = [1]} : vector<16xi32> to vector<1xi32>
        %squeeze3A_1735 = vector.extract %slice3A_1734[0] : i32 from vector<1xi32>
        %slice3A_1736 = vector.extract_strided_slice %get3A_648 {offsets = [12], sizes = [1], strides = [1]} : vector<16xi32> to vector<1xi32>
        %squeeze3A_1737 = vector.extract %slice3A_1736[0] : i32 from vector<1xi32>
        %get3A_1738 = arith.index_cast %squeeze3A_1735 : i32 to index
        %get3A_1739 = arith.constant 0 : index
        %get3A_1740 = tpu.vector_load %arg7[%get3A_1738, %get3A_1739] {strides = array<i32>} : memref<128x128xf32, #tpu.memory_space<vmem>>, vector<1x16xf32>,
        %get3A_1741 = vector.shape_cast %get3A_1740 : vector<1x16xf32> to vector<16xf32>
        %get3A_1742 = arith.index_cast %squeeze3A_1735 : i32 to index
        %get3A_1743 = arith.constant 16 : index
        %get3A_1744 = tpu.vector_load %arg7[%get3A_1742, %get3A_1743] {strides = array<i32>} : memref<128x128xf32, #tpu.memory_space<vmem>>, vector<1x16xf32>,
        %get3A_1745 = vector.shape_cast %get3A_1744 : vector<1x16xf32> to vector<16xf32>
        %get3A_1746 = arith.index_cast %squeeze3A_1735 : i32 to index
        %get3A_1747 = arith.constant 32 : index
        %get3A_1748 = tpu.vector_load %arg7[%get3A_1746, %get3A_1747] {strides = array<i32>} : memref<128x128xf32, #tpu.memory_space<vmem>>, vector<1x16xf32>,
        %get3A_1749 = vector.shape_cast %get3A_1748 : vector<1x16xf32> to vector<16xf32>
        %get3A_1750 = arith.index_cast %squeeze3A_1735 : i32 to index
        %get3A_1751 = arith.constant 48 : index
        %get3A_1752 = tpu.vector_load %arg7[%get3A_1750, %get3A_1751] {strides = array<i32>} : memref<128x128xf32, #tpu.memory_space<vmem>>, vector<1x16xf32>,
        %get3A_1753 = vector.shape_cast %get3A_1752 : vector<1x16xf32> to vector<16xf32>
        %get3A_1754 = arith.index_cast %squeeze3A_1735 : i32 to index
        %get3A_1755 = arith.constant 64 : index
        %get3A_1756 = tpu.vector_load %arg7[%get3A_1754, %get3A_1755] {strides = array<i32>} : memref<128x128xf32, #tpu.memory_space<vmem>>, vector<1x16xf32>,
        %get3A_1757 = vector.shape_cast %get3A_1756 : vector<1x16xf32> to vector<16xf32>
        %get3A_1758 = arith.index_cast %squeeze3A_1735 : i32 to index
        %get3A_1759 = arith.constant 80 : index
        %get3A_1760 = tpu.vector_load %arg7[%get3A_1758, %get3A_1759] {strides = array<i32>} : memref<128x128xf32, #tpu.memory_space<vmem>>, vector<1x16xf32>,
        %get3A_1761 = vector.shape_cast %get3A_1760 : vector<1x16xf32> to vector<16xf32>
        %get3A_1762 = arith.index_cast %squeeze3A_1735 : i32 to index
        %get3A_1763 = arith.constant 96 : index
        %get3A_1764 = tpu.vector_load %arg7[%get3A_1762, %get3A_1763] {strides = array<i32>} : memref<128x128xf32, #tpu.memory_space<vmem>>, vector<1x16xf32>,
        %get3A_1765 = vector.shape_cast %get3A_1764 : vector<1x16xf32> to vector<16xf32>
        %get3A_1766 = arith.index_cast %squeeze3A_1735 : i32 to index
        %get3A_1767 = arith.constant 112 : index
        %get3A_1768 = tpu.vector_load %arg7[%get3A_1766, %get3A_1767] {strides = array<i32>} : memref<128x128xf32, #tpu.memory_space<vmem>>, vector<1x16xf32>,
        %get3A_1769 = vector.shape_cast %get3A_1768 : vector<1x16xf32> to vector<16xf32>
        %get3A_1770 = arith.index_cast %squeeze3A_1737 : i32 to index
        %get3A_1771 = arith.constant 0 : index
        %get3A_1772 = tpu.vector_load %arg7[%get3A_1770, %get3A_1771] {strides = array<i32>} : memref<128x128xf32, #tpu.memory_space<vmem>>, vector<1x16xf32>,
        %get3A_1773 = vector.shape_cast %get3A_1772 : vector<1x16xf32> to vector<16xf32>
        %get3A_1774 = arith.index_cast %squeeze3A_1737 : i32 to index
        %get3A_1775 = arith.constant 16 : index
        %get3A_1776 = tpu.vector_load %arg7[%get3A_1774, %get3A_1775] {strides = array<i32>} : memref<128x128xf32, #tpu.memory_space<vmem>>, vector<1x16xf32>,
        %get3A_1777 = vector.shape_cast %get3A_1776 : vector<1x16xf32> to vector<16xf32>
        %get3A_1778 = arith.index_cast %squeeze3A_1737 : i32 to index
        %get3A_1779 = arith.constant 32 : index
        %get3A_1780 = tpu.vector_load %arg7[%get3A_1778, %get3A_1779] {strides = array<i32>} : memref<128x128xf32, #tpu.memory_space<vmem>>, vector<1x16xf32>,
        %get3A_1781 = vector.shape_cast %get3A_1780 : vector<1x16xf32> to vector<16xf32>
        %get3A_1782 = arith.index_cast %squeeze3A_1737 : i32 to index
        %get3A_1783 = arith.constant 48 : index
        %get3A_1784 = tpu.vector_load %arg7[%get3A_1782, %get3A_1783] {strides = array<i32>} : memref<128x128xf32, #tpu.memory_space<vmem>>, vector<1x16xf32>,
        %get3A_1785 = vector.shape_cast %get3A_1784 : vector<1x16xf32> to vector<16xf32>
        %get3A_1786 = arith.index_cast %squeeze3A_1737 : i32 to index
        %get3A_1787 = arith.constant 64 : index
        %get3A_1788 = tpu.vector_load %arg7[%get3A_1786, %get3A_1787] {strides = array<i32>} : memref<128x128xf32, #tpu.memory_space<vmem>>, vector<1x16xf32>,
        %get3A_1789 = vector.shape_cast %get3A_1788 : vector<1x16xf32> to vector<16xf32>
        %get3A_1790 = arith.index_cast %squeeze3A_1737 : i32 to index
        %get3A_1791 = arith.constant 80 : index
        %get3A_1792 = tpu.vector_load %arg7[%get3A_1790, %get3A_1791] {strides = array<i32>} : memref<128x128xf32, #tpu.memory_space<vmem>>, vector<1x16xf32>,
        %get3A_1793 = vector.shape_cast %get3A_1792 : vector<1x16xf32> to vector<16xf32>
        %get3A_1794 = arith.index_cast %squeeze3A_1737 : i32 to index
        %get3A_1795 = arith.constant 96 : index
        %get3A_1796 = tpu.vector_load %arg7[%get3A_1794, %get3A_1795] {strides = array<i32>} : memref<128x128xf32, #tpu.memory_space<vmem>>, vector<1x16xf32>,
        %get3A_1797 = vector.shape_cast %get3A_1796 : vector<1x16xf32> to vector<16xf32>
        %get3A_1798 = arith.index_cast %squeeze3A_1737 : i32 to index
        %get3A_1799 = arith.constant 112 : index
        %get3A_1800 = tpu.vector_load %arg7[%get3A_1798, %get3A_1799] {strides = array<i32>} : memref<128x128xf32, #tpu.memory_space<vmem>>, vector<1x16xf32>,
        %get3A_1801 = vector.shape_cast %get3A_1800 : vector<1x16xf32> to vector<16xf32>
        %add3A_1802 = arith.addf %get3A_1741, %get3A_654 : vector<16xf32>
        %mul3A_1803 = arith.constant 2 : i32
        %mul3A_1804 = arith.muli %mul3A_1803, %scan3A_641 : i32
        %add3A_1805 = arith.constant 128 : i32
        %add3A_1806 = arith.addi %add3A_1805, %mul3A_1804 : i32
        %swap3A_1807 = arith.index_cast %add3A_1806 : i32 to index
        %swap3A_1808 = arith.constant 0 : index
        %swap3A_1809 = tpu.vector_load %arg10[%swap3A_1807, %swap3A_1808] {strides = array<i32>} : memref<256x128xf32, #tpu.memory_space<vmem>>, vector<1x16xf32>,
        %swap3A_1810 = vector.shape_cast %swap3A_1809 : vector<1x16xf32> to vector<16xf32>
        %swap3A_1811 = vector.shape_cast %add3A_1802 : vector<16xf32> to vector<1x16xf32>
        tpu.vector_store %arg10[%swap3A_1807, %swap3A_1808], %swap3A_1811 {strides = array<i32>} : memref<256x128xf32, #tpu.memory_space<vmem>>, vector<1x16xf32>,
        %add3A_1812 = arith.addf %get3A_1773, %get3A_704 : vector<16xf32>
        %mul3A_1813 = arith.constant 2 : i32
        %mul3A_1814 = arith.muli %mul3A_1813, %scan3A_641 : i32
        %add3A_1815 = arith.constant 128 : i32
        %add3A_1816 = arith.addi %add3A_1815, %mul3A_1814 : i32
        %add3A_1817 = arith.constant 1 : i32
        %add3A_1818 = arith.addi %add3A_1816, %add3A_1817 : i32
        %swap3A_1819 = arith.index_cast %add3A_1818 : i32 to index
        %swap3A_1820 = arith.constant 0 : index
        %swap3A_1821 = tpu.vector_load %arg10[%swap3A_1819, %swap3A_1820] {strides = array<i32>} : memref<256x128xf32, #tpu.memory_space<vmem>>, vector<1x16xf32>,
        %swap3A_1822 = vector.shape_cast %swap3A_1821 : vector<1x16xf32> to vector<16xf32>
        %swap3A_1823 = vector.shape_cast %add3A_1812 : vector<16xf32> to vector<1x16xf32>
        tpu.vector_store %arg10[%swap3A_1819, %swap3A_1820], %swap3A_1823 {strides = array<i32>} : memref<256x128xf32, #tpu.memory_space<vmem>>, vector<1x16xf32>,
        %add3A_1824 = arith.addf %get3A_1745, %get3A_660 : vector<16xf32>
        %mul3A_1825 = arith.constant 2 : i32
        %mul3A_1826 = arith.muli %mul3A_1825, %scan3A_641 : i32
        %add3A_1827 = arith.constant 128 : i32
        %add3A_1828 = arith.addi %add3A_1827, %mul3A_1826 : i32
        %swap3A_1829 = arith.index_cast %add3A_1828 : i32 to index
        %swap3A_1830 = arith.constant 16 : index
        %swap3A_1831 = tpu.vector_load %arg10[%swap3A_1829, %swap3A_1830] {strides = array<i32>} : memref<256x128xf32, #tpu.memory_space<vmem>>, vector<1x16xf32>,
        %swap3A_1832 = vector.shape_cast %swap3A_1831 : vector<1x16xf32> to vector<16xf32>
        %swap3A_1833 = vector.shape_cast %add3A_1824 : vector<16xf32> to vector<1x16xf32>
        tpu.vector_store %arg10[%swap3A_1829, %swap3A_1830], %swap3A_1833 {strides = array<i32>} : memref<256x128xf32, #tpu.memory_space<vmem>>, vector<1x16xf32>,
        %add3A_1834 = arith.addf %get3A_1777, %get3A_712 : vector<16xf32>
        %mul3A_1835 = arith.constant 2 : i32
        %mul3A_1836 = arith.muli %mul3A_1835, %scan3A_641 : i32
        %add3A_1837 = arith.constant 128 : i32
        %add3A_1838 = arith.addi %add3A_1837, %mul3A_1836 : i32
        %add3A_1839 = arith.constant 1 : i32
        %add3A_1840 = arith.addi %add3A_1838, %add3A_1839 : i32
        %swap3A_1841 = arith.index_cast %add3A_1840 : i32 to index
        %swap3A_1842 = arith.constant 16 : index
        %swap3A_1843 = tpu.vector_load %arg10[%swap3A_1841, %swap3A_1842] {strides = array<i32>} : memref<256x128xf32, #tpu.memory_space<vmem>>, vector<1x16xf32>,
        %swap3A_1844 = vector.shape_cast %swap3A_1843 : vector<1x16xf32> to vector<16xf32>
        %swap3A_1845 = vector.shape_cast %add3A_1834 : vector<16xf32> to vector<1x16xf32>
        tpu.vector_store %arg10[%swap3A_1841, %swap3A_1842], %swap3A_1845 {strides = array<i32>} : memref<256x128xf32, #tpu.memory_space<vmem>>, vector<1x16xf32>,
        %add3A_1846 = arith.addf %get3A_1749, %get3A_666 : vector<16xf32>
        %mul3A_1847 = arith.constant 2 : i32
        %mul3A_1848 = arith.muli %mul3A_1847, %scan3A_641 : i32
        %add3A_1849 = arith.constant 128 : i32
        %add3A_1850 = arith.addi %add3A_1849, %mul3A_1848 : i32
        %swap3A_1851 = arith.index_cast %add3A_1850 : i32 to index
        %swap3A_1852 = arith.constant 32 : index
        %swap3A_1853 = tpu.vector_load %arg10[%swap3A_1851, %swap3A_1852] {strides = array<i32>} : memref<256x128xf32, #tpu.memory_space<vmem>>, vector<1x16xf32>,
        %swap3A_1854 = vector.shape_cast %swap3A_1853 : vector<1x16xf32> to vector<16xf32>
        %swap3A_1855 = vector.shape_cast %add3A_1846 : vector<16xf32> to vector<1x16xf32>
        tpu.vector_store %arg10[%swap3A_1851, %swap3A_1852], %swap3A_1855 {strides = array<i32>} : memref<256x128xf32, #tpu.memory_space<vmem>>, vector<1x16xf32>,
        %add3A_1856 = arith.addf %get3A_1781, %get3A_720 : vector<16xf32>
        %mul3A_1857 = arith.constant 2 : i32
        %mul3A_1858 = arith.muli %mul3A_1857, %scan3A_641 : i32
        %add3A_1859 = arith.constant 128 : i32
        %add3A_1860 = arith.addi %add3A_1859, %mul3A_1858 : i32
        %add3A_1861 = arith.constant 1 : i32
        %add3A_1862 = arith.addi %add3A_1860, %add3A_1861 : i32
        %swap3A_1863 = arith.index_cast %add3A_1862 : i32 to index
        %swap3A_1864 = arith.constant 32 : index
        %swap3A_1865 = tpu.vector_load %arg10[%swap3A_1863, %swap3A_1864] {strides = array<i32>} : memref<256x128xf32, #tpu.memory_space<vmem>>, vector<1x16xf32>,
        %swap3A_1866 = vector.shape_cast %swap3A_1865 : vector<1x16xf32> to vector<16xf32>
        %swap3A_1867 = vector.shape_cast %add3A_1856 : vector<16xf32> to vector<1x16xf32>
        tpu.vector_store %arg10[%swap3A_1863, %swap3A_1864], %swap3A_1867 {strides = array<i32>} : memref<256x128xf32, #tpu.memory_space<vmem>>, vector<1x16xf32>,
        %add3A_1868 = arith.addf %get3A_1753, %get3A_672 : vector<16xf32>
        %mul3A_1869 = arith.constant 2 : i32
        %mul3A_1870 = arith.muli %mul3A_1869, %scan3A_641 : i32
        %add3A_1871 = arith.constant 128 : i32
        %add3A_1872 = arith.addi %add3A_1871, %mul3A_1870 : i32
        %swap3A_1873 = arith.index_cast %add3A_1872 : i32 to index
        %swap3A_1874 = arith.constant 48 : index
        %swap3A_1875 = tpu.vector_load %arg10[%swap3A_1873, %swap3A_1874] {strides = array<i32>} : memref<256x128xf32, #tpu.memory_space<vmem>>, vector<1x16xf32>,
        %swap3A_1876 = vector.shape_cast %swap3A_1875 : vector<1x16xf32> to vector<16xf32>
        %swap3A_1877 = vector.shape_cast %add3A_1868 : vector<16xf32> to vector<1x16xf32>
        tpu.vector_store %arg10[%swap3A_1873, %swap3A_1874], %swap3A_1877 {strides = array<i32>} : memref<256x128xf32, #tpu.memory_space<vmem>>, vector<1x16xf32>,
        %add3A_1878 = arith.addf %get3A_1785, %get3A_728 : vector<16xf32>
        %mul3A_1879 = arith.constant 2 : i32
        %mul3A_1880 = arith.muli %mul3A_1879, %scan3A_641 : i32
        %add3A_1881 = arith.constant 128 : i32
        %add3A_1882 = arith.addi %add3A_1881, %mul3A_1880 : i32
        %add3A_1883 = arith.constant 1 : i32
        %add3A_1884 = arith.addi %add3A_1882, %add3A_1883 : i32
        %swap3A_1885 = arith.index_cast %add3A_1884 : i32 to index
        %swap3A_1886 = arith.constant 48 : index
        %swap3A_1887 = tpu.vector_load %arg10[%swap3A_1885, %swap3A_1886] {strides = array<i32>} : memref<256x128xf32, #tpu.memory_space<vmem>>, vector<1x16xf32>,
        %swap3A_1888 = vector.shape_cast %swap3A_1887 : vector<1x16xf32> to vector<16xf32>
        %swap3A_1889 = vector.shape_cast %add3A_1878 : vector<16xf32> to vector<1x16xf32>
        tpu.vector_store %arg10[%swap3A_1885, %swap3A_1886], %swap3A_1889 {strides = array<i32>} : memref<256x128xf32, #tpu.memory_space<vmem>>, vector<1x16xf32>,
        %add3A_1890 = arith.addf %get3A_1757, %get3A_678 : vector<16xf32>
        %mul3A_1891 = arith.constant 2 : i32
        %mul3A_1892 = arith.muli %mul3A_1891, %scan3A_641 : i32
        %add3A_1893 = arith.constant 128 : i32
        %add3A_1894 = arith.addi %add3A_1893, %mul3A_1892 : i32
        %swap3A_1895 = arith.index_cast %add3A_1894 : i32 to index
        %swap3A_1896 = arith.constant 64 : index
        %swap3A_1897 = tpu.vector_load %arg10[%swap3A_1895, %swap3A_1896] {strides = array<i32>} : memref<256x128xf32, #tpu.memory_space<vmem>>, vector<1x16xf32>,
        %swap3A_1898 = vector.shape_cast %swap3A_1897 : vector<1x16xf32> to vector<16xf32>
        %swap3A_1899 = vector.shape_cast %add3A_1890 : vector<16xf32> to vector<1x16xf32>
        tpu.vector_store %arg10[%swap3A_1895, %swap3A_1896], %swap3A_1899 {strides = array<i32>} : memref<256x128xf32, #tpu.memory_space<vmem>>, vector<1x16xf32>,
        %add3A_1900 = arith.addf %get3A_1789, %get3A_736 : vector<16xf32>
        %mul3A_1901 = arith.constant 2 : i32
        %mul3A_1902 = arith.muli %mul3A_1901, %scan3A_641 : i32
        %add3A_1903 = arith.constant 128 : i32
        %add3A_1904 = arith.addi %add3A_1903, %mul3A_1902 : i32
        %add3A_1905 = arith.constant 1 : i32
        %add3A_1906 = arith.addi %add3A_1904, %add3A_1905 : i32
        %swap3A_1907 = arith.index_cast %add3A_1906 : i32 to index
        %swap3A_1908 = arith.constant 64 : index
        %swap3A_1909 = tpu.vector_load %arg10[%swap3A_1907, %swap3A_1908] {strides = array<i32>} : memref<256x128xf32, #tpu.memory_space<vmem>>, vector<1x16xf32>,
        %swap3A_1910 = vector.shape_cast %swap3A_1909 : vector<1x16xf32> to vector<16xf32>
        %swap3A_1911 = vector.shape_cast %add3A_1900 : vector<16xf32> to vector<1x16xf32>
        tpu.vector_store %arg10[%swap3A_1907, %swap3A_1908], %swap3A_1911 {strides = array<i32>} : memref<256x128xf32, #tpu.memory_space<vmem>>, vector<1x16xf32>,
        %add3A_1912 = arith.addf %get3A_1761, %get3A_684 : vector<16xf32>
        %mul3A_1913 = arith.constant 2 : i32
        %mul3A_1914 = arith.muli %mul3A_1913, %scan3A_641 : i32
        %add3A_1915 = arith.constant 128 : i32
        %add3A_1916 = arith.addi %add3A_1915, %mul3A_1914 : i32
        %swap3A_1917 = arith.index_cast %add3A_1916 : i32 to index
        %swap3A_1918 = arith.constant 80 : index
        %swap3A_1919 = tpu.vector_load %arg10[%swap3A_1917, %swap3A_1918] {strides = array<i32>} : memref<256x128xf32, #tpu.memory_space<vmem>>, vector<1x16xf32>,
        %swap3A_1920 = vector.shape_cast %swap3A_1919 : vector<1x16xf32> to vector<16xf32>
        %swap3A_1921 = vector.shape_cast %add3A_1912 : vector<16xf32> to vector<1x16xf32>
        tpu.vector_store %arg10[%swap3A_1917, %swap3A_1918], %swap3A_1921 {strides = array<i32>} : memref<256x128xf32, #tpu.memory_space<vmem>>, vector<1x16xf32>,
        %add3A_1922 = arith.addf %get3A_1793, %get3A_744 : vector<16xf32>
        %mul3A_1923 = arith.constant 2 : i32
        %mul3A_1924 = arith.muli %mul3A_1923, %scan3A_641 : i32
        %add3A_1925 = arith.constant 128 : i32
        %add3A_1926 = arith.addi %add3A_1925, %mul3A_1924 : i32
        %add3A_1927 = arith.constant 1 : i32
        %add3A_1928 = arith.addi %add3A_1926, %add3A_1927 : i32
        %swap3A_1929 = arith.index_cast %add3A_1928 : i32 to index
        %swap3A_1930 = arith.constant 80 : index
        %swap3A_1931 = tpu.vector_load %arg10[%swap3A_1929, %swap3A_1930] {strides = array<i32>} : memref<256x128xf32, #tpu.memory_space<vmem>>, vector<1x16xf32>,
        %swap3A_1932 = vector.shape_cast %swap3A_1931 : vector<1x16xf32> to vector<16xf32>
        %swap3A_1933 = vector.shape_cast %add3A_1922 : vector<16xf32> to vector<1x16xf32>
        tpu.vector_store %arg10[%swap3A_1929, %swap3A_1930], %swap3A_1933 {strides = array<i32>} : memref<256x128xf32, #tpu.memory_space<vmem>>, vector<1x16xf32>,
        %add3A_1934 = arith.addf %get3A_1765, %get3A_690 : vector<16xf32>
        %mul3A_1935 = arith.constant 2 : i32
        %mul3A_1936 = arith.muli %mul3A_1935, %scan3A_641 : i32
        %add3A_1937 = arith.constant 128 : i32
        %add3A_1938 = arith.addi %add3A_1937, %mul3A_1936 : i32
        %swap3A_1939 = arith.index_cast %add3A_1938 : i32 to index
        %swap3A_1940 = arith.constant 96 : index
        %swap3A_1941 = tpu.vector_load %arg10[%swap3A_1939, %swap3A_1940] {strides = array<i32>} : memref<256x128xf32, #tpu.memory_space<vmem>>, vector<1x16xf32>,
        %swap3A_1942 = vector.shape_cast %swap3A_1941 : vector<1x16xf32> to vector<16xf32>
        %swap3A_1943 = vector.shape_cast %add3A_1934 : vector<16xf32> to vector<1x16xf32>
        tpu.vector_store %arg10[%swap3A_1939, %swap3A_1940], %swap3A_1943 {strides = array<i32>} : memref<256x128xf32, #tpu.memory_space<vmem>>, vector<1x16xf32>,
        %add3A_1944 = arith.addf %get3A_1797, %get3A_752 : vector<16xf32>
        %mul3A_1945 = arith.constant 2 : i32
        %mul3A_1946 = arith.muli %mul3A_1945, %scan3A_641 : i32
        %add3A_1947 = arith.constant 128 : i32
        %add3A_1948 = arith.addi %add3A_1947, %mul3A_1946 : i32
        %add3A_1949 = arith.constant 1 : i32
        %add3A_1950 = arith.addi %add3A_1948, %add3A_1949 : i32
        %swap3A_1951 = arith.index_cast %add3A_1950 : i32 to index
        %swap3A_1952 = arith.constant 96 : index
        %swap3A_1953 = tpu.vector_load %arg10[%swap3A_1951, %swap3A_1952] {strides = array<i32>} : memref<256x128xf32, #tpu.memory_space<vmem>>, vector<1x16xf32>,
        %swap3A_1954 = vector.shape_cast %swap3A_1953 : vector<1x16xf32> to vector<16xf32>
        %swap3A_1955 = vector.shape_cast %add3A_1944 : vector<16xf32> to vector<1x16xf32>
        tpu.vector_store %arg10[%swap3A_1951, %swap3A_1952], %swap3A_1955 {strides = array<i32>} : memref<256x128xf32, #tpu.memory_space<vmem>>, vector<1x16xf32>,
        %add3A_1956 = arith.addf %get3A_1769, %get3A_696 : vector<16xf32>
        %mul3A_1957 = arith.constant 2 : i32
        %mul3A_1958 = arith.muli %mul3A_1957, %scan3A_641 : i32
        %add3A_1959 = arith.constant 128 : i32
        %add3A_1960 = arith.addi %add3A_1959, %mul3A_1958 : i32
        %swap3A_1961 = arith.index_cast %add3A_1960 : i32 to index
        %swap3A_1962 = arith.constant 112 : index
        %swap3A_1963 = tpu.vector_load %arg10[%swap3A_1961, %swap3A_1962] {strides = array<i32>} : memref<256x128xf32, #tpu.memory_space<vmem>>, vector<1x16xf32>,
        %swap3A_1964 = vector.shape_cast %swap3A_1963 : vector<1x16xf32> to vector<16xf32>
        %swap3A_1965 = vector.shape_cast %add3A_1956 : vector<16xf32> to vector<1x16xf32>
        tpu.vector_store %arg10[%swap3A_1961, %swap3A_1962], %swap3A_1965 {strides = array<i32>} : memref<256x128xf32, #tpu.memory_space<vmem>>, vector<1x16xf32>,
        %add3A_1966 = arith.addf %get3A_1801, %get3A_760 : vector<16xf32>
        %mul3A_1967 = arith.constant 2 : i32
        %mul3A_1968 = arith.muli %mul3A_1967, %scan3A_641 : i32
        %add3A_1969 = arith.constant 128 : i32
        %add3A_1970 = arith.addi %add3A_1969, %mul3A_1968 : i32
        %add3A_1971 = arith.constant 1 : i32
        %add3A_1972 = arith.addi %add3A_1970, %add3A_1971 : i32
        %swap3A_1973 = arith.index_cast %add3A_1972 : i32 to index
        %swap3A_1974 = arith.constant 112 : index
        %swap3A_1975 = tpu.vector_load %arg10[%swap3A_1973, %swap3A_1974] {strides = array<i32>} : memref<256x128xf32, #tpu.memory_space<vmem>>, vector<1x16xf32>,
        %swap3A_1976 = vector.shape_cast %swap3A_1975 : vector<1x16xf32> to vector<16xf32>
        %swap3A_1977 = vector.shape_cast %add3A_1966 : vector<16xf32> to vector<1x16xf32>
        tpu.vector_store %arg10[%swap3A_1973, %swap3A_1974], %swap3A_1977 {strides = array<i32>} : memref<256x128xf32, #tpu.memory_space<vmem>>, vector<1x16xf32>,
        %slice3A_1978 = vector.extract_strided_slice %get3A_648 {offsets = [5], sizes = [1], strides = [1]} : vector<16xi32> to vector<1xi32>
        %squeeze3A_1979 = vector.extract %slice3A_1978[0] : i32 from vector<1xi32>
        %slice3A_1980 = vector.extract_strided_slice %get3A_648 {offsets = [13], sizes = [1], strides = [1]} : vector<16xi32> to vector<1xi32>
        %squeeze3A_1981 = vector.extract %slice3A_1980[0] : i32 from vector<1xi32>
        %get3A_1982 = arith.index_cast %squeeze3A_1979 : i32 to index
        %get3A_1983 = arith.constant 0 : index
        %get3A_1984 = tpu.vector_load %arg7[%get3A_1982, %get3A_1983] {strides = array<i32>} : memref<128x128xf32, #tpu.memory_space<vmem>>, vector<1x16xf32>,
        %get3A_1985 = vector.shape_cast %get3A_1984 : vector<1x16xf32> to vector<16xf32>
        %get3A_1986 = arith.index_cast %squeeze3A_1979 : i32 to index
        %get3A_1987 = arith.constant 16 : index
        %get3A_1988 = tpu.vector_load %arg7[%get3A_1986, %get3A_1987] {strides = array<i32>} : memref<128x128xf32, #tpu.memory_space<vmem>>, vector<1x16xf32>,
        %get3A_1989 = vector.shape_cast %get3A_1988 : vector<1x16xf32> to vector<16xf32>
        %get3A_1990 = arith.index_cast %squeeze3A_1979 : i32 to index
        %get3A_1991 = arith.constant 32 : index
        %get3A_1992 = tpu.vector_load %arg7[%get3A_1990, %get3A_1991] {strides = array<i32>} : memref<128x128xf32, #tpu.memory_space<vmem>>, vector<1x16xf32>,
        %get3A_1993 = vector.shape_cast %get3A_1992 : vector<1x16xf32> to vector<16xf32>
        %get3A_1994 = arith.index_cast %squeeze3A_1979 : i32 to index
        %get3A_1995 = arith.constant 48 : index
        %get3A_1996 = tpu.vector_load %arg7[%get3A_1994, %get3A_1995] {strides = array<i32>} : memref<128x128xf32, #tpu.memory_space<vmem>>, vector<1x16xf32>,
        %get3A_1997 = vector.shape_cast %get3A_1996 : vector<1x16xf32> to vector<16xf32>
        %get3A_1998 = arith.index_cast %squeeze3A_1979 : i32 to index
        %get3A_1999 = arith.constant 64 : index
        %get3A_2000 = tpu.vector_load %arg7[%get3A_1998, %get3A_1999] {strides = array<i32>} : memref<128x128xf32, #tpu.memory_space<vmem>>, vector<1x16xf32>,
        %get3A_2001 = vector.shape_cast %get3A_2000 : vector<1x16xf32> to vector<16xf32>
        %get3A_2002 = arith.index_cast %squeeze3A_1979 : i32 to index
        %get3A_2003 = arith.constant 80 : index
        %get3A_2004 = tpu.vector_load %arg7[%get3A_2002, %get3A_2003] {strides = array<i32>} : memref<128x128xf32, #tpu.memory_space<vmem>>, vector<1x16xf32>,
        %get3A_2005 = vector.shape_cast %get3A_2004 : vector<1x16xf32> to vector<16xf32>
        %get3A_2006 = arith.index_cast %squeeze3A_1979 : i32 to index
        %get3A_2007 = arith.constant 96 : index
        %get3A_2008 = tpu.vector_load %arg7[%get3A_2006, %get3A_2007] {strides = array<i32>} : memref<128x128xf32, #tpu.memory_space<vmem>>, vector<1x16xf32>,
        %get3A_2009 = vector.shape_cast %get3A_2008 : vector<1x16xf32> to vector<16xf32>
        %get3A_2010 = arith.index_cast %squeeze3A_1979 : i32 to index
        %get3A_2011 = arith.constant 112 : index
        %get3A_2012 = tpu.vector_load %arg7[%get3A_2010, %get3A_2011] {strides = array<i32>} : memref<128x128xf32, #tpu.memory_space<vmem>>, vector<1x16xf32>,
        %get3A_2013 = vector.shape_cast %get3A_2012 : vector<1x16xf32> to vector<16xf32>
        %get3A_2014 = arith.index_cast %squeeze3A_1981 : i32 to index
        %get3A_2015 = arith.constant 0 : index
        %get3A_2016 = tpu.vector_load %arg7[%get3A_2014, %get3A_2015] {strides = array<i32>} : memref<128x128xf32, #tpu.memory_space<vmem>>, vector<1x16xf32>,
        %get3A_2017 = vector.shape_cast %get3A_2016 : vector<1x16xf32> to vector<16xf32>
        %get3A_2018 = arith.index_cast %squeeze3A_1981 : i32 to index
        %get3A_2019 = arith.constant 16 : index
        %get3A_2020 = tpu.vector_load %arg7[%get3A_2018, %get3A_2019] {strides = array<i32>} : memref<128x128xf32, #tpu.memory_space<vmem>>, vector<1x16xf32>,
        %get3A_2021 = vector.shape_cast %get3A_2020 : vector<1x16xf32> to vector<16xf32>
        %get3A_2022 = arith.index_cast %squeeze3A_1981 : i32 to index
        %get3A_2023 = arith.constant 32 : index
        %get3A_2024 = tpu.vector_load %arg7[%get3A_2022, %get3A_2023] {strides = array<i32>} : memref<128x128xf32, #tpu.memory_space<vmem>>, vector<1x16xf32>,
        %get3A_2025 = vector.shape_cast %get3A_2024 : vector<1x16xf32> to vector<16xf32>
        %get3A_2026 = arith.index_cast %squeeze3A_1981 : i32 to index
        %get3A_2027 = arith.constant 48 : index
        %get3A_2028 = tpu.vector_load %arg7[%get3A_2026, %get3A_2027] {strides = array<i32>} : memref<128x128xf32, #tpu.memory_space<vmem>>, vector<1x16xf32>,
        %get3A_2029 = vector.shape_cast %get3A_2028 : vector<1x16xf32> to vector<16xf32>
        %get3A_2030 = arith.index_cast %squeeze3A_1981 : i32 to index
        %get3A_2031 = arith.constant 64 : index
        %get3A_2032 = tpu.vector_load %arg7[%get3A_2030, %get3A_2031] {strides = array<i32>} : memref<128x128xf32, #tpu.memory_space<vmem>>, vector<1x16xf32>,
        %get3A_2033 = vector.shape_cast %get3A_2032 : vector<1x16xf32> to vector<16xf32>
        %get3A_2034 = arith.index_cast %squeeze3A_1981 : i32 to index
        %get3A_2035 = arith.constant 80 : index
        %get3A_2036 = tpu.vector_load %arg7[%get3A_2034, %get3A_2035] {strides = array<i32>} : memref<128x128xf32, #tpu.memory_space<vmem>>, vector<1x16xf32>,
        %get3A_2037 = vector.shape_cast %get3A_2036 : vector<1x16xf32> to vector<16xf32>
        %get3A_2038 = arith.index_cast %squeeze3A_1981 : i32 to index
        %get3A_2039 = arith.constant 96 : index
        %get3A_2040 = tpu.vector_load %arg7[%get3A_2038, %get3A_2039] {strides = array<i32>} : memref<128x128xf32, #tpu.memory_space<vmem>>, vector<1x16xf32>,
        %get3A_2041 = vector.shape_cast %get3A_2040 : vector<1x16xf32> to vector<16xf32>
        %get3A_2042 = arith.index_cast %squeeze3A_1981 : i32 to index
        %get3A_2043 = arith.constant 112 : index
        %get3A_2044 = tpu.vector_load %arg7[%get3A_2042, %get3A_2043] {strides = array<i32>} : memref<128x128xf32, #tpu.memory_space<vmem>>, vector<1x16xf32>,
        %get3A_2045 = vector.shape_cast %get3A_2044 : vector<1x16xf32> to vector<16xf32>
        %add3A_2046 = arith.addf %get3A_1985, %get3A_654 : vector<16xf32>
        %mul3A_2047 = arith.constant 2 : i32
        %mul3A_2048 = arith.muli %mul3A_2047, %scan3A_641 : i32
        %add3A_2049 = arith.constant 160 : i32
        %add3A_2050 = arith.addi %add3A_2049, %mul3A_2048 : i32
        %swap3A_2051 = arith.index_cast %add3A_2050 : i32 to index
        %swap3A_2052 = arith.constant 0 : index
        %swap3A_2053 = tpu.vector_load %arg10[%swap3A_2051, %swap3A_2052] {strides = array<i32>} : memref<256x128xf32, #tpu.memory_space<vmem>>, vector<1x16xf32>,
        %swap3A_2054 = vector.shape_cast %swap3A_2053 : vector<1x16xf32> to vector<16xf32>
        %swap3A_2055 = vector.shape_cast %add3A_2046 : vector<16xf32> to vector<1x16xf32>
        tpu.vector_store %arg10[%swap3A_2051, %swap3A_2052], %swap3A_2055 {strides = array<i32>} : memref<256x128xf32, #tpu.memory_space<vmem>>, vector<1x16xf32>,
        %add3A_2056 = arith.addf %get3A_2017, %get3A_704 : vector<16xf32>
        %mul3A_2057 = arith.constant 2 : i32
        %mul3A_2058 = arith.muli %mul3A_2057, %scan3A_641 : i32
        %add3A_2059 = arith.constant 160 : i32
        %add3A_2060 = arith.addi %add3A_2059, %mul3A_2058 : i32
        %add3A_2061 = arith.constant 1 : i32
        %add3A_2062 = arith.addi %add3A_2060, %add3A_2061 : i32
        %swap3A_2063 = arith.index_cast %add3A_2062 : i32 to index
        %swap3A_2064 = arith.constant 0 : index
        %swap3A_2065 = tpu.vector_load %arg10[%swap3A_2063, %swap3A_2064] {strides = array<i32>} : memref<256x128xf32, #tpu.memory_space<vmem>>, vector<1x16xf32>,
        %swap3A_2066 = vector.shape_cast %swap3A_2065 : vector<1x16xf32> to vector<16xf32>
        %swap3A_2067 = vector.shape_cast %add3A_2056 : vector<16xf32> to vector<1x16xf32>
        tpu.vector_store %arg10[%swap3A_2063, %swap3A_2064], %swap3A_2067 {strides = array<i32>} : memref<256x128xf32, #tpu.memory_space<vmem>>, vector<1x16xf32>,
        %add3A_2068 = arith.addf %get3A_1989, %get3A_660 : vector<16xf32>
        %mul3A_2069 = arith.constant 2 : i32
        %mul3A_2070 = arith.muli %mul3A_2069, %scan3A_641 : i32
        %add3A_2071 = arith.constant 160 : i32
        %add3A_2072 = arith.addi %add3A_2071, %mul3A_2070 : i32
        %swap3A_2073 = arith.index_cast %add3A_2072 : i32 to index
        %swap3A_2074 = arith.constant 16 : index
        %swap3A_2075 = tpu.vector_load %arg10[%swap3A_2073, %swap3A_2074] {strides = array<i32>} : memref<256x128xf32, #tpu.memory_space<vmem>>, vector<1x16xf32>,
        %swap3A_2076 = vector.shape_cast %swap3A_2075 : vector<1x16xf32> to vector<16xf32>
        %swap3A_2077 = vector.shape_cast %add3A_2068 : vector<16xf32> to vector<1x16xf32>
        tpu.vector_store %arg10[%swap3A_2073, %swap3A_2074], %swap3A_2077 {strides = array<i32>} : memref<256x128xf32, #tpu.memory_space<vmem>>, vector<1x16xf32>,
        %add3A_2078 = arith.addf %get3A_2021, %get3A_712 : vector<16xf32>
        %mul3A_2079 = arith.constant 2 : i32
        %mul3A_2080 = arith.muli %mul3A_2079, %scan3A_641 : i32
        %add3A_2081 = arith.constant 160 : i32
        %add3A_2082 = arith.addi %add3A_2081, %mul3A_2080 : i32
        %add3A_2083 = arith.constant 1 : i32
        %add3A_2084 = arith.addi %add3A_2082, %add3A_2083 : i32
        %swap3A_2085 = arith.index_cast %add3A_2084 : i32 to index
        %swap3A_2086 = arith.constant 16 : index
        %swap3A_2087 = tpu.vector_load %arg10[%swap3A_2085, %swap3A_2086] {strides = array<i32>} : memref<256x128xf32, #tpu.memory_space<vmem>>, vector<1x16xf32>,
        %swap3A_2088 = vector.shape_cast %swap3A_2087 : vector<1x16xf32> to vector<16xf32>
        %swap3A_2089 = vector.shape_cast %add3A_2078 : vector<16xf32> to vector<1x16xf32>
        tpu.vector_store %arg10[%swap3A_2085, %swap3A_2086], %swap3A_2089 {strides = array<i32>} : memref<256x128xf32, #tpu.memory_space<vmem>>, vector<1x16xf32>,
        %add3A_2090 = arith.addf %get3A_1993, %get3A_666 : vector<16xf32>
        %mul3A_2091 = arith.constant 2 : i32
        %mul3A_2092 = arith.muli %mul3A_2091, %scan3A_641 : i32
        %add3A_2093 = arith.constant 160 : i32
        %add3A_2094 = arith.addi %add3A_2093, %mul3A_2092 : i32
        %swap3A_2095 = arith.index_cast %add3A_2094 : i32 to index
        %swap3A_2096 = arith.constant 32 : index
        %swap3A_2097 = tpu.vector_load %arg10[%swap3A_2095, %swap3A_2096] {strides = array<i32>} : memref<256x128xf32, #tpu.memory_space<vmem>>, vector<1x16xf32>,
        %swap3A_2098 = vector.shape_cast %swap3A_2097 : vector<1x16xf32> to vector<16xf32>
        %swap3A_2099 = vector.shape_cast %add3A_2090 : vector<16xf32> to vector<1x16xf32>
        tpu.vector_store %arg10[%swap3A_2095, %swap3A_2096], %swap3A_2099 {strides = array<i32>} : memref<256x128xf32, #tpu.memory_space<vmem>>, vector<1x16xf32>,
        %add3A_2100 = arith.addf %get3A_2025, %get3A_720 : vector<16xf32>
        %mul3A_2101 = arith.constant 2 : i32
        %mul3A_2102 = arith.muli %mul3A_2101, %scan3A_641 : i32
        %add3A_2103 = arith.constant 160 : i32
        %add3A_2104 = arith.addi %add3A_2103, %mul3A_2102 : i32
        %add3A_2105 = arith.constant 1 : i32
        %add3A_2106 = arith.addi %add3A_2104, %add3A_2105 : i32
        %swap3A_2107 = arith.index_cast %add3A_2106 : i32 to index
        %swap3A_2108 = arith.constant 32 : index
        %swap3A_2109 = tpu.vector_load %arg10[%swap3A_2107, %swap3A_2108] {strides = array<i32>} : memref<256x128xf32, #tpu.memory_space<vmem>>, vector<1x16xf32>,
        %swap3A_2110 = vector.shape_cast %swap3A_2109 : vector<1x16xf32> to vector<16xf32>
        %swap3A_2111 = vector.shape_cast %add3A_2100 : vector<16xf32> to vector<1x16xf32>
        tpu.vector_store %arg10[%swap3A_2107, %swap3A_2108], %swap3A_2111 {strides = array<i32>} : memref<256x128xf32, #tpu.memory_space<vmem>>, vector<1x16xf32>,
        %add3A_2112 = arith.addf %get3A_1997, %get3A_672 : vector<16xf32>
        %mul3A_2113 = arith.constant 2 : i32
        %mul3A_2114 = arith.muli %mul3A_2113, %scan3A_641 : i32
        %add3A_2115 = arith.constant 160 : i32
        %add3A_2116 = arith.addi %add3A_2115, %mul3A_2114 : i32
        %swap3A_2117 = arith.index_cast %add3A_2116 : i32 to index
        %swap3A_2118 = arith.constant 48 : index
        %swap3A_2119 = tpu.vector_load %arg10[%swap3A_2117, %swap3A_2118] {strides = array<i32>} : memref<256x128xf32, #tpu.memory_space<vmem>>, vector<1x16xf32>,
        %swap3A_2120 = vector.shape_cast %swap3A_2119 : vector<1x16xf32> to vector<16xf32>
        %swap3A_2121 = vector.shape_cast %add3A_2112 : vector<16xf32> to vector<1x16xf32>
        tpu.vector_store %arg10[%swap3A_2117, %swap3A_2118], %swap3A_2121 {strides = array<i32>} : memref<256x128xf32, #tpu.memory_space<vmem>>, vector<1x16xf32>,
        %add3A_2122 = arith.addf %get3A_2029, %get3A_728 : vector<16xf32>
        %mul3A_2123 = arith.constant 2 : i32
        %mul3A_2124 = arith.muli %mul3A_2123, %scan3A_641 : i32
        %add3A_2125 = arith.constant 160 : i32
        %add3A_2126 = arith.addi %add3A_2125, %mul3A_2124 : i32
        %add3A_2127 = arith.constant 1 : i32
        %add3A_2128 = arith.addi %add3A_2126, %add3A_2127 : i32
        %swap3A_2129 = arith.index_cast %add3A_2128 : i32 to index
        %swap3A_2130 = arith.constant 48 : index
        %swap3A_2131 = tpu.vector_load %arg10[%swap3A_2129, %swap3A_2130] {strides = array<i32>} : memref<256x128xf32, #tpu.memory_space<vmem>>, vector<1x16xf32>,
        %swap3A_2132 = vector.shape_cast %swap3A_2131 : vector<1x16xf32> to vector<16xf32>
        %swap3A_2133 = vector.shape_cast %add3A_2122 : vector<16xf32> to vector<1x16xf32>
        tpu.vector_store %arg10[%swap3A_2129, %swap3A_2130], %swap3A_2133 {strides = array<i32>} : memref<256x128xf32, #tpu.memory_space<vmem>>, vector<1x16xf32>,
        %add3A_2134 = arith.addf %get3A_2001, %get3A_678 : vector<16xf32>
        %mul3A_2135 = arith.constant 2 : i32
        %mul3A_2136 = arith.muli %mul3A_2135, %scan3A_641 : i32
        %add3A_2137 = arith.constant 160 : i32
        %add3A_2138 = arith.addi %add3A_2137, %mul3A_2136 : i32
        %swap3A_2139 = arith.index_cast %add3A_2138 : i32 to index
        %swap3A_2140 = arith.constant 64 : index
        %swap3A_2141 = tpu.vector_load %arg10[%swap3A_2139, %swap3A_2140] {strides = array<i32>} : memref<256x128xf32, #tpu.memory_space<vmem>>, vector<1x16xf32>,
        %swap3A_2142 = vector.shape_cast %swap3A_2141 : vector<1x16xf32> to vector<16xf32>
        %swap3A_2143 = vector.shape_cast %add3A_2134 : vector<16xf32> to vector<1x16xf32>
        tpu.vector_store %arg10[%swap3A_2139, %swap3A_2140], %swap3A_2143 {strides = array<i32>} : memref<256x128xf32, #tpu.memory_space<vmem>>, vector<1x16xf32>,
        %add3A_2144 = arith.addf %get3A_2033, %get3A_736 : vector<16xf32>
        %mul3A_2145 = arith.constant 2 : i32
        %mul3A_2146 = arith.muli %mul3A_2145, %scan3A_641 : i32
        %add3A_2147 = arith.constant 160 : i32
        %add3A_2148 = arith.addi %add3A_2147, %mul3A_2146 : i32
        %add3A_2149 = arith.constant 1 : i32
        %add3A_2150 = arith.addi %add3A_2148, %add3A_2149 : i32
        %swap3A_2151 = arith.index_cast %add3A_2150 : i32 to index
        %swap3A_2152 = arith.constant 64 : index
        %swap3A_2153 = tpu.vector_load %arg10[%swap3A_2151, %swap3A_2152] {strides = array<i32>} : memref<256x128xf32, #tpu.memory_space<vmem>>, vector<1x16xf32>,
        %swap3A_2154 = vector.shape_cast %swap3A_2153 : vector<1x16xf32> to vector<16xf32>
        %swap3A_2155 = vector.shape_cast %add3A_2144 : vector<16xf32> to vector<1x16xf32>
        tpu.vector_store %arg10[%swap3A_2151, %swap3A_2152], %swap3A_2155 {strides = array<i32>} : memref<256x128xf32, #tpu.memory_space<vmem>>, vector<1x16xf32>,
        %add3A_2156 = arith.addf %get3A_2005, %get3A_684 : vector<16xf32>
        %mul3A_2157 = arith.constant 2 : i32
        %mul3A_2158 = arith.muli %mul3A_2157, %scan3A_641 : i32
        %add3A_2159 = arith.constant 160 : i32
        %add3A_2160 = arith.addi %add3A_2159, %mul3A_2158 : i32
        %swap3A_2161 = arith.index_cast %add3A_2160 : i32 to index
        %swap3A_2162 = arith.constant 80 : index
        %swap3A_2163 = tpu.vector_load %arg10[%swap3A_2161, %swap3A_2162] {strides = array<i32>} : memref<256x128xf32, #tpu.memory_space<vmem>>, vector<1x16xf32>,
        %swap3A_2164 = vector.shape_cast %swap3A_2163 : vector<1x16xf32> to vector<16xf32>
        %swap3A_2165 = vector.shape_cast %add3A_2156 : vector<16xf32> to vector<1x16xf32>
        tpu.vector_store %arg10[%swap3A_2161, %swap3A_2162], %swap3A_2165 {strides = array<i32>} : memref<256x128xf32, #tpu.memory_space<vmem>>, vector<1x16xf32>,
        %add3A_2166 = arith.addf %get3A_2037, %get3A_744 : vector<16xf32>
        %mul3A_2167 = arith.constant 2 : i32
        %mul3A_2168 = arith.muli %mul3A_2167, %scan3A_641 : i32
        %add3A_2169 = arith.constant 160 : i32
        %add3A_2170 = arith.addi %add3A_2169, %mul3A_2168 : i32
        %add3A_2171 = arith.constant 1 : i32
        %add3A_2172 = arith.addi %add3A_2170, %add3A_2171 : i32
        %swap3A_2173 = arith.index_cast %add3A_2172 : i32 to index
        %swap3A_2174 = arith.constant 80 : index
        %swap3A_2175 = tpu.vector_load %arg10[%swap3A_2173, %swap3A_2174] {strides = array<i32>} : memref<256x128xf32, #tpu.memory_space<vmem>>, vector<1x16xf32>,
        %swap3A_2176 = vector.shape_cast %swap3A_2175 : vector<1x16xf32> to vector<16xf32>
        %swap3A_2177 = vector.shape_cast %add3A_2166 : vector<16xf32> to vector<1x16xf32>
        tpu.vector_store %arg10[%swap3A_2173, %swap3A_2174], %swap3A_2177 {strides = array<i32>} : memref<256x128xf32, #tpu.memory_space<vmem>>, vector<1x16xf32>,
        %add3A_2178 = arith.addf %get3A_2009, %get3A_690 : vector<16xf32>
        %mul3A_2179 = arith.constant 2 : i32
        %mul3A_2180 = arith.muli %mul3A_2179, %scan3A_641 : i32
        %add3A_2181 = arith.constant 160 : i32
        %add3A_2182 = arith.addi %add3A_2181, %mul3A_2180 : i32
        %swap3A_2183 = arith.index_cast %add3A_2182 : i32 to index
        %swap3A_2184 = arith.constant 96 : index
        %swap3A_2185 = tpu.vector_load %arg10[%swap3A_2183, %swap3A_2184] {strides = array<i32>} : memref<256x128xf32, #tpu.memory_space<vmem>>, vector<1x16xf32>,
        %swap3A_2186 = vector.shape_cast %swap3A_2185 : vector<1x16xf32> to vector<16xf32>
        %swap3A_2187 = vector.shape_cast %add3A_2178 : vector<16xf32> to vector<1x16xf32>
        tpu.vector_store %arg10[%swap3A_2183, %swap3A_2184], %swap3A_2187 {strides = array<i32>} : memref<256x128xf32, #tpu.memory_space<vmem>>, vector<1x16xf32>,
        %add3A_2188 = arith.addf %get3A_2041, %get3A_752 : vector<16xf32>
        %mul3A_2189 = arith.constant 2 : i32
        %mul3A_2190 = arith.muli %mul3A_2189, %scan3A_641 : i32
        %add3A_2191 = arith.constant 160 : i32
        %add3A_2192 = arith.addi %add3A_2191, %mul3A_2190 : i32
        %add3A_2193 = arith.constant 1 : i32
        %add3A_2194 = arith.addi %add3A_2192, %add3A_2193 : i32
        %swap3A_2195 = arith.index_cast %add3A_2194 : i32 to index
        %swap3A_2196 = arith.constant 96 : index
        %swap3A_2197 = tpu.vector_load %arg10[%swap3A_2195, %swap3A_2196] {strides = array<i32>} : memref<256x128xf32, #tpu.memory_space<vmem>>, vector<1x16xf32>,
        %swap3A_2198 = vector.shape_cast %swap3A_2197 : vector<1x16xf32> to vector<16xf32>
        %swap3A_2199 = vector.shape_cast %add3A_2188 : vector<16xf32> to vector<1x16xf32>
        tpu.vector_store %arg10[%swap3A_2195, %swap3A_2196], %swap3A_2199 {strides = array<i32>} : memref<256x128xf32, #tpu.memory_space<vmem>>, vector<1x16xf32>,
        %add3A_2200 = arith.addf %get3A_2013, %get3A_696 : vector<16xf32>
        %mul3A_2201 = arith.constant 2 : i32
        %mul3A_2202 = arith.muli %mul3A_2201, %scan3A_641 : i32
        %add3A_2203 = arith.constant 160 : i32
        %add3A_2204 = arith.addi %add3A_2203, %mul3A_2202 : i32
        %swap3A_2205 = arith.index_cast %add3A_2204 : i32 to index
        %swap3A_2206 = arith.constant 112 : index
        %swap3A_2207 = tpu.vector_load %arg10[%swap3A_2205, %swap3A_2206] {strides = array<i32>} : memref<256x128xf32, #tpu.memory_space<vmem>>, vector<1x16xf32>,
        %swap3A_2208 = vector.shape_cast %swap3A_2207 : vector<1x16xf32> to vector<16xf32>
        %swap3A_2209 = vector.shape_cast %add3A_2200 : vector<16xf32> to vector<1x16xf32>
        tpu.vector_store %arg10[%swap3A_2205, %swap3A_2206], %swap3A_2209 {strides = array<i32>} : memref<256x128xf32, #tpu.memory_space<vmem>>, vector<1x16xf32>,
        %add3A_2210 = arith.addf %get3A_2045, %get3A_760 : vector<16xf32>
        %mul3A_2211 = arith.constant 2 : i32
        %mul3A_2212 = arith.muli %mul3A_2211, %scan3A_641 : i32
        %add3A_2213 = arith.constant 160 : i32
        %add3A_2214 = arith.addi %add3A_2213, %mul3A_2212 : i32
        %add3A_2215 = arith.constant 1 : i32
        %add3A_2216 = arith.addi %add3A_2214, %add3A_2215 : i32
        %swap3A_2217 = arith.index_cast %add3A_2216 : i32 to index
        %swap3A_2218 = arith.constant 112 : index
        %swap3A_2219 = tpu.vector_load %arg10[%swap3A_2217, %swap3A_2218] {strides = array<i32>} : memref<256x128xf32, #tpu.memory_space<vmem>>, vector<1x16xf32>,
        %swap3A_2220 = vector.shape_cast %swap3A_2219 : vector<1x16xf32> to vector<16xf32>
        %swap3A_2221 = vector.shape_cast %add3A_2210 : vector<16xf32> to vector<1x16xf32>
        tpu.vector_store %arg10[%swap3A_2217, %swap3A_2218], %swap3A_2221 {strides = array<i32>} : memref<256x128xf32, #tpu.memory_space<vmem>>, vector<1x16xf32>,
        %slice3A_2222 = vector.extract_strided_slice %get3A_648 {offsets = [6], sizes = [1], strides = [1]} : vector<16xi32> to vector<1xi32>
        %squeeze3A_2223 = vector.extract %slice3A_2222[0] : i32 from vector<1xi32>
        %slice3A_2224 = vector.extract_strided_slice %get3A_648 {offsets = [14], sizes = [1], strides = [1]} : vector<16xi32> to vector<1xi32>
        %squeeze3A_2225 = vector.extract %slice3A_2224[0] : i32 from vector<1xi32>
        %get3A_2226 = arith.index_cast %squeeze3A_2223 : i32 to index
        %get3A_2227 = arith.constant 0 : index
        %get3A_2228 = tpu.vector_load %arg7[%get3A_2226, %get3A_2227] {strides = array<i32>} : memref<128x128xf32, #tpu.memory_space<vmem>>, vector<1x16xf32>,
        %get3A_2229 = vector.shape_cast %get3A_2228 : vector<1x16xf32> to vector<16xf32>
        %get3A_2230 = arith.index_cast %squeeze3A_2223 : i32 to index
        %get3A_2231 = arith.constant 16 : index
        %get3A_2232 = tpu.vector_load %arg7[%get3A_2230, %get3A_2231] {strides = array<i32>} : memref<128x128xf32, #tpu.memory_space<vmem>>, vector<1x16xf32>,
        %get3A_2233 = vector.shape_cast %get3A_2232 : vector<1x16xf32> to vector<16xf32>
        %get3A_2234 = arith.index_cast %squeeze3A_2223 : i32 to index
        %get3A_2235 = arith.constant 32 : index
        %get3A_2236 = tpu.vector_load %arg7[%get3A_2234, %get3A_2235] {strides = array<i32>} : memref<128x128xf32, #tpu.memory_space<vmem>>, vector<1x16xf32>,
        %get3A_2237 = vector.shape_cast %get3A_2236 : vector<1x16xf32> to vector<16xf32>
        %get3A_2238 = arith.index_cast %squeeze3A_2223 : i32 to index
        %get3A_2239 = arith.constant 48 : index
        %get3A_2240 = tpu.vector_load %arg7[%get3A_2238, %get3A_2239] {strides = array<i32>} : memref<128x128xf32, #tpu.memory_space<vmem>>, vector<1x16xf32>,
        %get3A_2241 = vector.shape_cast %get3A_2240 : vector<1x16xf32> to vector<16xf32>
        %get3A_2242 = arith.index_cast %squeeze3A_2223 : i32 to index
        %get3A_2243 = arith.constant 64 : index
        %get3A_2244 = tpu.vector_load %arg7[%get3A_2242, %get3A_2243] {strides = array<i32>} : memref<128x128xf32, #tpu.memory_space<vmem>>, vector<1x16xf32>,
        %get3A_2245 = vector.shape_cast %get3A_2244 : vector<1x16xf32> to vector<16xf32>
        %get3A_2246 = arith.index_cast %squeeze3A_2223 : i32 to index
        %get3A_2247 = arith.constant 80 : index
        %get3A_2248 = tpu.vector_load %arg7[%get3A_2246, %get3A_2247] {strides = array<i32>} : memref<128x128xf32, #tpu.memory_space<vmem>>, vector<1x16xf32>,
        %get3A_2249 = vector.shape_cast %get3A_2248 : vector<1x16xf32> to vector<16xf32>
        %get3A_2250 = arith.index_cast %squeeze3A_2223 : i32 to index
        %get3A_2251 = arith.constant 96 : index
        %get3A_2252 = tpu.vector_load %arg7[%get3A_2250, %get3A_2251] {strides = array<i32>} : memref<128x128xf32, #tpu.memory_space<vmem>>, vector<1x16xf32>,
        %get3A_2253 = vector.shape_cast %get3A_2252 : vector<1x16xf32> to vector<16xf32>
        %get3A_2254 = arith.index_cast %squeeze3A_2223 : i32 to index
        %get3A_2255 = arith.constant 112 : index
        %get3A_2256 = tpu.vector_load %arg7[%get3A_2254, %get3A_2255] {strides = array<i32>} : memref<128x128xf32, #tpu.memory_space<vmem>>, vector<1x16xf32>,
        %get3A_2257 = vector.shape_cast %get3A_2256 : vector<1x16xf32> to vector<16xf32>
        %get3A_2258 = arith.index_cast %squeeze3A_2225 : i32 to index
        %get3A_2259 = arith.constant 0 : index
        %get3A_2260 = tpu.vector_load %arg7[%get3A_2258, %get3A_2259] {strides = array<i32>} : memref<128x128xf32, #tpu.memory_space<vmem>>, vector<1x16xf32>,
        %get3A_2261 = vector.shape_cast %get3A_2260 : vector<1x16xf32> to vector<16xf32>
        %get3A_2262 = arith.index_cast %squeeze3A_2225 : i32 to index
        %get3A_2263 = arith.constant 16 : index
        %get3A_2264 = tpu.vector_load %arg7[%get3A_2262, %get3A_2263] {strides = array<i32>} : memref<128x128xf32, #tpu.memory_space<vmem>>, vector<1x16xf32>,
        %get3A_2265 = vector.shape_cast %get3A_2264 : vector<1x16xf32> to vector<16xf32>
        %get3A_2266 = arith.index_cast %squeeze3A_2225 : i32 to index
        %get3A_2267 = arith.constant 32 : index
        %get3A_2268 = tpu.vector_load %arg7[%get3A_2266, %get3A_2267] {strides = array<i32>} : memref<128x128xf32, #tpu.memory_space<vmem>>, vector<1x16xf32>,
        %get3A_2269 = vector.shape_cast %get3A_2268 : vector<1x16xf32> to vector<16xf32>
        %get3A_2270 = arith.index_cast %squeeze3A_2225 : i32 to index
        %get3A_2271 = arith.constant 48 : index
        %get3A_2272 = tpu.vector_load %arg7[%get3A_2270, %get3A_2271] {strides = array<i32>} : memref<128x128xf32, #tpu.memory_space<vmem>>, vector<1x16xf32>,
        %get3A_2273 = vector.shape_cast %get3A_2272 : vector<1x16xf32> to vector<16xf32>
        %get3A_2274 = arith.index_cast %squeeze3A_2225 : i32 to index
        %get3A_2275 = arith.constant 64 : index
        %get3A_2276 = tpu.vector_load %arg7[%get3A_2274, %get3A_2275] {strides = array<i32>} : memref<128x128xf32, #tpu.memory_space<vmem>>, vector<1x16xf32>,
        %get3A_2277 = vector.shape_cast %get3A_2276 : vector<1x16xf32> to vector<16xf32>
        %get3A_2278 = arith.index_cast %squeeze3A_2225 : i32 to index
        %get3A_2279 = arith.constant 80 : index
        %get3A_2280 = tpu.vector_load %arg7[%get3A_2278, %get3A_2279] {strides = array<i32>} : memref<128x128xf32, #tpu.memory_space<vmem>>, vector<1x16xf32>,
        %get3A_2281 = vector.shape_cast %get3A_2280 : vector<1x16xf32> to vector<16xf32>
        %get3A_2282 = arith.index_cast %squeeze3A_2225 : i32 to index
        %get3A_2283 = arith.constant 96 : index
        %get3A_2284 = tpu.vector_load %arg7[%get3A_2282, %get3A_2283] {strides = array<i32>} : memref<128x128xf32, #tpu.memory_space<vmem>>, vector<1x16xf32>,
        %get3A_2285 = vector.shape_cast %get3A_2284 : vector<1x16xf32> to vector<16xf32>
        %get3A_2286 = arith.index_cast %squeeze3A_2225 : i32 to index
        %get3A_2287 = arith.constant 112 : index
        %get3A_2288 = tpu.vector_load %arg7[%get3A_2286, %get3A_2287] {strides = array<i32>} : memref<128x128xf32, #tpu.memory_space<vmem>>, vector<1x16xf32>,
        %get3A_2289 = vector.shape_cast %get3A_2288 : vector<1x16xf32> to vector<16xf32>
        %add3A_2290 = arith.addf %get3A_2229, %get3A_654 : vector<16xf32>
        %mul3A_2291 = arith.constant 2 : i32
        %mul3A_2292 = arith.muli %mul3A_2291, %scan3A_641 : i32
        %add3A_2293 = arith.constant 192 : i32
        %add3A_2294 = arith.addi %add3A_2293, %mul3A_2292 : i32
        %swap3A_2295 = arith.index_cast %add3A_2294 : i32 to index
        %swap3A_2296 = arith.constant 0 : index
        %swap3A_2297 = tpu.vector_load %arg10[%swap3A_2295, %swap3A_2296] {strides = array<i32>} : memref<256x128xf32, #tpu.memory_space<vmem>>, vector<1x16xf32>,
        %swap3A_2298 = vector.shape_cast %swap3A_2297 : vector<1x16xf32> to vector<16xf32>
        %swap3A_2299 = vector.shape_cast %add3A_2290 : vector<16xf32> to vector<1x16xf32>
        tpu.vector_store %arg10[%swap3A_2295, %swap3A_2296], %swap3A_2299 {strides = array<i32>} : memref<256x128xf32, #tpu.memory_space<vmem>>, vector<1x16xf32>,
        %add3A_2300 = arith.addf %get3A_2261, %get3A_704 : vector<16xf32>
        %mul3A_2301 = arith.constant 2 : i32
        %mul3A_2302 = arith.muli %mul3A_2301, %scan3A_641 : i32
        %add3A_2303 = arith.constant 192 : i32
        %add3A_2304 = arith.addi %add3A_2303, %mul3A_2302 : i32
        %add3A_2305 = arith.constant 1 : i32
        %add3A_2306 = arith.addi %add3A_2304, %add3A_2305 : i32
        %swap3A_2307 = arith.index_cast %add3A_2306 : i32 to index
        %swap3A_2308 = arith.constant 0 : index
        %swap3A_2309 = tpu.vector_load %arg10[%swap3A_2307, %swap3A_2308] {strides = array<i32>} : memref<256x128xf32, #tpu.memory_space<vmem>>, vector<1x16xf32>,
        %swap3A_2310 = vector.shape_cast %swap3A_2309 : vector<1x16xf32> to vector<16xf32>
        %swap3A_2311 = vector.shape_cast %add3A_2300 : vector<16xf32> to vector<1x16xf32>
        tpu.vector_store %arg10[%swap3A_2307, %swap3A_2308], %swap3A_2311 {strides = array<i32>} : memref<256x128xf32, #tpu.memory_space<vmem>>, vector<1x16xf32>,
        %add3A_2312 = arith.addf %get3A_2233, %get3A_660 : vector<16xf32>
        %mul3A_2313 = arith.constant 2 : i32
        %mul3A_2314 = arith.muli %mul3A_2313, %scan3A_641 : i32
        %add3A_2315 = arith.constant 192 : i32
        %add3A_2316 = arith.addi %add3A_2315, %mul3A_2314 : i32
        %swap3A_2317 = arith.index_cast %add3A_2316 : i32 to index
        %swap3A_2318 = arith.constant 16 : index
        %swap3A_2319 = tpu.vector_load %arg10[%swap3A_2317, %swap3A_2318] {strides = array<i32>} : memref<256x128xf32, #tpu.memory_space<vmem>>, vector<1x16xf32>,
        %swap3A_2320 = vector.shape_cast %swap3A_2319 : vector<1x16xf32> to vector<16xf32>
        %swap3A_2321 = vector.shape_cast %add3A_2312 : vector<16xf32> to vector<1x16xf32>
        tpu.vector_store %arg10[%swap3A_2317, %swap3A_2318], %swap3A_2321 {strides = array<i32>} : memref<256x128xf32, #tpu.memory_space<vmem>>, vector<1x16xf32>,
        %add3A_2322 = arith.addf %get3A_2265, %get3A_712 : vector<16xf32>
        %mul3A_2323 = arith.constant 2 : i32
        %mul3A_2324 = arith.muli %mul3A_2323, %scan3A_641 : i32
        %add3A_2325 = arith.constant 192 : i32
        %add3A_2326 = arith.addi %add3A_2325, %mul3A_2324 : i32
        %add3A_2327 = arith.constant 1 : i32
        %add3A_2328 = arith.addi %add3A_2326, %add3A_2327 : i32
        %swap3A_2329 = arith.index_cast %add3A_2328 : i32 to index
        %swap3A_2330 = arith.constant 16 : index
        %swap3A_2331 = tpu.vector_load %arg10[%swap3A_2329, %swap3A_2330] {strides = array<i32>} : memref<256x128xf32, #tpu.memory_space<vmem>>, vector<1x16xf32>,
        %swap3A_2332 = vector.shape_cast %swap3A_2331 : vector<1x16xf32> to vector<16xf32>
        %swap3A_2333 = vector.shape_cast %add3A_2322 : vector<16xf32> to vector<1x16xf32>
        tpu.vector_store %arg10[%swap3A_2329, %swap3A_2330], %swap3A_2333 {strides = array<i32>} : memref<256x128xf32, #tpu.memory_space<vmem>>, vector<1x16xf32>,
        %add3A_2334 = arith.addf %get3A_2237, %get3A_666 : vector<16xf32>
        %mul3A_2335 = arith.constant 2 : i32
        %mul3A_2336 = arith.muli %mul3A_2335, %scan3A_641 : i32
        %add3A_2337 = arith.constant 192 : i32
        %add3A_2338 = arith.addi %add3A_2337, %mul3A_2336 : i32
        %swap3A_2339 = arith.index_cast %add3A_2338 : i32 to index
        %swap3A_2340 = arith.constant 32 : index
        %swap3A_2341 = tpu.vector_load %arg10[%swap3A_2339, %swap3A_2340] {strides = array<i32>} : memref<256x128xf32, #tpu.memory_space<vmem>>, vector<1x16xf32>,
        %swap3A_2342 = vector.shape_cast %swap3A_2341 : vector<1x16xf32> to vector<16xf32>
        %swap3A_2343 = vector.shape_cast %add3A_2334 : vector<16xf32> to vector<1x16xf32>
        tpu.vector_store %arg10[%swap3A_2339, %swap3A_2340], %swap3A_2343 {strides = array<i32>} : memref<256x128xf32, #tpu.memory_space<vmem>>, vector<1x16xf32>,
        %add3A_2344 = arith.addf %get3A_2269, %get3A_720 : vector<16xf32>
        %mul3A_2345 = arith.constant 2 : i32
        %mul3A_2346 = arith.muli %mul3A_2345, %scan3A_641 : i32
        %add3A_2347 = arith.constant 192 : i32
        %add3A_2348 = arith.addi %add3A_2347, %mul3A_2346 : i32
        %add3A_2349 = arith.constant 1 : i32
        %add3A_2350 = arith.addi %add3A_2348, %add3A_2349 : i32
        %swap3A_2351 = arith.index_cast %add3A_2350 : i32 to index
        %swap3A_2352 = arith.constant 32 : index
        %swap3A_2353 = tpu.vector_load %arg10[%swap3A_2351, %swap3A_2352] {strides = array<i32>} : memref<256x128xf32, #tpu.memory_space<vmem>>, vector<1x16xf32>,
        %swap3A_2354 = vector.shape_cast %swap3A_2353 : vector<1x16xf32> to vector<16xf32>
        %swap3A_2355 = vector.shape_cast %add3A_2344 : vector<16xf32> to vector<1x16xf32>
        tpu.vector_store %arg10[%swap3A_2351, %swap3A_2352], %swap3A_2355 {strides = array<i32>} : memref<256x128xf32, #tpu.memory_space<vmem>>, vector<1x16xf32>,
        %add3A_2356 = arith.addf %get3A_2241, %get3A_672 : vector<16xf32>
        %mul3A_2357 = arith.constant 2 : i32
        %mul3A_2358 = arith.muli %mul3A_2357, %scan3A_641 : i32
        %add3A_2359 = arith.constant 192 : i32
        %add3A_2360 = arith.addi %add3A_2359, %mul3A_2358 : i32
        %swap3A_2361 = arith.index_cast %add3A_2360 : i32 to index
        %swap3A_2362 = arith.constant 48 : index
        %swap3A_2363 = tpu.vector_load %arg10[%swap3A_2361, %swap3A_2362] {strides = array<i32>} : memref<256x128xf32, #tpu.memory_space<vmem>>, vector<1x16xf32>,
        %swap3A_2364 = vector.shape_cast %swap3A_2363 : vector<1x16xf32> to vector<16xf32>
        %swap3A_2365 = vector.shape_cast %add3A_2356 : vector<16xf32> to vector<1x16xf32>
        tpu.vector_store %arg10[%swap3A_2361, %swap3A_2362], %swap3A_2365 {strides = array<i32>} : memref<256x128xf32, #tpu.memory_space<vmem>>, vector<1x16xf32>,
        %add3A_2366 = arith.addf %get3A_2273, %get3A_728 : vector<16xf32>
        %mul3A_2367 = arith.constant 2 : i32
        %mul3A_2368 = arith.muli %mul3A_2367, %scan3A_641 : i32
        %add3A_2369 = arith.constant 192 : i32
        %add3A_2370 = arith.addi %add3A_2369, %mul3A_2368 : i32
        %add3A_2371 = arith.constant 1 : i32
        %add3A_2372 = arith.addi %add3A_2370, %add3A_2371 : i32
        %swap3A_2373 = arith.index_cast %add3A_2372 : i32 to index
        %swap3A_2374 = arith.constant 48 : index
        %swap3A_2375 = tpu.vector_load %arg10[%swap3A_2373, %swap3A_2374] {strides = array<i32>} : memref<256x128xf32, #tpu.memory_space<vmem>>, vector<1x16xf32>,
        %swap3A_2376 = vector.shape_cast %swap3A_2375 : vector<1x16xf32> to vector<16xf32>
        %swap3A_2377 = vector.shape_cast %add3A_2366 : vector<16xf32> to vector<1x16xf32>
        tpu.vector_store %arg10[%swap3A_2373, %swap3A_2374], %swap3A_2377 {strides = array<i32>} : memref<256x128xf32, #tpu.memory_space<vmem>>, vector<1x16xf32>,
        %add3A_2378 = arith.addf %get3A_2245, %get3A_678 : vector<16xf32>
        %mul3A_2379 = arith.constant 2 : i32
        %mul3A_2380 = arith.muli %mul3A_2379, %scan3A_641 : i32
        %add3A_2381 = arith.constant 192 : i32
        %add3A_2382 = arith.addi %add3A_2381, %mul3A_2380 : i32
        %swap3A_2383 = arith.index_cast %add3A_2382 : i32 to index
        %swap3A_2384 = arith.constant 64 : index
        %swap3A_2385 = tpu.vector_load %arg10[%swap3A_2383, %swap3A_2384] {strides = array<i32>} : memref<256x128xf32, #tpu.memory_space<vmem>>, vector<1x16xf32>,
        %swap3A_2386 = vector.shape_cast %swap3A_2385 : vector<1x16xf32> to vector<16xf32>
        %swap3A_2387 = vector.shape_cast %add3A_2378 : vector<16xf32> to vector<1x16xf32>
        tpu.vector_store %arg10[%swap3A_2383, %swap3A_2384], %swap3A_2387 {strides = array<i32>} : memref<256x128xf32, #tpu.memory_space<vmem>>, vector<1x16xf32>,
        %add3A_2388 = arith.addf %get3A_2277, %get3A_736 : vector<16xf32>
        %mul3A_2389 = arith.constant 2 : i32
        %mul3A_2390 = arith.muli %mul3A_2389, %scan3A_641 : i32
        %add3A_2391 = arith.constant 192 : i32
        %add3A_2392 = arith.addi %add3A_2391, %mul3A_2390 : i32
        %add3A_2393 = arith.constant 1 : i32
        %add3A_2394 = arith.addi %add3A_2392, %add3A_2393 : i32
        %swap3A_2395 = arith.index_cast %add3A_2394 : i32 to index
        %swap3A_2396 = arith.constant 64 : index
        %swap3A_2397 = tpu.vector_load %arg10[%swap3A_2395, %swap3A_2396] {strides = array<i32>} : memref<256x128xf32, #tpu.memory_space<vmem>>, vector<1x16xf32>,
        %swap3A_2398 = vector.shape_cast %swap3A_2397 : vector<1x16xf32> to vector<16xf32>
        %swap3A_2399 = vector.shape_cast %add3A_2388 : vector<16xf32> to vector<1x16xf32>
        tpu.vector_store %arg10[%swap3A_2395, %swap3A_2396], %swap3A_2399 {strides = array<i32>} : memref<256x128xf32, #tpu.memory_space<vmem>>, vector<1x16xf32>,
        %add3A_2400 = arith.addf %get3A_2249, %get3A_684 : vector<16xf32>
        %mul3A_2401 = arith.constant 2 : i32
        %mul3A_2402 = arith.muli %mul3A_2401, %scan3A_641 : i32
        %add3A_2403 = arith.constant 192 : i32
        %add3A_2404 = arith.addi %add3A_2403, %mul3A_2402 : i32
        %swap3A_2405 = arith.index_cast %add3A_2404 : i32 to index
        %swap3A_2406 = arith.constant 80 : index
        %swap3A_2407 = tpu.vector_load %arg10[%swap3A_2405, %swap3A_2406] {strides = array<i32>} : memref<256x128xf32, #tpu.memory_space<vmem>>, vector<1x16xf32>,
        %swap3A_2408 = vector.shape_cast %swap3A_2407 : vector<1x16xf32> to vector<16xf32>
        %swap3A_2409 = vector.shape_cast %add3A_2400 : vector<16xf32> to vector<1x16xf32>
        tpu.vector_store %arg10[%swap3A_2405, %swap3A_2406], %swap3A_2409 {strides = array<i32>} : memref<256x128xf32, #tpu.memory_space<vmem>>, vector<1x16xf32>,
        %add3A_2410 = arith.addf %get3A_2281, %get3A_744 : vector<16xf32>
        %mul3A_2411 = arith.constant 2 : i32
        %mul3A_2412 = arith.muli %mul3A_2411, %scan3A_641 : i32
        %add3A_2413 = arith.constant 192 : i32
        %add3A_2414 = arith.addi %add3A_2413, %mul3A_2412 : i32
        %add3A_2415 = arith.constant 1 : i32
        %add3A_2416 = arith.addi %add3A_2414, %add3A_2415 : i32
        %swap3A_2417 = arith.index_cast %add3A_2416 : i32 to index
        %swap3A_2418 = arith.constant 80 : index
        %swap3A_2419 = tpu.vector_load %arg10[%swap3A_2417, %swap3A_2418] {strides = array<i32>} : memref<256x128xf32, #tpu.memory_space<vmem>>, vector<1x16xf32>,
        %swap3A_2420 = vector.shape_cast %swap3A_2419 : vector<1x16xf32> to vector<16xf32>
        %swap3A_2421 = vector.shape_cast %add3A_2410 : vector<16xf32> to vector<1x16xf32>
        tpu.vector_store %arg10[%swap3A_2417, %swap3A_2418], %swap3A_2421 {strides = array<i32>} : memref<256x128xf32, #tpu.memory_space<vmem>>, vector<1x16xf32>,
        %add3A_2422 = arith.addf %get3A_2253, %get3A_690 : vector<16xf32>
        %mul3A_2423 = arith.constant 2 : i32
        %mul3A_2424 = arith.muli %mul3A_2423, %scan3A_641 : i32
        %add3A_2425 = arith.constant 192 : i32
        %add3A_2426 = arith.addi %add3A_2425, %mul3A_2424 : i32
        %swap3A_2427 = arith.index_cast %add3A_2426 : i32 to index
        %swap3A_2428 = arith.constant 96 : index
        %swap3A_2429 = tpu.vector_load %arg10[%swap3A_2427, %swap3A_2428] {strides = array<i32>} : memref<256x128xf32, #tpu.memory_space<vmem>>, vector<1x16xf32>,
        %swap3A_2430 = vector.shape_cast %swap3A_2429 : vector<1x16xf32> to vector<16xf32>
        %swap3A_2431 = vector.shape_cast %add3A_2422 : vector<16xf32> to vector<1x16xf32>
        tpu.vector_store %arg10[%swap3A_2427, %swap3A_2428], %swap3A_2431 {strides = array<i32>} : memref<256x128xf32, #tpu.memory_space<vmem>>, vector<1x16xf32>,
        %add3A_2432 = arith.addf %get3A_2285, %get3A_752 : vector<16xf32>
        %mul3A_2433 = arith.constant 2 : i32
        %mul3A_2434 = arith.muli %mul3A_2433, %scan3A_641 : i32
        %add3A_2435 = arith.constant 192 : i32
        %add3A_2436 = arith.addi %add3A_2435, %mul3A_2434 : i32
        %add3A_2437 = arith.constant 1 : i32
        %add3A_2438 = arith.addi %add3A_2436, %add3A_2437 : i32
        %swap3A_2439 = arith.index_cast %add3A_2438 : i32 to index
        %swap3A_2440 = arith.constant 96 : index
        %swap3A_2441 = tpu.vector_load %arg10[%swap3A_2439, %swap3A_2440] {strides = array<i32>} : memref<256x128xf32, #tpu.memory_space<vmem>>, vector<1x16xf32>,
        %swap3A_2442 = vector.shape_cast %swap3A_2441 : vector<1x16xf32> to vector<16xf32>
        %swap3A_2443 = vector.shape_cast %add3A_2432 : vector<16xf32> to vector<1x16xf32>
        tpu.vector_store %arg10[%swap3A_2439, %swap3A_2440], %swap3A_2443 {strides = array<i32>} : memref<256x128xf32, #tpu.memory_space<vmem>>, vector<1x16xf32>,
        %add3A_2444 = arith.addf %get3A_2257, %get3A_696 : vector<16xf32>
        %mul3A_2445 = arith.constant 2 : i32
        %mul3A_2446 = arith.muli %mul3A_2445, %scan3A_641 : i32
        %add3A_2447 = arith.constant 192 : i32
        %add3A_2448 = arith.addi %add3A_2447, %mul3A_2446 : i32
        %swap3A_2449 = arith.index_cast %add3A_2448 : i32 to index
        %swap3A_2450 = arith.constant 112 : index
        %swap3A_2451 = tpu.vector_load %arg10[%swap3A_2449, %swap3A_2450] {strides = array<i32>} : memref<256x128xf32, #tpu.memory_space<vmem>>, vector<1x16xf32>,
        %swap3A_2452 = vector.shape_cast %swap3A_2451 : vector<1x16xf32> to vector<16xf32>
        %swap3A_2453 = vector.shape_cast %add3A_2444 : vector<16xf32> to vector<1x16xf32>
        tpu.vector_store %arg10[%swap3A_2449, %swap3A_2450], %swap3A_2453 {strides = array<i32>} : memref<256x128xf32, #tpu.memory_space<vmem>>, vector<1x16xf32>,
        %add3A_2454 = arith.addf %get3A_2289, %get3A_760 : vector<16xf32>
        %mul3A_2455 = arith.constant 2 : i32
        %mul3A_2456 = arith.muli %mul3A_2455, %scan3A_641 : i32
        %add3A_2457 = arith.constant 192 : i32
        %add3A_2458 = arith.addi %add3A_2457, %mul3A_2456 : i32
        %add3A_2459 = arith.constant 1 : i32
        %add3A_2460 = arith.addi %add3A_2458, %add3A_2459 : i32
        %swap3A_2461 = arith.index_cast %add3A_2460 : i32 to index
        %swap3A_2462 = arith.constant 112 : index
        %swap3A_2463 = tpu.vector_load %arg10[%swap3A_2461, %swap3A_2462] {strides = array<i32>} : memref<256x128xf32, #tpu.memory_space<vmem>>, vector<1x16xf32>,
        %swap3A_2464 = vector.shape_cast %swap3A_2463 : vector<1x16xf32> to vector<16xf32>
        %swap3A_2465 = vector.shape_cast %add3A_2454 : vector<16xf32> to vector<1x16xf32>
        tpu.vector_store %arg10[%swap3A_2461, %swap3A_2462], %swap3A_2465 {strides = array<i32>} : memref<256x128xf32, #tpu.memory_space<vmem>>, vector<1x16xf32>,
        %slice3A_2466 = vector.extract_strided_slice %get3A_648 {offsets = [7], sizes = [1], strides = [1]} : vector<16xi32> to vector<1xi32>
        %squeeze3A_2467 = vector.extract %slice3A_2466[0] : i32 from vector<1xi32>
        %slice3A_2468 = vector.extract_strided_slice %get3A_648 {offsets = [15], sizes = [1], strides = [1]} : vector<16xi32> to vector<1xi32>
        %squeeze3A_2469 = vector.extract %slice3A_2468[0] : i32 from vector<1xi32>
        %get3A_2470 = arith.index_cast %squeeze3A_2467 : i32 to index
        %get3A_2471 = arith.constant 0 : index
        %get3A_2472 = tpu.vector_load %arg7[%get3A_2470, %get3A_2471] {strides = array<i32>} : memref<128x128xf32, #tpu.memory_space<vmem>>, vector<1x16xf32>,
        %get3A_2473 = vector.shape_cast %get3A_2472 : vector<1x16xf32> to vector<16xf32>
        %get3A_2474 = arith.index_cast %squeeze3A_2467 : i32 to index
        %get3A_2475 = arith.constant 16 : index
        %get3A_2476 = tpu.vector_load %arg7[%get3A_2474, %get3A_2475] {strides = array<i32>} : memref<128x128xf32, #tpu.memory_space<vmem>>, vector<1x16xf32>,
        %get3A_2477 = vector.shape_cast %get3A_2476 : vector<1x16xf32> to vector<16xf32>
        %get3A_2478 = arith.index_cast %squeeze3A_2467 : i32 to index
        %get3A_2479 = arith.constant 32 : index
        %get3A_2480 = tpu.vector_load %arg7[%get3A_2478, %get3A_2479] {strides = array<i32>} : memref<128x128xf32, #tpu.memory_space<vmem>>, vector<1x16xf32>,
        %get3A_2481 = vector.shape_cast %get3A_2480 : vector<1x16xf32> to vector<16xf32>
        %get3A_2482 = arith.index_cast %squeeze3A_2467 : i32 to index
        %get3A_2483 = arith.constant 48 : index
        %get3A_2484 = tpu.vector_load %arg7[%get3A_2482, %get3A_2483] {strides = array<i32>} : memref<128x128xf32, #tpu.memory_space<vmem>>, vector<1x16xf32>,
        %get3A_2485 = vector.shape_cast %get3A_2484 : vector<1x16xf32> to vector<16xf32>
        %get3A_2486 = arith.index_cast %squeeze3A_2467 : i32 to index
        %get3A_2487 = arith.constant 64 : index
        %get3A_2488 = tpu.vector_load %arg7[%get3A_2486, %get3A_2487] {strides = array<i32>} : memref<128x128xf32, #tpu.memory_space<vmem>>, vector<1x16xf32>,
        %get3A_2489 = vector.shape_cast %get3A_2488 : vector<1x16xf32> to vector<16xf32>
        %get3A_2490 = arith.index_cast %squeeze3A_2467 : i32 to index
        %get3A_2491 = arith.constant 80 : index
        %get3A_2492 = tpu.vector_load %arg7[%get3A_2490, %get3A_2491] {strides = array<i32>} : memref<128x128xf32, #tpu.memory_space<vmem>>, vector<1x16xf32>,
        %get3A_2493 = vector.shape_cast %get3A_2492 : vector<1x16xf32> to vector<16xf32>
        %get3A_2494 = arith.index_cast %squeeze3A_2467 : i32 to index
        %get3A_2495 = arith.constant 96 : index
        %get3A_2496 = tpu.vector_load %arg7[%get3A_2494, %get3A_2495] {strides = array<i32>} : memref<128x128xf32, #tpu.memory_space<vmem>>, vector<1x16xf32>,
        %get3A_2497 = vector.shape_cast %get3A_2496 : vector<1x16xf32> to vector<16xf32>
        %get3A_2498 = arith.index_cast %squeeze3A_2467 : i32 to index
        %get3A_2499 = arith.constant 112 : index
        %get3A_2500 = tpu.vector_load %arg7[%get3A_2498, %get3A_2499] {strides = array<i32>} : memref<128x128xf32, #tpu.memory_space<vmem>>, vector<1x16xf32>,
        %get3A_2501 = vector.shape_cast %get3A_2500 : vector<1x16xf32> to vector<16xf32>
        %get3A_2502 = arith.index_cast %squeeze3A_2469 : i32 to index
        %get3A_2503 = arith.constant 0 : index
        %get3A_2504 = tpu.vector_load %arg7[%get3A_2502, %get3A_2503] {strides = array<i32>} : memref<128x128xf32, #tpu.memory_space<vmem>>, vector<1x16xf32>,
        %get3A_2505 = vector.shape_cast %get3A_2504 : vector<1x16xf32> to vector<16xf32>
        %get3A_2506 = arith.index_cast %squeeze3A_2469 : i32 to index
        %get3A_2507 = arith.constant 16 : index
        %get3A_2508 = tpu.vector_load %arg7[%get3A_2506, %get3A_2507] {strides = array<i32>} : memref<128x128xf32, #tpu.memory_space<vmem>>, vector<1x16xf32>,
        %get3A_2509 = vector.shape_cast %get3A_2508 : vector<1x16xf32> to vector<16xf32>
        %get3A_2510 = arith.index_cast %squeeze3A_2469 : i32 to index
        %get3A_2511 = arith.constant 32 : index
        %get3A_2512 = tpu.vector_load %arg7[%get3A_2510, %get3A_2511] {strides = array<i32>} : memref<128x128xf32, #tpu.memory_space<vmem>>, vector<1x16xf32>,
        %get3A_2513 = vector.shape_cast %get3A_2512 : vector<1x16xf32> to vector<16xf32>
        %get3A_2514 = arith.index_cast %squeeze3A_2469 : i32 to index
        %get3A_2515 = arith.constant 48 : index
        %get3A_2516 = tpu.vector_load %arg7[%get3A_2514, %get3A_2515] {strides = array<i32>} : memref<128x128xf32, #tpu.memory_space<vmem>>, vector<1x16xf32>,
        %get3A_2517 = vector.shape_cast %get3A_2516 : vector<1x16xf32> to vector<16xf32>
        %get3A_2518 = arith.index_cast %squeeze3A_2469 : i32 to index
        %get3A_2519 = arith.constant 64 : index
        %get3A_2520 = tpu.vector_load %arg7[%get3A_2518, %get3A_2519] {strides = array<i32>} : memref<128x128xf32, #tpu.memory_space<vmem>>, vector<1x16xf32>,
        %get3A_2521 = vector.shape_cast %get3A_2520 : vector<1x16xf32> to vector<16xf32>
        %get3A_2522 = arith.index_cast %squeeze3A_2469 : i32 to index
        %get3A_2523 = arith.constant 80 : index
        %get3A_2524 = tpu.vector_load %arg7[%get3A_2522, %get3A_2523] {strides = array<i32>} : memref<128x128xf32, #tpu.memory_space<vmem>>, vector<1x16xf32>,
        %get3A_2525 = vector.shape_cast %get3A_2524 : vector<1x16xf32> to vector<16xf32>
        %get3A_2526 = arith.index_cast %squeeze3A_2469 : i32 to index
        %get3A_2527 = arith.constant 96 : index
        %get3A_2528 = tpu.vector_load %arg7[%get3A_2526, %get3A_2527] {strides = array<i32>} : memref<128x128xf32, #tpu.memory_space<vmem>>, vector<1x16xf32>,
        %get3A_2529 = vector.shape_cast %get3A_2528 : vector<1x16xf32> to vector<16xf32>
        %get3A_2530 = arith.index_cast %squeeze3A_2469 : i32 to index
        %get3A_2531 = arith.constant 112 : index
        %get3A_2532 = tpu.vector_load %arg7[%get3A_2530, %get3A_2531] {strides = array<i32>} : memref<128x128xf32, #tpu.memory_space<vmem>>, vector<1x16xf32>,
        %get3A_2533 = vector.shape_cast %get3A_2532 : vector<1x16xf32> to vector<16xf32>
        %add3A_2534 = arith.addf %get3A_2473, %get3A_654 : vector<16xf32>
        %mul3A_2535 = arith.constant 2 : i32
        %mul3A_2536 = arith.muli %mul3A_2535, %scan3A_641 : i32
        %add3A_2537 = arith.constant 224 : i32
        %add3A_2538 = arith.addi %add3A_2537, %mul3A_2536 : i32
        %swap3A_2539 = arith.index_cast %add3A_2538 : i32 to index
        %swap3A_2540 = arith.constant 0 : index
        %swap3A_2541 = tpu.vector_load %arg10[%swap3A_2539, %swap3A_2540] {strides = array<i32>} : memref<256x128xf32, #tpu.memory_space<vmem>>, vector<1x16xf32>,
        %swap3A_2542 = vector.shape_cast %swap3A_2541 : vector<1x16xf32> to vector<16xf32>
        %swap3A_2543 = vector.shape_cast %add3A_2534 : vector<16xf32> to vector<1x16xf32>
        tpu.vector_store %arg10[%swap3A_2539, %swap3A_2540], %swap3A_2543 {strides = array<i32>} : memref<256x128xf32, #tpu.memory_space<vmem>>, vector<1x16xf32>,
        %add3A_2544 = arith.addf %get3A_2505, %get3A_704 : vector<16xf32>
        %mul3A_2545 = arith.constant 2 : i32
        %mul3A_2546 = arith.muli %mul3A_2545, %scan3A_641 : i32
        %add3A_2547 = arith.constant 224 : i32
        %add3A_2548 = arith.addi %add3A_2547, %mul3A_2546 : i32
        %add3A_2549 = arith.constant 1 : i32
        %add3A_2550 = arith.addi %add3A_2548, %add3A_2549 : i32
        %swap3A_2551 = arith.index_cast %add3A_2550 : i32 to index
        %swap3A_2552 = arith.constant 0 : index
        %swap3A_2553 = tpu.vector_load %arg10[%swap3A_2551, %swap3A_2552] {strides = array<i32>} : memref<256x128xf32, #tpu.memory_space<vmem>>, vector<1x16xf32>,
        %swap3A_2554 = vector.shape_cast %swap3A_2553 : vector<1x16xf32> to vector<16xf32>
        %swap3A_2555 = vector.shape_cast %add3A_2544 : vector<16xf32> to vector<1x16xf32>
        tpu.vector_store %arg10[%swap3A_2551, %swap3A_2552], %swap3A_2555 {strides = array<i32>} : memref<256x128xf32, #tpu.memory_space<vmem>>, vector<1x16xf32>,
        %add3A_2556 = arith.addf %get3A_2477, %get3A_660 : vector<16xf32>
        %mul3A_2557 = arith.constant 2 : i32
        %mul3A_2558 = arith.muli %mul3A_2557, %scan3A_641 : i32
        %add3A_2559 = arith.constant 224 : i32
        %add3A_2560 = arith.addi %add3A_2559, %mul3A_2558 : i32
        %swap3A_2561 = arith.index_cast %add3A_2560 : i32 to index
        %swap3A_2562 = arith.constant 16 : index
        %swap3A_2563 = tpu.vector_load %arg10[%swap3A_2561, %swap3A_2562] {strides = array<i32>} : memref<256x128xf32, #tpu.memory_space<vmem>>, vector<1x16xf32>,
        %swap3A_2564 = vector.shape_cast %swap3A_2563 : vector<1x16xf32> to vector<16xf32>
        %swap3A_2565 = vector.shape_cast %add3A_2556 : vector<16xf32> to vector<1x16xf32>
        tpu.vector_store %arg10[%swap3A_2561, %swap3A_2562], %swap3A_2565 {strides = array<i32>} : memref<256x128xf32, #tpu.memory_space<vmem>>, vector<1x16xf32>,
        %add3A_2566 = arith.addf %get3A_2509, %get3A_712 : vector<16xf32>
        %mul3A_2567 = arith.constant 2 : i32
        %mul3A_2568 = arith.muli %mul3A_2567, %scan3A_641 : i32
        %add3A_2569 = arith.constant 224 : i32
        %add3A_2570 = arith.addi %add3A_2569, %mul3A_2568 : i32
        %add3A_2571 = arith.constant 1 : i32
        %add3A_2572 = arith.addi %add3A_2570, %add3A_2571 : i32
        %swap3A_2573 = arith.index_cast %add3A_2572 : i32 to index
        %swap3A_2574 = arith.constant 16 : index
        %swap3A_2575 = tpu.vector_load %arg10[%swap3A_2573, %swap3A_2574] {strides = array<i32>} : memref<256x128xf32, #tpu.memory_space<vmem>>, vector<1x16xf32>,
        %swap3A_2576 = vector.shape_cast %swap3A_2575 : vector<1x16xf32> to vector<16xf32>
        %swap3A_2577 = vector.shape_cast %add3A_2566 : vector<16xf32> to vector<1x16xf32>
        tpu.vector_store %arg10[%swap3A_2573, %swap3A_2574], %swap3A_2577 {strides = array<i32>} : memref<256x128xf32, #tpu.memory_space<vmem>>, vector<1x16xf32>,
        %add3A_2578 = arith.addf %get3A_2481, %get3A_666 : vector<16xf32>
        %mul3A_2579 = arith.constant 2 : i32
        %mul3A_2580 = arith.muli %mul3A_2579, %scan3A_641 : i32
        %add3A_2581 = arith.constant 224 : i32
        %add3A_2582 = arith.addi %add3A_2581, %mul3A_2580 : i32
        %swap3A_2583 = arith.index_cast %add3A_2582 : i32 to index
        %swap3A_2584 = arith.constant 32 : index
        %swap3A_2585 = tpu.vector_load %arg10[%swap3A_2583, %swap3A_2584] {strides = array<i32>} : memref<256x128xf32, #tpu.memory_space<vmem>>, vector<1x16xf32>,
        %swap3A_2586 = vector.shape_cast %swap3A_2585 : vector<1x16xf32> to vector<16xf32>
        %swap3A_2587 = vector.shape_cast %add3A_2578 : vector<16xf32> to vector<1x16xf32>
        tpu.vector_store %arg10[%swap3A_2583, %swap3A_2584], %swap3A_2587 {strides = array<i32>} : memref<256x128xf32, #tpu.memory_space<vmem>>, vector<1x16xf32>,
        %add3A_2588 = arith.addf %get3A_2513, %get3A_720 : vector<16xf32>
        %mul3A_2589 = arith.constant 2 : i32
        %mul3A_2590 = arith.muli %mul3A_2589, %scan3A_641 : i32
        %add3A_2591 = arith.constant 224 : i32
        %add3A_2592 = arith.addi %add3A_2591, %mul3A_2590 : i32
        %add3A_2593 = arith.constant 1 : i32
        %add3A_2594 = arith.addi %add3A_2592, %add3A_2593 : i32
        %swap3A_2595 = arith.index_cast %add3A_2594 : i32 to index
        %swap3A_2596 = arith.constant 32 : index
        %swap3A_2597 = tpu.vector_load %arg10[%swap3A_2595, %swap3A_2596] {strides = array<i32>} : memref<256x128xf32, #tpu.memory_space<vmem>>, vector<1x16xf32>,
        %swap3A_2598 = vector.shape_cast %swap3A_2597 : vector<1x16xf32> to vector<16xf32>
        %swap3A_2599 = vector.shape_cast %add3A_2588 : vector<16xf32> to vector<1x16xf32>
        tpu.vector_store %arg10[%swap3A_2595, %swap3A_2596], %swap3A_2599 {strides = array<i32>} : memref<256x128xf32, #tpu.memory_space<vmem>>, vector<1x16xf32>,
        %add3A_2600 = arith.addf %get3A_2485, %get3A_672 : vector<16xf32>
        %mul3A_2601 = arith.constant 2 : i32
        %mul3A_2602 = arith.muli %mul3A_2601, %scan3A_641 : i32
        %add3A_2603 = arith.constant 224 : i32
        %add3A_2604 = arith.addi %add3A_2603, %mul3A_2602 : i32
        %swap3A_2605 = arith.index_cast %add3A_2604 : i32 to index
        %swap3A_2606 = arith.constant 48 : index
        %swap3A_2607 = tpu.vector_load %arg10[%swap3A_2605, %swap3A_2606] {strides = array<i32>} : memref<256x128xf32, #tpu.memory_space<vmem>>, vector<1x16xf32>,
        %swap3A_2608 = vector.shape_cast %swap3A_2607 : vector<1x16xf32> to vector<16xf32>
        %swap3A_2609 = vector.shape_cast %add3A_2600 : vector<16xf32> to vector<1x16xf32>
        tpu.vector_store %arg10[%swap3A_2605, %swap3A_2606], %swap3A_2609 {strides = array<i32>} : memref<256x128xf32, #tpu.memory_space<vmem>>, vector<1x16xf32>,
        %add3A_2610 = arith.addf %get3A_2517, %get3A_728 : vector<16xf32>
        %mul3A_2611 = arith.constant 2 : i32
        %mul3A_2612 = arith.muli %mul3A_2611, %scan3A_641 : i32
        %add3A_2613 = arith.constant 224 : i32
        %add3A_2614 = arith.addi %add3A_2613, %mul3A_2612 : i32
        %add3A_2615 = arith.constant 1 : i32
        %add3A_2616 = arith.addi %add3A_2614, %add3A_2615 : i32
        %swap3A_2617 = arith.index_cast %add3A_2616 : i32 to index
        %swap3A_2618 = arith.constant 48 : index
        %swap3A_2619 = tpu.vector_load %arg10[%swap3A_2617, %swap3A_2618] {strides = array<i32>} : memref<256x128xf32, #tpu.memory_space<vmem>>, vector<1x16xf32>,
        %swap3A_2620 = vector.shape_cast %swap3A_2619 : vector<1x16xf32> to vector<16xf32>
        %swap3A_2621 = vector.shape_cast %add3A_2610 : vector<16xf32> to vector<1x16xf32>
        tpu.vector_store %arg10[%swap3A_2617, %swap3A_2618], %swap3A_2621 {strides = array<i32>} : memref<256x128xf32, #tpu.memory_space<vmem>>, vector<1x16xf32>,
        %add3A_2622 = arith.addf %get3A_2489, %get3A_678 : vector<16xf32>
        %mul3A_2623 = arith.constant 2 : i32
        %mul3A_2624 = arith.muli %mul3A_2623, %scan3A_641 : i32
        %add3A_2625 = arith.constant 224 : i32
        %add3A_2626 = arith.addi %add3A_2625, %mul3A_2624 : i32
        %swap3A_2627 = arith.index_cast %add3A_2626 : i32 to index
        %swap3A_2628 = arith.constant 64 : index
        %swap3A_2629 = tpu.vector_load %arg10[%swap3A_2627, %swap3A_2628] {strides = array<i32>} : memref<256x128xf32, #tpu.memory_space<vmem>>, vector<1x16xf32>,
        %swap3A_2630 = vector.shape_cast %swap3A_2629 : vector<1x16xf32> to vector<16xf32>
        %swap3A_2631 = vector.shape_cast %add3A_2622 : vector<16xf32> to vector<1x16xf32>
        tpu.vector_store %arg10[%swap3A_2627, %swap3A_2628], %swap3A_2631 {strides = array<i32>} : memref<256x128xf32, #tpu.memory_space<vmem>>, vector<1x16xf32>,
        %add3A_2632 = arith.addf %get3A_2521, %get3A_736 : vector<16xf32>
        %mul3A_2633 = arith.constant 2 : i32
        %mul3A_2634 = arith.muli %mul3A_2633, %scan3A_641 : i32
        %add3A_2635 = arith.constant 224 : i32
        %add3A_2636 = arith.addi %add3A_2635, %mul3A_2634 : i32
        %add3A_2637 = arith.constant 1 : i32
        %add3A_2638 = arith.addi %add3A_2636, %add3A_2637 : i32
        %swap3A_2639 = arith.index_cast %add3A_2638 : i32 to index
        %swap3A_2640 = arith.constant 64 : index
        %swap3A_2641 = tpu.vector_load %arg10[%swap3A_2639, %swap3A_2640] {strides = array<i32>} : memref<256x128xf32, #tpu.memory_space<vmem>>, vector<1x16xf32>,
        %swap3A_2642 = vector.shape_cast %swap3A_2641 : vector<1x16xf32> to vector<16xf32>
        %swap3A_2643 = vector.shape_cast %add3A_2632 : vector<16xf32> to vector<1x16xf32>
        tpu.vector_store %arg10[%swap3A_2639, %swap3A_2640], %swap3A_2643 {strides = array<i32>} : memref<256x128xf32, #tpu.memory_space<vmem>>, vector<1x16xf32>,
        %add3A_2644 = arith.addf %get3A_2493, %get3A_684 : vector<16xf32>
        %mul3A_2645 = arith.constant 2 : i32
        %mul3A_2646 = arith.muli %mul3A_2645, %scan3A_641 : i32
        %add3A_2647 = arith.constant 224 : i32
        %add3A_2648 = arith.addi %add3A_2647, %mul3A_2646 : i32
        %swap3A_2649 = arith.index_cast %add3A_2648 : i32 to index
        %swap3A_2650 = arith.constant 80 : index
        %swap3A_2651 = tpu.vector_load %arg10[%swap3A_2649, %swap3A_2650] {strides = array<i32>} : memref<256x128xf32, #tpu.memory_space<vmem>>, vector<1x16xf32>,
        %swap3A_2652 = vector.shape_cast %swap3A_2651 : vector<1x16xf32> to vector<16xf32>
        %swap3A_2653 = vector.shape_cast %add3A_2644 : vector<16xf32> to vector<1x16xf32>
        tpu.vector_store %arg10[%swap3A_2649, %swap3A_2650], %swap3A_2653 {strides = array<i32>} : memref<256x128xf32, #tpu.memory_space<vmem>>, vector<1x16xf32>,
        %add3A_2654 = arith.addf %get3A_2525, %get3A_744 : vector<16xf32>
        %mul3A_2655 = arith.constant 2 : i32
        %mul3A_2656 = arith.muli %mul3A_2655, %scan3A_641 : i32
        %add3A_2657 = arith.constant 224 : i32
        %add3A_2658 = arith.addi %add3A_2657, %mul3A_2656 : i32
        %add3A_2659 = arith.constant 1 : i32
        %add3A_2660 = arith.addi %add3A_2658, %add3A_2659 : i32
        %swap3A_2661 = arith.index_cast %add3A_2660 : i32 to index
        %swap3A_2662 = arith.constant 80 : index
        %swap3A_2663 = tpu.vector_load %arg10[%swap3A_2661, %swap3A_2662] {strides = array<i32>} : memref<256x128xf32, #tpu.memory_space<vmem>>, vector<1x16xf32>,
        %swap3A_2664 = vector.shape_cast %swap3A_2663 : vector<1x16xf32> to vector<16xf32>
        %swap3A_2665 = vector.shape_cast %add3A_2654 : vector<16xf32> to vector<1x16xf32>
        tpu.vector_store %arg10[%swap3A_2661, %swap3A_2662], %swap3A_2665 {strides = array<i32>} : memref<256x128xf32, #tpu.memory_space<vmem>>, vector<1x16xf32>,
        %add3A_2666 = arith.addf %get3A_2497, %get3A_690 : vector<16xf32>
        %mul3A_2667 = arith.constant 2 : i32
        %mul3A_2668 = arith.muli %mul3A_2667, %scan3A_641 : i32
        %add3A_2669 = arith.constant 224 : i32
        %add3A_2670 = arith.addi %add3A_2669, %mul3A_2668 : i32
        %swap3A_2671 = arith.index_cast %add3A_2670 : i32 to index
        %swap3A_2672 = arith.constant 96 : index
        %swap3A_2673 = tpu.vector_load %arg10[%swap3A_2671, %swap3A_2672] {strides = array<i32>} : memref<256x128xf32, #tpu.memory_space<vmem>>, vector<1x16xf32>,
        %swap3A_2674 = vector.shape_cast %swap3A_2673 : vector<1x16xf32> to vector<16xf32>
        %swap3A_2675 = vector.shape_cast %add3A_2666 : vector<16xf32> to vector<1x16xf32>
        tpu.vector_store %arg10[%swap3A_2671, %swap3A_2672], %swap3A_2675 {strides = array<i32>} : memref<256x128xf32, #tpu.memory_space<vmem>>, vector<1x16xf32>,
        %add3A_2676 = arith.addf %get3A_2529, %get3A_752 : vector<16xf32>
        %mul3A_2677 = arith.constant 2 : i32
        %mul3A_2678 = arith.muli %mul3A_2677, %scan3A_641 : i32
        %add3A_2679 = arith.constant 224 : i32
        %add3A_2680 = arith.addi %add3A_2679, %mul3A_2678 : i32
        %add3A_2681 = arith.constant 1 : i32
        %add3A_2682 = arith.addi %add3A_2680, %add3A_2681 : i32
        %swap3A_2683 = arith.index_cast %add3A_2682 : i32 to index
        %swap3A_2684 = arith.constant 96 : index
        %swap3A_2685 = tpu.vector_load %arg10[%swap3A_2683, %swap3A_2684] {strides = array<i32>} : memref<256x128xf32, #tpu.memory_space<vmem>>, vector<1x16xf32>,
        %swap3A_2686 = vector.shape_cast %swap3A_2685 : vector<1x16xf32> to vector<16xf32>
        %swap3A_2687 = vector.shape_cast %add3A_2676 : vector<16xf32> to vector<1x16xf32>
        tpu.vector_store %arg10[%swap3A_2683, %swap3A_2684], %swap3A_2687 {strides = array<i32>} : memref<256x128xf32, #tpu.memory_space<vmem>>, vector<1x16xf32>,
        %add3A_2688 = arith.addf %get3A_2501, %get3A_696 : vector<16xf32>
        %mul3A_2689 = arith.constant 2 : i32
        %mul3A_2690 = arith.muli %mul3A_2689, %scan3A_641 : i32
        %add3A_2691 = arith.constant 224 : i32
        %add3A_2692 = arith.addi %add3A_2691, %mul3A_2690 : i32
        %swap3A_2693 = arith.index_cast %add3A_2692 : i32 to index
        %swap3A_2694 = arith.constant 112 : index
        %swap3A_2695 = tpu.vector_load %arg10[%swap3A_2693, %swap3A_2694] {strides = array<i32>} : memref<256x128xf32, #tpu.memory_space<vmem>>, vector<1x16xf32>,
        %swap3A_2696 = vector.shape_cast %swap3A_2695 : vector<1x16xf32> to vector<16xf32>
        %swap3A_2697 = vector.shape_cast %add3A_2688 : vector<16xf32> to vector<1x16xf32>
        tpu.vector_store %arg10[%swap3A_2693, %swap3A_2694], %swap3A_2697 {strides = array<i32>} : memref<256x128xf32, #tpu.memory_space<vmem>>, vector<1x16xf32>,
        %add3A_2698 = arith.addf %get3A_2533, %get3A_760 : vector<16xf32>
        %mul3A_2699 = arith.constant 2 : i32
        %mul3A_2700 = arith.muli %mul3A_2699, %scan3A_641 : i32
        %add3A_2701 = arith.constant 224 : i32
        %add3A_2702 = arith.addi %add3A_2701, %mul3A_2700 : i32
        %add3A_2703 = arith.constant 1 : i32
        %add3A_2704 = arith.addi %add3A_2702, %add3A_2703 : i32
        %swap3A_2705 = arith.index_cast %add3A_2704 : i32 to index
        %swap3A_2706 = arith.constant 112 : index
        %swap3A_2707 = tpu.vector_load %arg10[%swap3A_2705, %swap3A_2706] {strides = array<i32>} : memref<256x128xf32, #tpu.memory_space<vmem>>, vector<1x16xf32>,
        %swap3A_2708 = vector.shape_cast %swap3A_2707 : vector<1x16xf32> to vector<16xf32>
        %swap3A_2709 = vector.shape_cast %add3A_2698 : vector<16xf32> to vector<1x16xf32>
        tpu.vector_store %arg10[%swap3A_2705, %swap3A_2706], %swap3A_2709 {strides = array<i32>} : memref<256x128xf32, #tpu.memory_space<vmem>>, vector<1x16xf32>,
      }
      %scan3A_284 = arith.constant 16 : i32
      %mul3A_285 = arith.constant 8 : i32
      %mul3A_286 = arith.muli %select_n3A_217, %mul3A_285 : i32
      %add3A_287 = arith.constant 0 : i32
      %add3A_288 = arith.addi %mul3A_286, %add3A_287 : i32
      %mul3A_289 = arith.constant 512 : i32
      %mul3A_290 = arith.muli %add3A_288, %mul3A_289 : i32
      %add3A_291 = arith.addi %mul3A_2, %mul3A_290 : i32
      %add3A_292 = arith.addi %add3A_291, %mul3A_240 : i32
      %dma_start3A_293 = arith.constant 0 : i32
      %dma_start3A_294 = arith.constant 0 : i32
      %dma_start3A_295 = tpu.memref_slice %arg10[%dma_start3A_293, %dma_start3A_294] : memref<256x128xf32, #tpu.memory_space<vmem>> -> memref<32x128xf32, #tpu.memory_space<vmem>>
      %dma_start3A_296 = arith.constant 0 : i32
      %dma_start3A_297 = tpu.memref_slice %arg5[%add3A_292, %dma_start3A_296] : memref<524288x128xf32, #tpu.memory_space<hbm>> -> memref<32x128xf32, #tpu.memory_space<hbm>>
      %dma_start3A_298 = arith.constant 0 : i32
      %dma_start3A_299 = tpu.memref_slice %arg5[%add3A_292, %dma_start3A_298] : memref<524288x128xf32, #tpu.memory_space<hbm>> -> memref<32x128xf32, #tpu.memory_space<hbm>>
      %dma_start3A_300 = arith.constant 0 : i32
      %dma_start3A_301 = arith.constant 0 : i32
      %dma_start3A_302 = tpu.memref_slice %arg10[%dma_start3A_300, %dma_start3A_301] : memref<256x128xf32, #tpu.memory_space<vmem>> -> memref<32x128xf32, #tpu.memory_space<vmem>>
      tpu.enqueue_dma source(%dma_start3A_302 : memref<32x128xf32, #tpu.memory_space<vmem>>) target(%dma_start3A_299 : memref<32x128xf32, #tpu.memory_space<hbm>>) target_semaphore(%arg14 : memref<!tpu.dma_semaphore, #tpu.memory_space<semaphore_mem>>)
      %mul3A_303 = arith.constant 8 : i32
      %mul3A_304 = arith.muli %select_n3A_217, %mul3A_303 : i32
      %add3A_305 = arith.constant 1 : i32
      %add3A_306 = arith.addi %mul3A_304, %add3A_305 : i32
      %mul3A_307 = arith.constant 512 : i32
      %mul3A_308 = arith.muli %add3A_306, %mul3A_307 : i32
      %add3A_309 = arith.addi %mul3A_2, %mul3A_308 : i32
      %add3A_310 = arith.addi %add3A_309, %mul3A_240 : i32
      %dma_start3A_311 = arith.constant 32 : i32
      %dma_start3A_312 = arith.constant 0 : i32
      %dma_start3A_313 = tpu.memref_slice %arg10[%dma_start3A_311, %dma_start3A_312] : memref<256x128xf32, #tpu.memory_space<vmem>> -> memref<32x128xf32, #tpu.memory_space<vmem>>
      %dma_start3A_314 = arith.constant 0 : i32
      %dma_start3A_315 = tpu.memref_slice %arg5[%add3A_310, %dma_start3A_314] : memref<524288x128xf32, #tpu.memory_space<hbm>> -> memref<32x128xf32, #tpu.memory_space<hbm>>
      %dma_start3A_316 = arith.constant 0 : i32
      %dma_start3A_317 = tpu.memref_slice %arg5[%add3A_310, %dma_start3A_316] : memref<524288x128xf32, #tpu.memory_space<hbm>> -> memref<32x128xf32, #tpu.memory_space<hbm>>
      %dma_start3A_318 = arith.constant 32 : i32
      %dma_start3A_319 = arith.constant 0 : i32
      %dma_start3A_320 = tpu.memref_slice %arg10[%dma_start3A_318, %dma_start3A_319] : memref<256x128xf32, #tpu.memory_space<vmem>> -> memref<32x128xf32, #tpu.memory_space<vmem>>
      tpu.enqueue_dma source(%dma_start3A_320 : memref<32x128xf32, #tpu.memory_space<vmem>>) target(%dma_start3A_317 : memref<32x128xf32, #tpu.memory_space<hbm>>) target_semaphore(%arg14 : memref<!tpu.dma_semaphore, #tpu.memory_space<semaphore_mem>>)
      %mul3A_321 = arith.constant 8 : i32
      %mul3A_322 = arith.muli %select_n3A_217, %mul3A_321 : i32
      %add3A_323 = arith.constant 2 : i32
      %add3A_324 = arith.addi %mul3A_322, %add3A_323 : i32
      %mul3A_325 = arith.constant 512 : i32
      %mul3A_326 = arith.muli %add3A_324, %mul3A_325 : i32
      %add3A_327 = arith.addi %mul3A_2, %mul3A_326 : i32
      %add3A_328 = arith.addi %add3A_327, %mul3A_240 : i32
      %dma_start3A_329 = arith.constant 64 : i32
      %dma_start3A_330 = arith.constant 0 : i32
      %dma_start3A_331 = tpu.memref_slice %arg10[%dma_start3A_329, %dma_start3A_330] : memref<256x128xf32, #tpu.memory_space<vmem>> -> memref<32x128xf32, #tpu.memory_space<vmem>>
      %dma_start3A_332 = arith.constant 0 : i32
      %dma_start3A_333 = tpu.memref_slice %arg5[%add3A_328, %dma_start3A_332] : memref<524288x128xf32, #tpu.memory_space<hbm>> -> memref<32x128xf32, #tpu.memory_space<hbm>>
      %dma_start3A_334 = arith.constant 0 : i32
      %dma_start3A_335 = tpu.memref_slice %arg5[%add3A_328, %dma_start3A_334] : memref<524288x128xf32, #tpu.memory_space<hbm>> -> memref<32x128xf32, #tpu.memory_space<hbm>>
      %dma_start3A_336 = arith.constant 64 : i32
      %dma_start3A_337 = arith.constant 0 : i32
      %dma_start3A_338 = tpu.memref_slice %arg10[%dma_start3A_336, %dma_start3A_337] : memref<256x128xf32, #tpu.memory_space<vmem>> -> memref<32x128xf32, #tpu.memory_space<vmem>>
      tpu.enqueue_dma source(%dma_start3A_338 : memref<32x128xf32, #tpu.memory_space<vmem>>) target(%dma_start3A_335 : memref<32x128xf32, #tpu.memory_space<hbm>>) target_semaphore(%arg14 : memref<!tpu.dma_semaphore, #tpu.memory_space<semaphore_mem>>)
      %mul3A_339 = arith.constant 8 : i32
      %mul3A_340 = arith.muli %select_n3A_217, %mul3A_339 : i32
      %add3A_341 = arith.constant 3 : i32
      %add3A_342 = arith.addi %mul3A_340, %add3A_341 : i32
      %mul3A_343 = arith.constant 512 : i32
      %mul3A_344 = arith.muli %add3A_342, %mul3A_343 : i32
      %add3A_345 = arith.addi %mul3A_2, %mul3A_344 : i32
      %add3A_346 = arith.addi %add3A_345, %mul3A_240 : i32
      %dma_start3A_347 = arith.constant 96 : i32
      %dma_start3A_348 = arith.constant 0 : i32
      %dma_start3A_349 = tpu.memref_slice %arg10[%dma_start3A_347, %dma_start3A_348] : memref<256x128xf32, #tpu.memory_space<vmem>> -> memref<32x128xf32, #tpu.memory_space<vmem>>
      %dma_start3A_350 = arith.constant 0 : i32
      %dma_start3A_351 = tpu.memref_slice %arg5[%add3A_346, %dma_start3A_350] : memref<524288x128xf32, #tpu.memory_space<hbm>> -> memref<32x128xf32, #tpu.memory_space<hbm>>
      %dma_start3A_352 = arith.constant 0 : i32
      %dma_start3A_353 = tpu.memref_slice %arg5[%add3A_346, %dma_start3A_352] : memref<524288x128xf32, #tpu.memory_space<hbm>> -> memref<32x128xf32, #tpu.memory_space<hbm>>
      %dma_start3A_354 = arith.constant 96 : i32
      %dma_start3A_355 = arith.constant 0 : i32
      %dma_start3A_356 = tpu.memref_slice %arg10[%dma_start3A_354, %dma_start3A_355] : memref<256x128xf32, #tpu.memory_space<vmem>> -> memref<32x128xf32, #tpu.memory_space<vmem>>
      tpu.enqueue_dma source(%dma_start3A_356 : memref<32x128xf32, #tpu.memory_space<vmem>>) target(%dma_start3A_353 : memref<32x128xf32, #tpu.memory_space<hbm>>) target_semaphore(%arg14 : memref<!tpu.dma_semaphore, #tpu.memory_space<semaphore_mem>>)
      %mul3A_357 = arith.constant 8 : i32
      %mul3A_358 = arith.muli %select_n3A_217, %mul3A_357 : i32
      %add3A_359 = arith.constant 4 : i32
      %add3A_360 = arith.addi %mul3A_358, %add3A_359 : i32
      %mul3A_361 = arith.constant 512 : i32
      %mul3A_362 = arith.muli %add3A_360, %mul3A_361 : i32
      %add3A_363 = arith.addi %mul3A_2, %mul3A_362 : i32
      %add3A_364 = arith.addi %add3A_363, %mul3A_240 : i32
      %dma_start3A_365 = arith.constant 128 : i32
      %dma_start3A_366 = arith.constant 0 : i32
      %dma_start3A_367 = tpu.memref_slice %arg10[%dma_start3A_365, %dma_start3A_366] : memref<256x128xf32, #tpu.memory_space<vmem>> -> memref<32x128xf32, #tpu.memory_space<vmem>>
      %dma_start3A_368 = arith.constant 0 : i32
      %dma_start3A_369 = tpu.memref_slice %arg5[%add3A_364, %dma_start3A_368] : memref<524288x128xf32, #tpu.memory_space<hbm>> -> memref<32x128xf32, #tpu.memory_space<hbm>>
      %dma_start3A_370 = arith.constant 0 : i32
      %dma_start3A_371 = tpu.memref_slice %arg5[%add3A_364, %dma_start3A_370] : memref<524288x128xf32, #tpu.memory_space<hbm>> -> memref<32x128xf32, #tpu.memory_space<hbm>>
      %dma_start3A_372 = arith.constant 128 : i32
      %dma_start3A_373 = arith.constant 0 : i32
      %dma_start3A_374 = tpu.memref_slice %arg10[%dma_start3A_372, %dma_start3A_373] : memref<256x128xf32, #tpu.memory_space<vmem>> -> memref<32x128xf32, #tpu.memory_space<vmem>>
      tpu.enqueue_dma source(%dma_start3A_374 : memref<32x128xf32, #tpu.memory_space<vmem>>) target(%dma_start3A_371 : memref<32x128xf32, #tpu.memory_space<hbm>>) target_semaphore(%arg14 : memref<!tpu.dma_semaphore, #tpu.memory_space<semaphore_mem>>)
      %mul3A_375 = arith.constant 8 : i32
      %mul3A_376 = arith.muli %select_n3A_217, %mul3A_375 : i32
      %add3A_377 = arith.constant 5 : i32
      %add3A_378 = arith.addi %mul3A_376, %add3A_377 : i32
      %mul3A_379 = arith.constant 512 : i32
      %mul3A_380 = arith.muli %add3A_378, %mul3A_379 : i32
      %add3A_381 = arith.addi %mul3A_2, %mul3A_380 : i32
      %add3A_382 = arith.addi %add3A_381, %mul3A_240 : i32
      %dma_start3A_383 = arith.constant 160 : i32
      %dma_start3A_384 = arith.constant 0 : i32
      %dma_start3A_385 = tpu.memref_slice %arg10[%dma_start3A_383, %dma_start3A_384] : memref<256x128xf32, #tpu.memory_space<vmem>> -> memref<32x128xf32, #tpu.memory_space<vmem>>
      %dma_start3A_386 = arith.constant 0 : i32
      %dma_start3A_387 = tpu.memref_slice %arg5[%add3A_382, %dma_start3A_386] : memref<524288x128xf32, #tpu.memory_space<hbm>> -> memref<32x128xf32, #tpu.memory_space<hbm>>
      %dma_start3A_388 = arith.constant 0 : i32
      %dma_start3A_389 = tpu.memref_slice %arg5[%add3A_382, %dma_start3A_388] : memref<524288x128xf32, #tpu.memory_space<hbm>> -> memref<32x128xf32, #tpu.memory_space<hbm>>
      %dma_start3A_390 = arith.constant 160 : i32
      %dma_start3A_391 = arith.constant 0 : i32
      %dma_start3A_392 = tpu.memref_slice %arg10[%dma_start3A_390, %dma_start3A_391] : memref<256x128xf32, #tpu.memory_space<vmem>> -> memref<32x128xf32, #tpu.memory_space<vmem>>
      tpu.enqueue_dma source(%dma_start3A_392 : memref<32x128xf32, #tpu.memory_space<vmem>>) target(%dma_start3A_389 : memref<32x128xf32, #tpu.memory_space<hbm>>) target_semaphore(%arg14 : memref<!tpu.dma_semaphore, #tpu.memory_space<semaphore_mem>>)
      %mul3A_393 = arith.constant 8 : i32
      %mul3A_394 = arith.muli %select_n3A_217, %mul3A_393 : i32
      %add3A_395 = arith.constant 6 : i32
      %add3A_396 = arith.addi %mul3A_394, %add3A_395 : i32
      %mul3A_397 = arith.constant 512 : i32
      %mul3A_398 = arith.muli %add3A_396, %mul3A_397 : i32
      %add3A_399 = arith.addi %mul3A_2, %mul3A_398 : i32
      %add3A_400 = arith.addi %add3A_399, %mul3A_240 : i32
      %dma_start3A_401 = arith.constant 192 : i32
      %dma_start3A_402 = arith.constant 0 : i32
      %dma_start3A_403 = tpu.memref_slice %arg10[%dma_start3A_401, %dma_start3A_402] : memref<256x128xf32, #tpu.memory_space<vmem>> -> memref<32x128xf32, #tpu.memory_space<vmem>>
      %dma_start3A_404 = arith.constant 0 : i32
      %dma_start3A_405 = tpu.memref_slice %arg5[%add3A_400, %dma_start3A_404] : memref<524288x128xf32, #tpu.memory_space<hbm>> -> memref<32x128xf32, #tpu.memory_space<hbm>>
      %dma_start3A_406 = arith.constant 0 : i32
      %dma_start3A_407 = tpu.memref_slice %arg5[%add3A_400, %dma_start3A_406] : memref<524288x128xf32, #tpu.memory_space<hbm>> -> memref<32x128xf32, #tpu.memory_space<hbm>>
      %dma_start3A_408 = arith.constant 192 : i32
      %dma_start3A_409 = arith.constant 0 : i32
      %dma_start3A_410 = tpu.memref_slice %arg10[%dma_start3A_408, %dma_start3A_409] : memref<256x128xf32, #tpu.memory_space<vmem>> -> memref<32x128xf32, #tpu.memory_space<vmem>>
      tpu.enqueue_dma source(%dma_start3A_410 : memref<32x128xf32, #tpu.memory_space<vmem>>) target(%dma_start3A_407 : memref<32x128xf32, #tpu.memory_space<hbm>>) target_semaphore(%arg14 : memref<!tpu.dma_semaphore, #tpu.memory_space<semaphore_mem>>)
      %mul3A_411 = arith.constant 8 : i32
      %mul3A_412 = arith.muli %select_n3A_217, %mul3A_411 : i32
      %add3A_413 = arith.constant 7 : i32
      %add3A_414 = arith.addi %mul3A_412, %add3A_413 : i32
      %mul3A_415 = arith.constant 512 : i32
      %mul3A_416 = arith.muli %add3A_414, %mul3A_415 : i32
      %add3A_417 = arith.addi %mul3A_2, %mul3A_416 : i32
      %add3A_418 = arith.addi %add3A_417, %mul3A_240 : i32
      %dma_start3A_419 = arith.constant 224 : i32
      %dma_start3A_420 = arith.constant 0 : i32
      %dma_start3A_421 = tpu.memref_slice %arg10[%dma_start3A_419, %dma_start3A_420] : memref<256x128xf32, #tpu.memory_space<vmem>> -> memref<32x128xf32, #tpu.memory_space<vmem>>
      %dma_start3A_422 = arith.constant 0 : i32
      %dma_start3A_423 = tpu.memref_slice %arg5[%add3A_418, %dma_start3A_422] : memref<524288x128xf32, #tpu.memory_space<hbm>> -> memref<32x128xf32, #tpu.memory_space<hbm>>
      %dma_start3A_424 = arith.constant 0 : i32
      %dma_start3A_425 = tpu.memref_slice %arg5[%add3A_418, %dma_start3A_424] : memref<524288x128xf32, #tpu.memory_space<hbm>> -> memref<32x128xf32, #tpu.memory_space<hbm>>
      %dma_start3A_426 = arith.constant 224 : i32
      %dma_start3A_427 = arith.constant 0 : i32
      %dma_start3A_428 = tpu.memref_slice %arg10[%dma_start3A_426, %dma_start3A_427] : memref<256x128xf32, #tpu.memory_space<vmem>> -> memref<32x128xf32, #tpu.memory_space<vmem>>
      tpu.enqueue_dma source(%dma_start3A_428 : memref<32x128xf32, #tpu.memory_space<vmem>>) target(%dma_start3A_425 : memref<32x128xf32, #tpu.memory_space<hbm>>) target_semaphore(%arg14 : memref<!tpu.dma_semaphore, #tpu.memory_space<semaphore_mem>>)
      %mul3A_429 = arith.constant 2 : i32
      %mul3A_430 = arith.muli %scan3A_204, %mul3A_429 : i32
      %add3A_431 = arith.constant 1 : i32
      %add3A_432 = arith.addi %mul3A_430, %add3A_431 : i32
      %jit3A_433 = arith.constant 4 : i32
      %eq3A_434 = arith.constant 0 : i32
      %eq3A_435 = arith.cmpi eq, %jit3A_433, %eq3A_434 : i32
      %jit3A_436 = arith.constant 1 : i32
      %select_n3A_437 = arith.select %eq3A_435, %jit3A_436, %jit3A_433 : i32
      %rem3A_438 = arith.remsi %add3A_432, %select_n3A_437 : i32
      %ne3A_439 = arith.constant 0 : i32
      %ne3A_440 = arith.cmpi ne, %rem3A_438, %ne3A_439 : i32
      %lt3A_441 = arith.constant 0 : i32
      %lt3A_442 = arith.cmpi slt, %rem3A_438, %lt3A_441 : i32
      %lt3A_443 = arith.constant 0 : i32
      %lt3A_444 = arith.cmpi slt, %select_n3A_437, %lt3A_443 : i32
      %ne3A_445 = arith.xori %lt3A_442, %lt3A_444 : i1
      %and3A_446 = arith.andi %ne3A_445, %ne3A_440 : i1
      %add3A_447 = arith.addi %rem3A_438, %select_n3A_437 : i32
      %select_n3A_448 = arith.select %and3A_446, %add3A_447, %rem3A_438 : i32
      %jit3A_449 = arith.constant 4 : i32
      %div3A_450 = arith.divsi %add3A_432, %jit3A_449 : i32
      %sign3A_451 = arith.constant 0 : i32
      %sign3A_452 = arith.cmpi sgt, %add3A_432, %sign3A_451 : i32
      %sign3A_453 = arith.extui %sign3A_452 : i1 to i32
      %sign3A_454 = arith.constant 0 : i32
      %sign3A_455 = arith.cmpi slt, %add3A_432, %sign3A_454 : i32
      %sign3A_456 = arith.extui %sign3A_455 : i1 to i32
      %sign3A_457 = arith.subi %sign3A_453, %sign3A_456 : i32
      %sign3A_458 = arith.constant 0 : i32
      %sign3A_459 = arith.cmpi sgt, %jit3A_449, %sign3A_458 : i32
      %sign3A_460 = arith.extui %sign3A_459 : i1 to i32
      %sign3A_461 = arith.constant 0 : i32
      %sign3A_462 = arith.cmpi slt, %jit3A_449, %sign3A_461 : i32
      %sign3A_463 = arith.extui %sign3A_462 : i1 to i32
      %sign3A_464 = arith.subi %sign3A_460, %sign3A_463 : i32
      %ne3A_465 = arith.cmpi ne, %sign3A_457, %sign3A_464 : i32
      %rem3A_466 = arith.remsi %add3A_432, %jit3A_449 : i32
      %ne3A_467 = arith.constant 0 : i32
      %ne3A_468 = arith.cmpi ne, %rem3A_466, %ne3A_467 : i32
      %and3A_469 = arith.andi %ne3A_465, %ne3A_468 : i1
      %sub3A_470 = arith.constant 1 : i32
      %sub3A_471 = arith.subi %div3A_450, %sub3A_470 : i32
      %select_n3A_472 = arith.select %and3A_469, %sub3A_471, %div3A_450 : i32
      %mul3A_473 = arith.constant 32 : i32
      %mul3A_474 = arith.muli %select_n3A_472, %mul3A_473 : i32
      %add3A_475 = arith.constant 1 : i32
      %add3A_476 = arith.addi %add3A_432, %add3A_475 : i32
      %lt3A_477 = arith.constant 31 : i32
      %lt3A_478 = arith.cmpi slt, %scan3A_204, %lt3A_477 : i32
      %convert_element_type3A_479 = arith.extui %lt3A_478 : i1 to i32
      %cond3A_480 = arith.constant 0 : i32
      %cond3A_481 = arith.cmpi ne, %convert_element_type3A_479, %cond3A_480 : i32
      scf.if %cond3A_481 {
        %jit3A_641 = arith.constant 4 : i32
        %div3A_642 = arith.divsi %add3A_476, %jit3A_641 : i32
        %sign3A_643 = arith.constant 0 : i32
        %sign3A_644 = arith.cmpi sgt, %add3A_476, %sign3A_643 : i32
        %sign3A_645 = arith.extui %sign3A_644 : i1 to i32
        %sign3A_646 = arith.constant 0 : i32
        %sign3A_647 = arith.cmpi slt, %add3A_476, %sign3A_646 : i32
        %sign3A_648 = arith.extui %sign3A_647 : i1 to i32
        %sign3A_649 = arith.subi %sign3A_645, %sign3A_648 : i32
        %sign3A_650 = arith.constant 0 : i32
        %sign3A_651 = arith.cmpi sgt, %jit3A_641, %sign3A_650 : i32
        %sign3A_652 = arith.extui %sign3A_651 : i1 to i32
        %sign3A_653 = arith.constant 0 : i32
        %sign3A_654 = arith.cmpi slt, %jit3A_641, %sign3A_653 : i32
        %sign3A_655 = arith.extui %sign3A_654 : i1 to i32
        %sign3A_656 = arith.subi %sign3A_652, %sign3A_655 : i32
        %ne3A_657 = arith.cmpi ne, %sign3A_649, %sign3A_656 : i32
        %rem3A_658 = arith.remsi %add3A_476, %jit3A_641 : i32
        %ne3A_659 = arith.constant 0 : i32
        %ne3A_660 = arith.cmpi ne, %rem3A_658, %ne3A_659 : i32
        %and3A_661 = arith.andi %ne3A_657, %ne3A_660 : i1
        %sub3A_662 = arith.constant 1 : i32
        %sub3A_663 = arith.subi %div3A_642, %sub3A_662 : i32
        %select_n3A_664 = arith.select %and3A_661, %sub3A_663, %div3A_642 : i32
        %mul3A_665 = arith.constant 32 : i32
        %mul3A_666 = arith.muli %select_n3A_664, %mul3A_665 : i32
        %dma_start3A_667 = arith.constant 0 : i32
        %dma_start3A_668 = tpu.memref_slice %arg4[%mul3A_666, %dma_start3A_667] : memref<512x128xf32, #tpu.memory_space<hbm>> -> memref<32x128xf32, #tpu.memory_space<hbm>>
        %dma_start3A_669 = arith.constant 0 : i32
        %dma_start3A_670 = tpu.memref_slice %arg4[%mul3A_666, %dma_start3A_669] : memref<512x128xf32, #tpu.memory_space<hbm>> -> memref<32x128xf32, #tpu.memory_space<hbm>>
        tpu.enqueue_dma source(%dma_start3A_670 : memref<32x128xf32, #tpu.memory_space<hbm>>) target(%arg8 : memref<32x128xf32, #tpu.memory_space<vmem>>) target_semaphore(%arg12 : memref<!tpu.dma_semaphore, #tpu.memory_space<semaphore_mem>>)
      } else {
      }
      %ge3A_482 = arith.constant 1 : i32
      %ge3A_483 = arith.cmpi sge, %scan3A_204, %ge3A_482 : i32
      %convert_element_type3A_484 = arith.extui %ge3A_483 : i1 to i32
      %cond3A_485 = arith.constant 0 : i32
      %cond3A_486 = arith.cmpi ne, %convert_element_type3A_484, %cond3A_485 : i32
      scf.if %cond3A_486 {
        %dma_wait3A_641 = arith.constant 0 : i32
        %dma_wait3A_642 = arith.constant 0 : i32
        %dma_wait3A_643 = tpu.memref_slice %arg11[%dma_wait3A_641, %dma_wait3A_642] : memref<256x128xf32, #tpu.memory_space<vmem>> -> memref<32x128xf32, #tpu.memory_space<vmem>>
        %dma_wait3A_644 = arith.constant 0 : i32
        %dma_wait3A_645 = arith.constant 0 : i32
        %dma_wait3A_646 = tpu.memref_slice %arg5[%dma_wait3A_644, %dma_wait3A_645] : memref<524288x128xf32, #tpu.memory_space<hbm>> -> memref<32x128xf32, #tpu.memory_space<hbm>>
        %dma_wait3A_647 = arith.constant 0 : i32
        %dma_wait3A_648 = arith.constant 0 : i32
        %dma_wait3A_649 = tpu.memref_slice %arg5[%dma_wait3A_647, %dma_wait3A_648] : memref<524288x128xf32, #tpu.memory_space<hbm>> -> memref<32x128xf32, #tpu.memory_space<hbm>>
        %dma_wait3A_650 = arith.constant 0 : i32
        %dma_wait3A_651 = arith.constant 0 : i32
        %dma_wait3A_652 = tpu.memref_slice %arg11[%dma_wait3A_650, %dma_wait3A_651] : memref<256x128xf32, #tpu.memory_space<vmem>> -> memref<32x128xf32, #tpu.memory_space<vmem>>
        tpu.wait_dma2 semaphore(%arg15 : memref<!tpu.dma_semaphore, #tpu.memory_space<semaphore_mem>>) src(%dma_wait3A_652 : memref<32x128xf32, #tpu.memory_space<vmem>>) dst(%dma_wait3A_649 : memref<32x128xf32, #tpu.memory_space<hbm>>)
        %dma_wait3A_653 = arith.constant 0 : i32
        %dma_wait3A_654 = arith.constant 0 : i32
        %dma_wait3A_655 = tpu.memref_slice %arg11[%dma_wait3A_653, %dma_wait3A_654] : memref<256x128xf32, #tpu.memory_space<vmem>> -> memref<32x128xf32, #tpu.memory_space<vmem>>
        %dma_wait3A_656 = arith.constant 0 : i32
        %dma_wait3A_657 = arith.constant 0 : i32
        %dma_wait3A_658 = tpu.memref_slice %arg5[%dma_wait3A_656, %dma_wait3A_657] : memref<524288x128xf32, #tpu.memory_space<hbm>> -> memref<32x128xf32, #tpu.memory_space<hbm>>
        %dma_wait3A_659 = arith.constant 0 : i32
        %dma_wait3A_660 = arith.constant 0 : i32
        %dma_wait3A_661 = tpu.memref_slice %arg5[%dma_wait3A_659, %dma_wait3A_660] : memref<524288x128xf32, #tpu.memory_space<hbm>> -> memref<32x128xf32, #tpu.memory_space<hbm>>
        %dma_wait3A_662 = arith.constant 0 : i32
        %dma_wait3A_663 = arith.constant 0 : i32
        %dma_wait3A_664 = tpu.memref_slice %arg11[%dma_wait3A_662, %dma_wait3A_663] : memref<256x128xf32, #tpu.memory_space<vmem>> -> memref<32x128xf32, #tpu.memory_space<vmem>>
        tpu.wait_dma2 semaphore(%arg15 : memref<!tpu.dma_semaphore, #tpu.memory_space<semaphore_mem>>) src(%dma_wait3A_664 : memref<32x128xf32, #tpu.memory_space<vmem>>) dst(%dma_wait3A_661 : memref<32x128xf32, #tpu.memory_space<hbm>>)
        %dma_wait3A_665 = arith.constant 0 : i32
        %dma_wait3A_666 = arith.constant 0 : i32
        %dma_wait3A_667 = tpu.memref_slice %arg11[%dma_wait3A_665, %dma_wait3A_666] : memref<256x128xf32, #tpu.memory_space<vmem>> -> memref<32x128xf32, #tpu.memory_space<vmem>>
        %dma_wait3A_668 = arith.constant 0 : i32
        %dma_wait3A_669 = arith.constant 0 : i32
        %dma_wait3A_670 = tpu.memref_slice %arg5[%dma_wait3A_668, %dma_wait3A_669] : memref<524288x128xf32, #tpu.memory_space<hbm>> -> memref<32x128xf32, #tpu.memory_space<hbm>>
        %dma_wait3A_671 = arith.constant 0 : i32
        %dma_wait3A_672 = arith.constant 0 : i32
        %dma_wait3A_673 = tpu.memref_slice %arg5[%dma_wait3A_671, %dma_wait3A_672] : memref<524288x128xf32, #tpu.memory_space<hbm>> -> memref<32x128xf32, #tpu.memory_space<hbm>>
        %dma_wait3A_674 = arith.constant 0 : i32
        %dma_wait3A_675 = arith.constant 0 : i32
        %dma_wait3A_676 = tpu.memref_slice %arg11[%dma_wait3A_674, %dma_wait3A_675] : memref<256x128xf32, #tpu.memory_space<vmem>> -> memref<32x128xf32, #tpu.memory_space<vmem>>
        tpu.wait_dma2 semaphore(%arg15 : memref<!tpu.dma_semaphore, #tpu.memory_space<semaphore_mem>>) src(%dma_wait3A_676 : memref<32x128xf32, #tpu.memory_space<vmem>>) dst(%dma_wait3A_673 : memref<32x128xf32, #tpu.memory_space<hbm>>)
        %dma_wait3A_677 = arith.constant 0 : i32
        %dma_wait3A_678 = arith.constant 0 : i32
        %dma_wait3A_679 = tpu.memref_slice %arg11[%dma_wait3A_677, %dma_wait3A_678] : memref<256x128xf32, #tpu.memory_space<vmem>> -> memref<32x128xf32, #tpu.memory_space<vmem>>
        %dma_wait3A_680 = arith.constant 0 : i32
        %dma_wait3A_681 = arith.constant 0 : i32
        %dma_wait3A_682 = tpu.memref_slice %arg5[%dma_wait3A_680, %dma_wait3A_681] : memref<524288x128xf32, #tpu.memory_space<hbm>> -> memref<32x128xf32, #tpu.memory_space<hbm>>
        %dma_wait3A_683 = arith.constant 0 : i32
        %dma_wait3A_684 = arith.constant 0 : i32
        %dma_wait3A_685 = tpu.memref_slice %arg5[%dma_wait3A_683, %dma_wait3A_684] : memref<524288x128xf32, #tpu.memory_space<hbm>> -> memref<32x128xf32, #tpu.memory_space<hbm>>
        %dma_wait3A_686 = arith.constant 0 : i32
        %dma_wait3A_687 = arith.constant 0 : i32
        %dma_wait3A_688 = tpu.memref_slice %arg11[%dma_wait3A_686, %dma_wait3A_687] : memref<256x128xf32, #tpu.memory_space<vmem>> -> memref<32x128xf32, #tpu.memory_space<vmem>>
        tpu.wait_dma2 semaphore(%arg15 : memref<!tpu.dma_semaphore, #tpu.memory_space<semaphore_mem>>) src(%dma_wait3A_688 : memref<32x128xf32, #tpu.memory_space<vmem>>) dst(%dma_wait3A_685 : memref<32x128xf32, #tpu.memory_space<hbm>>)
        %dma_wait3A_689 = arith.constant 0 : i32
        %dma_wait3A_690 = arith.constant 0 : i32
        %dma_wait3A_691 = tpu.memref_slice %arg11[%dma_wait3A_689, %dma_wait3A_690] : memref<256x128xf32, #tpu.memory_space<vmem>> -> memref<32x128xf32, #tpu.memory_space<vmem>>
        %dma_wait3A_692 = arith.constant 0 : i32
        %dma_wait3A_693 = arith.constant 0 : i32
        %dma_wait3A_694 = tpu.memref_slice %arg5[%dma_wait3A_692, %dma_wait3A_693] : memref<524288x128xf32, #tpu.memory_space<hbm>> -> memref<32x128xf32, #tpu.memory_space<hbm>>
        %dma_wait3A_695 = arith.constant 0 : i32
        %dma_wait3A_696 = arith.constant 0 : i32
        %dma_wait3A_697 = tpu.memref_slice %arg5[%dma_wait3A_695, %dma_wait3A_696] : memref<524288x128xf32, #tpu.memory_space<hbm>> -> memref<32x128xf32, #tpu.memory_space<hbm>>
        %dma_wait3A_698 = arith.constant 0 : i32
        %dma_wait3A_699 = arith.constant 0 : i32
        %dma_wait3A_700 = tpu.memref_slice %arg11[%dma_wait3A_698, %dma_wait3A_699] : memref<256x128xf32, #tpu.memory_space<vmem>> -> memref<32x128xf32, #tpu.memory_space<vmem>>
        tpu.wait_dma2 semaphore(%arg15 : memref<!tpu.dma_semaphore, #tpu.memory_space<semaphore_mem>>) src(%dma_wait3A_700 : memref<32x128xf32, #tpu.memory_space<vmem>>) dst(%dma_wait3A_697 : memref<32x128xf32, #tpu.memory_space<hbm>>)
        %dma_wait3A_701 = arith.constant 0 : i32
        %dma_wait3A_702 = arith.constant 0 : i32
        %dma_wait3A_703 = tpu.memref_slice %arg11[%dma_wait3A_701, %dma_wait3A_702] : memref<256x128xf32, #tpu.memory_space<vmem>> -> memref<32x128xf32, #tpu.memory_space<vmem>>
        %dma_wait3A_704 = arith.constant 0 : i32
        %dma_wait3A_705 = arith.constant 0 : i32
        %dma_wait3A_706 = tpu.memref_slice %arg5[%dma_wait3A_704, %dma_wait3A_705] : memref<524288x128xf32, #tpu.memory_space<hbm>> -> memref<32x128xf32, #tpu.memory_space<hbm>>
        %dma_wait3A_707 = arith.constant 0 : i32
        %dma_wait3A_708 = arith.constant 0 : i32
        %dma_wait3A_709 = tpu.memref_slice %arg5[%dma_wait3A_707, %dma_wait3A_708] : memref<524288x128xf32, #tpu.memory_space<hbm>> -> memref<32x128xf32, #tpu.memory_space<hbm>>
        %dma_wait3A_710 = arith.constant 0 : i32
        %dma_wait3A_711 = arith.constant 0 : i32
        %dma_wait3A_712 = tpu.memref_slice %arg11[%dma_wait3A_710, %dma_wait3A_711] : memref<256x128xf32, #tpu.memory_space<vmem>> -> memref<32x128xf32, #tpu.memory_space<vmem>>
        tpu.wait_dma2 semaphore(%arg15 : memref<!tpu.dma_semaphore, #tpu.memory_space<semaphore_mem>>) src(%dma_wait3A_712 : memref<32x128xf32, #tpu.memory_space<vmem>>) dst(%dma_wait3A_709 : memref<32x128xf32, #tpu.memory_space<hbm>>)
        %dma_wait3A_713 = arith.constant 0 : i32
        %dma_wait3A_714 = arith.constant 0 : i32
        %dma_wait3A_715 = tpu.memref_slice %arg11[%dma_wait3A_713, %dma_wait3A_714] : memref<256x128xf32, #tpu.memory_space<vmem>> -> memref<32x128xf32, #tpu.memory_space<vmem>>
        %dma_wait3A_716 = arith.constant 0 : i32
        %dma_wait3A_717 = arith.constant 0 : i32
        %dma_wait3A_718 = tpu.memref_slice %arg5[%dma_wait3A_716, %dma_wait3A_717] : memref<524288x128xf32, #tpu.memory_space<hbm>> -> memref<32x128xf32, #tpu.memory_space<hbm>>
        %dma_wait3A_719 = arith.constant 0 : i32
        %dma_wait3A_720 = arith.constant 0 : i32
        %dma_wait3A_721 = tpu.memref_slice %arg5[%dma_wait3A_719, %dma_wait3A_720] : memref<524288x128xf32, #tpu.memory_space<hbm>> -> memref<32x128xf32, #tpu.memory_space<hbm>>
        %dma_wait3A_722 = arith.constant 0 : i32
        %dma_wait3A_723 = arith.constant 0 : i32
        %dma_wait3A_724 = tpu.memref_slice %arg11[%dma_wait3A_722, %dma_wait3A_723] : memref<256x128xf32, #tpu.memory_space<vmem>> -> memref<32x128xf32, #tpu.memory_space<vmem>>
        tpu.wait_dma2 semaphore(%arg15 : memref<!tpu.dma_semaphore, #tpu.memory_space<semaphore_mem>>) src(%dma_wait3A_724 : memref<32x128xf32, #tpu.memory_space<vmem>>) dst(%dma_wait3A_721 : memref<32x128xf32, #tpu.memory_space<hbm>>)
        %dma_wait3A_725 = arith.constant 0 : i32
        %dma_wait3A_726 = arith.constant 0 : i32
        %dma_wait3A_727 = tpu.memref_slice %arg11[%dma_wait3A_725, %dma_wait3A_726] : memref<256x128xf32, #tpu.memory_space<vmem>> -> memref<32x128xf32, #tpu.memory_space<vmem>>
        %dma_wait3A_728 = arith.constant 0 : i32
        %dma_wait3A_729 = arith.constant 0 : i32
        %dma_wait3A_730 = tpu.memref_slice %arg5[%dma_wait3A_728, %dma_wait3A_729] : memref<524288x128xf32, #tpu.memory_space<hbm>> -> memref<32x128xf32, #tpu.memory_space<hbm>>
        %dma_wait3A_731 = arith.constant 0 : i32
        %dma_wait3A_732 = arith.constant 0 : i32
        %dma_wait3A_733 = tpu.memref_slice %arg5[%dma_wait3A_731, %dma_wait3A_732] : memref<524288x128xf32, #tpu.memory_space<hbm>> -> memref<32x128xf32, #tpu.memory_space<hbm>>
        %dma_wait3A_734 = arith.constant 0 : i32
        %dma_wait3A_735 = arith.constant 0 : i32
        %dma_wait3A_736 = tpu.memref_slice %arg11[%dma_wait3A_734, %dma_wait3A_735] : memref<256x128xf32, #tpu.memory_space<vmem>> -> memref<32x128xf32, #tpu.memory_space<vmem>>
        tpu.wait_dma2 semaphore(%arg15 : memref<!tpu.dma_semaphore, #tpu.memory_space<semaphore_mem>>) src(%dma_wait3A_736 : memref<32x128xf32, #tpu.memory_space<vmem>>) dst(%dma_wait3A_733 : memref<32x128xf32, #tpu.memory_space<hbm>>)
      } else {
      }
      %dma_wait3A_487 = arith.constant 0 : i32
      %dma_wait3A_488 = tpu.memref_slice %arg4[%mul3A_474, %dma_wait3A_487] : memref<512x128xf32, #tpu.memory_space<hbm>> -> memref<32x128xf32, #tpu.memory_space<hbm>>
      %dma_wait3A_489 = arith.constant 0 : i32
      %dma_wait3A_490 = tpu.memref_slice %arg4[%mul3A_474, %dma_wait3A_489] : memref<512x128xf32, #tpu.memory_space<hbm>> -> memref<32x128xf32, #tpu.memory_space<hbm>>
      tpu.wait_dma2 semaphore(%arg13 : memref<!tpu.dma_semaphore, #tpu.memory_space<semaphore_mem>>) src(%dma_wait3A_490 : memref<32x128xf32, #tpu.memory_space<hbm>>) dst(%arg9 : memref<32x128xf32, #tpu.memory_space<vmem>>)
      %scan3A_491 = arith.constant 0 : i32
      %scan3A_492 = arith.constant 0 : i32
      %scan3A_493 = arith.constant 16 : i32
      %scan3A_494 = arith.addi %scan3A_492, %scan3A_493 : i32
      %scan3A_495 = arith.constant 1 : i32
      scf.for %scan3A_641 = %scan3A_492 to %scan3A_494 step %scan3A_495  : i32 {
        %mul3A_642 = arith.constant 2 : i32
        %mul3A_643 = arith.muli %scan3A_641, %mul3A_642 : i32
        %mul3A_644 = arith.constant 8 : i32
        %mul3A_645 = arith.muli %mul3A_643, %mul3A_644 : i32
        %get3A = arith.index_cast %add3A_432 : i32 to index
        %get3A_646 = arith.index_cast %mul3A_645 : i32 to index
        %get3A_647 = tpu.vector_load %arg6[%get3A, %get3A_646] {strides = array<i32>} : memref<64x256xi32, #tpu.memory_space<vmem>>, vector<1x16xi32>,
        %get3A_648 = vector.shape_cast %get3A_647 : vector<1x16xi32> to vector<16xi32>
        %mul3A_649 = arith.constant 2 : i32
        %mul3A_650 = arith.muli %mul3A_649, %scan3A_641 : i32
        %get3A_651 = arith.index_cast %mul3A_650 : i32 to index
        %get3A_652 = arith.constant 0 : index
        %get3A_653 = tpu.vector_load %arg9[%get3A_651, %get3A_652] {strides = array<i32>} : memref<32x128xf32, #tpu.memory_space<vmem>>, vector<1x16xf32>,
        %get3A_654 = vector.shape_cast %get3A_653 : vector<1x16xf32> to vector<16xf32>
        %mul3A_655 = arith.constant 2 : i32
        %mul3A_656 = arith.muli %mul3A_655, %scan3A_641 : i32
        %get3A_657 = arith.index_cast %mul3A_656 : i32 to index
        %get3A_658 = arith.constant 16 : index
        %get3A_659 = tpu.vector_load %arg9[%get3A_657, %get3A_658] {strides = array<i32>} : memref<32x128xf32, #tpu.memory_space<vmem>>, vector<1x16xf32>,
        %get3A_660 = vector.shape_cast %get3A_659 : vector<1x16xf32> to vector<16xf32>
        %mul3A_661 = arith.constant 2 : i32
        %mul3A_662 = arith.muli %mul3A_661, %scan3A_641 : i32
        %get3A_663 = arith.index_cast %mul3A_662 : i32 to index
        %get3A_664 = arith.constant 32 : index
        %get3A_665 = tpu.vector_load %arg9[%get3A_663, %get3A_664] {strides = array<i32>} : memref<32x128xf32, #tpu.memory_space<vmem>>, vector<1x16xf32>,
        %get3A_666 = vector.shape_cast %get3A_665 : vector<1x16xf32> to vector<16xf32>
        %mul3A_667 = arith.constant 2 : i32
        %mul3A_668 = arith.muli %mul3A_667, %scan3A_641 : i32
        %get3A_669 = arith.index_cast %mul3A_668 : i32 to index
        %get3A_670 = arith.constant 48 : index
        %get3A_671 = tpu.vector_load %arg9[%get3A_669, %get3A_670] {strides = array<i32>} : memref<32x128xf32, #tpu.memory_space<vmem>>, vector<1x16xf32>,
        %get3A_672 = vector.shape_cast %get3A_671 : vector<1x16xf32> to vector<16xf32>
        %mul3A_673 = arith.constant 2 : i32
        %mul3A_674 = arith.muli %mul3A_673, %scan3A_641 : i32
        %get3A_675 = arith.index_cast %mul3A_674 : i32 to index
        %get3A_676 = arith.constant 64 : index
        %get3A_677 = tpu.vector_load %arg9[%get3A_675, %get3A_676] {strides = array<i32>} : memref<32x128xf32, #tpu.memory_space<vmem>>, vector<1x16xf32>,
        %get3A_678 = vector.shape_cast %get3A_677 : vector<1x16xf32> to vector<16xf32>
        %mul3A_679 = arith.constant 2 : i32
        %mul3A_680 = arith.muli %mul3A_679, %scan3A_641 : i32
        %get3A_681 = arith.index_cast %mul3A_680 : i32 to index
        %get3A_682 = arith.constant 80 : index
        %get3A_683 = tpu.vector_load %arg9[%get3A_681, %get3A_682] {strides = array<i32>} : memref<32x128xf32, #tpu.memory_space<vmem>>, vector<1x16xf32>,
        %get3A_684 = vector.shape_cast %get3A_683 : vector<1x16xf32> to vector<16xf32>
        %mul3A_685 = arith.constant 2 : i32
        %mul3A_686 = arith.muli %mul3A_685, %scan3A_641 : i32
        %get3A_687 = arith.index_cast %mul3A_686 : i32 to index
        %get3A_688 = arith.constant 96 : index
        %get3A_689 = tpu.vector_load %arg9[%get3A_687, %get3A_688] {strides = array<i32>} : memref<32x128xf32, #tpu.memory_space<vmem>>, vector<1x16xf32>,
        %get3A_690 = vector.shape_cast %get3A_689 : vector<1x16xf32> to vector<16xf32>
        %mul3A_691 = arith.constant 2 : i32
        %mul3A_692 = arith.muli %mul3A_691, %scan3A_641 : i32
        %get3A_693 = arith.index_cast %mul3A_692 : i32 to index
        %get3A_694 = arith.constant 112 : index
        %get3A_695 = tpu.vector_load %arg9[%get3A_693, %get3A_694] {strides = array<i32>} : memref<32x128xf32, #tpu.memory_space<vmem>>, vector<1x16xf32>,
        %get3A_696 = vector.shape_cast %get3A_695 : vector<1x16xf32> to vector<16xf32>
        %mul3A_697 = arith.constant 2 : i32
        %mul3A_698 = arith.muli %mul3A_697, %scan3A_641 : i32
        %add3A_699 = arith.constant 1 : i32
        %add3A_700 = arith.addi %mul3A_698, %add3A_699 : i32
        %get3A_701 = arith.index_cast %add3A_700 : i32 to index
        %get3A_702 = arith.constant 0 : index
        %get3A_703 = tpu.vector_load %arg9[%get3A_701, %get3A_702] {strides = array<i32>} : memref<32x128xf32, #tpu.memory_space<vmem>>, vector<1x16xf32>,
        %get3A_704 = vector.shape_cast %get3A_703 : vector<1x16xf32> to vector<16xf32>
        %mul3A_705 = arith.constant 2 : i32
        %mul3A_706 = arith.muli %mul3A_705, %scan3A_641 : i32
        %add3A_707 = arith.constant 1 : i32
        %add3A_708 = arith.addi %mul3A_706, %add3A_707 : i32
        %get3A_709 = arith.index_cast %add3A_708 : i32 to index
        %get3A_710 = arith.constant 16 : index
        %get3A_711 = tpu.vector_load %arg9[%get3A_709, %get3A_710] {strides = array<i32>} : memref<32x128xf32, #tpu.memory_space<vmem>>, vector<1x16xf32>,
        %get3A_712 = vector.shape_cast %get3A_711 : vector<1x16xf32> to vector<16xf32>
        %mul3A_713 = arith.constant 2 : i32
        %mul3A_714 = arith.muli %mul3A_713, %scan3A_641 : i32
        %add3A_715 = arith.constant 1 : i32
        %add3A_716 = arith.addi %mul3A_714, %add3A_715 : i32
        %get3A_717 = arith.index_cast %add3A_716 : i32 to index
        %get3A_718 = arith.constant 32 : index
        %get3A_719 = tpu.vector_load %arg9[%get3A_717, %get3A_718] {strides = array<i32>} : memref<32x128xf32, #tpu.memory_space<vmem>>, vector<1x16xf32>,
        %get3A_720 = vector.shape_cast %get3A_719 : vector<1x16xf32> to vector<16xf32>
        %mul3A_721 = arith.constant 2 : i32
        %mul3A_722 = arith.muli %mul3A_721, %scan3A_641 : i32
        %add3A_723 = arith.constant 1 : i32
        %add3A_724 = arith.addi %mul3A_722, %add3A_723 : i32
        %get3A_725 = arith.index_cast %add3A_724 : i32 to index
        %get3A_726 = arith.constant 48 : index
        %get3A_727 = tpu.vector_load %arg9[%get3A_725, %get3A_726] {strides = array<i32>} : memref<32x128xf32, #tpu.memory_space<vmem>>, vector<1x16xf32>,
        %get3A_728 = vector.shape_cast %get3A_727 : vector<1x16xf32> to vector<16xf32>
        %mul3A_729 = arith.constant 2 : i32
        %mul3A_730 = arith.muli %mul3A_729, %scan3A_641 : i32
        %add3A_731 = arith.constant 1 : i32
        %add3A_732 = arith.addi %mul3A_730, %add3A_731 : i32
        %get3A_733 = arith.index_cast %add3A_732 : i32 to index
        %get3A_734 = arith.constant 64 : index
        %get3A_735 = tpu.vector_load %arg9[%get3A_733, %get3A_734] {strides = array<i32>} : memref<32x128xf32, #tpu.memory_space<vmem>>, vector<1x16xf32>,
        %get3A_736 = vector.shape_cast %get3A_735 : vector<1x16xf32> to vector<16xf32>
        %mul3A_737 = arith.constant 2 : i32
        %mul3A_738 = arith.muli %mul3A_737, %scan3A_641 : i32
        %add3A_739 = arith.constant 1 : i32
        %add3A_740 = arith.addi %mul3A_738, %add3A_739 : i32
        %get3A_741 = arith.index_cast %add3A_740 : i32 to index
        %get3A_742 = arith.constant 80 : index
        %get3A_743 = tpu.vector_load %arg9[%get3A_741, %get3A_742] {strides = array<i32>} : memref<32x128xf32, #tpu.memory_space<vmem>>, vector<1x16xf32>,
        %get3A_744 = vector.shape_cast %get3A_743 : vector<1x16xf32> to vector<16xf32>
        %mul3A_745 = arith.constant 2 : i32
        %mul3A_746 = arith.muli %mul3A_745, %scan3A_641 : i32
        %add3A_747 = arith.constant 1 : i32
        %add3A_748 = arith.addi %mul3A_746, %add3A_747 : i32
        %get3A_749 = arith.index_cast %add3A_748 : i32 to index
        %get3A_750 = arith.constant 96 : index
        %get3A_751 = tpu.vector_load %arg9[%get3A_749, %get3A_750] {strides = array<i32>} : memref<32x128xf32, #tpu.memory_space<vmem>>, vector<1x16xf32>,
        %get3A_752 = vector.shape_cast %get3A_751 : vector<1x16xf32> to vector<16xf32>
        %mul3A_753 = arith.constant 2 : i32
        %mul3A_754 = arith.muli %mul3A_753, %scan3A_641 : i32
        %add3A_755 = arith.constant 1 : i32
        %add3A_756 = arith.addi %mul3A_754, %add3A_755 : i32
        %get3A_757 = arith.index_cast %add3A_756 : i32 to index
        %get3A_758 = arith.constant 112 : index
        %get3A_759 = tpu.vector_load %arg9[%get3A_757, %get3A_758] {strides = array<i32>} : memref<32x128xf32, #tpu.memory_space<vmem>>, vector<1x16xf32>,
        %get3A_760 = vector.shape_cast %get3A_759 : vector<1x16xf32> to vector<16xf32>
        %slice3A = vector.extract_strided_slice %get3A_648 {offsets = [0], sizes = [1], strides = [1]} : vector<16xi32> to vector<1xi32>
        %squeeze3A = vector.extract %slice3A[0] : i32 from vector<1xi32>
        %slice3A_761 = vector.extract_strided_slice %get3A_648 {offsets = [8], sizes = [1], strides = [1]} : vector<16xi32> to vector<1xi32>
        %squeeze3A_762 = vector.extract %slice3A_761[0] : i32 from vector<1xi32>
        %get3A_763 = arith.index_cast %squeeze3A : i32 to index
        %get3A_764 = arith.constant 0 : index
        %get3A_765 = tpu.vector_load %arg7[%get3A_763, %get3A_764] {strides = array<i32>} : memref<128x128xf32, #tpu.memory_space<vmem>>, vector<1x16xf32>,
        %get3A_766 = vector.shape_cast %get3A_765 : vector<1x16xf32> to vector<16xf32>
        %get3A_767 = arith.index_cast %squeeze3A : i32 to index
        %get3A_768 = arith.constant 16 : index
        %get3A_769 = tpu.vector_load %arg7[%get3A_767, %get3A_768] {strides = array<i32>} : memref<128x128xf32, #tpu.memory_space<vmem>>, vector<1x16xf32>,
        %get3A_770 = vector.shape_cast %get3A_769 : vector<1x16xf32> to vector<16xf32>
        %get3A_771 = arith.index_cast %squeeze3A : i32 to index
        %get3A_772 = arith.constant 32 : index
        %get3A_773 = tpu.vector_load %arg7[%get3A_771, %get3A_772] {strides = array<i32>} : memref<128x128xf32, #tpu.memory_space<vmem>>, vector<1x16xf32>,
        %get3A_774 = vector.shape_cast %get3A_773 : vector<1x16xf32> to vector<16xf32>
        %get3A_775 = arith.index_cast %squeeze3A : i32 to index
        %get3A_776 = arith.constant 48 : index
        %get3A_777 = tpu.vector_load %arg7[%get3A_775, %get3A_776] {strides = array<i32>} : memref<128x128xf32, #tpu.memory_space<vmem>>, vector<1x16xf32>,
        %get3A_778 = vector.shape_cast %get3A_777 : vector<1x16xf32> to vector<16xf32>
        %get3A_779 = arith.index_cast %squeeze3A : i32 to index
        %get3A_780 = arith.constant 64 : index
        %get3A_781 = tpu.vector_load %arg7[%get3A_779, %get3A_780] {strides = array<i32>} : memref<128x128xf32, #tpu.memory_space<vmem>>, vector<1x16xf32>,
        %get3A_782 = vector.shape_cast %get3A_781 : vector<1x16xf32> to vector<16xf32>
        %get3A_783 = arith.index_cast %squeeze3A : i32 to index
        %get3A_784 = arith.constant 80 : index
        %get3A_785 = tpu.vector_load %arg7[%get3A_783, %get3A_784] {strides = array<i32>} : memref<128x128xf32, #tpu.memory_space<vmem>>, vector<1x16xf32>,
        %get3A_786 = vector.shape_cast %get3A_785 : vector<1x16xf32> to vector<16xf32>
        %get3A_787 = arith.index_cast %squeeze3A : i32 to index
        %get3A_788 = arith.constant 96 : index
        %get3A_789 = tpu.vector_load %arg7[%get3A_787, %get3A_788] {strides = array<i32>} : memref<128x128xf32, #tpu.memory_space<vmem>>, vector<1x16xf32>,
        %get3A_790 = vector.shape_cast %get3A_789 : vector<1x16xf32> to vector<16xf32>
        %get3A_791 = arith.index_cast %squeeze3A : i32 to index
        %get3A_792 = arith.constant 112 : index
        %get3A_793 = tpu.vector_load %arg7[%get3A_791, %get3A_792] {strides = array<i32>} : memref<128x128xf32, #tpu.memory_space<vmem>>, vector<1x16xf32>,
        %get3A_794 = vector.shape_cast %get3A_793 : vector<1x16xf32> to vector<16xf32>
        %get3A_795 = arith.index_cast %squeeze3A_762 : i32 to index
        %get3A_796 = arith.constant 0 : index
        %get3A_797 = tpu.vector_load %arg7[%get3A_795, %get3A_796] {strides = array<i32>} : memref<128x128xf32, #tpu.memory_space<vmem>>, vector<1x16xf32>,
        %get3A_798 = vector.shape_cast %get3A_797 : vector<1x16xf32> to vector<16xf32>
        %get3A_799 = arith.index_cast %squeeze3A_762 : i32 to index
        %get3A_800 = arith.constant 16 : index
        %get3A_801 = tpu.vector_load %arg7[%get3A_799, %get3A_800] {strides = array<i32>} : memref<128x128xf32, #tpu.memory_space<vmem>>, vector<1x16xf32>,
        %get3A_802 = vector.shape_cast %get3A_801 : vector<1x16xf32> to vector<16xf32>
        %get3A_803 = arith.index_cast %squeeze3A_762 : i32 to index
        %get3A_804 = arith.constant 32 : index
        %get3A_805 = tpu.vector_load %arg7[%get3A_803, %get3A_804] {strides = array<i32>} : memref<128x128xf32, #tpu.memory_space<vmem>>, vector<1x16xf32>,
        %get3A_806 = vector.shape_cast %get3A_805 : vector<1x16xf32> to vector<16xf32>
        %get3A_807 = arith.index_cast %squeeze3A_762 : i32 to index
        %get3A_808 = arith.constant 48 : index
        %get3A_809 = tpu.vector_load %arg7[%get3A_807, %get3A_808] {strides = array<i32>} : memref<128x128xf32, #tpu.memory_space<vmem>>, vector<1x16xf32>,
        %get3A_810 = vector.shape_cast %get3A_809 : vector<1x16xf32> to vector<16xf32>
        %get3A_811 = arith.index_cast %squeeze3A_762 : i32 to index
        %get3A_812 = arith.constant 64 : index
        %get3A_813 = tpu.vector_load %arg7[%get3A_811, %get3A_812] {strides = array<i32>} : memref<128x128xf32, #tpu.memory_space<vmem>>, vector<1x16xf32>,
        %get3A_814 = vector.shape_cast %get3A_813 : vector<1x16xf32> to vector<16xf32>
        %get3A_815 = arith.index_cast %squeeze3A_762 : i32 to index
        %get3A_816 = arith.constant 80 : index
        %get3A_817 = tpu.vector_load %arg7[%get3A_815, %get3A_816] {strides = array<i32>} : memref<128x128xf32, #tpu.memory_space<vmem>>, vector<1x16xf32>,
        %get3A_818 = vector.shape_cast %get3A_817 : vector<1x16xf32> to vector<16xf32>
        %get3A_819 = arith.index_cast %squeeze3A_762 : i32 to index
        %get3A_820 = arith.constant 96 : index
        %get3A_821 = tpu.vector_load %arg7[%get3A_819, %get3A_820] {strides = array<i32>} : memref<128x128xf32, #tpu.memory_space<vmem>>, vector<1x16xf32>,
        %get3A_822 = vector.shape_cast %get3A_821 : vector<1x16xf32> to vector<16xf32>
        %get3A_823 = arith.index_cast %squeeze3A_762 : i32 to index
        %get3A_824 = arith.constant 112 : index
        %get3A_825 = tpu.vector_load %arg7[%get3A_823, %get3A_824] {strides = array<i32>} : memref<128x128xf32, #tpu.memory_space<vmem>>, vector<1x16xf32>,
        %get3A_826 = vector.shape_cast %get3A_825 : vector<1x16xf32> to vector<16xf32>
        %add3A_827 = arith.addf %get3A_766, %get3A_654 : vector<16xf32>
        %mul3A_828 = arith.constant 2 : i32
        %mul3A_829 = arith.muli %mul3A_828, %scan3A_641 : i32
        %add3A_830 = arith.constant 0 : i32
        %add3A_831 = arith.addi %add3A_830, %mul3A_829 : i32
        %swap3A = arith.index_cast %add3A_831 : i32 to index
        %swap3A_832 = arith.constant 0 : index
        %swap3A_833 = tpu.vector_load %arg11[%swap3A, %swap3A_832] {strides = array<i32>} : memref<256x128xf32, #tpu.memory_space<vmem>>, vector<1x16xf32>,
        %swap3A_834 = vector.shape_cast %swap3A_833 : vector<1x16xf32> to vector<16xf32>
        %swap3A_835 = vector.shape_cast %add3A_827 : vector<16xf32> to vector<1x16xf32>
        tpu.vector_store %arg11[%swap3A, %swap3A_832], %swap3A_835 {strides = array<i32>} : memref<256x128xf32, #tpu.memory_space<vmem>>, vector<1x16xf32>,
        %add3A_836 = arith.addf %get3A_798, %get3A_704 : vector<16xf32>
        %mul3A_837 = arith.constant 2 : i32
        %mul3A_838 = arith.muli %mul3A_837, %scan3A_641 : i32
        %add3A_839 = arith.constant 0 : i32
        %add3A_840 = arith.addi %add3A_839, %mul3A_838 : i32
        %add3A_841 = arith.constant 1 : i32
        %add3A_842 = arith.addi %add3A_840, %add3A_841 : i32
        %swap3A_843 = arith.index_cast %add3A_842 : i32 to index
        %swap3A_844 = arith.constant 0 : index
        %swap3A_845 = tpu.vector_load %arg11[%swap3A_843, %swap3A_844] {strides = array<i32>} : memref<256x128xf32, #tpu.memory_space<vmem>>, vector<1x16xf32>,
        %swap3A_846 = vector.shape_cast %swap3A_845 : vector<1x16xf32> to vector<16xf32>
        %swap3A_847 = vector.shape_cast %add3A_836 : vector<16xf32> to vector<1x16xf32>
        tpu.vector_store %arg11[%swap3A_843, %swap3A_844], %swap3A_847 {strides = array<i32>} : memref<256x128xf32, #tpu.memory_space<vmem>>, vector<1x16xf32>,
        %add3A_848 = arith.addf %get3A_770, %get3A_660 : vector<16xf32>
        %mul3A_849 = arith.constant 2 : i32
        %mul3A_850 = arith.muli %mul3A_849, %scan3A_641 : i32
        %add3A_851 = arith.constant 0 : i32
        %add3A_852 = arith.addi %add3A_851, %mul3A_850 : i32
        %swap3A_853 = arith.index_cast %add3A_852 : i32 to index
        %swap3A_854 = arith.constant 16 : index
        %swap3A_855 = tpu.vector_load %arg11[%swap3A_853, %swap3A_854] {strides = array<i32>} : memref<256x128xf32, #tpu.memory_space<vmem>>, vector<1x16xf32>,
        %swap3A_856 = vector.shape_cast %swap3A_855 : vector<1x16xf32> to vector<16xf32>
        %swap3A_857 = vector.shape_cast %add3A_848 : vector<16xf32> to vector<1x16xf32>
        tpu.vector_store %arg11[%swap3A_853, %swap3A_854], %swap3A_857 {strides = array<i32>} : memref<256x128xf32, #tpu.memory_space<vmem>>, vector<1x16xf32>,
        %add3A_858 = arith.addf %get3A_802, %get3A_712 : vector<16xf32>
        %mul3A_859 = arith.constant 2 : i32
        %mul3A_860 = arith.muli %mul3A_859, %scan3A_641 : i32
        %add3A_861 = arith.constant 0 : i32
        %add3A_862 = arith.addi %add3A_861, %mul3A_860 : i32
        %add3A_863 = arith.constant 1 : i32
        %add3A_864 = arith.addi %add3A_862, %add3A_863 : i32
        %swap3A_865 = arith.index_cast %add3A_864 : i32 to index
        %swap3A_866 = arith.constant 16 : index
        %swap3A_867 = tpu.vector_load %arg11[%swap3A_865, %swap3A_866] {strides = array<i32>} : memref<256x128xf32, #tpu.memory_space<vmem>>, vector<1x16xf32>,
        %swap3A_868 = vector.shape_cast %swap3A_867 : vector<1x16xf32> to vector<16xf32>
        %swap3A_869 = vector.shape_cast %add3A_858 : vector<16xf32> to vector<1x16xf32>
        tpu.vector_store %arg11[%swap3A_865, %swap3A_866], %swap3A_869 {strides = array<i32>} : memref<256x128xf32, #tpu.memory_space<vmem>>, vector<1x16xf32>,
        %add3A_870 = arith.addf %get3A_774, %get3A_666 : vector<16xf32>
        %mul3A_871 = arith.constant 2 : i32
        %mul3A_872 = arith.muli %mul3A_871, %scan3A_641 : i32
        %add3A_873 = arith.constant 0 : i32
        %add3A_874 = arith.addi %add3A_873, %mul3A_872 : i32
        %swap3A_875 = arith.index_cast %add3A_874 : i32 to index
        %swap3A_876 = arith.constant 32 : index
        %swap3A_877 = tpu.vector_load %arg11[%swap3A_875, %swap3A_876] {strides = array<i32>} : memref<256x128xf32, #tpu.memory_space<vmem>>, vector<1x16xf32>,
        %swap3A_878 = vector.shape_cast %swap3A_877 : vector<1x16xf32> to vector<16xf32>
        %swap3A_879 = vector.shape_cast %add3A_870 : vector<16xf32> to vector<1x16xf32>
        tpu.vector_store %arg11[%swap3A_875, %swap3A_876], %swap3A_879 {strides = array<i32>} : memref<256x128xf32, #tpu.memory_space<vmem>>, vector<1x16xf32>,
        %add3A_880 = arith.addf %get3A_806, %get3A_720 : vector<16xf32>
        %mul3A_881 = arith.constant 2 : i32
        %mul3A_882 = arith.muli %mul3A_881, %scan3A_641 : i32
        %add3A_883 = arith.constant 0 : i32
        %add3A_884 = arith.addi %add3A_883, %mul3A_882 : i32
        %add3A_885 = arith.constant 1 : i32
        %add3A_886 = arith.addi %add3A_884, %add3A_885 : i32
        %swap3A_887 = arith.index_cast %add3A_886 : i32 to index
        %swap3A_888 = arith.constant 32 : index
        %swap3A_889 = tpu.vector_load %arg11[%swap3A_887, %swap3A_888] {strides = array<i32>} : memref<256x128xf32, #tpu.memory_space<vmem>>, vector<1x16xf32>,
        %swap3A_890 = vector.shape_cast %swap3A_889 : vector<1x16xf32> to vector<16xf32>
        %swap3A_891 = vector.shape_cast %add3A_880 : vector<16xf32> to vector<1x16xf32>
        tpu.vector_store %arg11[%swap3A_887, %swap3A_888], %swap3A_891 {strides = array<i32>} : memref<256x128xf32, #tpu.memory_space<vmem>>, vector<1x16xf32>,
        %add3A_892 = arith.addf %get3A_778, %get3A_672 : vector<16xf32>
        %mul3A_893 = arith.constant 2 : i32
        %mul3A_894 = arith.muli %mul3A_893, %scan3A_641 : i32
        %add3A_895 = arith.constant 0 : i32
        %add3A_896 = arith.addi %add3A_895, %mul3A_894 : i32
        %swap3A_897 = arith.index_cast %add3A_896 : i32 to index
        %swap3A_898 = arith.constant 48 : index
        %swap3A_899 = tpu.vector_load %arg11[%swap3A_897, %swap3A_898] {strides = array<i32>} : memref<256x128xf32, #tpu.memory_space<vmem>>, vector<1x16xf32>,
        %swap3A_900 = vector.shape_cast %swap3A_899 : vector<1x16xf32> to vector<16xf32>
        %swap3A_901 = vector.shape_cast %add3A_892 : vector<16xf32> to vector<1x16xf32>
        tpu.vector_store %arg11[%swap3A_897, %swap3A_898], %swap3A_901 {strides = array<i32>} : memref<256x128xf32, #tpu.memory_space<vmem>>, vector<1x16xf32>,
        %add3A_902 = arith.addf %get3A_810, %get3A_728 : vector<16xf32>
        %mul3A_903 = arith.constant 2 : i32
        %mul3A_904 = arith.muli %mul3A_903, %scan3A_641 : i32
        %add3A_905 = arith.constant 0 : i32
        %add3A_906 = arith.addi %add3A_905, %mul3A_904 : i32
        %add3A_907 = arith.constant 1 : i32
        %add3A_908 = arith.addi %add3A_906, %add3A_907 : i32
        %swap3A_909 = arith.index_cast %add3A_908 : i32 to index
        %swap3A_910 = arith.constant 48 : index
        %swap3A_911 = tpu.vector_load %arg11[%swap3A_909, %swap3A_910] {strides = array<i32>} : memref<256x128xf32, #tpu.memory_space<vmem>>, vector<1x16xf32>,
        %swap3A_912 = vector.shape_cast %swap3A_911 : vector<1x16xf32> to vector<16xf32>
        %swap3A_913 = vector.shape_cast %add3A_902 : vector<16xf32> to vector<1x16xf32>
        tpu.vector_store %arg11[%swap3A_909, %swap3A_910], %swap3A_913 {strides = array<i32>} : memref<256x128xf32, #tpu.memory_space<vmem>>, vector<1x16xf32>,
        %add3A_914 = arith.addf %get3A_782, %get3A_678 : vector<16xf32>
        %mul3A_915 = arith.constant 2 : i32
        %mul3A_916 = arith.muli %mul3A_915, %scan3A_641 : i32
        %add3A_917 = arith.constant 0 : i32
        %add3A_918 = arith.addi %add3A_917, %mul3A_916 : i32
        %swap3A_919 = arith.index_cast %add3A_918 : i32 to index
        %swap3A_920 = arith.constant 64 : index
        %swap3A_921 = tpu.vector_load %arg11[%swap3A_919, %swap3A_920] {strides = array<i32>} : memref<256x128xf32, #tpu.memory_space<vmem>>, vector<1x16xf32>,
        %swap3A_922 = vector.shape_cast %swap3A_921 : vector<1x16xf32> to vector<16xf32>
        %swap3A_923 = vector.shape_cast %add3A_914 : vector<16xf32> to vector<1x16xf32>
        tpu.vector_store %arg11[%swap3A_919, %swap3A_920], %swap3A_923 {strides = array<i32>} : memref<256x128xf32, #tpu.memory_space<vmem>>, vector<1x16xf32>,
        %add3A_924 = arith.addf %get3A_814, %get3A_736 : vector<16xf32>
        %mul3A_925 = arith.constant 2 : i32
        %mul3A_926 = arith.muli %mul3A_925, %scan3A_641 : i32
        %add3A_927 = arith.constant 0 : i32
        %add3A_928 = arith.addi %add3A_927, %mul3A_926 : i32
        %add3A_929 = arith.constant 1 : i32
        %add3A_930 = arith.addi %add3A_928, %add3A_929 : i32
        %swap3A_931 = arith.index_cast %add3A_930 : i32 to index
        %swap3A_932 = arith.constant 64 : index
        %swap3A_933 = tpu.vector_load %arg11[%swap3A_931, %swap3A_932] {strides = array<i32>} : memref<256x128xf32, #tpu.memory_space<vmem>>, vector<1x16xf32>,
        %swap3A_934 = vector.shape_cast %swap3A_933 : vector<1x16xf32> to vector<16xf32>
        %swap3A_935 = vector.shape_cast %add3A_924 : vector<16xf32> to vector<1x16xf32>
        tpu.vector_store %arg11[%swap3A_931, %swap3A_932], %swap3A_935 {strides = array<i32>} : memref<256x128xf32, #tpu.memory_space<vmem>>, vector<1x16xf32>,
        %add3A_936 = arith.addf %get3A_786, %get3A_684 : vector<16xf32>
        %mul3A_937 = arith.constant 2 : i32
        %mul3A_938 = arith.muli %mul3A_937, %scan3A_641 : i32
        %add3A_939 = arith.constant 0 : i32
        %add3A_940 = arith.addi %add3A_939, %mul3A_938 : i32
        %swap3A_941 = arith.index_cast %add3A_940 : i32 to index
        %swap3A_942 = arith.constant 80 : index
        %swap3A_943 = tpu.vector_load %arg11[%swap3A_941, %swap3A_942] {strides = array<i32>} : memref<256x128xf32, #tpu.memory_space<vmem>>, vector<1x16xf32>,
        %swap3A_944 = vector.shape_cast %swap3A_943 : vector<1x16xf32> to vector<16xf32>
        %swap3A_945 = vector.shape_cast %add3A_936 : vector<16xf32> to vector<1x16xf32>
        tpu.vector_store %arg11[%swap3A_941, %swap3A_942], %swap3A_945 {strides = array<i32>} : memref<256x128xf32, #tpu.memory_space<vmem>>, vector<1x16xf32>,
        %add3A_946 = arith.addf %get3A_818, %get3A_744 : vector<16xf32>
        %mul3A_947 = arith.constant 2 : i32
        %mul3A_948 = arith.muli %mul3A_947, %scan3A_641 : i32
        %add3A_949 = arith.constant 0 : i32
        %add3A_950 = arith.addi %add3A_949, %mul3A_948 : i32
        %add3A_951 = arith.constant 1 : i32
        %add3A_952 = arith.addi %add3A_950, %add3A_951 : i32
        %swap3A_953 = arith.index_cast %add3A_952 : i32 to index
        %swap3A_954 = arith.constant 80 : index
        %swap3A_955 = tpu.vector_load %arg11[%swap3A_953, %swap3A_954] {strides = array<i32>} : memref<256x128xf32, #tpu.memory_space<vmem>>, vector<1x16xf32>,
        %swap3A_956 = vector.shape_cast %swap3A_955 : vector<1x16xf32> to vector<16xf32>
        %swap3A_957 = vector.shape_cast %add3A_946 : vector<16xf32> to vector<1x16xf32>
        tpu.vector_store %arg11[%swap3A_953, %swap3A_954], %swap3A_957 {strides = array<i32>} : memref<256x128xf32, #tpu.memory_space<vmem>>, vector<1x16xf32>,
        %add3A_958 = arith.addf %get3A_790, %get3A_690 : vector<16xf32>
        %mul3A_959 = arith.constant 2 : i32
        %mul3A_960 = arith.muli %mul3A_959, %scan3A_641 : i32
        %add3A_961 = arith.constant 0 : i32
        %add3A_962 = arith.addi %add3A_961, %mul3A_960 : i32
        %swap3A_963 = arith.index_cast %add3A_962 : i32 to index
        %swap3A_964 = arith.constant 96 : index
        %swap3A_965 = tpu.vector_load %arg11[%swap3A_963, %swap3A_964] {strides = array<i32>} : memref<256x128xf32, #tpu.memory_space<vmem>>, vector<1x16xf32>,
        %swap3A_966 = vector.shape_cast %swap3A_965 : vector<1x16xf32> to vector<16xf32>
        %swap3A_967 = vector.shape_cast %add3A_958 : vector<16xf32> to vector<1x16xf32>
        tpu.vector_store %arg11[%swap3A_963, %swap3A_964], %swap3A_967 {strides = array<i32>} : memref<256x128xf32, #tpu.memory_space<vmem>>, vector<1x16xf32>,
        %add3A_968 = arith.addf %get3A_822, %get3A_752 : vector<16xf32>
        %mul3A_969 = arith.constant 2 : i32
        %mul3A_970 = arith.muli %mul3A_969, %scan3A_641 : i32
        %add3A_971 = arith.constant 0 : i32
        %add3A_972 = arith.addi %add3A_971, %mul3A_970 : i32
        %add3A_973 = arith.constant 1 : i32
        %add3A_974 = arith.addi %add3A_972, %add3A_973 : i32
        %swap3A_975 = arith.index_cast %add3A_974 : i32 to index
        %swap3A_976 = arith.constant 96 : index
        %swap3A_977 = tpu.vector_load %arg11[%swap3A_975, %swap3A_976] {strides = array<i32>} : memref<256x128xf32, #tpu.memory_space<vmem>>, vector<1x16xf32>,
        %swap3A_978 = vector.shape_cast %swap3A_977 : vector<1x16xf32> to vector<16xf32>
        %swap3A_979 = vector.shape_cast %add3A_968 : vector<16xf32> to vector<1x16xf32>
        tpu.vector_store %arg11[%swap3A_975, %swap3A_976], %swap3A_979 {strides = array<i32>} : memref<256x128xf32, #tpu.memory_space<vmem>>, vector<1x16xf32>,
        %add3A_980 = arith.addf %get3A_794, %get3A_696 : vector<16xf32>
        %mul3A_981 = arith.constant 2 : i32
        %mul3A_982 = arith.muli %mul3A_981, %scan3A_641 : i32
        %add3A_983 = arith.constant 0 : i32
        %add3A_984 = arith.addi %add3A_983, %mul3A_982 : i32
        %swap3A_985 = arith.index_cast %add3A_984 : i32 to index
        %swap3A_986 = arith.constant 112 : index
        %swap3A_987 = tpu.vector_load %arg11[%swap3A_985, %swap3A_986] {strides = array<i32>} : memref<256x128xf32, #tpu.memory_space<vmem>>, vector<1x16xf32>,
        %swap3A_988 = vector.shape_cast %swap3A_987 : vector<1x16xf32> to vector<16xf32>
        %swap3A_989 = vector.shape_cast %add3A_980 : vector<16xf32> to vector<1x16xf32>
        tpu.vector_store %arg11[%swap3A_985, %swap3A_986], %swap3A_989 {strides = array<i32>} : memref<256x128xf32, #tpu.memory_space<vmem>>, vector<1x16xf32>,
        %add3A_990 = arith.addf %get3A_826, %get3A_760 : vector<16xf32>
        %mul3A_991 = arith.constant 2 : i32
        %mul3A_992 = arith.muli %mul3A_991, %scan3A_641 : i32
        %add3A_993 = arith.constant 0 : i32
        %add3A_994 = arith.addi %add3A_993, %mul3A_992 : i32
        %add3A_995 = arith.constant 1 : i32
        %add3A_996 = arith.addi %add3A_994, %add3A_995 : i32
        %swap3A_997 = arith.index_cast %add3A_996 : i32 to index
        %swap3A_998 = arith.constant 112 : index
        %swap3A_999 = tpu.vector_load %arg11[%swap3A_997, %swap3A_998] {strides = array<i32>} : memref<256x128xf32, #tpu.memory_space<vmem>>, vector<1x16xf32>,
        %swap3A_1000 = vector.shape_cast %swap3A_999 : vector<1x16xf32> to vector<16xf32>
        %swap3A_1001 = vector.shape_cast %add3A_990 : vector<16xf32> to vector<1x16xf32>
        tpu.vector_store %arg11[%swap3A_997, %swap3A_998], %swap3A_1001 {strides = array<i32>} : memref<256x128xf32, #tpu.memory_space<vmem>>, vector<1x16xf32>,
        %slice3A_1002 = vector.extract_strided_slice %get3A_648 {offsets = [1], sizes = [1], strides = [1]} : vector<16xi32> to vector<1xi32>
        %squeeze3A_1003 = vector.extract %slice3A_1002[0] : i32 from vector<1xi32>
        %slice3A_1004 = vector.extract_strided_slice %get3A_648 {offsets = [9], sizes = [1], strides = [1]} : vector<16xi32> to vector<1xi32>
        %squeeze3A_1005 = vector.extract %slice3A_1004[0] : i32 from vector<1xi32>
        %get3A_1006 = arith.index_cast %squeeze3A_1003 : i32 to index
        %get3A_1007 = arith.constant 0 : index
        %get3A_1008 = tpu.vector_load %arg7[%get3A_1006, %get3A_1007] {strides = array<i32>} : memref<128x128xf32, #tpu.memory_space<vmem>>, vector<1x16xf32>,
        %get3A_1009 = vector.shape_cast %get3A_1008 : vector<1x16xf32> to vector<16xf32>
        %get3A_1010 = arith.index_cast %squeeze3A_1003 : i32 to index
        %get3A_1011 = arith.constant 16 : index
        %get3A_1012 = tpu.vector_load %arg7[%get3A_1010, %get3A_1011] {strides = array<i32>} : memref<128x128xf32, #tpu.memory_space<vmem>>, vector<1x16xf32>,
        %get3A_1013 = vector.shape_cast %get3A_1012 : vector<1x16xf32> to vector<16xf32>
        %get3A_1014 = arith.index_cast %squeeze3A_1003 : i32 to index
        %get3A_1015 = arith.constant 32 : index
        %get3A_1016 = tpu.vector_load %arg7[%get3A_1014, %get3A_1015] {strides = array<i32>} : memref<128x128xf32, #tpu.memory_space<vmem>>, vector<1x16xf32>,
        %get3A_1017 = vector.shape_cast %get3A_1016 : vector<1x16xf32> to vector<16xf32>
        %get3A_1018 = arith.index_cast %squeeze3A_1003 : i32 to index
        %get3A_1019 = arith.constant 48 : index
        %get3A_1020 = tpu.vector_load %arg7[%get3A_1018, %get3A_1019] {strides = array<i32>} : memref<128x128xf32, #tpu.memory_space<vmem>>, vector<1x16xf32>,
        %get3A_1021 = vector.shape_cast %get3A_1020 : vector<1x16xf32> to vector<16xf32>
        %get3A_1022 = arith.index_cast %squeeze3A_1003 : i32 to index
        %get3A_1023 = arith.constant 64 : index
        %get3A_1024 = tpu.vector_load %arg7[%get3A_1022, %get3A_1023] {strides = array<i32>} : memref<128x128xf32, #tpu.memory_space<vmem>>, vector<1x16xf32>,
        %get3A_1025 = vector.shape_cast %get3A_1024 : vector<1x16xf32> to vector<16xf32>
        %get3A_1026 = arith.index_cast %squeeze3A_1003 : i32 to index
        %get3A_1027 = arith.constant 80 : index
        %get3A_1028 = tpu.vector_load %arg7[%get3A_1026, %get3A_1027] {strides = array<i32>} : memref<128x128xf32, #tpu.memory_space<vmem>>, vector<1x16xf32>,
        %get3A_1029 = vector.shape_cast %get3A_1028 : vector<1x16xf32> to vector<16xf32>
        %get3A_1030 = arith.index_cast %squeeze3A_1003 : i32 to index
        %get3A_1031 = arith.constant 96 : index
        %get3A_1032 = tpu.vector_load %arg7[%get3A_1030, %get3A_1031] {strides = array<i32>} : memref<128x128xf32, #tpu.memory_space<vmem>>, vector<1x16xf32>,
        %get3A_1033 = vector.shape_cast %get3A_1032 : vector<1x16xf32> to vector<16xf32>
        %get3A_1034 = arith.index_cast %squeeze3A_1003 : i32 to index
        %get3A_1035 = arith.constant 112 : index
        %get3A_1036 = tpu.vector_load %arg7[%get3A_1034, %get3A_1035] {strides = array<i32>} : memref<128x128xf32, #tpu.memory_space<vmem>>, vector<1x16xf32>,
        %get3A_1037 = vector.shape_cast %get3A_1036 : vector<1x16xf32> to vector<16xf32>
        %get3A_1038 = arith.index_cast %squeeze3A_1005 : i32 to index
        %get3A_1039 = arith.constant 0 : index
        %get3A_1040 = tpu.vector_load %arg7[%get3A_1038, %get3A_1039] {strides = array<i32>} : memref<128x128xf32, #tpu.memory_space<vmem>>, vector<1x16xf32>,
        %get3A_1041 = vector.shape_cast %get3A_1040 : vector<1x16xf32> to vector<16xf32>
        %get3A_1042 = arith.index_cast %squeeze3A_1005 : i32 to index
        %get3A_1043 = arith.constant 16 : index
        %get3A_1044 = tpu.vector_load %arg7[%get3A_1042, %get3A_1043] {strides = array<i32>} : memref<128x128xf32, #tpu.memory_space<vmem>>, vector<1x16xf32>,
        %get3A_1045 = vector.shape_cast %get3A_1044 : vector<1x16xf32> to vector<16xf32>
        %get3A_1046 = arith.index_cast %squeeze3A_1005 : i32 to index
        %get3A_1047 = arith.constant 32 : index
        %get3A_1048 = tpu.vector_load %arg7[%get3A_1046, %get3A_1047] {strides = array<i32>} : memref<128x128xf32, #tpu.memory_space<vmem>>, vector<1x16xf32>,
        %get3A_1049 = vector.shape_cast %get3A_1048 : vector<1x16xf32> to vector<16xf32>
        %get3A_1050 = arith.index_cast %squeeze3A_1005 : i32 to index
        %get3A_1051 = arith.constant 48 : index
        %get3A_1052 = tpu.vector_load %arg7[%get3A_1050, %get3A_1051] {strides = array<i32>} : memref<128x128xf32, #tpu.memory_space<vmem>>, vector<1x16xf32>,
        %get3A_1053 = vector.shape_cast %get3A_1052 : vector<1x16xf32> to vector<16xf32>
        %get3A_1054 = arith.index_cast %squeeze3A_1005 : i32 to index
        %get3A_1055 = arith.constant 64 : index
        %get3A_1056 = tpu.vector_load %arg7[%get3A_1054, %get3A_1055] {strides = array<i32>} : memref<128x128xf32, #tpu.memory_space<vmem>>, vector<1x16xf32>,
        %get3A_1057 = vector.shape_cast %get3A_1056 : vector<1x16xf32> to vector<16xf32>
        %get3A_1058 = arith.index_cast %squeeze3A_1005 : i32 to index
        %get3A_1059 = arith.constant 80 : index
        %get3A_1060 = tpu.vector_load %arg7[%get3A_1058, %get3A_1059] {strides = array<i32>} : memref<128x128xf32, #tpu.memory_space<vmem>>, vector<1x16xf32>,
        %get3A_1061 = vector.shape_cast %get3A_1060 : vector<1x16xf32> to vector<16xf32>
        %get3A_1062 = arith.index_cast %squeeze3A_1005 : i32 to index
        %get3A_1063 = arith.constant 96 : index
        %get3A_1064 = tpu.vector_load %arg7[%get3A_1062, %get3A_1063] {strides = array<i32>} : memref<128x128xf32, #tpu.memory_space<vmem>>, vector<1x16xf32>,
        %get3A_1065 = vector.shape_cast %get3A_1064 : vector<1x16xf32> to vector<16xf32>
        %get3A_1066 = arith.index_cast %squeeze3A_1005 : i32 to index
        %get3A_1067 = arith.constant 112 : index
        %get3A_1068 = tpu.vector_load %arg7[%get3A_1066, %get3A_1067] {strides = array<i32>} : memref<128x128xf32, #tpu.memory_space<vmem>>, vector<1x16xf32>,
        %get3A_1069 = vector.shape_cast %get3A_1068 : vector<1x16xf32> to vector<16xf32>
        %add3A_1070 = arith.addf %get3A_1009, %get3A_654 : vector<16xf32>
        %mul3A_1071 = arith.constant 2 : i32
        %mul3A_1072 = arith.muli %mul3A_1071, %scan3A_641 : i32
        %add3A_1073 = arith.constant 32 : i32
        %add3A_1074 = arith.addi %add3A_1073, %mul3A_1072 : i32
        %swap3A_1075 = arith.index_cast %add3A_1074 : i32 to index
        %swap3A_1076 = arith.constant 0 : index
        %swap3A_1077 = tpu.vector_load %arg11[%swap3A_1075, %swap3A_1076] {strides = array<i32>} : memref<256x128xf32, #tpu.memory_space<vmem>>, vector<1x16xf32>,
        %swap3A_1078 = vector.shape_cast %swap3A_1077 : vector<1x16xf32> to vector<16xf32>
        %swap3A_1079 = vector.shape_cast %add3A_1070 : vector<16xf32> to vector<1x16xf32>
        tpu.vector_store %arg11[%swap3A_1075, %swap3A_1076], %swap3A_1079 {strides = array<i32>} : memref<256x128xf32, #tpu.memory_space<vmem>>, vector<1x16xf32>,
        %add3A_1080 = arith.addf %get3A_1041, %get3A_704 : vector<16xf32>
        %mul3A_1081 = arith.constant 2 : i32
        %mul3A_1082 = arith.muli %mul3A_1081, %scan3A_641 : i32
        %add3A_1083 = arith.constant 32 : i32
        %add3A_1084 = arith.addi %add3A_1083, %mul3A_1082 : i32
        %add3A_1085 = arith.constant 1 : i32
        %add3A_1086 = arith.addi %add3A_1084, %add3A_1085 : i32
        %swap3A_1087 = arith.index_cast %add3A_1086 : i32 to index
        %swap3A_1088 = arith.constant 0 : index
        %swap3A_1089 = tpu.vector_load %arg11[%swap3A_1087, %swap3A_1088] {strides = array<i32>} : memref<256x128xf32, #tpu.memory_space<vmem>>, vector<1x16xf32>,
        %swap3A_1090 = vector.shape_cast %swap3A_1089 : vector<1x16xf32> to vector<16xf32>
        %swap3A_1091 = vector.shape_cast %add3A_1080 : vector<16xf32> to vector<1x16xf32>
        tpu.vector_store %arg11[%swap3A_1087, %swap3A_1088], %swap3A_1091 {strides = array<i32>} : memref<256x128xf32, #tpu.memory_space<vmem>>, vector<1x16xf32>,
        %add3A_1092 = arith.addf %get3A_1013, %get3A_660 : vector<16xf32>
        %mul3A_1093 = arith.constant 2 : i32
        %mul3A_1094 = arith.muli %mul3A_1093, %scan3A_641 : i32
        %add3A_1095 = arith.constant 32 : i32
        %add3A_1096 = arith.addi %add3A_1095, %mul3A_1094 : i32
        %swap3A_1097 = arith.index_cast %add3A_1096 : i32 to index
        %swap3A_1098 = arith.constant 16 : index
        %swap3A_1099 = tpu.vector_load %arg11[%swap3A_1097, %swap3A_1098] {strides = array<i32>} : memref<256x128xf32, #tpu.memory_space<vmem>>, vector<1x16xf32>,
        %swap3A_1100 = vector.shape_cast %swap3A_1099 : vector<1x16xf32> to vector<16xf32>
        %swap3A_1101 = vector.shape_cast %add3A_1092 : vector<16xf32> to vector<1x16xf32>
        tpu.vector_store %arg11[%swap3A_1097, %swap3A_1098], %swap3A_1101 {strides = array<i32>} : memref<256x128xf32, #tpu.memory_space<vmem>>, vector<1x16xf32>,
        %add3A_1102 = arith.addf %get3A_1045, %get3A_712 : vector<16xf32>
        %mul3A_1103 = arith.constant 2 : i32
        %mul3A_1104 = arith.muli %mul3A_1103, %scan3A_641 : i32
        %add3A_1105 = arith.constant 32 : i32
        %add3A_1106 = arith.addi %add3A_1105, %mul3A_1104 : i32
        %add3A_1107 = arith.constant 1 : i32
        %add3A_1108 = arith.addi %add3A_1106, %add3A_1107 : i32
        %swap3A_1109 = arith.index_cast %add3A_1108 : i32 to index
        %swap3A_1110 = arith.constant 16 : index
        %swap3A_1111 = tpu.vector_load %arg11[%swap3A_1109, %swap3A_1110] {strides = array<i32>} : memref<256x128xf32, #tpu.memory_space<vmem>>, vector<1x16xf32>,
        %swap3A_1112 = vector.shape_cast %swap3A_1111 : vector<1x16xf32> to vector<16xf32>
        %swap3A_1113 = vector.shape_cast %add3A_1102 : vector<16xf32> to vector<1x16xf32>
        tpu.vector_store %arg11[%swap3A_1109, %swap3A_1110], %swap3A_1113 {strides = array<i32>} : memref<256x128xf32, #tpu.memory_space<vmem>>, vector<1x16xf32>,
        %add3A_1114 = arith.addf %get3A_1017, %get3A_666 : vector<16xf32>
        %mul3A_1115 = arith.constant 2 : i32
        %mul3A_1116 = arith.muli %mul3A_1115, %scan3A_641 : i32
        %add3A_1117 = arith.constant 32 : i32
        %add3A_1118 = arith.addi %add3A_1117, %mul3A_1116 : i32
        %swap3A_1119 = arith.index_cast %add3A_1118 : i32 to index
        %swap3A_1120 = arith.constant 32 : index
        %swap3A_1121 = tpu.vector_load %arg11[%swap3A_1119, %swap3A_1120] {strides = array<i32>} : memref<256x128xf32, #tpu.memory_space<vmem>>, vector<1x16xf32>,
        %swap3A_1122 = vector.shape_cast %swap3A_1121 : vector<1x16xf32> to vector<16xf32>
        %swap3A_1123 = vector.shape_cast %add3A_1114 : vector<16xf32> to vector<1x16xf32>
        tpu.vector_store %arg11[%swap3A_1119, %swap3A_1120], %swap3A_1123 {strides = array<i32>} : memref<256x128xf32, #tpu.memory_space<vmem>>, vector<1x16xf32>,
        %add3A_1124 = arith.addf %get3A_1049, %get3A_720 : vector<16xf32>
        %mul3A_1125 = arith.constant 2 : i32
        %mul3A_1126 = arith.muli %mul3A_1125, %scan3A_641 : i32
        %add3A_1127 = arith.constant 32 : i32
        %add3A_1128 = arith.addi %add3A_1127, %mul3A_1126 : i32
        %add3A_1129 = arith.constant 1 : i32
        %add3A_1130 = arith.addi %add3A_1128, %add3A_1129 : i32
        %swap3A_1131 = arith.index_cast %add3A_1130 : i32 to index
        %swap3A_1132 = arith.constant 32 : index
        %swap3A_1133 = tpu.vector_load %arg11[%swap3A_1131, %swap3A_1132] {strides = array<i32>} : memref<256x128xf32, #tpu.memory_space<vmem>>, vector<1x16xf32>,
        %swap3A_1134 = vector.shape_cast %swap3A_1133 : vector<1x16xf32> to vector<16xf32>
        %swap3A_1135 = vector.shape_cast %add3A_1124 : vector<16xf32> to vector<1x16xf32>
        tpu.vector_store %arg11[%swap3A_1131, %swap3A_1132], %swap3A_1135 {strides = array<i32>} : memref<256x128xf32, #tpu.memory_space<vmem>>, vector<1x16xf32>,
        %add3A_1136 = arith.addf %get3A_1021, %get3A_672 : vector<16xf32>
        %mul3A_1137 = arith.constant 2 : i32
        %mul3A_1138 = arith.muli %mul3A_1137, %scan3A_641 : i32
        %add3A_1139 = arith.constant 32 : i32
        %add3A_1140 = arith.addi %add3A_1139, %mul3A_1138 : i32
        %swap3A_1141 = arith.index_cast %add3A_1140 : i32 to index
        %swap3A_1142 = arith.constant 48 : index
        %swap3A_1143 = tpu.vector_load %arg11[%swap3A_1141, %swap3A_1142] {strides = array<i32>} : memref<256x128xf32, #tpu.memory_space<vmem>>, vector<1x16xf32>,
        %swap3A_1144 = vector.shape_cast %swap3A_1143 : vector<1x16xf32> to vector<16xf32>
        %swap3A_1145 = vector.shape_cast %add3A_1136 : vector<16xf32> to vector<1x16xf32>
        tpu.vector_store %arg11[%swap3A_1141, %swap3A_1142], %swap3A_1145 {strides = array<i32>} : memref<256x128xf32, #tpu.memory_space<vmem>>, vector<1x16xf32>,
        %add3A_1146 = arith.addf %get3A_1053, %get3A_728 : vector<16xf32>
        %mul3A_1147 = arith.constant 2 : i32
        %mul3A_1148 = arith.muli %mul3A_1147, %scan3A_641 : i32
        %add3A_1149 = arith.constant 32 : i32
        %add3A_1150 = arith.addi %add3A_1149, %mul3A_1148 : i32
        %add3A_1151 = arith.constant 1 : i32
        %add3A_1152 = arith.addi %add3A_1150, %add3A_1151 : i32
        %swap3A_1153 = arith.index_cast %add3A_1152 : i32 to index
        %swap3A_1154 = arith.constant 48 : index
        %swap3A_1155 = tpu.vector_load %arg11[%swap3A_1153, %swap3A_1154] {strides = array<i32>} : memref<256x128xf32, #tpu.memory_space<vmem>>, vector<1x16xf32>,
        %swap3A_1156 = vector.shape_cast %swap3A_1155 : vector<1x16xf32> to vector<16xf32>
        %swap3A_1157 = vector.shape_cast %add3A_1146 : vector<16xf32> to vector<1x16xf32>
        tpu.vector_store %arg11[%swap3A_1153, %swap3A_1154], %swap3A_1157 {strides = array<i32>} : memref<256x128xf32, #tpu.memory_space<vmem>>, vector<1x16xf32>,
        %add3A_1158 = arith.addf %get3A_1025, %get3A_678 : vector<16xf32>
        %mul3A_1159 = arith.constant 2 : i32
        %mul3A_1160 = arith.muli %mul3A_1159, %scan3A_641 : i32
        %add3A_1161 = arith.constant 32 : i32
        %add3A_1162 = arith.addi %add3A_1161, %mul3A_1160 : i32
        %swap3A_1163 = arith.index_cast %add3A_1162 : i32 to index
        %swap3A_1164 = arith.constant 64 : index
        %swap3A_1165 = tpu.vector_load %arg11[%swap3A_1163, %swap3A_1164] {strides = array<i32>} : memref<256x128xf32, #tpu.memory_space<vmem>>, vector<1x16xf32>,
        %swap3A_1166 = vector.shape_cast %swap3A_1165 : vector<1x16xf32> to vector<16xf32>
        %swap3A_1167 = vector.shape_cast %add3A_1158 : vector<16xf32> to vector<1x16xf32>
        tpu.vector_store %arg11[%swap3A_1163, %swap3A_1164], %swap3A_1167 {strides = array<i32>} : memref<256x128xf32, #tpu.memory_space<vmem>>, vector<1x16xf32>,
        %add3A_1168 = arith.addf %get3A_1057, %get3A_736 : vector<16xf32>
        %mul3A_1169 = arith.constant 2 : i32
        %mul3A_1170 = arith.muli %mul3A_1169, %scan3A_641 : i32
        %add3A_1171 = arith.constant 32 : i32
        %add3A_1172 = arith.addi %add3A_1171, %mul3A_1170 : i32
        %add3A_1173 = arith.constant 1 : i32
        %add3A_1174 = arith.addi %add3A_1172, %add3A_1173 : i32
        %swap3A_1175 = arith.index_cast %add3A_1174 : i32 to index
        %swap3A_1176 = arith.constant 64 : index
        %swap3A_1177 = tpu.vector_load %arg11[%swap3A_1175, %swap3A_1176] {strides = array<i32>} : memref<256x128xf32, #tpu.memory_space<vmem>>, vector<1x16xf32>,
        %swap3A_1178 = vector.shape_cast %swap3A_1177 : vector<1x16xf32> to vector<16xf32>
        %swap3A_1179 = vector.shape_cast %add3A_1168 : vector<16xf32> to vector<1x16xf32>
        tpu.vector_store %arg11[%swap3A_1175, %swap3A_1176], %swap3A_1179 {strides = array<i32>} : memref<256x128xf32, #tpu.memory_space<vmem>>, vector<1x16xf32>,
        %add3A_1180 = arith.addf %get3A_1029, %get3A_684 : vector<16xf32>
        %mul3A_1181 = arith.constant 2 : i32
        %mul3A_1182 = arith.muli %mul3A_1181, %scan3A_641 : i32
        %add3A_1183 = arith.constant 32 : i32
        %add3A_1184 = arith.addi %add3A_1183, %mul3A_1182 : i32
        %swap3A_1185 = arith.index_cast %add3A_1184 : i32 to index
        %swap3A_1186 = arith.constant 80 : index
        %swap3A_1187 = tpu.vector_load %arg11[%swap3A_1185, %swap3A_1186] {strides = array<i32>} : memref<256x128xf32, #tpu.memory_space<vmem>>, vector<1x16xf32>,
        %swap3A_1188 = vector.shape_cast %swap3A_1187 : vector<1x16xf32> to vector<16xf32>
        %swap3A_1189 = vector.shape_cast %add3A_1180 : vector<16xf32> to vector<1x16xf32>
        tpu.vector_store %arg11[%swap3A_1185, %swap3A_1186], %swap3A_1189 {strides = array<i32>} : memref<256x128xf32, #tpu.memory_space<vmem>>, vector<1x16xf32>,
        %add3A_1190 = arith.addf %get3A_1061, %get3A_744 : vector<16xf32>
        %mul3A_1191 = arith.constant 2 : i32
        %mul3A_1192 = arith.muli %mul3A_1191, %scan3A_641 : i32
        %add3A_1193 = arith.constant 32 : i32
        %add3A_1194 = arith.addi %add3A_1193, %mul3A_1192 : i32
        %add3A_1195 = arith.constant 1 : i32
        %add3A_1196 = arith.addi %add3A_1194, %add3A_1195 : i32
        %swap3A_1197 = arith.index_cast %add3A_1196 : i32 to index
        %swap3A_1198 = arith.constant 80 : index
        %swap3A_1199 = tpu.vector_load %arg11[%swap3A_1197, %swap3A_1198] {strides = array<i32>} : memref<256x128xf32, #tpu.memory_space<vmem>>, vector<1x16xf32>,
        %swap3A_1200 = vector.shape_cast %swap3A_1199 : vector<1x16xf32> to vector<16xf32>
        %swap3A_1201 = vector.shape_cast %add3A_1190 : vector<16xf32> to vector<1x16xf32>
        tpu.vector_store %arg11[%swap3A_1197, %swap3A_1198], %swap3A_1201 {strides = array<i32>} : memref<256x128xf32, #tpu.memory_space<vmem>>, vector<1x16xf32>,
        %add3A_1202 = arith.addf %get3A_1033, %get3A_690 : vector<16xf32>
        %mul3A_1203 = arith.constant 2 : i32
        %mul3A_1204 = arith.muli %mul3A_1203, %scan3A_641 : i32
        %add3A_1205 = arith.constant 32 : i32
        %add3A_1206 = arith.addi %add3A_1205, %mul3A_1204 : i32
        %swap3A_1207 = arith.index_cast %add3A_1206 : i32 to index
        %swap3A_1208 = arith.constant 96 : index
        %swap3A_1209 = tpu.vector_load %arg11[%swap3A_1207, %swap3A_1208] {strides = array<i32>} : memref<256x128xf32, #tpu.memory_space<vmem>>, vector<1x16xf32>,
        %swap3A_1210 = vector.shape_cast %swap3A_1209 : vector<1x16xf32> to vector<16xf32>
        %swap3A_1211 = vector.shape_cast %add3A_1202 : vector<16xf32> to vector<1x16xf32>
        tpu.vector_store %arg11[%swap3A_1207, %swap3A_1208], %swap3A_1211 {strides = array<i32>} : memref<256x128xf32, #tpu.memory_space<vmem>>, vector<1x16xf32>,
        %add3A_1212 = arith.addf %get3A_1065, %get3A_752 : vector<16xf32>
        %mul3A_1213 = arith.constant 2 : i32
        %mul3A_1214 = arith.muli %mul3A_1213, %scan3A_641 : i32
        %add3A_1215 = arith.constant 32 : i32
        %add3A_1216 = arith.addi %add3A_1215, %mul3A_1214 : i32
        %add3A_1217 = arith.constant 1 : i32
        %add3A_1218 = arith.addi %add3A_1216, %add3A_1217 : i32
        %swap3A_1219 = arith.index_cast %add3A_1218 : i32 to index
        %swap3A_1220 = arith.constant 96 : index
        %swap3A_1221 = tpu.vector_load %arg11[%swap3A_1219, %swap3A_1220] {strides = array<i32>} : memref<256x128xf32, #tpu.memory_space<vmem>>, vector<1x16xf32>,
        %swap3A_1222 = vector.shape_cast %swap3A_1221 : vector<1x16xf32> to vector<16xf32>
        %swap3A_1223 = vector.shape_cast %add3A_1212 : vector<16xf32> to vector<1x16xf32>
        tpu.vector_store %arg11[%swap3A_1219, %swap3A_1220], %swap3A_1223 {strides = array<i32>} : memref<256x128xf32, #tpu.memory_space<vmem>>, vector<1x16xf32>,
        %add3A_1224 = arith.addf %get3A_1037, %get3A_696 : vector<16xf32>
        %mul3A_1225 = arith.constant 2 : i32
        %mul3A_1226 = arith.muli %mul3A_1225, %scan3A_641 : i32
        %add3A_1227 = arith.constant 32 : i32
        %add3A_1228 = arith.addi %add3A_1227, %mul3A_1226 : i32
        %swap3A_1229 = arith.index_cast %add3A_1228 : i32 to index
        %swap3A_1230 = arith.constant 112 : index
        %swap3A_1231 = tpu.vector_load %arg11[%swap3A_1229, %swap3A_1230] {strides = array<i32>} : memref<256x128xf32, #tpu.memory_space<vmem>>, vector<1x16xf32>,
        %swap3A_1232 = vector.shape_cast %swap3A_1231 : vector<1x16xf32> to vector<16xf32>
        %swap3A_1233 = vector.shape_cast %add3A_1224 : vector<16xf32> to vector<1x16xf32>
        tpu.vector_store %arg11[%swap3A_1229, %swap3A_1230], %swap3A_1233 {strides = array<i32>} : memref<256x128xf32, #tpu.memory_space<vmem>>, vector<1x16xf32>,
        %add3A_1234 = arith.addf %get3A_1069, %get3A_760 : vector<16xf32>
        %mul3A_1235 = arith.constant 2 : i32
        %mul3A_1236 = arith.muli %mul3A_1235, %scan3A_641 : i32
        %add3A_1237 = arith.constant 32 : i32
        %add3A_1238 = arith.addi %add3A_1237, %mul3A_1236 : i32
        %add3A_1239 = arith.constant 1 : i32
        %add3A_1240 = arith.addi %add3A_1238, %add3A_1239 : i32
        %swap3A_1241 = arith.index_cast %add3A_1240 : i32 to index
        %swap3A_1242 = arith.constant 112 : index
        %swap3A_1243 = tpu.vector_load %arg11[%swap3A_1241, %swap3A_1242] {strides = array<i32>} : memref<256x128xf32, #tpu.memory_space<vmem>>, vector<1x16xf32>,
        %swap3A_1244 = vector.shape_cast %swap3A_1243 : vector<1x16xf32> to vector<16xf32>
        %swap3A_1245 = vector.shape_cast %add3A_1234 : vector<16xf32> to vector<1x16xf32>
        tpu.vector_store %arg11[%swap3A_1241, %swap3A_1242], %swap3A_1245 {strides = array<i32>} : memref<256x128xf32, #tpu.memory_space<vmem>>, vector<1x16xf32>,
        %slice3A_1246 = vector.extract_strided_slice %get3A_648 {offsets = [2], sizes = [1], strides = [1]} : vector<16xi32> to vector<1xi32>
        %squeeze3A_1247 = vector.extract %slice3A_1246[0] : i32 from vector<1xi32>
        %slice3A_1248 = vector.extract_strided_slice %get3A_648 {offsets = [10], sizes = [1], strides = [1]} : vector<16xi32> to vector<1xi32>
        %squeeze3A_1249 = vector.extract %slice3A_1248[0] : i32 from vector<1xi32>
        %get3A_1250 = arith.index_cast %squeeze3A_1247 : i32 to index
        %get3A_1251 = arith.constant 0 : index
        %get3A_1252 = tpu.vector_load %arg7[%get3A_1250, %get3A_1251] {strides = array<i32>} : memref<128x128xf32, #tpu.memory_space<vmem>>, vector<1x16xf32>,
        %get3A_1253 = vector.shape_cast %get3A_1252 : vector<1x16xf32> to vector<16xf32>
        %get3A_1254 = arith.index_cast %squeeze3A_1247 : i32 to index
        %get3A_1255 = arith.constant 16 : index
        %get3A_1256 = tpu.vector_load %arg7[%get3A_1254, %get3A_1255] {strides = array<i32>} : memref<128x128xf32, #tpu.memory_space<vmem>>, vector<1x16xf32>,
        %get3A_1257 = vector.shape_cast %get3A_1256 : vector<1x16xf32> to vector<16xf32>
        %get3A_1258 = arith.index_cast %squeeze3A_1247 : i32 to index
        %get3A_1259 = arith.constant 32 : index
        %get3A_1260 = tpu.vector_load %arg7[%get3A_1258, %get3A_1259] {strides = array<i32>} : memref<128x128xf32, #tpu.memory_space<vmem>>, vector<1x16xf32>,
        %get3A_1261 = vector.shape_cast %get3A_1260 : vector<1x16xf32> to vector<16xf32>
        %get3A_1262 = arith.index_cast %squeeze3A_1247 : i32 to index
        %get3A_1263 = arith.constant 48 : index
        %get3A_1264 = tpu.vector_load %arg7[%get3A_1262, %get3A_1263] {strides = array<i32>} : memref<128x128xf32, #tpu.memory_space<vmem>>, vector<1x16xf32>,
        %get3A_1265 = vector.shape_cast %get3A_1264 : vector<1x16xf32> to vector<16xf32>
        %get3A_1266 = arith.index_cast %squeeze3A_1247 : i32 to index
        %get3A_1267 = arith.constant 64 : index
        %get3A_1268 = tpu.vector_load %arg7[%get3A_1266, %get3A_1267] {strides = array<i32>} : memref<128x128xf32, #tpu.memory_space<vmem>>, vector<1x16xf32>,
        %get3A_1269 = vector.shape_cast %get3A_1268 : vector<1x16xf32> to vector<16xf32>
        %get3A_1270 = arith.index_cast %squeeze3A_1247 : i32 to index
        %get3A_1271 = arith.constant 80 : index
        %get3A_1272 = tpu.vector_load %arg7[%get3A_1270, %get3A_1271] {strides = array<i32>} : memref<128x128xf32, #tpu.memory_space<vmem>>, vector<1x16xf32>,
        %get3A_1273 = vector.shape_cast %get3A_1272 : vector<1x16xf32> to vector<16xf32>
        %get3A_1274 = arith.index_cast %squeeze3A_1247 : i32 to index
        %get3A_1275 = arith.constant 96 : index
        %get3A_1276 = tpu.vector_load %arg7[%get3A_1274, %get3A_1275] {strides = array<i32>} : memref<128x128xf32, #tpu.memory_space<vmem>>, vector<1x16xf32>,
        %get3A_1277 = vector.shape_cast %get3A_1276 : vector<1x16xf32> to vector<16xf32>
        %get3A_1278 = arith.index_cast %squeeze3A_1247 : i32 to index
        %get3A_1279 = arith.constant 112 : index
        %get3A_1280 = tpu.vector_load %arg7[%get3A_1278, %get3A_1279] {strides = array<i32>} : memref<128x128xf32, #tpu.memory_space<vmem>>, vector<1x16xf32>,
        %get3A_1281 = vector.shape_cast %get3A_1280 : vector<1x16xf32> to vector<16xf32>
        %get3A_1282 = arith.index_cast %squeeze3A_1249 : i32 to index
        %get3A_1283 = arith.constant 0 : index
        %get3A_1284 = tpu.vector_load %arg7[%get3A_1282, %get3A_1283] {strides = array<i32>} : memref<128x128xf32, #tpu.memory_space<vmem>>, vector<1x16xf32>,
        %get3A_1285 = vector.shape_cast %get3A_1284 : vector<1x16xf32> to vector<16xf32>
        %get3A_1286 = arith.index_cast %squeeze3A_1249 : i32 to index
        %get3A_1287 = arith.constant 16 : index
        %get3A_1288 = tpu.vector_load %arg7[%get3A_1286, %get3A_1287] {strides = array<i32>} : memref<128x128xf32, #tpu.memory_space<vmem>>, vector<1x16xf32>,
        %get3A_1289 = vector.shape_cast %get3A_1288 : vector<1x16xf32> to vector<16xf32>
        %get3A_1290 = arith.index_cast %squeeze3A_1249 : i32 to index
        %get3A_1291 = arith.constant 32 : index
        %get3A_1292 = tpu.vector_load %arg7[%get3A_1290, %get3A_1291] {strides = array<i32>} : memref<128x128xf32, #tpu.memory_space<vmem>>, vector<1x16xf32>,
        %get3A_1293 = vector.shape_cast %get3A_1292 : vector<1x16xf32> to vector<16xf32>
        %get3A_1294 = arith.index_cast %squeeze3A_1249 : i32 to index
        %get3A_1295 = arith.constant 48 : index
        %get3A_1296 = tpu.vector_load %arg7[%get3A_1294, %get3A_1295] {strides = array<i32>} : memref<128x128xf32, #tpu.memory_space<vmem>>, vector<1x16xf32>,
        %get3A_1297 = vector.shape_cast %get3A_1296 : vector<1x16xf32> to vector<16xf32>
        %get3A_1298 = arith.index_cast %squeeze3A_1249 : i32 to index
        %get3A_1299 = arith.constant 64 : index
        %get3A_1300 = tpu.vector_load %arg7[%get3A_1298, %get3A_1299] {strides = array<i32>} : memref<128x128xf32, #tpu.memory_space<vmem>>, vector<1x16xf32>,
        %get3A_1301 = vector.shape_cast %get3A_1300 : vector<1x16xf32> to vector<16xf32>
        %get3A_1302 = arith.index_cast %squeeze3A_1249 : i32 to index
        %get3A_1303 = arith.constant 80 : index
        %get3A_1304 = tpu.vector_load %arg7[%get3A_1302, %get3A_1303] {strides = array<i32>} : memref<128x128xf32, #tpu.memory_space<vmem>>, vector<1x16xf32>,
        %get3A_1305 = vector.shape_cast %get3A_1304 : vector<1x16xf32> to vector<16xf32>
        %get3A_1306 = arith.index_cast %squeeze3A_1249 : i32 to index
        %get3A_1307 = arith.constant 96 : index
        %get3A_1308 = tpu.vector_load %arg7[%get3A_1306, %get3A_1307] {strides = array<i32>} : memref<128x128xf32, #tpu.memory_space<vmem>>, vector<1x16xf32>,
        %get3A_1309 = vector.shape_cast %get3A_1308 : vector<1x16xf32> to vector<16xf32>
        %get3A_1310 = arith.index_cast %squeeze3A_1249 : i32 to index
        %get3A_1311 = arith.constant 112 : index
        %get3A_1312 = tpu.vector_load %arg7[%get3A_1310, %get3A_1311] {strides = array<i32>} : memref<128x128xf32, #tpu.memory_space<vmem>>, vector<1x16xf32>,
        %get3A_1313 = vector.shape_cast %get3A_1312 : vector<1x16xf32> to vector<16xf32>
        %add3A_1314 = arith.addf %get3A_1253, %get3A_654 : vector<16xf32>
        %mul3A_1315 = arith.constant 2 : i32
        %mul3A_1316 = arith.muli %mul3A_1315, %scan3A_641 : i32
        %add3A_1317 = arith.constant 64 : i32
        %add3A_1318 = arith.addi %add3A_1317, %mul3A_1316 : i32
        %swap3A_1319 = arith.index_cast %add3A_1318 : i32 to index
        %swap3A_1320 = arith.constant 0 : index
        %swap3A_1321 = tpu.vector_load %arg11[%swap3A_1319, %swap3A_1320] {strides = array<i32>} : memref<256x128xf32, #tpu.memory_space<vmem>>, vector<1x16xf32>,
        %swap3A_1322 = vector.shape_cast %swap3A_1321 : vector<1x16xf32> to vector<16xf32>
        %swap3A_1323 = vector.shape_cast %add3A_1314 : vector<16xf32> to vector<1x16xf32>
        tpu.vector_store %arg11[%swap3A_1319, %swap3A_1320], %swap3A_1323 {strides = array<i32>} : memref<256x128xf32, #tpu.memory_space<vmem>>, vector<1x16xf32>,
        %add3A_1324 = arith.addf %get3A_1285, %get3A_704 : vector<16xf32>
        %mul3A_1325 = arith.constant 2 : i32
        %mul3A_1326 = arith.muli %mul3A_1325, %scan3A_641 : i32
        %add3A_1327 = arith.constant 64 : i32
        %add3A_1328 = arith.addi %add3A_1327, %mul3A_1326 : i32
        %add3A_1329 = arith.constant 1 : i32
        %add3A_1330 = arith.addi %add3A_1328, %add3A_1329 : i32
        %swap3A_1331 = arith.index_cast %add3A_1330 : i32 to index
        %swap3A_1332 = arith.constant 0 : index
        %swap3A_1333 = tpu.vector_load %arg11[%swap3A_1331, %swap3A_1332] {strides = array<i32>} : memref<256x128xf32, #tpu.memory_space<vmem>>, vector<1x16xf32>,
        %swap3A_1334 = vector.shape_cast %swap3A_1333 : vector<1x16xf32> to vector<16xf32>
        %swap3A_1335 = vector.shape_cast %add3A_1324 : vector<16xf32> to vector<1x16xf32>
        tpu.vector_store %arg11[%swap3A_1331, %swap3A_1332], %swap3A_1335 {strides = array<i32>} : memref<256x128xf32, #tpu.memory_space<vmem>>, vector<1x16xf32>,
        %add3A_1336 = arith.addf %get3A_1257, %get3A_660 : vector<16xf32>
        %mul3A_1337 = arith.constant 2 : i32
        %mul3A_1338 = arith.muli %mul3A_1337, %scan3A_641 : i32
        %add3A_1339 = arith.constant 64 : i32
        %add3A_1340 = arith.addi %add3A_1339, %mul3A_1338 : i32
        %swap3A_1341 = arith.index_cast %add3A_1340 : i32 to index
        %swap3A_1342 = arith.constant 16 : index
        %swap3A_1343 = tpu.vector_load %arg11[%swap3A_1341, %swap3A_1342] {strides = array<i32>} : memref<256x128xf32, #tpu.memory_space<vmem>>, vector<1x16xf32>,
        %swap3A_1344 = vector.shape_cast %swap3A_1343 : vector<1x16xf32> to vector<16xf32>
        %swap3A_1345 = vector.shape_cast %add3A_1336 : vector<16xf32> to vector<1x16xf32>
        tpu.vector_store %arg11[%swap3A_1341, %swap3A_1342], %swap3A_1345 {strides = array<i32>} : memref<256x128xf32, #tpu.memory_space<vmem>>, vector<1x16xf32>,
        %add3A_1346 = arith.addf %get3A_1289, %get3A_712 : vector<16xf32>
        %mul3A_1347 = arith.constant 2 : i32
        %mul3A_1348 = arith.muli %mul3A_1347, %scan3A_641 : i32
        %add3A_1349 = arith.constant 64 : i32
        %add3A_1350 = arith.addi %add3A_1349, %mul3A_1348 : i32
        %add3A_1351 = arith.constant 1 : i32
        %add3A_1352 = arith.addi %add3A_1350, %add3A_1351 : i32
        %swap3A_1353 = arith.index_cast %add3A_1352 : i32 to index
        %swap3A_1354 = arith.constant 16 : index
        %swap3A_1355 = tpu.vector_load %arg11[%swap3A_1353, %swap3A_1354] {strides = array<i32>} : memref<256x128xf32, #tpu.memory_space<vmem>>, vector<1x16xf32>,
        %swap3A_1356 = vector.shape_cast %swap3A_1355 : vector<1x16xf32> to vector<16xf32>
        %swap3A_1357 = vector.shape_cast %add3A_1346 : vector<16xf32> to vector<1x16xf32>
        tpu.vector_store %arg11[%swap3A_1353, %swap3A_1354], %swap3A_1357 {strides = array<i32>} : memref<256x128xf32, #tpu.memory_space<vmem>>, vector<1x16xf32>,
        %add3A_1358 = arith.addf %get3A_1261, %get3A_666 : vector<16xf32>
        %mul3A_1359 = arith.constant 2 : i32
        %mul3A_1360 = arith.muli %mul3A_1359, %scan3A_641 : i32
        %add3A_1361 = arith.constant 64 : i32
        %add3A_1362 = arith.addi %add3A_1361, %mul3A_1360 : i32
        %swap3A_1363 = arith.index_cast %add3A_1362 : i32 to index
        %swap3A_1364 = arith.constant 32 : index
        %swap3A_1365 = tpu.vector_load %arg11[%swap3A_1363, %swap3A_1364] {strides = array<i32>} : memref<256x128xf32, #tpu.memory_space<vmem>>, vector<1x16xf32>,
        %swap3A_1366 = vector.shape_cast %swap3A_1365 : vector<1x16xf32> to vector<16xf32>
        %swap3A_1367 = vector.shape_cast %add3A_1358 : vector<16xf32> to vector<1x16xf32>
        tpu.vector_store %arg11[%swap3A_1363, %swap3A_1364], %swap3A_1367 {strides = array<i32>} : memref<256x128xf32, #tpu.memory_space<vmem>>, vector<1x16xf32>,
        %add3A_1368 = arith.addf %get3A_1293, %get3A_720 : vector<16xf32>
        %mul3A_1369 = arith.constant 2 : i32
        %mul3A_1370 = arith.muli %mul3A_1369, %scan3A_641 : i32
        %add3A_1371 = arith.constant 64 : i32
        %add3A_1372 = arith.addi %add3A_1371, %mul3A_1370 : i32
        %add3A_1373 = arith.constant 1 : i32
        %add3A_1374 = arith.addi %add3A_1372, %add3A_1373 : i32
        %swap3A_1375 = arith.index_cast %add3A_1374 : i32 to index
        %swap3A_1376 = arith.constant 32 : index
        %swap3A_1377 = tpu.vector_load %arg11[%swap3A_1375, %swap3A_1376] {strides = array<i32>} : memref<256x128xf32, #tpu.memory_space<vmem>>, vector<1x16xf32>,
        %swap3A_1378 = vector.shape_cast %swap3A_1377 : vector<1x16xf32> to vector<16xf32>
        %swap3A_1379 = vector.shape_cast %add3A_1368 : vector<16xf32> to vector<1x16xf32>
        tpu.vector_store %arg11[%swap3A_1375, %swap3A_1376], %swap3A_1379 {strides = array<i32>} : memref<256x128xf32, #tpu.memory_space<vmem>>, vector<1x16xf32>,
        %add3A_1380 = arith.addf %get3A_1265, %get3A_672 : vector<16xf32>
        %mul3A_1381 = arith.constant 2 : i32
        %mul3A_1382 = arith.muli %mul3A_1381, %scan3A_641 : i32
        %add3A_1383 = arith.constant 64 : i32
        %add3A_1384 = arith.addi %add3A_1383, %mul3A_1382 : i32
        %swap3A_1385 = arith.index_cast %add3A_1384 : i32 to index
        %swap3A_1386 = arith.constant 48 : index
        %swap3A_1387 = tpu.vector_load %arg11[%swap3A_1385, %swap3A_1386] {strides = array<i32>} : memref<256x128xf32, #tpu.memory_space<vmem>>, vector<1x16xf32>,
        %swap3A_1388 = vector.shape_cast %swap3A_1387 : vector<1x16xf32> to vector<16xf32>
        %swap3A_1389 = vector.shape_cast %add3A_1380 : vector<16xf32> to vector<1x16xf32>
        tpu.vector_store %arg11[%swap3A_1385, %swap3A_1386], %swap3A_1389 {strides = array<i32>} : memref<256x128xf32, #tpu.memory_space<vmem>>, vector<1x16xf32>,
        %add3A_1390 = arith.addf %get3A_1297, %get3A_728 : vector<16xf32>
        %mul3A_1391 = arith.constant 2 : i32
        %mul3A_1392 = arith.muli %mul3A_1391, %scan3A_641 : i32
        %add3A_1393 = arith.constant 64 : i32
        %add3A_1394 = arith.addi %add3A_1393, %mul3A_1392 : i32
        %add3A_1395 = arith.constant 1 : i32
        %add3A_1396 = arith.addi %add3A_1394, %add3A_1395 : i32
        %swap3A_1397 = arith.index_cast %add3A_1396 : i32 to index
        %swap3A_1398 = arith.constant 48 : index
        %swap3A_1399 = tpu.vector_load %arg11[%swap3A_1397, %swap3A_1398] {strides = array<i32>} : memref<256x128xf32, #tpu.memory_space<vmem>>, vector<1x16xf32>,
        %swap3A_1400 = vector.shape_cast %swap3A_1399 : vector<1x16xf32> to vector<16xf32>
        %swap3A_1401 = vector.shape_cast %add3A_1390 : vector<16xf32> to vector<1x16xf32>
        tpu.vector_store %arg11[%swap3A_1397, %swap3A_1398], %swap3A_1401 {strides = array<i32>} : memref<256x128xf32, #tpu.memory_space<vmem>>, vector<1x16xf32>,
        %add3A_1402 = arith.addf %get3A_1269, %get3A_678 : vector<16xf32>
        %mul3A_1403 = arith.constant 2 : i32
        %mul3A_1404 = arith.muli %mul3A_1403, %scan3A_641 : i32
        %add3A_1405 = arith.constant 64 : i32
        %add3A_1406 = arith.addi %add3A_1405, %mul3A_1404 : i32
        %swap3A_1407 = arith.index_cast %add3A_1406 : i32 to index
        %swap3A_1408 = arith.constant 64 : index
        %swap3A_1409 = tpu.vector_load %arg11[%swap3A_1407, %swap3A_1408] {strides = array<i32>} : memref<256x128xf32, #tpu.memory_space<vmem>>, vector<1x16xf32>,
        %swap3A_1410 = vector.shape_cast %swap3A_1409 : vector<1x16xf32> to vector<16xf32>
        %swap3A_1411 = vector.shape_cast %add3A_1402 : vector<16xf32> to vector<1x16xf32>
        tpu.vector_store %arg11[%swap3A_1407, %swap3A_1408], %swap3A_1411 {strides = array<i32>} : memref<256x128xf32, #tpu.memory_space<vmem>>, vector<1x16xf32>,
        %add3A_1412 = arith.addf %get3A_1301, %get3A_736 : vector<16xf32>
        %mul3A_1413 = arith.constant 2 : i32
        %mul3A_1414 = arith.muli %mul3A_1413, %scan3A_641 : i32
        %add3A_1415 = arith.constant 64 : i32
        %add3A_1416 = arith.addi %add3A_1415, %mul3A_1414 : i32
        %add3A_1417 = arith.constant 1 : i32
        %add3A_1418 = arith.addi %add3A_1416, %add3A_1417 : i32
        %swap3A_1419 = arith.index_cast %add3A_1418 : i32 to index
        %swap3A_1420 = arith.constant 64 : index
        %swap3A_1421 = tpu.vector_load %arg11[%swap3A_1419, %swap3A_1420] {strides = array<i32>} : memref<256x128xf32, #tpu.memory_space<vmem>>, vector<1x16xf32>,
        %swap3A_1422 = vector.shape_cast %swap3A_1421 : vector<1x16xf32> to vector<16xf32>
        %swap3A_1423 = vector.shape_cast %add3A_1412 : vector<16xf32> to vector<1x16xf32>
        tpu.vector_store %arg11[%swap3A_1419, %swap3A_1420], %swap3A_1423 {strides = array<i32>} : memref<256x128xf32, #tpu.memory_space<vmem>>, vector<1x16xf32>,
        %add3A_1424 = arith.addf %get3A_1273, %get3A_684 : vector<16xf32>
        %mul3A_1425 = arith.constant 2 : i32
        %mul3A_1426 = arith.muli %mul3A_1425, %scan3A_641 : i32
        %add3A_1427 = arith.constant 64 : i32
        %add3A_1428 = arith.addi %add3A_1427, %mul3A_1426 : i32
        %swap3A_1429 = arith.index_cast %add3A_1428 : i32 to index
        %swap3A_1430 = arith.constant 80 : index
        %swap3A_1431 = tpu.vector_load %arg11[%swap3A_1429, %swap3A_1430] {strides = array<i32>} : memref<256x128xf32, #tpu.memory_space<vmem>>, vector<1x16xf32>,
        %swap3A_1432 = vector.shape_cast %swap3A_1431 : vector<1x16xf32> to vector<16xf32>
        %swap3A_1433 = vector.shape_cast %add3A_1424 : vector<16xf32> to vector<1x16xf32>
        tpu.vector_store %arg11[%swap3A_1429, %swap3A_1430], %swap3A_1433 {strides = array<i32>} : memref<256x128xf32, #tpu.memory_space<vmem>>, vector<1x16xf32>,
        %add3A_1434 = arith.addf %get3A_1305, %get3A_744 : vector<16xf32>
        %mul3A_1435 = arith.constant 2 : i32
        %mul3A_1436 = arith.muli %mul3A_1435, %scan3A_641 : i32
        %add3A_1437 = arith.constant 64 : i32
        %add3A_1438 = arith.addi %add3A_1437, %mul3A_1436 : i32
        %add3A_1439 = arith.constant 1 : i32
        %add3A_1440 = arith.addi %add3A_1438, %add3A_1439 : i32
        %swap3A_1441 = arith.index_cast %add3A_1440 : i32 to index
        %swap3A_1442 = arith.constant 80 : index
        %swap3A_1443 = tpu.vector_load %arg11[%swap3A_1441, %swap3A_1442] {strides = array<i32>} : memref<256x128xf32, #tpu.memory_space<vmem>>, vector<1x16xf32>,
        %swap3A_1444 = vector.shape_cast %swap3A_1443 : vector<1x16xf32> to vector<16xf32>
        %swap3A_1445 = vector.shape_cast %add3A_1434 : vector<16xf32> to vector<1x16xf32>
        tpu.vector_store %arg11[%swap3A_1441, %swap3A_1442], %swap3A_1445 {strides = array<i32>} : memref<256x128xf32, #tpu.memory_space<vmem>>, vector<1x16xf32>,
        %add3A_1446 = arith.addf %get3A_1277, %get3A_690 : vector<16xf32>
        %mul3A_1447 = arith.constant 2 : i32
        %mul3A_1448 = arith.muli %mul3A_1447, %scan3A_641 : i32
        %add3A_1449 = arith.constant 64 : i32
        %add3A_1450 = arith.addi %add3A_1449, %mul3A_1448 : i32
        %swap3A_1451 = arith.index_cast %add3A_1450 : i32 to index
        %swap3A_1452 = arith.constant 96 : index
        %swap3A_1453 = tpu.vector_load %arg11[%swap3A_1451, %swap3A_1452] {strides = array<i32>} : memref<256x128xf32, #tpu.memory_space<vmem>>, vector<1x16xf32>,
        %swap3A_1454 = vector.shape_cast %swap3A_1453 : vector<1x16xf32> to vector<16xf32>
        %swap3A_1455 = vector.shape_cast %add3A_1446 : vector<16xf32> to vector<1x16xf32>
        tpu.vector_store %arg11[%swap3A_1451, %swap3A_1452], %swap3A_1455 {strides = array<i32>} : memref<256x128xf32, #tpu.memory_space<vmem>>, vector<1x16xf32>,
        %add3A_1456 = arith.addf %get3A_1309, %get3A_752 : vector<16xf32>
        %mul3A_1457 = arith.constant 2 : i32
        %mul3A_1458 = arith.muli %mul3A_1457, %scan3A_641 : i32
        %add3A_1459 = arith.constant 64 : i32
        %add3A_1460 = arith.addi %add3A_1459, %mul3A_1458 : i32
        %add3A_1461 = arith.constant 1 : i32
        %add3A_1462 = arith.addi %add3A_1460, %add3A_1461 : i32
        %swap3A_1463 = arith.index_cast %add3A_1462 : i32 to index
        %swap3A_1464 = arith.constant 96 : index
        %swap3A_1465 = tpu.vector_load %arg11[%swap3A_1463, %swap3A_1464] {strides = array<i32>} : memref<256x128xf32, #tpu.memory_space<vmem>>, vector<1x16xf32>,
        %swap3A_1466 = vector.shape_cast %swap3A_1465 : vector<1x16xf32> to vector<16xf32>
        %swap3A_1467 = vector.shape_cast %add3A_1456 : vector<16xf32> to vector<1x16xf32>
        tpu.vector_store %arg11[%swap3A_1463, %swap3A_1464], %swap3A_1467 {strides = array<i32>} : memref<256x128xf32, #tpu.memory_space<vmem>>, vector<1x16xf32>,
        %add3A_1468 = arith.addf %get3A_1281, %get3A_696 : vector<16xf32>
        %mul3A_1469 = arith.constant 2 : i32
        %mul3A_1470 = arith.muli %mul3A_1469, %scan3A_641 : i32
        %add3A_1471 = arith.constant 64 : i32
        %add3A_1472 = arith.addi %add3A_1471, %mul3A_1470 : i32
        %swap3A_1473 = arith.index_cast %add3A_1472 : i32 to index
        %swap3A_1474 = arith.constant 112 : index
        %swap3A_1475 = tpu.vector_load %arg11[%swap3A_1473, %swap3A_1474] {strides = array<i32>} : memref<256x128xf32, #tpu.memory_space<vmem>>, vector<1x16xf32>,
        %swap3A_1476 = vector.shape_cast %swap3A_1475 : vector<1x16xf32> to vector<16xf32>
        %swap3A_1477 = vector.shape_cast %add3A_1468 : vector<16xf32> to vector<1x16xf32>
        tpu.vector_store %arg11[%swap3A_1473, %swap3A_1474], %swap3A_1477 {strides = array<i32>} : memref<256x128xf32, #tpu.memory_space<vmem>>, vector<1x16xf32>,
        %add3A_1478 = arith.addf %get3A_1313, %get3A_760 : vector<16xf32>
        %mul3A_1479 = arith.constant 2 : i32
        %mul3A_1480 = arith.muli %mul3A_1479, %scan3A_641 : i32
        %add3A_1481 = arith.constant 64 : i32
        %add3A_1482 = arith.addi %add3A_1481, %mul3A_1480 : i32
        %add3A_1483 = arith.constant 1 : i32
        %add3A_1484 = arith.addi %add3A_1482, %add3A_1483 : i32
        %swap3A_1485 = arith.index_cast %add3A_1484 : i32 to index
        %swap3A_1486 = arith.constant 112 : index
        %swap3A_1487 = tpu.vector_load %arg11[%swap3A_1485, %swap3A_1486] {strides = array<i32>} : memref<256x128xf32, #tpu.memory_space<vmem>>, vector<1x16xf32>,
        %swap3A_1488 = vector.shape_cast %swap3A_1487 : vector<1x16xf32> to vector<16xf32>
        %swap3A_1489 = vector.shape_cast %add3A_1478 : vector<16xf32> to vector<1x16xf32>
        tpu.vector_store %arg11[%swap3A_1485, %swap3A_1486], %swap3A_1489 {strides = array<i32>} : memref<256x128xf32, #tpu.memory_space<vmem>>, vector<1x16xf32>,
        %slice3A_1490 = vector.extract_strided_slice %get3A_648 {offsets = [3], sizes = [1], strides = [1]} : vector<16xi32> to vector<1xi32>
        %squeeze3A_1491 = vector.extract %slice3A_1490[0] : i32 from vector<1xi32>
        %slice3A_1492 = vector.extract_strided_slice %get3A_648 {offsets = [11], sizes = [1], strides = [1]} : vector<16xi32> to vector<1xi32>
        %squeeze3A_1493 = vector.extract %slice3A_1492[0] : i32 from vector<1xi32>
        %get3A_1494 = arith.index_cast %squeeze3A_1491 : i32 to index
        %get3A_1495 = arith.constant 0 : index
        %get3A_1496 = tpu.vector_load %arg7[%get3A_1494, %get3A_1495] {strides = array<i32>} : memref<128x128xf32, #tpu.memory_space<vmem>>, vector<1x16xf32>,
        %get3A_1497 = vector.shape_cast %get3A_1496 : vector<1x16xf32> to vector<16xf32>
        %get3A_1498 = arith.index_cast %squeeze3A_1491 : i32 to index
        %get3A_1499 = arith.constant 16 : index
        %get3A_1500 = tpu.vector_load %arg7[%get3A_1498, %get3A_1499] {strides = array<i32>} : memref<128x128xf32, #tpu.memory_space<vmem>>, vector<1x16xf32>,
        %get3A_1501 = vector.shape_cast %get3A_1500 : vector<1x16xf32> to vector<16xf32>
        %get3A_1502 = arith.index_cast %squeeze3A_1491 : i32 to index
        %get3A_1503 = arith.constant 32 : index
        %get3A_1504 = tpu.vector_load %arg7[%get3A_1502, %get3A_1503] {strides = array<i32>} : memref<128x128xf32, #tpu.memory_space<vmem>>, vector<1x16xf32>,
        %get3A_1505 = vector.shape_cast %get3A_1504 : vector<1x16xf32> to vector<16xf32>
        %get3A_1506 = arith.index_cast %squeeze3A_1491 : i32 to index
        %get3A_1507 = arith.constant 48 : index
        %get3A_1508 = tpu.vector_load %arg7[%get3A_1506, %get3A_1507] {strides = array<i32>} : memref<128x128xf32, #tpu.memory_space<vmem>>, vector<1x16xf32>,
        %get3A_1509 = vector.shape_cast %get3A_1508 : vector<1x16xf32> to vector<16xf32>
        %get3A_1510 = arith.index_cast %squeeze3A_1491 : i32 to index
        %get3A_1511 = arith.constant 64 : index
        %get3A_1512 = tpu.vector_load %arg7[%get3A_1510, %get3A_1511] {strides = array<i32>} : memref<128x128xf32, #tpu.memory_space<vmem>>, vector<1x16xf32>,
        %get3A_1513 = vector.shape_cast %get3A_1512 : vector<1x16xf32> to vector<16xf32>
        %get3A_1514 = arith.index_cast %squeeze3A_1491 : i32 to index
        %get3A_1515 = arith.constant 80 : index
        %get3A_1516 = tpu.vector_load %arg7[%get3A_1514, %get3A_1515] {strides = array<i32>} : memref<128x128xf32, #tpu.memory_space<vmem>>, vector<1x16xf32>,
        %get3A_1517 = vector.shape_cast %get3A_1516 : vector<1x16xf32> to vector<16xf32>
        %get3A_1518 = arith.index_cast %squeeze3A_1491 : i32 to index
        %get3A_1519 = arith.constant 96 : index
        %get3A_1520 = tpu.vector_load %arg7[%get3A_1518, %get3A_1519] {strides = array<i32>} : memref<128x128xf32, #tpu.memory_space<vmem>>, vector<1x16xf32>,
        %get3A_1521 = vector.shape_cast %get3A_1520 : vector<1x16xf32> to vector<16xf32>
        %get3A_1522 = arith.index_cast %squeeze3A_1491 : i32 to index
        %get3A_1523 = arith.constant 112 : index
        %get3A_1524 = tpu.vector_load %arg7[%get3A_1522, %get3A_1523] {strides = array<i32>} : memref<128x128xf32, #tpu.memory_space<vmem>>, vector<1x16xf32>,
        %get3A_1525 = vector.shape_cast %get3A_1524 : vector<1x16xf32> to vector<16xf32>
        %get3A_1526 = arith.index_cast %squeeze3A_1493 : i32 to index
        %get3A_1527 = arith.constant 0 : index
        %get3A_1528 = tpu.vector_load %arg7[%get3A_1526, %get3A_1527] {strides = array<i32>} : memref<128x128xf32, #tpu.memory_space<vmem>>, vector<1x16xf32>,
        %get3A_1529 = vector.shape_cast %get3A_1528 : vector<1x16xf32> to vector<16xf32>
        %get3A_1530 = arith.index_cast %squeeze3A_1493 : i32 to index
        %get3A_1531 = arith.constant 16 : index
        %get3A_1532 = tpu.vector_load %arg7[%get3A_1530, %get3A_1531] {strides = array<i32>} : memref<128x128xf32, #tpu.memory_space<vmem>>, vector<1x16xf32>,
        %get3A_1533 = vector.shape_cast %get3A_1532 : vector<1x16xf32> to vector<16xf32>
        %get3A_1534 = arith.index_cast %squeeze3A_1493 : i32 to index
        %get3A_1535 = arith.constant 32 : index
        %get3A_1536 = tpu.vector_load %arg7[%get3A_1534, %get3A_1535] {strides = array<i32>} : memref<128x128xf32, #tpu.memory_space<vmem>>, vector<1x16xf32>,
        %get3A_1537 = vector.shape_cast %get3A_1536 : vector<1x16xf32> to vector<16xf32>
        %get3A_1538 = arith.index_cast %squeeze3A_1493 : i32 to index
        %get3A_1539 = arith.constant 48 : index
        %get3A_1540 = tpu.vector_load %arg7[%get3A_1538, %get3A_1539] {strides = array<i32>} : memref<128x128xf32, #tpu.memory_space<vmem>>, vector<1x16xf32>,
        %get3A_1541 = vector.shape_cast %get3A_1540 : vector<1x16xf32> to vector<16xf32>
        %get3A_1542 = arith.index_cast %squeeze3A_1493 : i32 to index
        %get3A_1543 = arith.constant 64 : index
        %get3A_1544 = tpu.vector_load %arg7[%get3A_1542, %get3A_1543] {strides = array<i32>} : memref<128x128xf32, #tpu.memory_space<vmem>>, vector<1x16xf32>,
        %get3A_1545 = vector.shape_cast %get3A_1544 : vector<1x16xf32> to vector<16xf32>
        %get3A_1546 = arith.index_cast %squeeze3A_1493 : i32 to index
        %get3A_1547 = arith.constant 80 : index
        %get3A_1548 = tpu.vector_load %arg7[%get3A_1546, %get3A_1547] {strides = array<i32>} : memref<128x128xf32, #tpu.memory_space<vmem>>, vector<1x16xf32>,
        %get3A_1549 = vector.shape_cast %get3A_1548 : vector<1x16xf32> to vector<16xf32>
        %get3A_1550 = arith.index_cast %squeeze3A_1493 : i32 to index
        %get3A_1551 = arith.constant 96 : index
        %get3A_1552 = tpu.vector_load %arg7[%get3A_1550, %get3A_1551] {strides = array<i32>} : memref<128x128xf32, #tpu.memory_space<vmem>>, vector<1x16xf32>,
        %get3A_1553 = vector.shape_cast %get3A_1552 : vector<1x16xf32> to vector<16xf32>
        %get3A_1554 = arith.index_cast %squeeze3A_1493 : i32 to index
        %get3A_1555 = arith.constant 112 : index
        %get3A_1556 = tpu.vector_load %arg7[%get3A_1554, %get3A_1555] {strides = array<i32>} : memref<128x128xf32, #tpu.memory_space<vmem>>, vector<1x16xf32>,
        %get3A_1557 = vector.shape_cast %get3A_1556 : vector<1x16xf32> to vector<16xf32>
        %add3A_1558 = arith.addf %get3A_1497, %get3A_654 : vector<16xf32>
        %mul3A_1559 = arith.constant 2 : i32
        %mul3A_1560 = arith.muli %mul3A_1559, %scan3A_641 : i32
        %add3A_1561 = arith.constant 96 : i32
        %add3A_1562 = arith.addi %add3A_1561, %mul3A_1560 : i32
        %swap3A_1563 = arith.index_cast %add3A_1562 : i32 to index
        %swap3A_1564 = arith.constant 0 : index
        %swap3A_1565 = tpu.vector_load %arg11[%swap3A_1563, %swap3A_1564] {strides = array<i32>} : memref<256x128xf32, #tpu.memory_space<vmem>>, vector<1x16xf32>,
        %swap3A_1566 = vector.shape_cast %swap3A_1565 : vector<1x16xf32> to vector<16xf32>
        %swap3A_1567 = vector.shape_cast %add3A_1558 : vector<16xf32> to vector<1x16xf32>
        tpu.vector_store %arg11[%swap3A_1563, %swap3A_1564], %swap3A_1567 {strides = array<i32>} : memref<256x128xf32, #tpu.memory_space<vmem>>, vector<1x16xf32>,
        %add3A_1568 = arith.addf %get3A_1529, %get3A_704 : vector<16xf32>
        %mul3A_1569 = arith.constant 2 : i32
        %mul3A_1570 = arith.muli %mul3A_1569, %scan3A_641 : i32
        %add3A_1571 = arith.constant 96 : i32
        %add3A_1572 = arith.addi %add3A_1571, %mul3A_1570 : i32
        %add3A_1573 = arith.constant 1 : i32
        %add3A_1574 = arith.addi %add3A_1572, %add3A_1573 : i32
        %swap3A_1575 = arith.index_cast %add3A_1574 : i32 to index
        %swap3A_1576 = arith.constant 0 : index
        %swap3A_1577 = tpu.vector_load %arg11[%swap3A_1575, %swap3A_1576] {strides = array<i32>} : memref<256x128xf32, #tpu.memory_space<vmem>>, vector<1x16xf32>,
        %swap3A_1578 = vector.shape_cast %swap3A_1577 : vector<1x16xf32> to vector<16xf32>
        %swap3A_1579 = vector.shape_cast %add3A_1568 : vector<16xf32> to vector<1x16xf32>
        tpu.vector_store %arg11[%swap3A_1575, %swap3A_1576], %swap3A_1579 {strides = array<i32>} : memref<256x128xf32, #tpu.memory_space<vmem>>, vector<1x16xf32>,
        %add3A_1580 = arith.addf %get3A_1501, %get3A_660 : vector<16xf32>
        %mul3A_1581 = arith.constant 2 : i32
        %mul3A_1582 = arith.muli %mul3A_1581, %scan3A_641 : i32
        %add3A_1583 = arith.constant 96 : i32
        %add3A_1584 = arith.addi %add3A_1583, %mul3A_1582 : i32
        %swap3A_1585 = arith.index_cast %add3A_1584 : i32 to index
        %swap3A_1586 = arith.constant 16 : index
        %swap3A_1587 = tpu.vector_load %arg11[%swap3A_1585, %swap3A_1586] {strides = array<i32>} : memref<256x128xf32, #tpu.memory_space<vmem>>, vector<1x16xf32>,
        %swap3A_1588 = vector.shape_cast %swap3A_1587 : vector<1x16xf32> to vector<16xf32>
        %swap3A_1589 = vector.shape_cast %add3A_1580 : vector<16xf32> to vector<1x16xf32>
        tpu.vector_store %arg11[%swap3A_1585, %swap3A_1586], %swap3A_1589 {strides = array<i32>} : memref<256x128xf32, #tpu.memory_space<vmem>>, vector<1x16xf32>,
        %add3A_1590 = arith.addf %get3A_1533, %get3A_712 : vector<16xf32>
        %mul3A_1591 = arith.constant 2 : i32
        %mul3A_1592 = arith.muli %mul3A_1591, %scan3A_641 : i32
        %add3A_1593 = arith.constant 96 : i32
        %add3A_1594 = arith.addi %add3A_1593, %mul3A_1592 : i32
        %add3A_1595 = arith.constant 1 : i32
        %add3A_1596 = arith.addi %add3A_1594, %add3A_1595 : i32
        %swap3A_1597 = arith.index_cast %add3A_1596 : i32 to index
        %swap3A_1598 = arith.constant 16 : index
        %swap3A_1599 = tpu.vector_load %arg11[%swap3A_1597, %swap3A_1598] {strides = array<i32>} : memref<256x128xf32, #tpu.memory_space<vmem>>, vector<1x16xf32>,
        %swap3A_1600 = vector.shape_cast %swap3A_1599 : vector<1x16xf32> to vector<16xf32>
        %swap3A_1601 = vector.shape_cast %add3A_1590 : vector<16xf32> to vector<1x16xf32>
        tpu.vector_store %arg11[%swap3A_1597, %swap3A_1598], %swap3A_1601 {strides = array<i32>} : memref<256x128xf32, #tpu.memory_space<vmem>>, vector<1x16xf32>,
        %add3A_1602 = arith.addf %get3A_1505, %get3A_666 : vector<16xf32>
        %mul3A_1603 = arith.constant 2 : i32
        %mul3A_1604 = arith.muli %mul3A_1603, %scan3A_641 : i32
        %add3A_1605 = arith.constant 96 : i32
        %add3A_1606 = arith.addi %add3A_1605, %mul3A_1604 : i32
        %swap3A_1607 = arith.index_cast %add3A_1606 : i32 to index
        %swap3A_1608 = arith.constant 32 : index
        %swap3A_1609 = tpu.vector_load %arg11[%swap3A_1607, %swap3A_1608] {strides = array<i32>} : memref<256x128xf32, #tpu.memory_space<vmem>>, vector<1x16xf32>,
        %swap3A_1610 = vector.shape_cast %swap3A_1609 : vector<1x16xf32> to vector<16xf32>
        %swap3A_1611 = vector.shape_cast %add3A_1602 : vector<16xf32> to vector<1x16xf32>
        tpu.vector_store %arg11[%swap3A_1607, %swap3A_1608], %swap3A_1611 {strides = array<i32>} : memref<256x128xf32, #tpu.memory_space<vmem>>, vector<1x16xf32>,
        %add3A_1612 = arith.addf %get3A_1537, %get3A_720 : vector<16xf32>
        %mul3A_1613 = arith.constant 2 : i32
        %mul3A_1614 = arith.muli %mul3A_1613, %scan3A_641 : i32
        %add3A_1615 = arith.constant 96 : i32
        %add3A_1616 = arith.addi %add3A_1615, %mul3A_1614 : i32
        %add3A_1617 = arith.constant 1 : i32
        %add3A_1618 = arith.addi %add3A_1616, %add3A_1617 : i32
        %swap3A_1619 = arith.index_cast %add3A_1618 : i32 to index
        %swap3A_1620 = arith.constant 32 : index
        %swap3A_1621 = tpu.vector_load %arg11[%swap3A_1619, %swap3A_1620] {strides = array<i32>} : memref<256x128xf32, #tpu.memory_space<vmem>>, vector<1x16xf32>,
        %swap3A_1622 = vector.shape_cast %swap3A_1621 : vector<1x16xf32> to vector<16xf32>
        %swap3A_1623 = vector.shape_cast %add3A_1612 : vector<16xf32> to vector<1x16xf32>
        tpu.vector_store %arg11[%swap3A_1619, %swap3A_1620], %swap3A_1623 {strides = array<i32>} : memref<256x128xf32, #tpu.memory_space<vmem>>, vector<1x16xf32>,
        %add3A_1624 = arith.addf %get3A_1509, %get3A_672 : vector<16xf32>
        %mul3A_1625 = arith.constant 2 : i32
        %mul3A_1626 = arith.muli %mul3A_1625, %scan3A_641 : i32
        %add3A_1627 = arith.constant 96 : i32
        %add3A_1628 = arith.addi %add3A_1627, %mul3A_1626 : i32
        %swap3A_1629 = arith.index_cast %add3A_1628 : i32 to index
        %swap3A_1630 = arith.constant 48 : index
        %swap3A_1631 = tpu.vector_load %arg11[%swap3A_1629, %swap3A_1630] {strides = array<i32>} : memref<256x128xf32, #tpu.memory_space<vmem>>, vector<1x16xf32>,
        %swap3A_1632 = vector.shape_cast %swap3A_1631 : vector<1x16xf32> to vector<16xf32>
        %swap3A_1633 = vector.shape_cast %add3A_1624 : vector<16xf32> to vector<1x16xf32>
        tpu.vector_store %arg11[%swap3A_1629, %swap3A_1630], %swap3A_1633 {strides = array<i32>} : memref<256x128xf32, #tpu.memory_space<vmem>>, vector<1x16xf32>,
        %add3A_1634 = arith.addf %get3A_1541, %get3A_728 : vector<16xf32>
        %mul3A_1635 = arith.constant 2 : i32
        %mul3A_1636 = arith.muli %mul3A_1635, %scan3A_641 : i32
        %add3A_1637 = arith.constant 96 : i32
        %add3A_1638 = arith.addi %add3A_1637, %mul3A_1636 : i32
        %add3A_1639 = arith.constant 1 : i32
        %add3A_1640 = arith.addi %add3A_1638, %add3A_1639 : i32
        %swap3A_1641 = arith.index_cast %add3A_1640 : i32 to index
        %swap3A_1642 = arith.constant 48 : index
        %swap3A_1643 = tpu.vector_load %arg11[%swap3A_1641, %swap3A_1642] {strides = array<i32>} : memref<256x128xf32, #tpu.memory_space<vmem>>, vector<1x16xf32>,
        %swap3A_1644 = vector.shape_cast %swap3A_1643 : vector<1x16xf32> to vector<16xf32>
        %swap3A_1645 = vector.shape_cast %add3A_1634 : vector<16xf32> to vector<1x16xf32>
        tpu.vector_store %arg11[%swap3A_1641, %swap3A_1642], %swap3A_1645 {strides = array<i32>} : memref<256x128xf32, #tpu.memory_space<vmem>>, vector<1x16xf32>,
        %add3A_1646 = arith.addf %get3A_1513, %get3A_678 : vector<16xf32>
        %mul3A_1647 = arith.constant 2 : i32
        %mul3A_1648 = arith.muli %mul3A_1647, %scan3A_641 : i32
        %add3A_1649 = arith.constant 96 : i32
        %add3A_1650 = arith.addi %add3A_1649, %mul3A_1648 : i32
        %swap3A_1651 = arith.index_cast %add3A_1650 : i32 to index
        %swap3A_1652 = arith.constant 64 : index
        %swap3A_1653 = tpu.vector_load %arg11[%swap3A_1651, %swap3A_1652] {strides = array<i32>} : memref<256x128xf32, #tpu.memory_space<vmem>>, vector<1x16xf32>,
        %swap3A_1654 = vector.shape_cast %swap3A_1653 : vector<1x16xf32> to vector<16xf32>
        %swap3A_1655 = vector.shape_cast %add3A_1646 : vector<16xf32> to vector<1x16xf32>
        tpu.vector_store %arg11[%swap3A_1651, %swap3A_1652], %swap3A_1655 {strides = array<i32>} : memref<256x128xf32, #tpu.memory_space<vmem>>, vector<1x16xf32>,
        %add3A_1656 = arith.addf %get3A_1545, %get3A_736 : vector<16xf32>
        %mul3A_1657 = arith.constant 2 : i32
        %mul3A_1658 = arith.muli %mul3A_1657, %scan3A_641 : i32
        %add3A_1659 = arith.constant 96 : i32
        %add3A_1660 = arith.addi %add3A_1659, %mul3A_1658 : i32
        %add3A_1661 = arith.constant 1 : i32
        %add3A_1662 = arith.addi %add3A_1660, %add3A_1661 : i32
        %swap3A_1663 = arith.index_cast %add3A_1662 : i32 to index
        %swap3A_1664 = arith.constant 64 : index
        %swap3A_1665 = tpu.vector_load %arg11[%swap3A_1663, %swap3A_1664] {strides = array<i32>} : memref<256x128xf32, #tpu.memory_space<vmem>>, vector<1x16xf32>,
        %swap3A_1666 = vector.shape_cast %swap3A_1665 : vector<1x16xf32> to vector<16xf32>
        %swap3A_1667 = vector.shape_cast %add3A_1656 : vector<16xf32> to vector<1x16xf32>
        tpu.vector_store %arg11[%swap3A_1663, %swap3A_1664], %swap3A_1667 {strides = array<i32>} : memref<256x128xf32, #tpu.memory_space<vmem>>, vector<1x16xf32>,
        %add3A_1668 = arith.addf %get3A_1517, %get3A_684 : vector<16xf32>
        %mul3A_1669 = arith.constant 2 : i32
        %mul3A_1670 = arith.muli %mul3A_1669, %scan3A_641 : i32
        %add3A_1671 = arith.constant 96 : i32
        %add3A_1672 = arith.addi %add3A_1671, %mul3A_1670 : i32
        %swap3A_1673 = arith.index_cast %add3A_1672 : i32 to index
        %swap3A_1674 = arith.constant 80 : index
        %swap3A_1675 = tpu.vector_load %arg11[%swap3A_1673, %swap3A_1674] {strides = array<i32>} : memref<256x128xf32, #tpu.memory_space<vmem>>, vector<1x16xf32>,
        %swap3A_1676 = vector.shape_cast %swap3A_1675 : vector<1x16xf32> to vector<16xf32>
        %swap3A_1677 = vector.shape_cast %add3A_1668 : vector<16xf32> to vector<1x16xf32>
        tpu.vector_store %arg11[%swap3A_1673, %swap3A_1674], %swap3A_1677 {strides = array<i32>} : memref<256x128xf32, #tpu.memory_space<vmem>>, vector<1x16xf32>,
        %add3A_1678 = arith.addf %get3A_1549, %get3A_744 : vector<16xf32>
        %mul3A_1679 = arith.constant 2 : i32
        %mul3A_1680 = arith.muli %mul3A_1679, %scan3A_641 : i32
        %add3A_1681 = arith.constant 96 : i32
        %add3A_1682 = arith.addi %add3A_1681, %mul3A_1680 : i32
        %add3A_1683 = arith.constant 1 : i32
        %add3A_1684 = arith.addi %add3A_1682, %add3A_1683 : i32
        %swap3A_1685 = arith.index_cast %add3A_1684 : i32 to index
        %swap3A_1686 = arith.constant 80 : index
        %swap3A_1687 = tpu.vector_load %arg11[%swap3A_1685, %swap3A_1686] {strides = array<i32>} : memref<256x128xf32, #tpu.memory_space<vmem>>, vector<1x16xf32>,
        %swap3A_1688 = vector.shape_cast %swap3A_1687 : vector<1x16xf32> to vector<16xf32>
        %swap3A_1689 = vector.shape_cast %add3A_1678 : vector<16xf32> to vector<1x16xf32>
        tpu.vector_store %arg11[%swap3A_1685, %swap3A_1686], %swap3A_1689 {strides = array<i32>} : memref<256x128xf32, #tpu.memory_space<vmem>>, vector<1x16xf32>,
        %add3A_1690 = arith.addf %get3A_1521, %get3A_690 : vector<16xf32>
        %mul3A_1691 = arith.constant 2 : i32
        %mul3A_1692 = arith.muli %mul3A_1691, %scan3A_641 : i32
        %add3A_1693 = arith.constant 96 : i32
        %add3A_1694 = arith.addi %add3A_1693, %mul3A_1692 : i32
        %swap3A_1695 = arith.index_cast %add3A_1694 : i32 to index
        %swap3A_1696 = arith.constant 96 : index
        %swap3A_1697 = tpu.vector_load %arg11[%swap3A_1695, %swap3A_1696] {strides = array<i32>} : memref<256x128xf32, #tpu.memory_space<vmem>>, vector<1x16xf32>,
        %swap3A_1698 = vector.shape_cast %swap3A_1697 : vector<1x16xf32> to vector<16xf32>
        %swap3A_1699 = vector.shape_cast %add3A_1690 : vector<16xf32> to vector<1x16xf32>
        tpu.vector_store %arg11[%swap3A_1695, %swap3A_1696], %swap3A_1699 {strides = array<i32>} : memref<256x128xf32, #tpu.memory_space<vmem>>, vector<1x16xf32>,
        %add3A_1700 = arith.addf %get3A_1553, %get3A_752 : vector<16xf32>
        %mul3A_1701 = arith.constant 2 : i32
        %mul3A_1702 = arith.muli %mul3A_1701, %scan3A_641 : i32
        %add3A_1703 = arith.constant 96 : i32
        %add3A_1704 = arith.addi %add3A_1703, %mul3A_1702 : i32
        %add3A_1705 = arith.constant 1 : i32
        %add3A_1706 = arith.addi %add3A_1704, %add3A_1705 : i32
        %swap3A_1707 = arith.index_cast %add3A_1706 : i32 to index
        %swap3A_1708 = arith.constant 96 : index
        %swap3A_1709 = tpu.vector_load %arg11[%swap3A_1707, %swap3A_1708] {strides = array<i32>} : memref<256x128xf32, #tpu.memory_space<vmem>>, vector<1x16xf32>,
        %swap3A_1710 = vector.shape_cast %swap3A_1709 : vector<1x16xf32> to vector<16xf32>
        %swap3A_1711 = vector.shape_cast %add3A_1700 : vector<16xf32> to vector<1x16xf32>
        tpu.vector_store %arg11[%swap3A_1707, %swap3A_1708], %swap3A_1711 {strides = array<i32>} : memref<256x128xf32, #tpu.memory_space<vmem>>, vector<1x16xf32>,
        %add3A_1712 = arith.addf %get3A_1525, %get3A_696 : vector<16xf32>
        %mul3A_1713 = arith.constant 2 : i32
        %mul3A_1714 = arith.muli %mul3A_1713, %scan3A_641 : i32
        %add3A_1715 = arith.constant 96 : i32
        %add3A_1716 = arith.addi %add3A_1715, %mul3A_1714 : i32
        %swap3A_1717 = arith.index_cast %add3A_1716 : i32 to index
        %swap3A_1718 = arith.constant 112 : index
        %swap3A_1719 = tpu.vector_load %arg11[%swap3A_1717, %swap3A_1718] {strides = array<i32>} : memref<256x128xf32, #tpu.memory_space<vmem>>, vector<1x16xf32>,
        %swap3A_1720 = vector.shape_cast %swap3A_1719 : vector<1x16xf32> to vector<16xf32>
        %swap3A_1721 = vector.shape_cast %add3A_1712 : vector<16xf32> to vector<1x16xf32>
        tpu.vector_store %arg11[%swap3A_1717, %swap3A_1718], %swap3A_1721 {strides = array<i32>} : memref<256x128xf32, #tpu.memory_space<vmem>>, vector<1x16xf32>,
        %add3A_1722 = arith.addf %get3A_1557, %get3A_760 : vector<16xf32>
        %mul3A_1723 = arith.constant 2 : i32
        %mul3A_1724 = arith.muli %mul3A_1723, %scan3A_641 : i32
        %add3A_1725 = arith.constant 96 : i32
        %add3A_1726 = arith.addi %add3A_1725, %mul3A_1724 : i32
        %add3A_1727 = arith.constant 1 : i32
        %add3A_1728 = arith.addi %add3A_1726, %add3A_1727 : i32
        %swap3A_1729 = arith.index_cast %add3A_1728 : i32 to index
        %swap3A_1730 = arith.constant 112 : index
        %swap3A_1731 = tpu.vector_load %arg11[%swap3A_1729, %swap3A_1730] {strides = array<i32>} : memref<256x128xf32, #tpu.memory_space<vmem>>, vector<1x16xf32>,
        %swap3A_1732 = vector.shape_cast %swap3A_1731 : vector<1x16xf32> to vector<16xf32>
        %swap3A_1733 = vector.shape_cast %add3A_1722 : vector<16xf32> to vector<1x16xf32>
        tpu.vector_store %arg11[%swap3A_1729, %swap3A_1730], %swap3A_1733 {strides = array<i32>} : memref<256x128xf32, #tpu.memory_space<vmem>>, vector<1x16xf32>,
        %slice3A_1734 = vector.extract_strided_slice %get3A_648 {offsets = [4], sizes = [1], strides = [1]} : vector<16xi32> to vector<1xi32>
        %squeeze3A_1735 = vector.extract %slice3A_1734[0] : i32 from vector<1xi32>
        %slice3A_1736 = vector.extract_strided_slice %get3A_648 {offsets = [12], sizes = [1], strides = [1]} : vector<16xi32> to vector<1xi32>
        %squeeze3A_1737 = vector.extract %slice3A_1736[0] : i32 from vector<1xi32>
        %get3A_1738 = arith.index_cast %squeeze3A_1735 : i32 to index
        %get3A_1739 = arith.constant 0 : index
        %get3A_1740 = tpu.vector_load %arg7[%get3A_1738, %get3A_1739] {strides = array<i32>} : memref<128x128xf32, #tpu.memory_space<vmem>>, vector<1x16xf32>,
        %get3A_1741 = vector.shape_cast %get3A_1740 : vector<1x16xf32> to vector<16xf32>
        %get3A_1742 = arith.index_cast %squeeze3A_1735 : i32 to index
        %get3A_1743 = arith.constant 16 : index
        %get3A_1744 = tpu.vector_load %arg7[%get3A_1742, %get3A_1743] {strides = array<i32>} : memref<128x128xf32, #tpu.memory_space<vmem>>, vector<1x16xf32>,
        %get3A_1745 = vector.shape_cast %get3A_1744 : vector<1x16xf32> to vector<16xf32>
        %get3A_1746 = arith.index_cast %squeeze3A_1735 : i32 to index
        %get3A_1747 = arith.constant 32 : index
        %get3A_1748 = tpu.vector_load %arg7[%get3A_1746, %get3A_1747] {strides = array<i32>} : memref<128x128xf32, #tpu.memory_space<vmem>>, vector<1x16xf32>,
        %get3A_1749 = vector.shape_cast %get3A_1748 : vector<1x16xf32> to vector<16xf32>
        %get3A_1750 = arith.index_cast %squeeze3A_1735 : i32 to index
        %get3A_1751 = arith.constant 48 : index
        %get3A_1752 = tpu.vector_load %arg7[%get3A_1750, %get3A_1751] {strides = array<i32>} : memref<128x128xf32, #tpu.memory_space<vmem>>, vector<1x16xf32>,
        %get3A_1753 = vector.shape_cast %get3A_1752 : vector<1x16xf32> to vector<16xf32>
        %get3A_1754 = arith.index_cast %squeeze3A_1735 : i32 to index
        %get3A_1755 = arith.constant 64 : index
        %get3A_1756 = tpu.vector_load %arg7[%get3A_1754, %get3A_1755] {strides = array<i32>} : memref<128x128xf32, #tpu.memory_space<vmem>>, vector<1x16xf32>,
        %get3A_1757 = vector.shape_cast %get3A_1756 : vector<1x16xf32> to vector<16xf32>
        %get3A_1758 = arith.index_cast %squeeze3A_1735 : i32 to index
        %get3A_1759 = arith.constant 80 : index
        %get3A_1760 = tpu.vector_load %arg7[%get3A_1758, %get3A_1759] {strides = array<i32>} : memref<128x128xf32, #tpu.memory_space<vmem>>, vector<1x16xf32>,
        %get3A_1761 = vector.shape_cast %get3A_1760 : vector<1x16xf32> to vector<16xf32>
        %get3A_1762 = arith.index_cast %squeeze3A_1735 : i32 to index
        %get3A_1763 = arith.constant 96 : index
        %get3A_1764 = tpu.vector_load %arg7[%get3A_1762, %get3A_1763] {strides = array<i32>} : memref<128x128xf32, #tpu.memory_space<vmem>>, vector<1x16xf32>,
        %get3A_1765 = vector.shape_cast %get3A_1764 : vector<1x16xf32> to vector<16xf32>
        %get3A_1766 = arith.index_cast %squeeze3A_1735 : i32 to index
        %get3A_1767 = arith.constant 112 : index
        %get3A_1768 = tpu.vector_load %arg7[%get3A_1766, %get3A_1767] {strides = array<i32>} : memref<128x128xf32, #tpu.memory_space<vmem>>, vector<1x16xf32>,
        %get3A_1769 = vector.shape_cast %get3A_1768 : vector<1x16xf32> to vector<16xf32>
        %get3A_1770 = arith.index_cast %squeeze3A_1737 : i32 to index
        %get3A_1771 = arith.constant 0 : index
        %get3A_1772 = tpu.vector_load %arg7[%get3A_1770, %get3A_1771] {strides = array<i32>} : memref<128x128xf32, #tpu.memory_space<vmem>>, vector<1x16xf32>,
        %get3A_1773 = vector.shape_cast %get3A_1772 : vector<1x16xf32> to vector<16xf32>
        %get3A_1774 = arith.index_cast %squeeze3A_1737 : i32 to index
        %get3A_1775 = arith.constant 16 : index
        %get3A_1776 = tpu.vector_load %arg7[%get3A_1774, %get3A_1775] {strides = array<i32>} : memref<128x128xf32, #tpu.memory_space<vmem>>, vector<1x16xf32>,
        %get3A_1777 = vector.shape_cast %get3A_1776 : vector<1x16xf32> to vector<16xf32>
        %get3A_1778 = arith.index_cast %squeeze3A_1737 : i32 to index
        %get3A_1779 = arith.constant 32 : index
        %get3A_1780 = tpu.vector_load %arg7[%get3A_1778, %get3A_1779] {strides = array<i32>} : memref<128x128xf32, #tpu.memory_space<vmem>>, vector<1x16xf32>,
        %get3A_1781 = vector.shape_cast %get3A_1780 : vector<1x16xf32> to vector<16xf32>
        %get3A_1782 = arith.index_cast %squeeze3A_1737 : i32 to index
        %get3A_1783 = arith.constant 48 : index
        %get3A_1784 = tpu.vector_load %arg7[%get3A_1782, %get3A_1783] {strides = array<i32>} : memref<128x128xf32, #tpu.memory_space<vmem>>, vector<1x16xf32>,
        %get3A_1785 = vector.shape_cast %get3A_1784 : vector<1x16xf32> to vector<16xf32>
        %get3A_1786 = arith.index_cast %squeeze3A_1737 : i32 to index
        %get3A_1787 = arith.constant 64 : index
        %get3A_1788 = tpu.vector_load %arg7[%get3A_1786, %get3A_1787] {strides = array<i32>} : memref<128x128xf32, #tpu.memory_space<vmem>>, vector<1x16xf32>,
        %get3A_1789 = vector.shape_cast %get3A_1788 : vector<1x16xf32> to vector<16xf32>
        %get3A_1790 = arith.index_cast %squeeze3A_1737 : i32 to index
        %get3A_1791 = arith.constant 80 : index
        %get3A_1792 = tpu.vector_load %arg7[%get3A_1790, %get3A_1791] {strides = array<i32>} : memref<128x128xf32, #tpu.memory_space<vmem>>, vector<1x16xf32>,
        %get3A_1793 = vector.shape_cast %get3A_1792 : vector<1x16xf32> to vector<16xf32>
        %get3A_1794 = arith.index_cast %squeeze3A_1737 : i32 to index
        %get3A_1795 = arith.constant 96 : index
        %get3A_1796 = tpu.vector_load %arg7[%get3A_1794, %get3A_1795] {strides = array<i32>} : memref<128x128xf32, #tpu.memory_space<vmem>>, vector<1x16xf32>,
        %get3A_1797 = vector.shape_cast %get3A_1796 : vector<1x16xf32> to vector<16xf32>
        %get3A_1798 = arith.index_cast %squeeze3A_1737 : i32 to index
        %get3A_1799 = arith.constant 112 : index
        %get3A_1800 = tpu.vector_load %arg7[%get3A_1798, %get3A_1799] {strides = array<i32>} : memref<128x128xf32, #tpu.memory_space<vmem>>, vector<1x16xf32>,
        %get3A_1801 = vector.shape_cast %get3A_1800 : vector<1x16xf32> to vector<16xf32>
        %add3A_1802 = arith.addf %get3A_1741, %get3A_654 : vector<16xf32>
        %mul3A_1803 = arith.constant 2 : i32
        %mul3A_1804 = arith.muli %mul3A_1803, %scan3A_641 : i32
        %add3A_1805 = arith.constant 128 : i32
        %add3A_1806 = arith.addi %add3A_1805, %mul3A_1804 : i32
        %swap3A_1807 = arith.index_cast %add3A_1806 : i32 to index
        %swap3A_1808 = arith.constant 0 : index
        %swap3A_1809 = tpu.vector_load %arg11[%swap3A_1807, %swap3A_1808] {strides = array<i32>} : memref<256x128xf32, #tpu.memory_space<vmem>>, vector<1x16xf32>,
        %swap3A_1810 = vector.shape_cast %swap3A_1809 : vector<1x16xf32> to vector<16xf32>
        %swap3A_1811 = vector.shape_cast %add3A_1802 : vector<16xf32> to vector<1x16xf32>
        tpu.vector_store %arg11[%swap3A_1807, %swap3A_1808], %swap3A_1811 {strides = array<i32>} : memref<256x128xf32, #tpu.memory_space<vmem>>, vector<1x16xf32>,
        %add3A_1812 = arith.addf %get3A_1773, %get3A_704 : vector<16xf32>
        %mul3A_1813 = arith.constant 2 : i32
        %mul3A_1814 = arith.muli %mul3A_1813, %scan3A_641 : i32
        %add3A_1815 = arith.constant 128 : i32
        %add3A_1816 = arith.addi %add3A_1815, %mul3A_1814 : i32
        %add3A_1817 = arith.constant 1 : i32
        %add3A_1818 = arith.addi %add3A_1816, %add3A_1817 : i32
        %swap3A_1819 = arith.index_cast %add3A_1818 : i32 to index
        %swap3A_1820 = arith.constant 0 : index
        %swap3A_1821 = tpu.vector_load %arg11[%swap3A_1819, %swap3A_1820] {strides = array<i32>} : memref<256x128xf32, #tpu.memory_space<vmem>>, vector<1x16xf32>,
        %swap3A_1822 = vector.shape_cast %swap3A_1821 : vector<1x16xf32> to vector<16xf32>
        %swap3A_1823 = vector.shape_cast %add3A_1812 : vector<16xf32> to vector<1x16xf32>
        tpu.vector_store %arg11[%swap3A_1819, %swap3A_1820], %swap3A_1823 {strides = array<i32>} : memref<256x128xf32, #tpu.memory_space<vmem>>, vector<1x16xf32>,
        %add3A_1824 = arith.addf %get3A_1745, %get3A_660 : vector<16xf32>
        %mul3A_1825 = arith.constant 2 : i32
        %mul3A_1826 = arith.muli %mul3A_1825, %scan3A_641 : i32
        %add3A_1827 = arith.constant 128 : i32
        %add3A_1828 = arith.addi %add3A_1827, %mul3A_1826 : i32
        %swap3A_1829 = arith.index_cast %add3A_1828 : i32 to index
        %swap3A_1830 = arith.constant 16 : index
        %swap3A_1831 = tpu.vector_load %arg11[%swap3A_1829, %swap3A_1830] {strides = array<i32>} : memref<256x128xf32, #tpu.memory_space<vmem>>, vector<1x16xf32>,
        %swap3A_1832 = vector.shape_cast %swap3A_1831 : vector<1x16xf32> to vector<16xf32>
        %swap3A_1833 = vector.shape_cast %add3A_1824 : vector<16xf32> to vector<1x16xf32>
        tpu.vector_store %arg11[%swap3A_1829, %swap3A_1830], %swap3A_1833 {strides = array<i32>} : memref<256x128xf32, #tpu.memory_space<vmem>>, vector<1x16xf32>,
        %add3A_1834 = arith.addf %get3A_1777, %get3A_712 : vector<16xf32>
        %mul3A_1835 = arith.constant 2 : i32
        %mul3A_1836 = arith.muli %mul3A_1835, %scan3A_641 : i32
        %add3A_1837 = arith.constant 128 : i32
        %add3A_1838 = arith.addi %add3A_1837, %mul3A_1836 : i32
        %add3A_1839 = arith.constant 1 : i32
        %add3A_1840 = arith.addi %add3A_1838, %add3A_1839 : i32
        %swap3A_1841 = arith.index_cast %add3A_1840 : i32 to index
        %swap3A_1842 = arith.constant 16 : index
        %swap3A_1843 = tpu.vector_load %arg11[%swap3A_1841, %swap3A_1842] {strides = array<i32>} : memref<256x128xf32, #tpu.memory_space<vmem>>, vector<1x16xf32>,
        %swap3A_1844 = vector.shape_cast %swap3A_1843 : vector<1x16xf32> to vector<16xf32>
        %swap3A_1845 = vector.shape_cast %add3A_1834 : vector<16xf32> to vector<1x16xf32>
        tpu.vector_store %arg11[%swap3A_1841, %swap3A_1842], %swap3A_1845 {strides = array<i32>} : memref<256x128xf32, #tpu.memory_space<vmem>>, vector<1x16xf32>,
        %add3A_1846 = arith.addf %get3A_1749, %get3A_666 : vector<16xf32>
        %mul3A_1847 = arith.constant 2 : i32
        %mul3A_1848 = arith.muli %mul3A_1847, %scan3A_641 : i32
        %add3A_1849 = arith.constant 128 : i32
        %add3A_1850 = arith.addi %add3A_1849, %mul3A_1848 : i32
        %swap3A_1851 = arith.index_cast %add3A_1850 : i32 to index
        %swap3A_1852 = arith.constant 32 : index
        %swap3A_1853 = tpu.vector_load %arg11[%swap3A_1851, %swap3A_1852] {strides = array<i32>} : memref<256x128xf32, #tpu.memory_space<vmem>>, vector<1x16xf32>,
        %swap3A_1854 = vector.shape_cast %swap3A_1853 : vector<1x16xf32> to vector<16xf32>
        %swap3A_1855 = vector.shape_cast %add3A_1846 : vector<16xf32> to vector<1x16xf32>
        tpu.vector_store %arg11[%swap3A_1851, %swap3A_1852], %swap3A_1855 {strides = array<i32>} : memref<256x128xf32, #tpu.memory_space<vmem>>, vector<1x16xf32>,
        %add3A_1856 = arith.addf %get3A_1781, %get3A_720 : vector<16xf32>
        %mul3A_1857 = arith.constant 2 : i32
        %mul3A_1858 = arith.muli %mul3A_1857, %scan3A_641 : i32
        %add3A_1859 = arith.constant 128 : i32
        %add3A_1860 = arith.addi %add3A_1859, %mul3A_1858 : i32
        %add3A_1861 = arith.constant 1 : i32
        %add3A_1862 = arith.addi %add3A_1860, %add3A_1861 : i32
        %swap3A_1863 = arith.index_cast %add3A_1862 : i32 to index
        %swap3A_1864 = arith.constant 32 : index
        %swap3A_1865 = tpu.vector_load %arg11[%swap3A_1863, %swap3A_1864] {strides = array<i32>} : memref<256x128xf32, #tpu.memory_space<vmem>>, vector<1x16xf32>,
        %swap3A_1866 = vector.shape_cast %swap3A_1865 : vector<1x16xf32> to vector<16xf32>
        %swap3A_1867 = vector.shape_cast %add3A_1856 : vector<16xf32> to vector<1x16xf32>
        tpu.vector_store %arg11[%swap3A_1863, %swap3A_1864], %swap3A_1867 {strides = array<i32>} : memref<256x128xf32, #tpu.memory_space<vmem>>, vector<1x16xf32>,
        %add3A_1868 = arith.addf %get3A_1753, %get3A_672 : vector<16xf32>
        %mul3A_1869 = arith.constant 2 : i32
        %mul3A_1870 = arith.muli %mul3A_1869, %scan3A_641 : i32
        %add3A_1871 = arith.constant 128 : i32
        %add3A_1872 = arith.addi %add3A_1871, %mul3A_1870 : i32
        %swap3A_1873 = arith.index_cast %add3A_1872 : i32 to index
        %swap3A_1874 = arith.constant 48 : index
        %swap3A_1875 = tpu.vector_load %arg11[%swap3A_1873, %swap3A_1874] {strides = array<i32>} : memref<256x128xf32, #tpu.memory_space<vmem>>, vector<1x16xf32>,
        %swap3A_1876 = vector.shape_cast %swap3A_1875 : vector<1x16xf32> to vector<16xf32>
        %swap3A_1877 = vector.shape_cast %add3A_1868 : vector<16xf32> to vector<1x16xf32>
        tpu.vector_store %arg11[%swap3A_1873, %swap3A_1874], %swap3A_1877 {strides = array<i32>} : memref<256x128xf32, #tpu.memory_space<vmem>>, vector<1x16xf32>,
        %add3A_1878 = arith.addf %get3A_1785, %get3A_728 : vector<16xf32>
        %mul3A_1879 = arith.constant 2 : i32
        %mul3A_1880 = arith.muli %mul3A_1879, %scan3A_641 : i32
        %add3A_1881 = arith.constant 128 : i32
        %add3A_1882 = arith.addi %add3A_1881, %mul3A_1880 : i32
        %add3A_1883 = arith.constant 1 : i32
        %add3A_1884 = arith.addi %add3A_1882, %add3A_1883 : i32
        %swap3A_1885 = arith.index_cast %add3A_1884 : i32 to index
        %swap3A_1886 = arith.constant 48 : index
        %swap3A_1887 = tpu.vector_load %arg11[%swap3A_1885, %swap3A_1886] {strides = array<i32>} : memref<256x128xf32, #tpu.memory_space<vmem>>, vector<1x16xf32>,
        %swap3A_1888 = vector.shape_cast %swap3A_1887 : vector<1x16xf32> to vector<16xf32>
        %swap3A_1889 = vector.shape_cast %add3A_1878 : vector<16xf32> to vector<1x16xf32>
        tpu.vector_store %arg11[%swap3A_1885, %swap3A_1886], %swap3A_1889 {strides = array<i32>} : memref<256x128xf32, #tpu.memory_space<vmem>>, vector<1x16xf32>,
        %add3A_1890 = arith.addf %get3A_1757, %get3A_678 : vector<16xf32>
        %mul3A_1891 = arith.constant 2 : i32
        %mul3A_1892 = arith.muli %mul3A_1891, %scan3A_641 : i32
        %add3A_1893 = arith.constant 128 : i32
        %add3A_1894 = arith.addi %add3A_1893, %mul3A_1892 : i32
        %swap3A_1895 = arith.index_cast %add3A_1894 : i32 to index
        %swap3A_1896 = arith.constant 64 : index
        %swap3A_1897 = tpu.vector_load %arg11[%swap3A_1895, %swap3A_1896] {strides = array<i32>} : memref<256x128xf32, #tpu.memory_space<vmem>>, vector<1x16xf32>,
        %swap3A_1898 = vector.shape_cast %swap3A_1897 : vector<1x16xf32> to vector<16xf32>
        %swap3A_1899 = vector.shape_cast %add3A_1890 : vector<16xf32> to vector<1x16xf32>
        tpu.vector_store %arg11[%swap3A_1895, %swap3A_1896], %swap3A_1899 {strides = array<i32>} : memref<256x128xf32, #tpu.memory_space<vmem>>, vector<1x16xf32>,
        %add3A_1900 = arith.addf %get3A_1789, %get3A_736 : vector<16xf32>
        %mul3A_1901 = arith.constant 2 : i32
        %mul3A_1902 = arith.muli %mul3A_1901, %scan3A_641 : i32
        %add3A_1903 = arith.constant 128 : i32
        %add3A_1904 = arith.addi %add3A_1903, %mul3A_1902 : i32
        %add3A_1905 = arith.constant 1 : i32
        %add3A_1906 = arith.addi %add3A_1904, %add3A_1905 : i32
        %swap3A_1907 = arith.index_cast %add3A_1906 : i32 to index
        %swap3A_1908 = arith.constant 64 : index
        %swap3A_1909 = tpu.vector_load %arg11[%swap3A_1907, %swap3A_1908] {strides = array<i32>} : memref<256x128xf32, #tpu.memory_space<vmem>>, vector<1x16xf32>,
        %swap3A_1910 = vector.shape_cast %swap3A_1909 : vector<1x16xf32> to vector<16xf32>
        %swap3A_1911 = vector.shape_cast %add3A_1900 : vector<16xf32> to vector<1x16xf32>
        tpu.vector_store %arg11[%swap3A_1907, %swap3A_1908], %swap3A_1911 {strides = array<i32>} : memref<256x128xf32, #tpu.memory_space<vmem>>, vector<1x16xf32>,
        %add3A_1912 = arith.addf %get3A_1761, %get3A_684 : vector<16xf32>
        %mul3A_1913 = arith.constant 2 : i32
        %mul3A_1914 = arith.muli %mul3A_1913, %scan3A_641 : i32
        %add3A_1915 = arith.constant 128 : i32
        %add3A_1916 = arith.addi %add3A_1915, %mul3A_1914 : i32
        %swap3A_1917 = arith.index_cast %add3A_1916 : i32 to index
        %swap3A_1918 = arith.constant 80 : index
        %swap3A_1919 = tpu.vector_load %arg11[%swap3A_1917, %swap3A_1918] {strides = array<i32>} : memref<256x128xf32, #tpu.memory_space<vmem>>, vector<1x16xf32>,
        %swap3A_1920 = vector.shape_cast %swap3A_1919 : vector<1x16xf32> to vector<16xf32>
        %swap3A_1921 = vector.shape_cast %add3A_1912 : vector<16xf32> to vector<1x16xf32>
        tpu.vector_store %arg11[%swap3A_1917, %swap3A_1918], %swap3A_1921 {strides = array<i32>} : memref<256x128xf32, #tpu.memory_space<vmem>>, vector<1x16xf32>,
        %add3A_1922 = arith.addf %get3A_1793, %get3A_744 : vector<16xf32>
        %mul3A_1923 = arith.constant 2 : i32
        %mul3A_1924 = arith.muli %mul3A_1923, %scan3A_641 : i32
        %add3A_1925 = arith.constant 128 : i32
        %add3A_1926 = arith.addi %add3A_1925, %mul3A_1924 : i32
        %add3A_1927 = arith.constant 1 : i32
        %add3A_1928 = arith.addi %add3A_1926, %add3A_1927 : i32
        %swap3A_1929 = arith.index_cast %add3A_1928 : i32 to index
        %swap3A_1930 = arith.constant 80 : index
        %swap3A_1931 = tpu.vector_load %arg11[%swap3A_1929, %swap3A_1930] {strides = array<i32>} : memref<256x128xf32, #tpu.memory_space<vmem>>, vector<1x16xf32>,
        %swap3A_1932 = vector.shape_cast %swap3A_1931 : vector<1x16xf32> to vector<16xf32>
        %swap3A_1933 = vector.shape_cast %add3A_1922 : vector<16xf32> to vector<1x16xf32>
        tpu.vector_store %arg11[%swap3A_1929, %swap3A_1930], %swap3A_1933 {strides = array<i32>} : memref<256x128xf32, #tpu.memory_space<vmem>>, vector<1x16xf32>,
        %add3A_1934 = arith.addf %get3A_1765, %get3A_690 : vector<16xf32>
        %mul3A_1935 = arith.constant 2 : i32
        %mul3A_1936 = arith.muli %mul3A_1935, %scan3A_641 : i32
        %add3A_1937 = arith.constant 128 : i32
        %add3A_1938 = arith.addi %add3A_1937, %mul3A_1936 : i32
        %swap3A_1939 = arith.index_cast %add3A_1938 : i32 to index
        %swap3A_1940 = arith.constant 96 : index
        %swap3A_1941 = tpu.vector_load %arg11[%swap3A_1939, %swap3A_1940] {strides = array<i32>} : memref<256x128xf32, #tpu.memory_space<vmem>>, vector<1x16xf32>,
        %swap3A_1942 = vector.shape_cast %swap3A_1941 : vector<1x16xf32> to vector<16xf32>
        %swap3A_1943 = vector.shape_cast %add3A_1934 : vector<16xf32> to vector<1x16xf32>
        tpu.vector_store %arg11[%swap3A_1939, %swap3A_1940], %swap3A_1943 {strides = array<i32>} : memref<256x128xf32, #tpu.memory_space<vmem>>, vector<1x16xf32>,
        %add3A_1944 = arith.addf %get3A_1797, %get3A_752 : vector<16xf32>
        %mul3A_1945 = arith.constant 2 : i32
        %mul3A_1946 = arith.muli %mul3A_1945, %scan3A_641 : i32
        %add3A_1947 = arith.constant 128 : i32
        %add3A_1948 = arith.addi %add3A_1947, %mul3A_1946 : i32
        %add3A_1949 = arith.constant 1 : i32
        %add3A_1950 = arith.addi %add3A_1948, %add3A_1949 : i32
        %swap3A_1951 = arith.index_cast %add3A_1950 : i32 to index
        %swap3A_1952 = arith.constant 96 : index
        %swap3A_1953 = tpu.vector_load %arg11[%swap3A_1951, %swap3A_1952] {strides = array<i32>} : memref<256x128xf32, #tpu.memory_space<vmem>>, vector<1x16xf32>,
        %swap3A_1954 = vector.shape_cast %swap3A_1953 : vector<1x16xf32> to vector<16xf32>
        %swap3A_1955 = vector.shape_cast %add3A_1944 : vector<16xf32> to vector<1x16xf32>
        tpu.vector_store %arg11[%swap3A_1951, %swap3A_1952], %swap3A_1955 {strides = array<i32>} : memref<256x128xf32, #tpu.memory_space<vmem>>, vector<1x16xf32>,
        %add3A_1956 = arith.addf %get3A_1769, %get3A_696 : vector<16xf32>
        %mul3A_1957 = arith.constant 2 : i32
        %mul3A_1958 = arith.muli %mul3A_1957, %scan3A_641 : i32
        %add3A_1959 = arith.constant 128 : i32
        %add3A_1960 = arith.addi %add3A_1959, %mul3A_1958 : i32
        %swap3A_1961 = arith.index_cast %add3A_1960 : i32 to index
        %swap3A_1962 = arith.constant 112 : index
        %swap3A_1963 = tpu.vector_load %arg11[%swap3A_1961, %swap3A_1962] {strides = array<i32>} : memref<256x128xf32, #tpu.memory_space<vmem>>, vector<1x16xf32>,
        %swap3A_1964 = vector.shape_cast %swap3A_1963 : vector<1x16xf32> to vector<16xf32>
        %swap3A_1965 = vector.shape_cast %add3A_1956 : vector<16xf32> to vector<1x16xf32>
        tpu.vector_store %arg11[%swap3A_1961, %swap3A_1962], %swap3A_1965 {strides = array<i32>} : memref<256x128xf32, #tpu.memory_space<vmem>>, vector<1x16xf32>,
        %add3A_1966 = arith.addf %get3A_1801, %get3A_760 : vector<16xf32>
        %mul3A_1967 = arith.constant 2 : i32
        %mul3A_1968 = arith.muli %mul3A_1967, %scan3A_641 : i32
        %add3A_1969 = arith.constant 128 : i32
        %add3A_1970 = arith.addi %add3A_1969, %mul3A_1968 : i32
        %add3A_1971 = arith.constant 1 : i32
        %add3A_1972 = arith.addi %add3A_1970, %add3A_1971 : i32
        %swap3A_1973 = arith.index_cast %add3A_1972 : i32 to index
        %swap3A_1974 = arith.constant 112 : index
        %swap3A_1975 = tpu.vector_load %arg11[%swap3A_1973, %swap3A_1974] {strides = array<i32>} : memref<256x128xf32, #tpu.memory_space<vmem>>, vector<1x16xf32>,
        %swap3A_1976 = vector.shape_cast %swap3A_1975 : vector<1x16xf32> to vector<16xf32>
        %swap3A_1977 = vector.shape_cast %add3A_1966 : vector<16xf32> to vector<1x16xf32>
        tpu.vector_store %arg11[%swap3A_1973, %swap3A_1974], %swap3A_1977 {strides = array<i32>} : memref<256x128xf32, #tpu.memory_space<vmem>>, vector<1x16xf32>,
        %slice3A_1978 = vector.extract_strided_slice %get3A_648 {offsets = [5], sizes = [1], strides = [1]} : vector<16xi32> to vector<1xi32>
        %squeeze3A_1979 = vector.extract %slice3A_1978[0] : i32 from vector<1xi32>
        %slice3A_1980 = vector.extract_strided_slice %get3A_648 {offsets = [13], sizes = [1], strides = [1]} : vector<16xi32> to vector<1xi32>
        %squeeze3A_1981 = vector.extract %slice3A_1980[0] : i32 from vector<1xi32>
        %get3A_1982 = arith.index_cast %squeeze3A_1979 : i32 to index
        %get3A_1983 = arith.constant 0 : index
        %get3A_1984 = tpu.vector_load %arg7[%get3A_1982, %get3A_1983] {strides = array<i32>} : memref<128x128xf32, #tpu.memory_space<vmem>>, vector<1x16xf32>,
        %get3A_1985 = vector.shape_cast %get3A_1984 : vector<1x16xf32> to vector<16xf32>
        %get3A_1986 = arith.index_cast %squeeze3A_1979 : i32 to index
        %get3A_1987 = arith.constant 16 : index
        %get3A_1988 = tpu.vector_load %arg7[%get3A_1986, %get3A_1987] {strides = array<i32>} : memref<128x128xf32, #tpu.memory_space<vmem>>, vector<1x16xf32>,
        %get3A_1989 = vector.shape_cast %get3A_1988 : vector<1x16xf32> to vector<16xf32>
        %get3A_1990 = arith.index_cast %squeeze3A_1979 : i32 to index
        %get3A_1991 = arith.constant 32 : index
        %get3A_1992 = tpu.vector_load %arg7[%get3A_1990, %get3A_1991] {strides = array<i32>} : memref<128x128xf32, #tpu.memory_space<vmem>>, vector<1x16xf32>,
        %get3A_1993 = vector.shape_cast %get3A_1992 : vector<1x16xf32> to vector<16xf32>
        %get3A_1994 = arith.index_cast %squeeze3A_1979 : i32 to index
        %get3A_1995 = arith.constant 48 : index
        %get3A_1996 = tpu.vector_load %arg7[%get3A_1994, %get3A_1995] {strides = array<i32>} : memref<128x128xf32, #tpu.memory_space<vmem>>, vector<1x16xf32>,
        %get3A_1997 = vector.shape_cast %get3A_1996 : vector<1x16xf32> to vector<16xf32>
        %get3A_1998 = arith.index_cast %squeeze3A_1979 : i32 to index
        %get3A_1999 = arith.constant 64 : index
        %get3A_2000 = tpu.vector_load %arg7[%get3A_1998, %get3A_1999] {strides = array<i32>} : memref<128x128xf32, #tpu.memory_space<vmem>>, vector<1x16xf32>,
        %get3A_2001 = vector.shape_cast %get3A_2000 : vector<1x16xf32> to vector<16xf32>
        %get3A_2002 = arith.index_cast %squeeze3A_1979 : i32 to index
        %get3A_2003 = arith.constant 80 : index
        %get3A_2004 = tpu.vector_load %arg7[%get3A_2002, %get3A_2003] {strides = array<i32>} : memref<128x128xf32, #tpu.memory_space<vmem>>, vector<1x16xf32>,
        %get3A_2005 = vector.shape_cast %get3A_2004 : vector<1x16xf32> to vector<16xf32>
        %get3A_2006 = arith.index_cast %squeeze3A_1979 : i32 to index
        %get3A_2007 = arith.constant 96 : index
        %get3A_2008 = tpu.vector_load %arg7[%get3A_2006, %get3A_2007] {strides = array<i32>} : memref<128x128xf32, #tpu.memory_space<vmem>>, vector<1x16xf32>,
        %get3A_2009 = vector.shape_cast %get3A_2008 : vector<1x16xf32> to vector<16xf32>
        %get3A_2010 = arith.index_cast %squeeze3A_1979 : i32 to index
        %get3A_2011 = arith.constant 112 : index
        %get3A_2012 = tpu.vector_load %arg7[%get3A_2010, %get3A_2011] {strides = array<i32>} : memref<128x128xf32, #tpu.memory_space<vmem>>, vector<1x16xf32>,
        %get3A_2013 = vector.shape_cast %get3A_2012 : vector<1x16xf32> to vector<16xf32>
        %get3A_2014 = arith.index_cast %squeeze3A_1981 : i32 to index
        %get3A_2015 = arith.constant 0 : index
        %get3A_2016 = tpu.vector_load %arg7[%get3A_2014, %get3A_2015] {strides = array<i32>} : memref<128x128xf32, #tpu.memory_space<vmem>>, vector<1x16xf32>,
        %get3A_2017 = vector.shape_cast %get3A_2016 : vector<1x16xf32> to vector<16xf32>
        %get3A_2018 = arith.index_cast %squeeze3A_1981 : i32 to index
        %get3A_2019 = arith.constant 16 : index
        %get3A_2020 = tpu.vector_load %arg7[%get3A_2018, %get3A_2019] {strides = array<i32>} : memref<128x128xf32, #tpu.memory_space<vmem>>, vector<1x16xf32>,
        %get3A_2021 = vector.shape_cast %get3A_2020 : vector<1x16xf32> to vector<16xf32>
        %get3A_2022 = arith.index_cast %squeeze3A_1981 : i32 to index
        %get3A_2023 = arith.constant 32 : index
        %get3A_2024 = tpu.vector_load %arg7[%get3A_2022, %get3A_2023] {strides = array<i32>} : memref<128x128xf32, #tpu.memory_space<vmem>>, vector<1x16xf32>,
        %get3A_2025 = vector.shape_cast %get3A_2024 : vector<1x16xf32> to vector<16xf32>
        %get3A_2026 = arith.index_cast %squeeze3A_1981 : i32 to index
        %get3A_2027 = arith.constant 48 : index
        %get3A_2028 = tpu.vector_load %arg7[%get3A_2026, %get3A_2027] {strides = array<i32>} : memref<128x128xf32, #tpu.memory_space<vmem>>, vector<1x16xf32>,
        %get3A_2029 = vector.shape_cast %get3A_2028 : vector<1x16xf32> to vector<16xf32>
        %get3A_2030 = arith.index_cast %squeeze3A_1981 : i32 to index
        %get3A_2031 = arith.constant 64 : index
        %get3A_2032 = tpu.vector_load %arg7[%get3A_2030, %get3A_2031] {strides = array<i32>} : memref<128x128xf32, #tpu.memory_space<vmem>>, vector<1x16xf32>,
        %get3A_2033 = vector.shape_cast %get3A_2032 : vector<1x16xf32> to vector<16xf32>
        %get3A_2034 = arith.index_cast %squeeze3A_1981 : i32 to index
        %get3A_2035 = arith.constant 80 : index
        %get3A_2036 = tpu.vector_load %arg7[%get3A_2034, %get3A_2035] {strides = array<i32>} : memref<128x128xf32, #tpu.memory_space<vmem>>, vector<1x16xf32>,
        %get3A_2037 = vector.shape_cast %get3A_2036 : vector<1x16xf32> to vector<16xf32>
        %get3A_2038 = arith.index_cast %squeeze3A_1981 : i32 to index
        %get3A_2039 = arith.constant 96 : index
        %get3A_2040 = tpu.vector_load %arg7[%get3A_2038, %get3A_2039] {strides = array<i32>} : memref<128x128xf32, #tpu.memory_space<vmem>>, vector<1x16xf32>,
        %get3A_2041 = vector.shape_cast %get3A_2040 : vector<1x16xf32> to vector<16xf32>
        %get3A_2042 = arith.index_cast %squeeze3A_1981 : i32 to index
        %get3A_2043 = arith.constant 112 : index
        %get3A_2044 = tpu.vector_load %arg7[%get3A_2042, %get3A_2043] {strides = array<i32>} : memref<128x128xf32, #tpu.memory_space<vmem>>, vector<1x16xf32>,
        %get3A_2045 = vector.shape_cast %get3A_2044 : vector<1x16xf32> to vector<16xf32>
        %add3A_2046 = arith.addf %get3A_1985, %get3A_654 : vector<16xf32>
        %mul3A_2047 = arith.constant 2 : i32
        %mul3A_2048 = arith.muli %mul3A_2047, %scan3A_641 : i32
        %add3A_2049 = arith.constant 160 : i32
        %add3A_2050 = arith.addi %add3A_2049, %mul3A_2048 : i32
        %swap3A_2051 = arith.index_cast %add3A_2050 : i32 to index
        %swap3A_2052 = arith.constant 0 : index
        %swap3A_2053 = tpu.vector_load %arg11[%swap3A_2051, %swap3A_2052] {strides = array<i32>} : memref<256x128xf32, #tpu.memory_space<vmem>>, vector<1x16xf32>,
        %swap3A_2054 = vector.shape_cast %swap3A_2053 : vector<1x16xf32> to vector<16xf32>
        %swap3A_2055 = vector.shape_cast %add3A_2046 : vector<16xf32> to vector<1x16xf32>
        tpu.vector_store %arg11[%swap3A_2051, %swap3A_2052], %swap3A_2055 {strides = array<i32>} : memref<256x128xf32, #tpu.memory_space<vmem>>, vector<1x16xf32>,
        %add3A_2056 = arith.addf %get3A_2017, %get3A_704 : vector<16xf32>
        %mul3A_2057 = arith.constant 2 : i32
        %mul3A_2058 = arith.muli %mul3A_2057, %scan3A_641 : i32
        %add3A_2059 = arith.constant 160 : i32
        %add3A_2060 = arith.addi %add3A_2059, %mul3A_2058 : i32
        %add3A_2061 = arith.constant 1 : i32
        %add3A_2062 = arith.addi %add3A_2060, %add3A_2061 : i32
        %swap3A_2063 = arith.index_cast %add3A_2062 : i32 to index
        %swap3A_2064 = arith.constant 0 : index
        %swap3A_2065 = tpu.vector_load %arg11[%swap3A_2063, %swap3A_2064] {strides = array<i32>} : memref<256x128xf32, #tpu.memory_space<vmem>>, vector<1x16xf32>,
        %swap3A_2066 = vector.shape_cast %swap3A_2065 : vector<1x16xf32> to vector<16xf32>
        %swap3A_2067 = vector.shape_cast %add3A_2056 : vector<16xf32> to vector<1x16xf32>
        tpu.vector_store %arg11[%swap3A_2063, %swap3A_2064], %swap3A_2067 {strides = array<i32>} : memref<256x128xf32, #tpu.memory_space<vmem>>, vector<1x16xf32>,
        %add3A_2068 = arith.addf %get3A_1989, %get3A_660 : vector<16xf32>
        %mul3A_2069 = arith.constant 2 : i32
        %mul3A_2070 = arith.muli %mul3A_2069, %scan3A_641 : i32
        %add3A_2071 = arith.constant 160 : i32
        %add3A_2072 = arith.addi %add3A_2071, %mul3A_2070 : i32
        %swap3A_2073 = arith.index_cast %add3A_2072 : i32 to index
        %swap3A_2074 = arith.constant 16 : index
        %swap3A_2075 = tpu.vector_load %arg11[%swap3A_2073, %swap3A_2074] {strides = array<i32>} : memref<256x128xf32, #tpu.memory_space<vmem>>, vector<1x16xf32>,
        %swap3A_2076 = vector.shape_cast %swap3A_2075 : vector<1x16xf32> to vector<16xf32>
        %swap3A_2077 = vector.shape_cast %add3A_2068 : vector<16xf32> to vector<1x16xf32>
        tpu.vector_store %arg11[%swap3A_2073, %swap3A_2074], %swap3A_2077 {strides = array<i32>} : memref<256x128xf32, #tpu.memory_space<vmem>>, vector<1x16xf32>,
        %add3A_2078 = arith.addf %get3A_2021, %get3A_712 : vector<16xf32>
        %mul3A_2079 = arith.constant 2 : i32
        %mul3A_2080 = arith.muli %mul3A_2079, %scan3A_641 : i32
        %add3A_2081 = arith.constant 160 : i32
        %add3A_2082 = arith.addi %add3A_2081, %mul3A_2080 : i32
        %add3A_2083 = arith.constant 1 : i32
        %add3A_2084 = arith.addi %add3A_2082, %add3A_2083 : i32
        %swap3A_2085 = arith.index_cast %add3A_2084 : i32 to index
        %swap3A_2086 = arith.constant 16 : index
        %swap3A_2087 = tpu.vector_load %arg11[%swap3A_2085, %swap3A_2086] {strides = array<i32>} : memref<256x128xf32, #tpu.memory_space<vmem>>, vector<1x16xf32>,
        %swap3A_2088 = vector.shape_cast %swap3A_2087 : vector<1x16xf32> to vector<16xf32>
        %swap3A_2089 = vector.shape_cast %add3A_2078 : vector<16xf32> to vector<1x16xf32>
        tpu.vector_store %arg11[%swap3A_2085, %swap3A_2086], %swap3A_2089 {strides = array<i32>} : memref<256x128xf32, #tpu.memory_space<vmem>>, vector<1x16xf32>,
        %add3A_2090 = arith.addf %get3A_1993, %get3A_666 : vector<16xf32>
        %mul3A_2091 = arith.constant 2 : i32
        %mul3A_2092 = arith.muli %mul3A_2091, %scan3A_641 : i32
        %add3A_2093 = arith.constant 160 : i32
        %add3A_2094 = arith.addi %add3A_2093, %mul3A_2092 : i32
        %swap3A_2095 = arith.index_cast %add3A_2094 : i32 to index
        %swap3A_2096 = arith.constant 32 : index
        %swap3A_2097 = tpu.vector_load %arg11[%swap3A_2095, %swap3A_2096] {strides = array<i32>} : memref<256x128xf32, #tpu.memory_space<vmem>>, vector<1x16xf32>,
        %swap3A_2098 = vector.shape_cast %swap3A_2097 : vector<1x16xf32> to vector<16xf32>
        %swap3A_2099 = vector.shape_cast %add3A_2090 : vector<16xf32> to vector<1x16xf32>
        tpu.vector_store %arg11[%swap3A_2095, %swap3A_2096], %swap3A_2099 {strides = array<i32>} : memref<256x128xf32, #tpu.memory_space<vmem>>, vector<1x16xf32>,
        %add3A_2100 = arith.addf %get3A_2025, %get3A_720 : vector<16xf32>
        %mul3A_2101 = arith.constant 2 : i32
        %mul3A_2102 = arith.muli %mul3A_2101, %scan3A_641 : i32
        %add3A_2103 = arith.constant 160 : i32
        %add3A_2104 = arith.addi %add3A_2103, %mul3A_2102 : i32
        %add3A_2105 = arith.constant 1 : i32
        %add3A_2106 = arith.addi %add3A_2104, %add3A_2105 : i32
        %swap3A_2107 = arith.index_cast %add3A_2106 : i32 to index
        %swap3A_2108 = arith.constant 32 : index
        %swap3A_2109 = tpu.vector_load %arg11[%swap3A_2107, %swap3A_2108] {strides = array<i32>} : memref<256x128xf32, #tpu.memory_space<vmem>>, vector<1x16xf32>,
        %swap3A_2110 = vector.shape_cast %swap3A_2109 : vector<1x16xf32> to vector<16xf32>
        %swap3A_2111 = vector.shape_cast %add3A_2100 : vector<16xf32> to vector<1x16xf32>
        tpu.vector_store %arg11[%swap3A_2107, %swap3A_2108], %swap3A_2111 {strides = array<i32>} : memref<256x128xf32, #tpu.memory_space<vmem>>, vector<1x16xf32>,
        %add3A_2112 = arith.addf %get3A_1997, %get3A_672 : vector<16xf32>
        %mul3A_2113 = arith.constant 2 : i32
        %mul3A_2114 = arith.muli %mul3A_2113, %scan3A_641 : i32
        %add3A_2115 = arith.constant 160 : i32
        %add3A_2116 = arith.addi %add3A_2115, %mul3A_2114 : i32
        %swap3A_2117 = arith.index_cast %add3A_2116 : i32 to index
        %swap3A_2118 = arith.constant 48 : index
        %swap3A_2119 = tpu.vector_load %arg11[%swap3A_2117, %swap3A_2118] {strides = array<i32>} : memref<256x128xf32, #tpu.memory_space<vmem>>, vector<1x16xf32>,
        %swap3A_2120 = vector.shape_cast %swap3A_2119 : vector<1x16xf32> to vector<16xf32>
        %swap3A_2121 = vector.shape_cast %add3A_2112 : vector<16xf32> to vector<1x16xf32>
        tpu.vector_store %arg11[%swap3A_2117, %swap3A_2118], %swap3A_2121 {strides = array<i32>} : memref<256x128xf32, #tpu.memory_space<vmem>>, vector<1x16xf32>,
        %add3A_2122 = arith.addf %get3A_2029, %get3A_728 : vector<16xf32>
        %mul3A_2123 = arith.constant 2 : i32
        %mul3A_2124 = arith.muli %mul3A_2123, %scan3A_641 : i32
        %add3A_2125 = arith.constant 160 : i32
        %add3A_2126 = arith.addi %add3A_2125, %mul3A_2124 : i32
        %add3A_2127 = arith.constant 1 : i32
        %add3A_2128 = arith.addi %add3A_2126, %add3A_2127 : i32
        %swap3A_2129 = arith.index_cast %add3A_2128 : i32 to index
        %swap3A_2130 = arith.constant 48 : index
        %swap3A_2131 = tpu.vector_load %arg11[%swap3A_2129, %swap3A_2130] {strides = array<i32>} : memref<256x128xf32, #tpu.memory_space<vmem>>, vector<1x16xf32>,
        %swap3A_2132 = vector.shape_cast %swap3A_2131 : vector<1x16xf32> to vector<16xf32>
        %swap3A_2133 = vector.shape_cast %add3A_2122 : vector<16xf32> to vector<1x16xf32>
        tpu.vector_store %arg11[%swap3A_2129, %swap3A_2130], %swap3A_2133 {strides = array<i32>} : memref<256x128xf32, #tpu.memory_space<vmem>>, vector<1x16xf32>,
        %add3A_2134 = arith.addf %get3A_2001, %get3A_678 : vector<16xf32>
        %mul3A_2135 = arith.constant 2 : i32
        %mul3A_2136 = arith.muli %mul3A_2135, %scan3A_641 : i32
        %add3A_2137 = arith.constant 160 : i32
        %add3A_2138 = arith.addi %add3A_2137, %mul3A_2136 : i32
        %swap3A_2139 = arith.index_cast %add3A_2138 : i32 to index
        %swap3A_2140 = arith.constant 64 : index
        %swap3A_2141 = tpu.vector_load %arg11[%swap3A_2139, %swap3A_2140] {strides = array<i32>} : memref<256x128xf32, #tpu.memory_space<vmem>>, vector<1x16xf32>,
        %swap3A_2142 = vector.shape_cast %swap3A_2141 : vector<1x16xf32> to vector<16xf32>
        %swap3A_2143 = vector.shape_cast %add3A_2134 : vector<16xf32> to vector<1x16xf32>
        tpu.vector_store %arg11[%swap3A_2139, %swap3A_2140], %swap3A_2143 {strides = array<i32>} : memref<256x128xf32, #tpu.memory_space<vmem>>, vector<1x16xf32>,
        %add3A_2144 = arith.addf %get3A_2033, %get3A_736 : vector<16xf32>
        %mul3A_2145 = arith.constant 2 : i32
        %mul3A_2146 = arith.muli %mul3A_2145, %scan3A_641 : i32
        %add3A_2147 = arith.constant 160 : i32
        %add3A_2148 = arith.addi %add3A_2147, %mul3A_2146 : i32
        %add3A_2149 = arith.constant 1 : i32
        %add3A_2150 = arith.addi %add3A_2148, %add3A_2149 : i32
        %swap3A_2151 = arith.index_cast %add3A_2150 : i32 to index
        %swap3A_2152 = arith.constant 64 : index
        %swap3A_2153 = tpu.vector_load %arg11[%swap3A_2151, %swap3A_2152] {strides = array<i32>} : memref<256x128xf32, #tpu.memory_space<vmem>>, vector<1x16xf32>,
        %swap3A_2154 = vector.shape_cast %swap3A_2153 : vector<1x16xf32> to vector<16xf32>
        %swap3A_2155 = vector.shape_cast %add3A_2144 : vector<16xf32> to vector<1x16xf32>
        tpu.vector_store %arg11[%swap3A_2151, %swap3A_2152], %swap3A_2155 {strides = array<i32>} : memref<256x128xf32, #tpu.memory_space<vmem>>, vector<1x16xf32>,
        %add3A_2156 = arith.addf %get3A_2005, %get3A_684 : vector<16xf32>
        %mul3A_2157 = arith.constant 2 : i32
        %mul3A_2158 = arith.muli %mul3A_2157, %scan3A_641 : i32
        %add3A_2159 = arith.constant 160 : i32
        %add3A_2160 = arith.addi %add3A_2159, %mul3A_2158 : i32
        %swap3A_2161 = arith.index_cast %add3A_2160 : i32 to index
        %swap3A_2162 = arith.constant 80 : index
        %swap3A_2163 = tpu.vector_load %arg11[%swap3A_2161, %swap3A_2162] {strides = array<i32>} : memref<256x128xf32, #tpu.memory_space<vmem>>, vector<1x16xf32>,
        %swap3A_2164 = vector.shape_cast %swap3A_2163 : vector<1x16xf32> to vector<16xf32>
        %swap3A_2165 = vector.shape_cast %add3A_2156 : vector<16xf32> to vector<1x16xf32>
        tpu.vector_store %arg11[%swap3A_2161, %swap3A_2162], %swap3A_2165 {strides = array<i32>} : memref<256x128xf32, #tpu.memory_space<vmem>>, vector<1x16xf32>,
        %add3A_2166 = arith.addf %get3A_2037, %get3A_744 : vector<16xf32>
        %mul3A_2167 = arith.constant 2 : i32
        %mul3A_2168 = arith.muli %mul3A_2167, %scan3A_641 : i32
        %add3A_2169 = arith.constant 160 : i32
        %add3A_2170 = arith.addi %add3A_2169, %mul3A_2168 : i32
        %add3A_2171 = arith.constant 1 : i32
        %add3A_2172 = arith.addi %add3A_2170, %add3A_2171 : i32
        %swap3A_2173 = arith.index_cast %add3A_2172 : i32 to index
        %swap3A_2174 = arith.constant 80 : index
        %swap3A_2175 = tpu.vector_load %arg11[%swap3A_2173, %swap3A_2174] {strides = array<i32>} : memref<256x128xf32, #tpu.memory_space<vmem>>, vector<1x16xf32>,
        %swap3A_2176 = vector.shape_cast %swap3A_2175 : vector<1x16xf32> to vector<16xf32>
        %swap3A_2177 = vector.shape_cast %add3A_2166 : vector<16xf32> to vector<1x16xf32>
        tpu.vector_store %arg11[%swap3A_2173, %swap3A_2174], %swap3A_2177 {strides = array<i32>} : memref<256x128xf32, #tpu.memory_space<vmem>>, vector<1x16xf32>,
        %add3A_2178 = arith.addf %get3A_2009, %get3A_690 : vector<16xf32>
        %mul3A_2179 = arith.constant 2 : i32
        %mul3A_2180 = arith.muli %mul3A_2179, %scan3A_641 : i32
        %add3A_2181 = arith.constant 160 : i32
        %add3A_2182 = arith.addi %add3A_2181, %mul3A_2180 : i32
        %swap3A_2183 = arith.index_cast %add3A_2182 : i32 to index
        %swap3A_2184 = arith.constant 96 : index
        %swap3A_2185 = tpu.vector_load %arg11[%swap3A_2183, %swap3A_2184] {strides = array<i32>} : memref<256x128xf32, #tpu.memory_space<vmem>>, vector<1x16xf32>,
        %swap3A_2186 = vector.shape_cast %swap3A_2185 : vector<1x16xf32> to vector<16xf32>
        %swap3A_2187 = vector.shape_cast %add3A_2178 : vector<16xf32> to vector<1x16xf32>
        tpu.vector_store %arg11[%swap3A_2183, %swap3A_2184], %swap3A_2187 {strides = array<i32>} : memref<256x128xf32, #tpu.memory_space<vmem>>, vector<1x16xf32>,
        %add3A_2188 = arith.addf %get3A_2041, %get3A_752 : vector<16xf32>
        %mul3A_2189 = arith.constant 2 : i32
        %mul3A_2190 = arith.muli %mul3A_2189, %scan3A_641 : i32
        %add3A_2191 = arith.constant 160 : i32
        %add3A_2192 = arith.addi %add3A_2191, %mul3A_2190 : i32
        %add3A_2193 = arith.constant 1 : i32
        %add3A_2194 = arith.addi %add3A_2192, %add3A_2193 : i32
        %swap3A_2195 = arith.index_cast %add3A_2194 : i32 to index
        %swap3A_2196 = arith.constant 96 : index
        %swap3A_2197 = tpu.vector_load %arg11[%swap3A_2195, %swap3A_2196] {strides = array<i32>} : memref<256x128xf32, #tpu.memory_space<vmem>>, vector<1x16xf32>,
        %swap3A_2198 = vector.shape_cast %swap3A_2197 : vector<1x16xf32> to vector<16xf32>
        %swap3A_2199 = vector.shape_cast %add3A_2188 : vector<16xf32> to vector<1x16xf32>
        tpu.vector_store %arg11[%swap3A_2195, %swap3A_2196], %swap3A_2199 {strides = array<i32>} : memref<256x128xf32, #tpu.memory_space<vmem>>, vector<1x16xf32>,
        %add3A_2200 = arith.addf %get3A_2013, %get3A_696 : vector<16xf32>
        %mul3A_2201 = arith.constant 2 : i32
        %mul3A_2202 = arith.muli %mul3A_2201, %scan3A_641 : i32
        %add3A_2203 = arith.constant 160 : i32
        %add3A_2204 = arith.addi %add3A_2203, %mul3A_2202 : i32
        %swap3A_2205 = arith.index_cast %add3A_2204 : i32 to index
        %swap3A_2206 = arith.constant 112 : index
        %swap3A_2207 = tpu.vector_load %arg11[%swap3A_2205, %swap3A_2206] {strides = array<i32>} : memref<256x128xf32, #tpu.memory_space<vmem>>, vector<1x16xf32>,
        %swap3A_2208 = vector.shape_cast %swap3A_2207 : vector<1x16xf32> to vector<16xf32>
        %swap3A_2209 = vector.shape_cast %add3A_2200 : vector<16xf32> to vector<1x16xf32>
        tpu.vector_store %arg11[%swap3A_2205, %swap3A_2206], %swap3A_2209 {strides = array<i32>} : memref<256x128xf32, #tpu.memory_space<vmem>>, vector<1x16xf32>,
        %add3A_2210 = arith.addf %get3A_2045, %get3A_760 : vector<16xf32>
        %mul3A_2211 = arith.constant 2 : i32
        %mul3A_2212 = arith.muli %mul3A_2211, %scan3A_641 : i32
        %add3A_2213 = arith.constant 160 : i32
        %add3A_2214 = arith.addi %add3A_2213, %mul3A_2212 : i32
        %add3A_2215 = arith.constant 1 : i32
        %add3A_2216 = arith.addi %add3A_2214, %add3A_2215 : i32
        %swap3A_2217 = arith.index_cast %add3A_2216 : i32 to index
        %swap3A_2218 = arith.constant 112 : index
        %swap3A_2219 = tpu.vector_load %arg11[%swap3A_2217, %swap3A_2218] {strides = array<i32>} : memref<256x128xf32, #tpu.memory_space<vmem>>, vector<1x16xf32>,
        %swap3A_2220 = vector.shape_cast %swap3A_2219 : vector<1x16xf32> to vector<16xf32>
        %swap3A_2221 = vector.shape_cast %add3A_2210 : vector<16xf32> to vector<1x16xf32>
        tpu.vector_store %arg11[%swap3A_2217, %swap3A_2218], %swap3A_2221 {strides = array<i32>} : memref<256x128xf32, #tpu.memory_space<vmem>>, vector<1x16xf32>,
        %slice3A_2222 = vector.extract_strided_slice %get3A_648 {offsets = [6], sizes = [1], strides = [1]} : vector<16xi32> to vector<1xi32>
        %squeeze3A_2223 = vector.extract %slice3A_2222[0] : i32 from vector<1xi32>
        %slice3A_2224 = vector.extract_strided_slice %get3A_648 {offsets = [14], sizes = [1], strides = [1]} : vector<16xi32> to vector<1xi32>
        %squeeze3A_2225 = vector.extract %slice3A_2224[0] : i32 from vector<1xi32>
        %get3A_2226 = arith.index_cast %squeeze3A_2223 : i32 to index
        %get3A_2227 = arith.constant 0 : index
        %get3A_2228 = tpu.vector_load %arg7[%get3A_2226, %get3A_2227] {strides = array<i32>} : memref<128x128xf32, #tpu.memory_space<vmem>>, vector<1x16xf32>,
        %get3A_2229 = vector.shape_cast %get3A_2228 : vector<1x16xf32> to vector<16xf32>
        %get3A_2230 = arith.index_cast %squeeze3A_2223 : i32 to index
        %get3A_2231 = arith.constant 16 : index
        %get3A_2232 = tpu.vector_load %arg7[%get3A_2230, %get3A_2231] {strides = array<i32>} : memref<128x128xf32, #tpu.memory_space<vmem>>, vector<1x16xf32>,
        %get3A_2233 = vector.shape_cast %get3A_2232 : vector<1x16xf32> to vector<16xf32>
        %get3A_2234 = arith.index_cast %squeeze3A_2223 : i32 to index
        %get3A_2235 = arith.constant 32 : index
        %get3A_2236 = tpu.vector_load %arg7[%get3A_2234, %get3A_2235] {strides = array<i32>} : memref<128x128xf32, #tpu.memory_space<vmem>>, vector<1x16xf32>,
        %get3A_2237 = vector.shape_cast %get3A_2236 : vector<1x16xf32> to vector<16xf32>
        %get3A_2238 = arith.index_cast %squeeze3A_2223 : i32 to index
        %get3A_2239 = arith.constant 48 : index
        %get3A_2240 = tpu.vector_load %arg7[%get3A_2238, %get3A_2239] {strides = array<i32>} : memref<128x128xf32, #tpu.memory_space<vmem>>, vector<1x16xf32>,
        %get3A_2241 = vector.shape_cast %get3A_2240 : vector<1x16xf32> to vector<16xf32>
        %get3A_2242 = arith.index_cast %squeeze3A_2223 : i32 to index
        %get3A_2243 = arith.constant 64 : index
        %get3A_2244 = tpu.vector_load %arg7[%get3A_2242, %get3A_2243] {strides = array<i32>} : memref<128x128xf32, #tpu.memory_space<vmem>>, vector<1x16xf32>,
        %get3A_2245 = vector.shape_cast %get3A_2244 : vector<1x16xf32> to vector<16xf32>
        %get3A_2246 = arith.index_cast %squeeze3A_2223 : i32 to index
        %get3A_2247 = arith.constant 80 : index
        %get3A_2248 = tpu.vector_load %arg7[%get3A_2246, %get3A_2247] {strides = array<i32>} : memref<128x128xf32, #tpu.memory_space<vmem>>, vector<1x16xf32>,
        %get3A_2249 = vector.shape_cast %get3A_2248 : vector<1x16xf32> to vector<16xf32>
        %get3A_2250 = arith.index_cast %squeeze3A_2223 : i32 to index
        %get3A_2251 = arith.constant 96 : index
        %get3A_2252 = tpu.vector_load %arg7[%get3A_2250, %get3A_2251] {strides = array<i32>} : memref<128x128xf32, #tpu.memory_space<vmem>>, vector<1x16xf32>,
        %get3A_2253 = vector.shape_cast %get3A_2252 : vector<1x16xf32> to vector<16xf32>
        %get3A_2254 = arith.index_cast %squeeze3A_2223 : i32 to index
        %get3A_2255 = arith.constant 112 : index
        %get3A_2256 = tpu.vector_load %arg7[%get3A_2254, %get3A_2255] {strides = array<i32>} : memref<128x128xf32, #tpu.memory_space<vmem>>, vector<1x16xf32>,
        %get3A_2257 = vector.shape_cast %get3A_2256 : vector<1x16xf32> to vector<16xf32>
        %get3A_2258 = arith.index_cast %squeeze3A_2225 : i32 to index
        %get3A_2259 = arith.constant 0 : index
        %get3A_2260 = tpu.vector_load %arg7[%get3A_2258, %get3A_2259] {strides = array<i32>} : memref<128x128xf32, #tpu.memory_space<vmem>>, vector<1x16xf32>,
        %get3A_2261 = vector.shape_cast %get3A_2260 : vector<1x16xf32> to vector<16xf32>
        %get3A_2262 = arith.index_cast %squeeze3A_2225 : i32 to index
        %get3A_2263 = arith.constant 16 : index
        %get3A_2264 = tpu.vector_load %arg7[%get3A_2262, %get3A_2263] {strides = array<i32>} : memref<128x128xf32, #tpu.memory_space<vmem>>, vector<1x16xf32>,
        %get3A_2265 = vector.shape_cast %get3A_2264 : vector<1x16xf32> to vector<16xf32>
        %get3A_2266 = arith.index_cast %squeeze3A_2225 : i32 to index
        %get3A_2267 = arith.constant 32 : index
        %get3A_2268 = tpu.vector_load %arg7[%get3A_2266, %get3A_2267] {strides = array<i32>} : memref<128x128xf32, #tpu.memory_space<vmem>>, vector<1x16xf32>,
        %get3A_2269 = vector.shape_cast %get3A_2268 : vector<1x16xf32> to vector<16xf32>
        %get3A_2270 = arith.index_cast %squeeze3A_2225 : i32 to index
        %get3A_2271 = arith.constant 48 : index
        %get3A_2272 = tpu.vector_load %arg7[%get3A_2270, %get3A_2271] {strides = array<i32>} : memref<128x128xf32, #tpu.memory_space<vmem>>, vector<1x16xf32>,
        %get3A_2273 = vector.shape_cast %get3A_2272 : vector<1x16xf32> to vector<16xf32>
        %get3A_2274 = arith.index_cast %squeeze3A_2225 : i32 to index
        %get3A_2275 = arith.constant 64 : index
        %get3A_2276 = tpu.vector_load %arg7[%get3A_2274, %get3A_2275] {strides = array<i32>} : memref<128x128xf32, #tpu.memory_space<vmem>>, vector<1x16xf32>,
        %get3A_2277 = vector.shape_cast %get3A_2276 : vector<1x16xf32> to vector<16xf32>
        %get3A_2278 = arith.index_cast %squeeze3A_2225 : i32 to index
        %get3A_2279 = arith.constant 80 : index
        %get3A_2280 = tpu.vector_load %arg7[%get3A_2278, %get3A_2279] {strides = array<i32>} : memref<128x128xf32, #tpu.memory_space<vmem>>, vector<1x16xf32>,
        %get3A_2281 = vector.shape_cast %get3A_2280 : vector<1x16xf32> to vector<16xf32>
        %get3A_2282 = arith.index_cast %squeeze3A_2225 : i32 to index
        %get3A_2283 = arith.constant 96 : index
        %get3A_2284 = tpu.vector_load %arg7[%get3A_2282, %get3A_2283] {strides = array<i32>} : memref<128x128xf32, #tpu.memory_space<vmem>>, vector<1x16xf32>,
        %get3A_2285 = vector.shape_cast %get3A_2284 : vector<1x16xf32> to vector<16xf32>
        %get3A_2286 = arith.index_cast %squeeze3A_2225 : i32 to index
        %get3A_2287 = arith.constant 112 : index
        %get3A_2288 = tpu.vector_load %arg7[%get3A_2286, %get3A_2287] {strides = array<i32>} : memref<128x128xf32, #tpu.memory_space<vmem>>, vector<1x16xf32>,
        %get3A_2289 = vector.shape_cast %get3A_2288 : vector<1x16xf32> to vector<16xf32>
        %add3A_2290 = arith.addf %get3A_2229, %get3A_654 : vector<16xf32>
        %mul3A_2291 = arith.constant 2 : i32
        %mul3A_2292 = arith.muli %mul3A_2291, %scan3A_641 : i32
        %add3A_2293 = arith.constant 192 : i32
        %add3A_2294 = arith.addi %add3A_2293, %mul3A_2292 : i32
        %swap3A_2295 = arith.index_cast %add3A_2294 : i32 to index
        %swap3A_2296 = arith.constant 0 : index
        %swap3A_2297 = tpu.vector_load %arg11[%swap3A_2295, %swap3A_2296] {strides = array<i32>} : memref<256x128xf32, #tpu.memory_space<vmem>>, vector<1x16xf32>,
        %swap3A_2298 = vector.shape_cast %swap3A_2297 : vector<1x16xf32> to vector<16xf32>
        %swap3A_2299 = vector.shape_cast %add3A_2290 : vector<16xf32> to vector<1x16xf32>
        tpu.vector_store %arg11[%swap3A_2295, %swap3A_2296], %swap3A_2299 {strides = array<i32>} : memref<256x128xf32, #tpu.memory_space<vmem>>, vector<1x16xf32>,
        %add3A_2300 = arith.addf %get3A_2261, %get3A_704 : vector<16xf32>
        %mul3A_2301 = arith.constant 2 : i32
        %mul3A_2302 = arith.muli %mul3A_2301, %scan3A_641 : i32
        %add3A_2303 = arith.constant 192 : i32
        %add3A_2304 = arith.addi %add3A_2303, %mul3A_2302 : i32
        %add3A_2305 = arith.constant 1 : i32
        %add3A_2306 = arith.addi %add3A_2304, %add3A_2305 : i32
        %swap3A_2307 = arith.index_cast %add3A_2306 : i32 to index
        %swap3A_2308 = arith.constant 0 : index
        %swap3A_2309 = tpu.vector_load %arg11[%swap3A_2307, %swap3A_2308] {strides = array<i32>} : memref<256x128xf32, #tpu.memory_space<vmem>>, vector<1x16xf32>,
        %swap3A_2310 = vector.shape_cast %swap3A_2309 : vector<1x16xf32> to vector<16xf32>
        %swap3A_2311 = vector.shape_cast %add3A_2300 : vector<16xf32> to vector<1x16xf32>
        tpu.vector_store %arg11[%swap3A_2307, %swap3A_2308], %swap3A_2311 {strides = array<i32>} : memref<256x128xf32, #tpu.memory_space<vmem>>, vector<1x16xf32>,
        %add3A_2312 = arith.addf %get3A_2233, %get3A_660 : vector<16xf32>
        %mul3A_2313 = arith.constant 2 : i32
        %mul3A_2314 = arith.muli %mul3A_2313, %scan3A_641 : i32
        %add3A_2315 = arith.constant 192 : i32
        %add3A_2316 = arith.addi %add3A_2315, %mul3A_2314 : i32
        %swap3A_2317 = arith.index_cast %add3A_2316 : i32 to index
        %swap3A_2318 = arith.constant 16 : index
        %swap3A_2319 = tpu.vector_load %arg11[%swap3A_2317, %swap3A_2318] {strides = array<i32>} : memref<256x128xf32, #tpu.memory_space<vmem>>, vector<1x16xf32>,
        %swap3A_2320 = vector.shape_cast %swap3A_2319 : vector<1x16xf32> to vector<16xf32>
        %swap3A_2321 = vector.shape_cast %add3A_2312 : vector<16xf32> to vector<1x16xf32>
        tpu.vector_store %arg11[%swap3A_2317, %swap3A_2318], %swap3A_2321 {strides = array<i32>} : memref<256x128xf32, #tpu.memory_space<vmem>>, vector<1x16xf32>,
        %add3A_2322 = arith.addf %get3A_2265, %get3A_712 : vector<16xf32>
        %mul3A_2323 = arith.constant 2 : i32
        %mul3A_2324 = arith.muli %mul3A_2323, %scan3A_641 : i32
        %add3A_2325 = arith.constant 192 : i32
        %add3A_2326 = arith.addi %add3A_2325, %mul3A_2324 : i32
        %add3A_2327 = arith.constant 1 : i32
        %add3A_2328 = arith.addi %add3A_2326, %add3A_2327 : i32
        %swap3A_2329 = arith.index_cast %add3A_2328 : i32 to index
        %swap3A_2330 = arith.constant 16 : index
        %swap3A_2331 = tpu.vector_load %arg11[%swap3A_2329, %swap3A_2330] {strides = array<i32>} : memref<256x128xf32, #tpu.memory_space<vmem>>, vector<1x16xf32>,
        %swap3A_2332 = vector.shape_cast %swap3A_2331 : vector<1x16xf32> to vector<16xf32>
        %swap3A_2333 = vector.shape_cast %add3A_2322 : vector<16xf32> to vector<1x16xf32>
        tpu.vector_store %arg11[%swap3A_2329, %swap3A_2330], %swap3A_2333 {strides = array<i32>} : memref<256x128xf32, #tpu.memory_space<vmem>>, vector<1x16xf32>,
        %add3A_2334 = arith.addf %get3A_2237, %get3A_666 : vector<16xf32>
        %mul3A_2335 = arith.constant 2 : i32
        %mul3A_2336 = arith.muli %mul3A_2335, %scan3A_641 : i32
        %add3A_2337 = arith.constant 192 : i32
        %add3A_2338 = arith.addi %add3A_2337, %mul3A_2336 : i32
        %swap3A_2339 = arith.index_cast %add3A_2338 : i32 to index
        %swap3A_2340 = arith.constant 32 : index
        %swap3A_2341 = tpu.vector_load %arg11[%swap3A_2339, %swap3A_2340] {strides = array<i32>} : memref<256x128xf32, #tpu.memory_space<vmem>>, vector<1x16xf32>,
        %swap3A_2342 = vector.shape_cast %swap3A_2341 : vector<1x16xf32> to vector<16xf32>
        %swap3A_2343 = vector.shape_cast %add3A_2334 : vector<16xf32> to vector<1x16xf32>
        tpu.vector_store %arg11[%swap3A_2339, %swap3A_2340], %swap3A_2343 {strides = array<i32>} : memref<256x128xf32, #tpu.memory_space<vmem>>, vector<1x16xf32>,
        %add3A_2344 = arith.addf %get3A_2269, %get3A_720 : vector<16xf32>
        %mul3A_2345 = arith.constant 2 : i32
        %mul3A_2346 = arith.muli %mul3A_2345, %scan3A_641 : i32
        %add3A_2347 = arith.constant 192 : i32
        %add3A_2348 = arith.addi %add3A_2347, %mul3A_2346 : i32
        %add3A_2349 = arith.constant 1 : i32
        %add3A_2350 = arith.addi %add3A_2348, %add3A_2349 : i32
        %swap3A_2351 = arith.index_cast %add3A_2350 : i32 to index
        %swap3A_2352 = arith.constant 32 : index
        %swap3A_2353 = tpu.vector_load %arg11[%swap3A_2351, %swap3A_2352] {strides = array<i32>} : memref<256x128xf32, #tpu.memory_space<vmem>>, vector<1x16xf32>,
        %swap3A_2354 = vector.shape_cast %swap3A_2353 : vector<1x16xf32> to vector<16xf32>
        %swap3A_2355 = vector.shape_cast %add3A_2344 : vector<16xf32> to vector<1x16xf32>
        tpu.vector_store %arg11[%swap3A_2351, %swap3A_2352], %swap3A_2355 {strides = array<i32>} : memref<256x128xf32, #tpu.memory_space<vmem>>, vector<1x16xf32>,
        %add3A_2356 = arith.addf %get3A_2241, %get3A_672 : vector<16xf32>
        %mul3A_2357 = arith.constant 2 : i32
        %mul3A_2358 = arith.muli %mul3A_2357, %scan3A_641 : i32
        %add3A_2359 = arith.constant 192 : i32
        %add3A_2360 = arith.addi %add3A_2359, %mul3A_2358 : i32
        %swap3A_2361 = arith.index_cast %add3A_2360 : i32 to index
        %swap3A_2362 = arith.constant 48 : index
        %swap3A_2363 = tpu.vector_load %arg11[%swap3A_2361, %swap3A_2362] {strides = array<i32>} : memref<256x128xf32, #tpu.memory_space<vmem>>, vector<1x16xf32>,
        %swap3A_2364 = vector.shape_cast %swap3A_2363 : vector<1x16xf32> to vector<16xf32>
        %swap3A_2365 = vector.shape_cast %add3A_2356 : vector<16xf32> to vector<1x16xf32>
        tpu.vector_store %arg11[%swap3A_2361, %swap3A_2362], %swap3A_2365 {strides = array<i32>} : memref<256x128xf32, #tpu.memory_space<vmem>>, vector<1x16xf32>,
        %add3A_2366 = arith.addf %get3A_2273, %get3A_728 : vector<16xf32>
        %mul3A_2367 = arith.constant 2 : i32
        %mul3A_2368 = arith.muli %mul3A_2367, %scan3A_641 : i32
        %add3A_2369 = arith.constant 192 : i32
        %add3A_2370 = arith.addi %add3A_2369, %mul3A_2368 : i32
        %add3A_2371 = arith.constant 1 : i32
        %add3A_2372 = arith.addi %add3A_2370, %add3A_2371 : i32
        %swap3A_2373 = arith.index_cast %add3A_2372 : i32 to index
        %swap3A_2374 = arith.constant 48 : index
        %swap3A_2375 = tpu.vector_load %arg11[%swap3A_2373, %swap3A_2374] {strides = array<i32>} : memref<256x128xf32, #tpu.memory_space<vmem>>, vector<1x16xf32>,
        %swap3A_2376 = vector.shape_cast %swap3A_2375 : vector<1x16xf32> to vector<16xf32>
        %swap3A_2377 = vector.shape_cast %add3A_2366 : vector<16xf32> to vector<1x16xf32>
        tpu.vector_store %arg11[%swap3A_2373, %swap3A_2374], %swap3A_2377 {strides = array<i32>} : memref<256x128xf32, #tpu.memory_space<vmem>>, vector<1x16xf32>,
        %add3A_2378 = arith.addf %get3A_2245, %get3A_678 : vector<16xf32>
        %mul3A_2379 = arith.constant 2 : i32
        %mul3A_2380 = arith.muli %mul3A_2379, %scan3A_641 : i32
        %add3A_2381 = arith.constant 192 : i32
        %add3A_2382 = arith.addi %add3A_2381, %mul3A_2380 : i32
        %swap3A_2383 = arith.index_cast %add3A_2382 : i32 to index
        %swap3A_2384 = arith.constant 64 : index
        %swap3A_2385 = tpu.vector_load %arg11[%swap3A_2383, %swap3A_2384] {strides = array<i32>} : memref<256x128xf32, #tpu.memory_space<vmem>>, vector<1x16xf32>,
        %swap3A_2386 = vector.shape_cast %swap3A_2385 : vector<1x16xf32> to vector<16xf32>
        %swap3A_2387 = vector.shape_cast %add3A_2378 : vector<16xf32> to vector<1x16xf32>
        tpu.vector_store %arg11[%swap3A_2383, %swap3A_2384], %swap3A_2387 {strides = array<i32>} : memref<256x128xf32, #tpu.memory_space<vmem>>, vector<1x16xf32>,
        %add3A_2388 = arith.addf %get3A_2277, %get3A_736 : vector<16xf32>
        %mul3A_2389 = arith.constant 2 : i32
        %mul3A_2390 = arith.muli %mul3A_2389, %scan3A_641 : i32
        %add3A_2391 = arith.constant 192 : i32
        %add3A_2392 = arith.addi %add3A_2391, %mul3A_2390 : i32
        %add3A_2393 = arith.constant 1 : i32
        %add3A_2394 = arith.addi %add3A_2392, %add3A_2393 : i32
        %swap3A_2395 = arith.index_cast %add3A_2394 : i32 to index
        %swap3A_2396 = arith.constant 64 : index
        %swap3A_2397 = tpu.vector_load %arg11[%swap3A_2395, %swap3A_2396] {strides = array<i32>} : memref<256x128xf32, #tpu.memory_space<vmem>>, vector<1x16xf32>,
        %swap3A_2398 = vector.shape_cast %swap3A_2397 : vector<1x16xf32> to vector<16xf32>
        %swap3A_2399 = vector.shape_cast %add3A_2388 : vector<16xf32> to vector<1x16xf32>
        tpu.vector_store %arg11[%swap3A_2395, %swap3A_2396], %swap3A_2399 {strides = array<i32>} : memref<256x128xf32, #tpu.memory_space<vmem>>, vector<1x16xf32>,
        %add3A_2400 = arith.addf %get3A_2249, %get3A_684 : vector<16xf32>
        %mul3A_2401 = arith.constant 2 : i32
        %mul3A_2402 = arith.muli %mul3A_2401, %scan3A_641 : i32
        %add3A_2403 = arith.constant 192 : i32
        %add3A_2404 = arith.addi %add3A_2403, %mul3A_2402 : i32
        %swap3A_2405 = arith.index_cast %add3A_2404 : i32 to index
        %swap3A_2406 = arith.constant 80 : index
        %swap3A_2407 = tpu.vector_load %arg11[%swap3A_2405, %swap3A_2406] {strides = array<i32>} : memref<256x128xf32, #tpu.memory_space<vmem>>, vector<1x16xf32>,
        %swap3A_2408 = vector.shape_cast %swap3A_2407 : vector<1x16xf32> to vector<16xf32>
        %swap3A_2409 = vector.shape_cast %add3A_2400 : vector<16xf32> to vector<1x16xf32>
        tpu.vector_store %arg11[%swap3A_2405, %swap3A_2406], %swap3A_2409 {strides = array<i32>} : memref<256x128xf32, #tpu.memory_space<vmem>>, vector<1x16xf32>,
        %add3A_2410 = arith.addf %get3A_2281, %get3A_744 : vector<16xf32>
        %mul3A_2411 = arith.constant 2 : i32
        %mul3A_2412 = arith.muli %mul3A_2411, %scan3A_641 : i32
        %add3A_2413 = arith.constant 192 : i32
        %add3A_2414 = arith.addi %add3A_2413, %mul3A_2412 : i32
        %add3A_2415 = arith.constant 1 : i32
        %add3A_2416 = arith.addi %add3A_2414, %add3A_2415 : i32
        %swap3A_2417 = arith.index_cast %add3A_2416 : i32 to index
        %swap3A_2418 = arith.constant 80 : index
        %swap3A_2419 = tpu.vector_load %arg11[%swap3A_2417, %swap3A_2418] {strides = array<i32>} : memref<256x128xf32, #tpu.memory_space<vmem>>, vector<1x16xf32>,
        %swap3A_2420 = vector.shape_cast %swap3A_2419 : vector<1x16xf32> to vector<16xf32>
        %swap3A_2421 = vector.shape_cast %add3A_2410 : vector<16xf32> to vector<1x16xf32>
        tpu.vector_store %arg11[%swap3A_2417, %swap3A_2418], %swap3A_2421 {strides = array<i32>} : memref<256x128xf32, #tpu.memory_space<vmem>>, vector<1x16xf32>,
        %add3A_2422 = arith.addf %get3A_2253, %get3A_690 : vector<16xf32>
        %mul3A_2423 = arith.constant 2 : i32
        %mul3A_2424 = arith.muli %mul3A_2423, %scan3A_641 : i32
        %add3A_2425 = arith.constant 192 : i32
        %add3A_2426 = arith.addi %add3A_2425, %mul3A_2424 : i32
        %swap3A_2427 = arith.index_cast %add3A_2426 : i32 to index
        %swap3A_2428 = arith.constant 96 : index
        %swap3A_2429 = tpu.vector_load %arg11[%swap3A_2427, %swap3A_2428] {strides = array<i32>} : memref<256x128xf32, #tpu.memory_space<vmem>>, vector<1x16xf32>,
        %swap3A_2430 = vector.shape_cast %swap3A_2429 : vector<1x16xf32> to vector<16xf32>
        %swap3A_2431 = vector.shape_cast %add3A_2422 : vector<16xf32> to vector<1x16xf32>
        tpu.vector_store %arg11[%swap3A_2427, %swap3A_2428], %swap3A_2431 {strides = array<i32>} : memref<256x128xf32, #tpu.memory_space<vmem>>, vector<1x16xf32>,
        %add3A_2432 = arith.addf %get3A_2285, %get3A_752 : vector<16xf32>
        %mul3A_2433 = arith.constant 2 : i32
        %mul3A_2434 = arith.muli %mul3A_2433, %scan3A_641 : i32
        %add3A_2435 = arith.constant 192 : i32
        %add3A_2436 = arith.addi %add3A_2435, %mul3A_2434 : i32
        %add3A_2437 = arith.constant 1 : i32
        %add3A_2438 = arith.addi %add3A_2436, %add3A_2437 : i32
        %swap3A_2439 = arith.index_cast %add3A_2438 : i32 to index
        %swap3A_2440 = arith.constant 96 : index
        %swap3A_2441 = tpu.vector_load %arg11[%swap3A_2439, %swap3A_2440] {strides = array<i32>} : memref<256x128xf32, #tpu.memory_space<vmem>>, vector<1x16xf32>,
        %swap3A_2442 = vector.shape_cast %swap3A_2441 : vector<1x16xf32> to vector<16xf32>
        %swap3A_2443 = vector.shape_cast %add3A_2432 : vector<16xf32> to vector<1x16xf32>
        tpu.vector_store %arg11[%swap3A_2439, %swap3A_2440], %swap3A_2443 {strides = array<i32>} : memref<256x128xf32, #tpu.memory_space<vmem>>, vector<1x16xf32>,
        %add3A_2444 = arith.addf %get3A_2257, %get3A_696 : vector<16xf32>
        %mul3A_2445 = arith.constant 2 : i32
        %mul3A_2446 = arith.muli %mul3A_2445, %scan3A_641 : i32
        %add3A_2447 = arith.constant 192 : i32
        %add3A_2448 = arith.addi %add3A_2447, %mul3A_2446 : i32
        %swap3A_2449 = arith.index_cast %add3A_2448 : i32 to index
        %swap3A_2450 = arith.constant 112 : index
        %swap3A_2451 = tpu.vector_load %arg11[%swap3A_2449, %swap3A_2450] {strides = array<i32>} : memref<256x128xf32, #tpu.memory_space<vmem>>, vector<1x16xf32>,
        %swap3A_2452 = vector.shape_cast %swap3A_2451 : vector<1x16xf32> to vector<16xf32>
        %swap3A_2453 = vector.shape_cast %add3A_2444 : vector<16xf32> to vector<1x16xf32>
        tpu.vector_store %arg11[%swap3A_2449, %swap3A_2450], %swap3A_2453 {strides = array<i32>} : memref<256x128xf32, #tpu.memory_space<vmem>>, vector<1x16xf32>,
        %add3A_2454 = arith.addf %get3A_2289, %get3A_760 : vector<16xf32>
        %mul3A_2455 = arith.constant 2 : i32
        %mul3A_2456 = arith.muli %mul3A_2455, %scan3A_641 : i32
        %add3A_2457 = arith.constant 192 : i32
        %add3A_2458 = arith.addi %add3A_2457, %mul3A_2456 : i32
        %add3A_2459 = arith.constant 1 : i32
        %add3A_2460 = arith.addi %add3A_2458, %add3A_2459 : i32
        %swap3A_2461 = arith.index_cast %add3A_2460 : i32 to index
        %swap3A_2462 = arith.constant 112 : index
        %swap3A_2463 = tpu.vector_load %arg11[%swap3A_2461, %swap3A_2462] {strides = array<i32>} : memref<256x128xf32, #tpu.memory_space<vmem>>, vector<1x16xf32>,
        %swap3A_2464 = vector.shape_cast %swap3A_2463 : vector<1x16xf32> to vector<16xf32>
        %swap3A_2465 = vector.shape_cast %add3A_2454 : vector<16xf32> to vector<1x16xf32>
        tpu.vector_store %arg11[%swap3A_2461, %swap3A_2462], %swap3A_2465 {strides = array<i32>} : memref<256x128xf32, #tpu.memory_space<vmem>>, vector<1x16xf32>,
        %slice3A_2466 = vector.extract_strided_slice %get3A_648 {offsets = [7], sizes = [1], strides = [1]} : vector<16xi32> to vector<1xi32>
        %squeeze3A_2467 = vector.extract %slice3A_2466[0] : i32 from vector<1xi32>
        %slice3A_2468 = vector.extract_strided_slice %get3A_648 {offsets = [15], sizes = [1], strides = [1]} : vector<16xi32> to vector<1xi32>
        %squeeze3A_2469 = vector.extract %slice3A_2468[0] : i32 from vector<1xi32>
        %get3A_2470 = arith.index_cast %squeeze3A_2467 : i32 to index
        %get3A_2471 = arith.constant 0 : index
        %get3A_2472 = tpu.vector_load %arg7[%get3A_2470, %get3A_2471] {strides = array<i32>} : memref<128x128xf32, #tpu.memory_space<vmem>>, vector<1x16xf32>,
        %get3A_2473 = vector.shape_cast %get3A_2472 : vector<1x16xf32> to vector<16xf32>
        %get3A_2474 = arith.index_cast %squeeze3A_2467 : i32 to index
        %get3A_2475 = arith.constant 16 : index
        %get3A_2476 = tpu.vector_load %arg7[%get3A_2474, %get3A_2475] {strides = array<i32>} : memref<128x128xf32, #tpu.memory_space<vmem>>, vector<1x16xf32>,
        %get3A_2477 = vector.shape_cast %get3A_2476 : vector<1x16xf32> to vector<16xf32>
        %get3A_2478 = arith.index_cast %squeeze3A_2467 : i32 to index
        %get3A_2479 = arith.constant 32 : index
        %get3A_2480 = tpu.vector_load %arg7[%get3A_2478, %get3A_2479] {strides = array<i32>} : memref<128x128xf32, #tpu.memory_space<vmem>>, vector<1x16xf32>,
        %get3A_2481 = vector.shape_cast %get3A_2480 : vector<1x16xf32> to vector<16xf32>
        %get3A_2482 = arith.index_cast %squeeze3A_2467 : i32 to index
        %get3A_2483 = arith.constant 48 : index
        %get3A_2484 = tpu.vector_load %arg7[%get3A_2482, %get3A_2483] {strides = array<i32>} : memref<128x128xf32, #tpu.memory_space<vmem>>, vector<1x16xf32>,
        %get3A_2485 = vector.shape_cast %get3A_2484 : vector<1x16xf32> to vector<16xf32>
        %get3A_2486 = arith.index_cast %squeeze3A_2467 : i32 to index
        %get3A_2487 = arith.constant 64 : index
        %get3A_2488 = tpu.vector_load %arg7[%get3A_2486, %get3A_2487] {strides = array<i32>} : memref<128x128xf32, #tpu.memory_space<vmem>>, vector<1x16xf32>,
        %get3A_2489 = vector.shape_cast %get3A_2488 : vector<1x16xf32> to vector<16xf32>
        %get3A_2490 = arith.index_cast %squeeze3A_2467 : i32 to index
        %get3A_2491 = arith.constant 80 : index
        %get3A_2492 = tpu.vector_load %arg7[%get3A_2490, %get3A_2491] {strides = array<i32>} : memref<128x128xf32, #tpu.memory_space<vmem>>, vector<1x16xf32>,
        %get3A_2493 = vector.shape_cast %get3A_2492 : vector<1x16xf32> to vector<16xf32>
        %get3A_2494 = arith.index_cast %squeeze3A_2467 : i32 to index
        %get3A_2495 = arith.constant 96 : index
        %get3A_2496 = tpu.vector_load %arg7[%get3A_2494, %get3A_2495] {strides = array<i32>} : memref<128x128xf32, #tpu.memory_space<vmem>>, vector<1x16xf32>,
        %get3A_2497 = vector.shape_cast %get3A_2496 : vector<1x16xf32> to vector<16xf32>
        %get3A_2498 = arith.index_cast %squeeze3A_2467 : i32 to index
        %get3A_2499 = arith.constant 112 : index
        %get3A_2500 = tpu.vector_load %arg7[%get3A_2498, %get3A_2499] {strides = array<i32>} : memref<128x128xf32, #tpu.memory_space<vmem>>, vector<1x16xf32>,
        %get3A_2501 = vector.shape_cast %get3A_2500 : vector<1x16xf32> to vector<16xf32>
        %get3A_2502 = arith.index_cast %squeeze3A_2469 : i32 to index
        %get3A_2503 = arith.constant 0 : index
        %get3A_2504 = tpu.vector_load %arg7[%get3A_2502, %get3A_2503] {strides = array<i32>} : memref<128x128xf32, #tpu.memory_space<vmem>>, vector<1x16xf32>,
        %get3A_2505 = vector.shape_cast %get3A_2504 : vector<1x16xf32> to vector<16xf32>
        %get3A_2506 = arith.index_cast %squeeze3A_2469 : i32 to index
        %get3A_2507 = arith.constant 16 : index
        %get3A_2508 = tpu.vector_load %arg7[%get3A_2506, %get3A_2507] {strides = array<i32>} : memref<128x128xf32, #tpu.memory_space<vmem>>, vector<1x16xf32>,
        %get3A_2509 = vector.shape_cast %get3A_2508 : vector<1x16xf32> to vector<16xf32>
        %get3A_2510 = arith.index_cast %squeeze3A_2469 : i32 to index
        %get3A_2511 = arith.constant 32 : index
        %get3A_2512 = tpu.vector_load %arg7[%get3A_2510, %get3A_2511] {strides = array<i32>} : memref<128x128xf32, #tpu.memory_space<vmem>>, vector<1x16xf32>,
        %get3A_2513 = vector.shape_cast %get3A_2512 : vector<1x16xf32> to vector<16xf32>
        %get3A_2514 = arith.index_cast %squeeze3A_2469 : i32 to index
        %get3A_2515 = arith.constant 48 : index
        %get3A_2516 = tpu.vector_load %arg7[%get3A_2514, %get3A_2515] {strides = array<i32>} : memref<128x128xf32, #tpu.memory_space<vmem>>, vector<1x16xf32>,
        %get3A_2517 = vector.shape_cast %get3A_2516 : vector<1x16xf32> to vector<16xf32>
        %get3A_2518 = arith.index_cast %squeeze3A_2469 : i32 to index
        %get3A_2519 = arith.constant 64 : index
        %get3A_2520 = tpu.vector_load %arg7[%get3A_2518, %get3A_2519] {strides = array<i32>} : memref<128x128xf32, #tpu.memory_space<vmem>>, vector<1x16xf32>,
        %get3A_2521 = vector.shape_cast %get3A_2520 : vector<1x16xf32> to vector<16xf32>
        %get3A_2522 = arith.index_cast %squeeze3A_2469 : i32 to index
        %get3A_2523 = arith.constant 80 : index
        %get3A_2524 = tpu.vector_load %arg7[%get3A_2522, %get3A_2523] {strides = array<i32>} : memref<128x128xf32, #tpu.memory_space<vmem>>, vector<1x16xf32>,
        %get3A_2525 = vector.shape_cast %get3A_2524 : vector<1x16xf32> to vector<16xf32>
        %get3A_2526 = arith.index_cast %squeeze3A_2469 : i32 to index
        %get3A_2527 = arith.constant 96 : index
        %get3A_2528 = tpu.vector_load %arg7[%get3A_2526, %get3A_2527] {strides = array<i32>} : memref<128x128xf32, #tpu.memory_space<vmem>>, vector<1x16xf32>,
        %get3A_2529 = vector.shape_cast %get3A_2528 : vector<1x16xf32> to vector<16xf32>
        %get3A_2530 = arith.index_cast %squeeze3A_2469 : i32 to index
        %get3A_2531 = arith.constant 112 : index
        %get3A_2532 = tpu.vector_load %arg7[%get3A_2530, %get3A_2531] {strides = array<i32>} : memref<128x128xf32, #tpu.memory_space<vmem>>, vector<1x16xf32>,
        %get3A_2533 = vector.shape_cast %get3A_2532 : vector<1x16xf32> to vector<16xf32>
        %add3A_2534 = arith.addf %get3A_2473, %get3A_654 : vector<16xf32>
        %mul3A_2535 = arith.constant 2 : i32
        %mul3A_2536 = arith.muli %mul3A_2535, %scan3A_641 : i32
        %add3A_2537 = arith.constant 224 : i32
        %add3A_2538 = arith.addi %add3A_2537, %mul3A_2536 : i32
        %swap3A_2539 = arith.index_cast %add3A_2538 : i32 to index
        %swap3A_2540 = arith.constant 0 : index
        %swap3A_2541 = tpu.vector_load %arg11[%swap3A_2539, %swap3A_2540] {strides = array<i32>} : memref<256x128xf32, #tpu.memory_space<vmem>>, vector<1x16xf32>,
        %swap3A_2542 = vector.shape_cast %swap3A_2541 : vector<1x16xf32> to vector<16xf32>
        %swap3A_2543 = vector.shape_cast %add3A_2534 : vector<16xf32> to vector<1x16xf32>
        tpu.vector_store %arg11[%swap3A_2539, %swap3A_2540], %swap3A_2543 {strides = array<i32>} : memref<256x128xf32, #tpu.memory_space<vmem>>, vector<1x16xf32>,
        %add3A_2544 = arith.addf %get3A_2505, %get3A_704 : vector<16xf32>
        %mul3A_2545 = arith.constant 2 : i32
        %mul3A_2546 = arith.muli %mul3A_2545, %scan3A_641 : i32
        %add3A_2547 = arith.constant 224 : i32
        %add3A_2548 = arith.addi %add3A_2547, %mul3A_2546 : i32
        %add3A_2549 = arith.constant 1 : i32
        %add3A_2550 = arith.addi %add3A_2548, %add3A_2549 : i32
        %swap3A_2551 = arith.index_cast %add3A_2550 : i32 to index
        %swap3A_2552 = arith.constant 0 : index
        %swap3A_2553 = tpu.vector_load %arg11[%swap3A_2551, %swap3A_2552] {strides = array<i32>} : memref<256x128xf32, #tpu.memory_space<vmem>>, vector<1x16xf32>,
        %swap3A_2554 = vector.shape_cast %swap3A_2553 : vector<1x16xf32> to vector<16xf32>
        %swap3A_2555 = vector.shape_cast %add3A_2544 : vector<16xf32> to vector<1x16xf32>
        tpu.vector_store %arg11[%swap3A_2551, %swap3A_2552], %swap3A_2555 {strides = array<i32>} : memref<256x128xf32, #tpu.memory_space<vmem>>, vector<1x16xf32>,
        %add3A_2556 = arith.addf %get3A_2477, %get3A_660 : vector<16xf32>
        %mul3A_2557 = arith.constant 2 : i32
        %mul3A_2558 = arith.muli %mul3A_2557, %scan3A_641 : i32
        %add3A_2559 = arith.constant 224 : i32
        %add3A_2560 = arith.addi %add3A_2559, %mul3A_2558 : i32
        %swap3A_2561 = arith.index_cast %add3A_2560 : i32 to index
        %swap3A_2562 = arith.constant 16 : index
        %swap3A_2563 = tpu.vector_load %arg11[%swap3A_2561, %swap3A_2562] {strides = array<i32>} : memref<256x128xf32, #tpu.memory_space<vmem>>, vector<1x16xf32>,
        %swap3A_2564 = vector.shape_cast %swap3A_2563 : vector<1x16xf32> to vector<16xf32>
        %swap3A_2565 = vector.shape_cast %add3A_2556 : vector<16xf32> to vector<1x16xf32>
        tpu.vector_store %arg11[%swap3A_2561, %swap3A_2562], %swap3A_2565 {strides = array<i32>} : memref<256x128xf32, #tpu.memory_space<vmem>>, vector<1x16xf32>,
        %add3A_2566 = arith.addf %get3A_2509, %get3A_712 : vector<16xf32>
        %mul3A_2567 = arith.constant 2 : i32
        %mul3A_2568 = arith.muli %mul3A_2567, %scan3A_641 : i32
        %add3A_2569 = arith.constant 224 : i32
        %add3A_2570 = arith.addi %add3A_2569, %mul3A_2568 : i32
        %add3A_2571 = arith.constant 1 : i32
        %add3A_2572 = arith.addi %add3A_2570, %add3A_2571 : i32
        %swap3A_2573 = arith.index_cast %add3A_2572 : i32 to index
        %swap3A_2574 = arith.constant 16 : index
        %swap3A_2575 = tpu.vector_load %arg11[%swap3A_2573, %swap3A_2574] {strides = array<i32>} : memref<256x128xf32, #tpu.memory_space<vmem>>, vector<1x16xf32>,
        %swap3A_2576 = vector.shape_cast %swap3A_2575 : vector<1x16xf32> to vector<16xf32>
        %swap3A_2577 = vector.shape_cast %add3A_2566 : vector<16xf32> to vector<1x16xf32>
        tpu.vector_store %arg11[%swap3A_2573, %swap3A_2574], %swap3A_2577 {strides = array<i32>} : memref<256x128xf32, #tpu.memory_space<vmem>>, vector<1x16xf32>,
        %add3A_2578 = arith.addf %get3A_2481, %get3A_666 : vector<16xf32>
        %mul3A_2579 = arith.constant 2 : i32
        %mul3A_2580 = arith.muli %mul3A_2579, %scan3A_641 : i32
        %add3A_2581 = arith.constant 224 : i32
        %add3A_2582 = arith.addi %add3A_2581, %mul3A_2580 : i32
        %swap3A_2583 = arith.index_cast %add3A_2582 : i32 to index
        %swap3A_2584 = arith.constant 32 : index
        %swap3A_2585 = tpu.vector_load %arg11[%swap3A_2583, %swap3A_2584] {strides = array<i32>} : memref<256x128xf32, #tpu.memory_space<vmem>>, vector<1x16xf32>,
        %swap3A_2586 = vector.shape_cast %swap3A_2585 : vector<1x16xf32> to vector<16xf32>
        %swap3A_2587 = vector.shape_cast %add3A_2578 : vector<16xf32> to vector<1x16xf32>
        tpu.vector_store %arg11[%swap3A_2583, %swap3A_2584], %swap3A_2587 {strides = array<i32>} : memref<256x128xf32, #tpu.memory_space<vmem>>, vector<1x16xf32>,
        %add3A_2588 = arith.addf %get3A_2513, %get3A_720 : vector<16xf32>
        %mul3A_2589 = arith.constant 2 : i32
        %mul3A_2590 = arith.muli %mul3A_2589, %scan3A_641 : i32
        %add3A_2591 = arith.constant 224 : i32
        %add3A_2592 = arith.addi %add3A_2591, %mul3A_2590 : i32
        %add3A_2593 = arith.constant 1 : i32
        %add3A_2594 = arith.addi %add3A_2592, %add3A_2593 : i32
        %swap3A_2595 = arith.index_cast %add3A_2594 : i32 to index
        %swap3A_2596 = arith.constant 32 : index
        %swap3A_2597 = tpu.vector_load %arg11[%swap3A_2595, %swap3A_2596] {strides = array<i32>} : memref<256x128xf32, #tpu.memory_space<vmem>>, vector<1x16xf32>,
        %swap3A_2598 = vector.shape_cast %swap3A_2597 : vector<1x16xf32> to vector<16xf32>
        %swap3A_2599 = vector.shape_cast %add3A_2588 : vector<16xf32> to vector<1x16xf32>
        tpu.vector_store %arg11[%swap3A_2595, %swap3A_2596], %swap3A_2599 {strides = array<i32>} : memref<256x128xf32, #tpu.memory_space<vmem>>, vector<1x16xf32>,
        %add3A_2600 = arith.addf %get3A_2485, %get3A_672 : vector<16xf32>
        %mul3A_2601 = arith.constant 2 : i32
        %mul3A_2602 = arith.muli %mul3A_2601, %scan3A_641 : i32
        %add3A_2603 = arith.constant 224 : i32
        %add3A_2604 = arith.addi %add3A_2603, %mul3A_2602 : i32
        %swap3A_2605 = arith.index_cast %add3A_2604 : i32 to index
        %swap3A_2606 = arith.constant 48 : index
        %swap3A_2607 = tpu.vector_load %arg11[%swap3A_2605, %swap3A_2606] {strides = array<i32>} : memref<256x128xf32, #tpu.memory_space<vmem>>, vector<1x16xf32>,
        %swap3A_2608 = vector.shape_cast %swap3A_2607 : vector<1x16xf32> to vector<16xf32>
        %swap3A_2609 = vector.shape_cast %add3A_2600 : vector<16xf32> to vector<1x16xf32>
        tpu.vector_store %arg11[%swap3A_2605, %swap3A_2606], %swap3A_2609 {strides = array<i32>} : memref<256x128xf32, #tpu.memory_space<vmem>>, vector<1x16xf32>,
        %add3A_2610 = arith.addf %get3A_2517, %get3A_728 : vector<16xf32>
        %mul3A_2611 = arith.constant 2 : i32
        %mul3A_2612 = arith.muli %mul3A_2611, %scan3A_641 : i32
        %add3A_2613 = arith.constant 224 : i32
        %add3A_2614 = arith.addi %add3A_2613, %mul3A_2612 : i32
        %add3A_2615 = arith.constant 1 : i32
        %add3A_2616 = arith.addi %add3A_2614, %add3A_2615 : i32
        %swap3A_2617 = arith.index_cast %add3A_2616 : i32 to index
        %swap3A_2618 = arith.constant 48 : index
        %swap3A_2619 = tpu.vector_load %arg11[%swap3A_2617, %swap3A_2618] {strides = array<i32>} : memref<256x128xf32, #tpu.memory_space<vmem>>, vector<1x16xf32>,
        %swap3A_2620 = vector.shape_cast %swap3A_2619 : vector<1x16xf32> to vector<16xf32>
        %swap3A_2621 = vector.shape_cast %add3A_2610 : vector<16xf32> to vector<1x16xf32>
        tpu.vector_store %arg11[%swap3A_2617, %swap3A_2618], %swap3A_2621 {strides = array<i32>} : memref<256x128xf32, #tpu.memory_space<vmem>>, vector<1x16xf32>,
        %add3A_2622 = arith.addf %get3A_2489, %get3A_678 : vector<16xf32>
        %mul3A_2623 = arith.constant 2 : i32
        %mul3A_2624 = arith.muli %mul3A_2623, %scan3A_641 : i32
        %add3A_2625 = arith.constant 224 : i32
        %add3A_2626 = arith.addi %add3A_2625, %mul3A_2624 : i32
        %swap3A_2627 = arith.index_cast %add3A_2626 : i32 to index
        %swap3A_2628 = arith.constant 64 : index
        %swap3A_2629 = tpu.vector_load %arg11[%swap3A_2627, %swap3A_2628] {strides = array<i32>} : memref<256x128xf32, #tpu.memory_space<vmem>>, vector<1x16xf32>,
        %swap3A_2630 = vector.shape_cast %swap3A_2629 : vector<1x16xf32> to vector<16xf32>
        %swap3A_2631 = vector.shape_cast %add3A_2622 : vector<16xf32> to vector<1x16xf32>
        tpu.vector_store %arg11[%swap3A_2627, %swap3A_2628], %swap3A_2631 {strides = array<i32>} : memref<256x128xf32, #tpu.memory_space<vmem>>, vector<1x16xf32>,
        %add3A_2632 = arith.addf %get3A_2521, %get3A_736 : vector<16xf32>
        %mul3A_2633 = arith.constant 2 : i32
        %mul3A_2634 = arith.muli %mul3A_2633, %scan3A_641 : i32
        %add3A_2635 = arith.constant 224 : i32
        %add3A_2636 = arith.addi %add3A_2635, %mul3A_2634 : i32
        %add3A_2637 = arith.constant 1 : i32
        %add3A_2638 = arith.addi %add3A_2636, %add3A_2637 : i32
        %swap3A_2639 = arith.index_cast %add3A_2638 : i32 to index
        %swap3A_2640 = arith.constant 64 : index
        %swap3A_2641 = tpu.vector_load %arg11[%swap3A_2639, %swap3A_2640] {strides = array<i32>} : memref<256x128xf32, #tpu.memory_space<vmem>>, vector<1x16xf32>,
        %swap3A_2642 = vector.shape_cast %swap3A_2641 : vector<1x16xf32> to vector<16xf32>
        %swap3A_2643 = vector.shape_cast %add3A_2632 : vector<16xf32> to vector<1x16xf32>
        tpu.vector_store %arg11[%swap3A_2639, %swap3A_2640], %swap3A_2643 {strides = array<i32>} : memref<256x128xf32, #tpu.memory_space<vmem>>, vector<1x16xf32>,
        %add3A_2644 = arith.addf %get3A_2493, %get3A_684 : vector<16xf32>
        %mul3A_2645 = arith.constant 2 : i32
        %mul3A_2646 = arith.muli %mul3A_2645, %scan3A_641 : i32
        %add3A_2647 = arith.constant 224 : i32
        %add3A_2648 = arith.addi %add3A_2647, %mul3A_2646 : i32
        %swap3A_2649 = arith.index_cast %add3A_2648 : i32 to index
        %swap3A_2650 = arith.constant 80 : index
        %swap3A_2651 = tpu.vector_load %arg11[%swap3A_2649, %swap3A_2650] {strides = array<i32>} : memref<256x128xf32, #tpu.memory_space<vmem>>, vector<1x16xf32>,
        %swap3A_2652 = vector.shape_cast %swap3A_2651 : vector<1x16xf32> to vector<16xf32>
        %swap3A_2653 = vector.shape_cast %add3A_2644 : vector<16xf32> to vector<1x16xf32>
        tpu.vector_store %arg11[%swap3A_2649, %swap3A_2650], %swap3A_2653 {strides = array<i32>} : memref<256x128xf32, #tpu.memory_space<vmem>>, vector<1x16xf32>,
        %add3A_2654 = arith.addf %get3A_2525, %get3A_744 : vector<16xf32>
        %mul3A_2655 = arith.constant 2 : i32
        %mul3A_2656 = arith.muli %mul3A_2655, %scan3A_641 : i32
        %add3A_2657 = arith.constant 224 : i32
        %add3A_2658 = arith.addi %add3A_2657, %mul3A_2656 : i32
        %add3A_2659 = arith.constant 1 : i32
        %add3A_2660 = arith.addi %add3A_2658, %add3A_2659 : i32
        %swap3A_2661 = arith.index_cast %add3A_2660 : i32 to index
        %swap3A_2662 = arith.constant 80 : index
        %swap3A_2663 = tpu.vector_load %arg11[%swap3A_2661, %swap3A_2662] {strides = array<i32>} : memref<256x128xf32, #tpu.memory_space<vmem>>, vector<1x16xf32>,
        %swap3A_2664 = vector.shape_cast %swap3A_2663 : vector<1x16xf32> to vector<16xf32>
        %swap3A_2665 = vector.shape_cast %add3A_2654 : vector<16xf32> to vector<1x16xf32>
        tpu.vector_store %arg11[%swap3A_2661, %swap3A_2662], %swap3A_2665 {strides = array<i32>} : memref<256x128xf32, #tpu.memory_space<vmem>>, vector<1x16xf32>,
        %add3A_2666 = arith.addf %get3A_2497, %get3A_690 : vector<16xf32>
        %mul3A_2667 = arith.constant 2 : i32
        %mul3A_2668 = arith.muli %mul3A_2667, %scan3A_641 : i32
        %add3A_2669 = arith.constant 224 : i32
        %add3A_2670 = arith.addi %add3A_2669, %mul3A_2668 : i32
        %swap3A_2671 = arith.index_cast %add3A_2670 : i32 to index
        %swap3A_2672 = arith.constant 96 : index
        %swap3A_2673 = tpu.vector_load %arg11[%swap3A_2671, %swap3A_2672] {strides = array<i32>} : memref<256x128xf32, #tpu.memory_space<vmem>>, vector<1x16xf32>,
        %swap3A_2674 = vector.shape_cast %swap3A_2673 : vector<1x16xf32> to vector<16xf32>
        %swap3A_2675 = vector.shape_cast %add3A_2666 : vector<16xf32> to vector<1x16xf32>
        tpu.vector_store %arg11[%swap3A_2671, %swap3A_2672], %swap3A_2675 {strides = array<i32>} : memref<256x128xf32, #tpu.memory_space<vmem>>, vector<1x16xf32>,
        %add3A_2676 = arith.addf %get3A_2529, %get3A_752 : vector<16xf32>
        %mul3A_2677 = arith.constant 2 : i32
        %mul3A_2678 = arith.muli %mul3A_2677, %scan3A_641 : i32
        %add3A_2679 = arith.constant 224 : i32
        %add3A_2680 = arith.addi %add3A_2679, %mul3A_2678 : i32
        %add3A_2681 = arith.constant 1 : i32
        %add3A_2682 = arith.addi %add3A_2680, %add3A_2681 : i32
        %swap3A_2683 = arith.index_cast %add3A_2682 : i32 to index
        %swap3A_2684 = arith.constant 96 : index
        %swap3A_2685 = tpu.vector_load %arg11[%swap3A_2683, %swap3A_2684] {strides = array<i32>} : memref<256x128xf32, #tpu.memory_space<vmem>>, vector<1x16xf32>,
        %swap3A_2686 = vector.shape_cast %swap3A_2685 : vector<1x16xf32> to vector<16xf32>
        %swap3A_2687 = vector.shape_cast %add3A_2676 : vector<16xf32> to vector<1x16xf32>
        tpu.vector_store %arg11[%swap3A_2683, %swap3A_2684], %swap3A_2687 {strides = array<i32>} : memref<256x128xf32, #tpu.memory_space<vmem>>, vector<1x16xf32>,
        %add3A_2688 = arith.addf %get3A_2501, %get3A_696 : vector<16xf32>
        %mul3A_2689 = arith.constant 2 : i32
        %mul3A_2690 = arith.muli %mul3A_2689, %scan3A_641 : i32
        %add3A_2691 = arith.constant 224 : i32
        %add3A_2692 = arith.addi %add3A_2691, %mul3A_2690 : i32
        %swap3A_2693 = arith.index_cast %add3A_2692 : i32 to index
        %swap3A_2694 = arith.constant 112 : index
        %swap3A_2695 = tpu.vector_load %arg11[%swap3A_2693, %swap3A_2694] {strides = array<i32>} : memref<256x128xf32, #tpu.memory_space<vmem>>, vector<1x16xf32>,
        %swap3A_2696 = vector.shape_cast %swap3A_2695 : vector<1x16xf32> to vector<16xf32>
        %swap3A_2697 = vector.shape_cast %add3A_2688 : vector<16xf32> to vector<1x16xf32>
        tpu.vector_store %arg11[%swap3A_2693, %swap3A_2694], %swap3A_2697 {strides = array<i32>} : memref<256x128xf32, #tpu.memory_space<vmem>>, vector<1x16xf32>,
        %add3A_2698 = arith.addf %get3A_2533, %get3A_760 : vector<16xf32>
        %mul3A_2699 = arith.constant 2 : i32
        %mul3A_2700 = arith.muli %mul3A_2699, %scan3A_641 : i32
        %add3A_2701 = arith.constant 224 : i32
        %add3A_2702 = arith.addi %add3A_2701, %mul3A_2700 : i32
        %add3A_2703 = arith.constant 1 : i32
        %add3A_2704 = arith.addi %add3A_2702, %add3A_2703 : i32
        %swap3A_2705 = arith.index_cast %add3A_2704 : i32 to index
        %swap3A_2706 = arith.constant 112 : index
        %swap3A_2707 = tpu.vector_load %arg11[%swap3A_2705, %swap3A_2706] {strides = array<i32>} : memref<256x128xf32, #tpu.memory_space<vmem>>, vector<1x16xf32>,
        %swap3A_2708 = vector.shape_cast %swap3A_2707 : vector<1x16xf32> to vector<16xf32>
        %swap3A_2709 = vector.shape_cast %add3A_2698 : vector<16xf32> to vector<1x16xf32>
        tpu.vector_store %arg11[%swap3A_2705, %swap3A_2706], %swap3A_2709 {strides = array<i32>} : memref<256x128xf32, #tpu.memory_space<vmem>>, vector<1x16xf32>,
      }
      %scan3A_496 = arith.constant 16 : i32
      %mul3A_497 = arith.constant 8 : i32
      %mul3A_498 = arith.muli %select_n3A_448, %mul3A_497 : i32
      %add3A_499 = arith.constant 0 : i32
      %add3A_500 = arith.addi %mul3A_498, %add3A_499 : i32
      %mul3A_501 = arith.constant 512 : i32
      %mul3A_502 = arith.muli %add3A_500, %mul3A_501 : i32
      %add3A_503 = arith.addi %mul3A_2, %mul3A_502 : i32
      %add3A_504 = arith.addi %add3A_503, %mul3A_474 : i32
      %dma_start3A_505 = arith.constant 0 : i32
      %dma_start3A_506 = arith.constant 0 : i32
      %dma_start3A_507 = tpu.memref_slice %arg11[%dma_start3A_505, %dma_start3A_506] : memref<256x128xf32, #tpu.memory_space<vmem>> -> memref<32x128xf32, #tpu.memory_space<vmem>>
      %dma_start3A_508 = arith.constant 0 : i32
      %dma_start3A_509 = tpu.memref_slice %arg5[%add3A_504, %dma_start3A_508] : memref<524288x128xf32, #tpu.memory_space<hbm>> -> memref<32x128xf32, #tpu.memory_space<hbm>>
      %dma_start3A_510 = arith.constant 0 : i32
      %dma_start3A_511 = tpu.memref_slice %arg5[%add3A_504, %dma_start3A_510] : memref<524288x128xf32, #tpu.memory_space<hbm>> -> memref<32x128xf32, #tpu.memory_space<hbm>>
      %dma_start3A_512 = arith.constant 0 : i32
      %dma_start3A_513 = arith.constant 0 : i32
      %dma_start3A_514 = tpu.memref_slice %arg11[%dma_start3A_512, %dma_start3A_513] : memref<256x128xf32, #tpu.memory_space<vmem>> -> memref<32x128xf32, #tpu.memory_space<vmem>>
      tpu.enqueue_dma source(%dma_start3A_514 : memref<32x128xf32, #tpu.memory_space<vmem>>) target(%dma_start3A_511 : memref<32x128xf32, #tpu.memory_space<hbm>>) target_semaphore(%arg15 : memref<!tpu.dma_semaphore, #tpu.memory_space<semaphore_mem>>)
      %mul3A_515 = arith.constant 8 : i32
      %mul3A_516 = arith.muli %select_n3A_448, %mul3A_515 : i32
      %add3A_517 = arith.constant 1 : i32
      %add3A_518 = arith.addi %mul3A_516, %add3A_517 : i32
      %mul3A_519 = arith.constant 512 : i32
      %mul3A_520 = arith.muli %add3A_518, %mul3A_519 : i32
      %add3A_521 = arith.addi %mul3A_2, %mul3A_520 : i32
      %add3A_522 = arith.addi %add3A_521, %mul3A_474 : i32
      %dma_start3A_523 = arith.constant 32 : i32
      %dma_start3A_524 = arith.constant 0 : i32
      %dma_start3A_525 = tpu.memref_slice %arg11[%dma_start3A_523, %dma_start3A_524] : memref<256x128xf32, #tpu.memory_space<vmem>> -> memref<32x128xf32, #tpu.memory_space<vmem>>
      %dma_start3A_526 = arith.constant 0 : i32
      %dma_start3A_527 = tpu.memref_slice %arg5[%add3A_522, %dma_start3A_526] : memref<524288x128xf32, #tpu.memory_space<hbm>> -> memref<32x128xf32, #tpu.memory_space<hbm>>
      %dma_start3A_528 = arith.constant 0 : i32
      %dma_start3A_529 = tpu.memref_slice %arg5[%add3A_522, %dma_start3A_528] : memref<524288x128xf32, #tpu.memory_space<hbm>> -> memref<32x128xf32, #tpu.memory_space<hbm>>
      %dma_start3A_530 = arith.constant 32 : i32
      %dma_start3A_531 = arith.constant 0 : i32
      %dma_start3A_532 = tpu.memref_slice %arg11[%dma_start3A_530, %dma_start3A_531] : memref<256x128xf32, #tpu.memory_space<vmem>> -> memref<32x128xf32, #tpu.memory_space<vmem>>
      tpu.enqueue_dma source(%dma_start3A_532 : memref<32x128xf32, #tpu.memory_space<vmem>>) target(%dma_start3A_529 : memref<32x128xf32, #tpu.memory_space<hbm>>) target_semaphore(%arg15 : memref<!tpu.dma_semaphore, #tpu.memory_space<semaphore_mem>>)
      %mul3A_533 = arith.constant 8 : i32
      %mul3A_534 = arith.muli %select_n3A_448, %mul3A_533 : i32
      %add3A_535 = arith.constant 2 : i32
      %add3A_536 = arith.addi %mul3A_534, %add3A_535 : i32
      %mul3A_537 = arith.constant 512 : i32
      %mul3A_538 = arith.muli %add3A_536, %mul3A_537 : i32
      %add3A_539 = arith.addi %mul3A_2, %mul3A_538 : i32
      %add3A_540 = arith.addi %add3A_539, %mul3A_474 : i32
      %dma_start3A_541 = arith.constant 64 : i32
      %dma_start3A_542 = arith.constant 0 : i32
      %dma_start3A_543 = tpu.memref_slice %arg11[%dma_start3A_541, %dma_start3A_542] : memref<256x128xf32, #tpu.memory_space<vmem>> -> memref<32x128xf32, #tpu.memory_space<vmem>>
      %dma_start3A_544 = arith.constant 0 : i32
      %dma_start3A_545 = tpu.memref_slice %arg5[%add3A_540, %dma_start3A_544] : memref<524288x128xf32, #tpu.memory_space<hbm>> -> memref<32x128xf32, #tpu.memory_space<hbm>>
      %dma_start3A_546 = arith.constant 0 : i32
      %dma_start3A_547 = tpu.memref_slice %arg5[%add3A_540, %dma_start3A_546] : memref<524288x128xf32, #tpu.memory_space<hbm>> -> memref<32x128xf32, #tpu.memory_space<hbm>>
      %dma_start3A_548 = arith.constant 64 : i32
      %dma_start3A_549 = arith.constant 0 : i32
      %dma_start3A_550 = tpu.memref_slice %arg11[%dma_start3A_548, %dma_start3A_549] : memref<256x128xf32, #tpu.memory_space<vmem>> -> memref<32x128xf32, #tpu.memory_space<vmem>>
      tpu.enqueue_dma source(%dma_start3A_550 : memref<32x128xf32, #tpu.memory_space<vmem>>) target(%dma_start3A_547 : memref<32x128xf32, #tpu.memory_space<hbm>>) target_semaphore(%arg15 : memref<!tpu.dma_semaphore, #tpu.memory_space<semaphore_mem>>)
      %mul3A_551 = arith.constant 8 : i32
      %mul3A_552 = arith.muli %select_n3A_448, %mul3A_551 : i32
      %add3A_553 = arith.constant 3 : i32
      %add3A_554 = arith.addi %mul3A_552, %add3A_553 : i32
      %mul3A_555 = arith.constant 512 : i32
      %mul3A_556 = arith.muli %add3A_554, %mul3A_555 : i32
      %add3A_557 = arith.addi %mul3A_2, %mul3A_556 : i32
      %add3A_558 = arith.addi %add3A_557, %mul3A_474 : i32
      %dma_start3A_559 = arith.constant 96 : i32
      %dma_start3A_560 = arith.constant 0 : i32
      %dma_start3A_561 = tpu.memref_slice %arg11[%dma_start3A_559, %dma_start3A_560] : memref<256x128xf32, #tpu.memory_space<vmem>> -> memref<32x128xf32, #tpu.memory_space<vmem>>
      %dma_start3A_562 = arith.constant 0 : i32
      %dma_start3A_563 = tpu.memref_slice %arg5[%add3A_558, %dma_start3A_562] : memref<524288x128xf32, #tpu.memory_space<hbm>> -> memref<32x128xf32, #tpu.memory_space<hbm>>
      %dma_start3A_564 = arith.constant 0 : i32
      %dma_start3A_565 = tpu.memref_slice %arg5[%add3A_558, %dma_start3A_564] : memref<524288x128xf32, #tpu.memory_space<hbm>> -> memref<32x128xf32, #tpu.memory_space<hbm>>
      %dma_start3A_566 = arith.constant 96 : i32
      %dma_start3A_567 = arith.constant 0 : i32
      %dma_start3A_568 = tpu.memref_slice %arg11[%dma_start3A_566, %dma_start3A_567] : memref<256x128xf32, #tpu.memory_space<vmem>> -> memref<32x128xf32, #tpu.memory_space<vmem>>
      tpu.enqueue_dma source(%dma_start3A_568 : memref<32x128xf32, #tpu.memory_space<vmem>>) target(%dma_start3A_565 : memref<32x128xf32, #tpu.memory_space<hbm>>) target_semaphore(%arg15 : memref<!tpu.dma_semaphore, #tpu.memory_space<semaphore_mem>>)
      %mul3A_569 = arith.constant 8 : i32
      %mul3A_570 = arith.muli %select_n3A_448, %mul3A_569 : i32
      %add3A_571 = arith.constant 4 : i32
      %add3A_572 = arith.addi %mul3A_570, %add3A_571 : i32
      %mul3A_573 = arith.constant 512 : i32
      %mul3A_574 = arith.muli %add3A_572, %mul3A_573 : i32
      %add3A_575 = arith.addi %mul3A_2, %mul3A_574 : i32
      %add3A_576 = arith.addi %add3A_575, %mul3A_474 : i32
      %dma_start3A_577 = arith.constant 128 : i32
      %dma_start3A_578 = arith.constant 0 : i32
      %dma_start3A_579 = tpu.memref_slice %arg11[%dma_start3A_577, %dma_start3A_578] : memref<256x128xf32, #tpu.memory_space<vmem>> -> memref<32x128xf32, #tpu.memory_space<vmem>>
      %dma_start3A_580 = arith.constant 0 : i32
      %dma_start3A_581 = tpu.memref_slice %arg5[%add3A_576, %dma_start3A_580] : memref<524288x128xf32, #tpu.memory_space<hbm>> -> memref<32x128xf32, #tpu.memory_space<hbm>>
      %dma_start3A_582 = arith.constant 0 : i32
      %dma_start3A_583 = tpu.memref_slice %arg5[%add3A_576, %dma_start3A_582] : memref<524288x128xf32, #tpu.memory_space<hbm>> -> memref<32x128xf32, #tpu.memory_space<hbm>>
      %dma_start3A_584 = arith.constant 128 : i32
      %dma_start3A_585 = arith.constant 0 : i32
      %dma_start3A_586 = tpu.memref_slice %arg11[%dma_start3A_584, %dma_start3A_585] : memref<256x128xf32, #tpu.memory_space<vmem>> -> memref<32x128xf32, #tpu.memory_space<vmem>>
      tpu.enqueue_dma source(%dma_start3A_586 : memref<32x128xf32, #tpu.memory_space<vmem>>) target(%dma_start3A_583 : memref<32x128xf32, #tpu.memory_space<hbm>>) target_semaphore(%arg15 : memref<!tpu.dma_semaphore, #tpu.memory_space<semaphore_mem>>)
      %mul3A_587 = arith.constant 8 : i32
      %mul3A_588 = arith.muli %select_n3A_448, %mul3A_587 : i32
      %add3A_589 = arith.constant 5 : i32
      %add3A_590 = arith.addi %mul3A_588, %add3A_589 : i32
      %mul3A_591 = arith.constant 512 : i32
      %mul3A_592 = arith.muli %add3A_590, %mul3A_591 : i32
      %add3A_593 = arith.addi %mul3A_2, %mul3A_592 : i32
      %add3A_594 = arith.addi %add3A_593, %mul3A_474 : i32
      %dma_start3A_595 = arith.constant 160 : i32
      %dma_start3A_596 = arith.constant 0 : i32
      %dma_start3A_597 = tpu.memref_slice %arg11[%dma_start3A_595, %dma_start3A_596] : memref<256x128xf32, #tpu.memory_space<vmem>> -> memref<32x128xf32, #tpu.memory_space<vmem>>
      %dma_start3A_598 = arith.constant 0 : i32
      %dma_start3A_599 = tpu.memref_slice %arg5[%add3A_594, %dma_start3A_598] : memref<524288x128xf32, #tpu.memory_space<hbm>> -> memref<32x128xf32, #tpu.memory_space<hbm>>
      %dma_start3A_600 = arith.constant 0 : i32
      %dma_start3A_601 = tpu.memref_slice %arg5[%add3A_594, %dma_start3A_600] : memref<524288x128xf32, #tpu.memory_space<hbm>> -> memref<32x128xf32, #tpu.memory_space<hbm>>
      %dma_start3A_602 = arith.constant 160 : i32
      %dma_start3A_603 = arith.constant 0 : i32
      %dma_start3A_604 = tpu.memref_slice %arg11[%dma_start3A_602, %dma_start3A_603] : memref<256x128xf32, #tpu.memory_space<vmem>> -> memref<32x128xf32, #tpu.memory_space<vmem>>
      tpu.enqueue_dma source(%dma_start3A_604 : memref<32x128xf32, #tpu.memory_space<vmem>>) target(%dma_start3A_601 : memref<32x128xf32, #tpu.memory_space<hbm>>) target_semaphore(%arg15 : memref<!tpu.dma_semaphore, #tpu.memory_space<semaphore_mem>>)
      %mul3A_605 = arith.constant 8 : i32
      %mul3A_606 = arith.muli %select_n3A_448, %mul3A_605 : i32
      %add3A_607 = arith.constant 6 : i32
      %add3A_608 = arith.addi %mul3A_606, %add3A_607 : i32
      %mul3A_609 = arith.constant 512 : i32
      %mul3A_610 = arith.muli %add3A_608, %mul3A_609 : i32
      %add3A_611 = arith.addi %mul3A_2, %mul3A_610 : i32
      %add3A_612 = arith.addi %add3A_611, %mul3A_474 : i32
      %dma_start3A_613 = arith.constant 192 : i32
      %dma_start3A_614 = arith.constant 0 : i32
      %dma_start3A_615 = tpu.memref_slice %arg11[%dma_start3A_613, %dma_start3A_614] : memref<256x128xf32, #tpu.memory_space<vmem>> -> memref<32x128xf32, #tpu.memory_space<vmem>>
      %dma_start3A_616 = arith.constant 0 : i32
      %dma_start3A_617 = tpu.memref_slice %arg5[%add3A_612, %dma_start3A_616] : memref<524288x128xf32, #tpu.memory_space<hbm>> -> memref<32x128xf32, #tpu.memory_space<hbm>>
      %dma_start3A_618 = arith.constant 0 : i32
      %dma_start3A_619 = tpu.memref_slice %arg5[%add3A_612, %dma_start3A_618] : memref<524288x128xf32, #tpu.memory_space<hbm>> -> memref<32x128xf32, #tpu.memory_space<hbm>>
      %dma_start3A_620 = arith.constant 192 : i32
      %dma_start3A_621 = arith.constant 0 : i32
      %dma_start3A_622 = tpu.memref_slice %arg11[%dma_start3A_620, %dma_start3A_621] : memref<256x128xf32, #tpu.memory_space<vmem>> -> memref<32x128xf32, #tpu.memory_space<vmem>>
      tpu.enqueue_dma source(%dma_start3A_622 : memref<32x128xf32, #tpu.memory_space<vmem>>) target(%dma_start3A_619 : memref<32x128xf32, #tpu.memory_space<hbm>>) target_semaphore(%arg15 : memref<!tpu.dma_semaphore, #tpu.memory_space<semaphore_mem>>)
      %mul3A_623 = arith.constant 8 : i32
      %mul3A_624 = arith.muli %select_n3A_448, %mul3A_623 : i32
      %add3A_625 = arith.constant 7 : i32
      %add3A_626 = arith.addi %mul3A_624, %add3A_625 : i32
      %mul3A_627 = arith.constant 512 : i32
      %mul3A_628 = arith.muli %add3A_626, %mul3A_627 : i32
      %add3A_629 = arith.addi %mul3A_2, %mul3A_628 : i32
      %add3A_630 = arith.addi %add3A_629, %mul3A_474 : i32
      %dma_start3A_631 = arith.constant 224 : i32
      %dma_start3A_632 = arith.constant 0 : i32
      %dma_start3A_633 = tpu.memref_slice %arg11[%dma_start3A_631, %dma_start3A_632] : memref<256x128xf32, #tpu.memory_space<vmem>> -> memref<32x128xf32, #tpu.memory_space<vmem>>
      %dma_start3A_634 = arith.constant 0 : i32
      %dma_start3A_635 = tpu.memref_slice %arg5[%add3A_630, %dma_start3A_634] : memref<524288x128xf32, #tpu.memory_space<hbm>> -> memref<32x128xf32, #tpu.memory_space<hbm>>
      %dma_start3A_636 = arith.constant 0 : i32
      %dma_start3A_637 = tpu.memref_slice %arg5[%add3A_630, %dma_start3A_636] : memref<524288x128xf32, #tpu.memory_space<hbm>> -> memref<32x128xf32, #tpu.memory_space<hbm>>
      %dma_start3A_638 = arith.constant 224 : i32
      %dma_start3A_639 = arith.constant 0 : i32
      %dma_start3A_640 = tpu.memref_slice %arg11[%dma_start3A_638, %dma_start3A_639] : memref<256x128xf32, #tpu.memory_space<vmem>> -> memref<32x128xf32, #tpu.memory_space<vmem>>
      tpu.enqueue_dma source(%dma_start3A_640 : memref<32x128xf32, #tpu.memory_space<vmem>>) target(%dma_start3A_637 : memref<32x128xf32, #tpu.memory_space<hbm>>) target_semaphore(%arg15 : memref<!tpu.dma_semaphore, #tpu.memory_space<semaphore_mem>>)
    }
    %scan3A_12 = arith.constant 32 : i32
    %dma_wait3A = arith.constant 0 : i32
    %dma_wait3A_13 = arith.constant 0 : i32
    %dma_wait3A_14 = tpu.memref_slice %arg10[%dma_wait3A, %dma_wait3A_13] : memref<256x128xf32, #tpu.memory_space<vmem>> -> memref<32x128xf32, #tpu.memory_space<vmem>>
    %dma_wait3A_15 = arith.constant 0 : i32
    %dma_wait3A_16 = arith.constant 0 : i32
    %dma_wait3A_17 = tpu.memref_slice %arg5[%dma_wait3A_15, %dma_wait3A_16] : memref<524288x128xf32, #tpu.memory_space<hbm>> -> memref<32x128xf32, #tpu.memory_space<hbm>>
    %dma_wait3A_18 = arith.constant 0 : i32
    %dma_wait3A_19 = arith.constant 0 : i32
    %dma_wait3A_20 = tpu.memref_slice %arg5[%dma_wait3A_18, %dma_wait3A_19] : memref<524288x128xf32, #tpu.memory_space<hbm>> -> memref<32x128xf32, #tpu.memory_space<hbm>>
    %dma_wait3A_21 = arith.constant 0 : i32
    %dma_wait3A_22 = arith.constant 0 : i32
    %dma_wait3A_23 = tpu.memref_slice %arg10[%dma_wait3A_21, %dma_wait3A_22] : memref<256x128xf32, #tpu.memory_space<vmem>> -> memref<32x128xf32, #tpu.memory_space<vmem>>
    tpu.wait_dma2 semaphore(%arg14 : memref<!tpu.dma_semaphore, #tpu.memory_space<semaphore_mem>>) src(%dma_wait3A_23 : memref<32x128xf32, #tpu.memory_space<vmem>>) dst(%dma_wait3A_20 : memref<32x128xf32, #tpu.memory_space<hbm>>)
    %dma_wait3A_24 = arith.constant 0 : i32
    %dma_wait3A_25 = arith.constant 0 : i32
    %dma_wait3A_26 = tpu.memref_slice %arg10[%dma_wait3A_24, %dma_wait3A_25] : memref<256x128xf32, #tpu.memory_space<vmem>> -> memref<32x128xf32, #tpu.memory_space<vmem>>
    %dma_wait3A_27 = arith.constant 0 : i32
    %dma_wait3A_28 = arith.constant 0 : i32
    %dma_wait3A_29 = tpu.memref_slice %arg5[%dma_wait3A_27, %dma_wait3A_28] : memref<524288x128xf32, #tpu.memory_space<hbm>> -> memref<32x128xf32, #tpu.memory_space<hbm>>
    %dma_wait3A_30 = arith.constant 0 : i32
    %dma_wait3A_31 = arith.constant 0 : i32
    %dma_wait3A_32 = tpu.memref_slice %arg5[%dma_wait3A_30, %dma_wait3A_31] : memref<524288x128xf32, #tpu.memory_space<hbm>> -> memref<32x128xf32, #tpu.memory_space<hbm>>
    %dma_wait3A_33 = arith.constant 0 : i32
    %dma_wait3A_34 = arith.constant 0 : i32
    %dma_wait3A_35 = tpu.memref_slice %arg10[%dma_wait3A_33, %dma_wait3A_34] : memref<256x128xf32, #tpu.memory_space<vmem>> -> memref<32x128xf32, #tpu.memory_space<vmem>>
    tpu.wait_dma2 semaphore(%arg14 : memref<!tpu.dma_semaphore, #tpu.memory_space<semaphore_mem>>) src(%dma_wait3A_35 : memref<32x128xf32, #tpu.memory_space<vmem>>) dst(%dma_wait3A_32 : memref<32x128xf32, #tpu.memory_space<hbm>>)
    %dma_wait3A_36 = arith.constant 0 : i32
    %dma_wait3A_37 = arith.constant 0 : i32
    %dma_wait3A_38 = tpu.memref_slice %arg10[%dma_wait3A_36, %dma_wait3A_37] : memref<256x128xf32, #tpu.memory_space<vmem>> -> memref<32x128xf32, #tpu.memory_space<vmem>>
    %dma_wait3A_39 = arith.constant 0 : i32
    %dma_wait3A_40 = arith.constant 0 : i32
    %dma_wait3A_41 = tpu.memref_slice %arg5[%dma_wait3A_39, %dma_wait3A_40] : memref<524288x128xf32, #tpu.memory_space<hbm>> -> memref<32x128xf32, #tpu.memory_space<hbm>>
    %dma_wait3A_42 = arith.constant 0 : i32
    %dma_wait3A_43 = arith.constant 0 : i32
    %dma_wait3A_44 = tpu.memref_slice %arg5[%dma_wait3A_42, %dma_wait3A_43] : memref<524288x128xf32, #tpu.memory_space<hbm>> -> memref<32x128xf32, #tpu.memory_space<hbm>>
    %dma_wait3A_45 = arith.constant 0 : i32
    %dma_wait3A_46 = arith.constant 0 : i32
    %dma_wait3A_47 = tpu.memref_slice %arg10[%dma_wait3A_45, %dma_wait3A_46] : memref<256x128xf32, #tpu.memory_space<vmem>> -> memref<32x128xf32, #tpu.memory_space<vmem>>
    tpu.wait_dma2 semaphore(%arg14 : memref<!tpu.dma_semaphore, #tpu.memory_space<semaphore_mem>>) src(%dma_wait3A_47 : memref<32x128xf32, #tpu.memory_space<vmem>>) dst(%dma_wait3A_44 : memref<32x128xf32, #tpu.memory_space<hbm>>)
    %dma_wait3A_48 = arith.constant 0 : i32
    %dma_wait3A_49 = arith.constant 0 : i32
    %dma_wait3A_50 = tpu.memref_slice %arg10[%dma_wait3A_48, %dma_wait3A_49] : memref<256x128xf32, #tpu.memory_space<vmem>> -> memref<32x128xf32, #tpu.memory_space<vmem>>
    %dma_wait3A_51 = arith.constant 0 : i32
    %dma_wait3A_52 = arith.constant 0 : i32
    %dma_wait3A_53 = tpu.memref_slice %arg5[%dma_wait3A_51, %dma_wait3A_52] : memref<524288x128xf32, #tpu.memory_space<hbm>> -> memref<32x128xf32, #tpu.memory_space<hbm>>
    %dma_wait3A_54 = arith.constant 0 : i32
    %dma_wait3A_55 = arith.constant 0 : i32
    %dma_wait3A_56 = tpu.memref_slice %arg5[%dma_wait3A_54, %dma_wait3A_55] : memref<524288x128xf32, #tpu.memory_space<hbm>> -> memref<32x128xf32, #tpu.memory_space<hbm>>
    %dma_wait3A_57 = arith.constant 0 : i32
    %dma_wait3A_58 = arith.constant 0 : i32
    %dma_wait3A_59 = tpu.memref_slice %arg10[%dma_wait3A_57, %dma_wait3A_58] : memref<256x128xf32, #tpu.memory_space<vmem>> -> memref<32x128xf32, #tpu.memory_space<vmem>>
    tpu.wait_dma2 semaphore(%arg14 : memref<!tpu.dma_semaphore, #tpu.memory_space<semaphore_mem>>) src(%dma_wait3A_59 : memref<32x128xf32, #tpu.memory_space<vmem>>) dst(%dma_wait3A_56 : memref<32x128xf32, #tpu.memory_space<hbm>>)
    %dma_wait3A_60 = arith.constant 0 : i32
    %dma_wait3A_61 = arith.constant 0 : i32
    %dma_wait3A_62 = tpu.memref_slice %arg10[%dma_wait3A_60, %dma_wait3A_61] : memref<256x128xf32, #tpu.memory_space<vmem>> -> memref<32x128xf32, #tpu.memory_space<vmem>>
    %dma_wait3A_63 = arith.constant 0 : i32
    %dma_wait3A_64 = arith.constant 0 : i32
    %dma_wait3A_65 = tpu.memref_slice %arg5[%dma_wait3A_63, %dma_wait3A_64] : memref<524288x128xf32, #tpu.memory_space<hbm>> -> memref<32x128xf32, #tpu.memory_space<hbm>>
    %dma_wait3A_66 = arith.constant 0 : i32
    %dma_wait3A_67 = arith.constant 0 : i32
    %dma_wait3A_68 = tpu.memref_slice %arg5[%dma_wait3A_66, %dma_wait3A_67] : memref<524288x128xf32, #tpu.memory_space<hbm>> -> memref<32x128xf32, #tpu.memory_space<hbm>>
    %dma_wait3A_69 = arith.constant 0 : i32
    %dma_wait3A_70 = arith.constant 0 : i32
    %dma_wait3A_71 = tpu.memref_slice %arg10[%dma_wait3A_69, %dma_wait3A_70] : memref<256x128xf32, #tpu.memory_space<vmem>> -> memref<32x128xf32, #tpu.memory_space<vmem>>
    tpu.wait_dma2 semaphore(%arg14 : memref<!tpu.dma_semaphore, #tpu.memory_space<semaphore_mem>>) src(%dma_wait3A_71 : memref<32x128xf32, #tpu.memory_space<vmem>>) dst(%dma_wait3A_68 : memref<32x128xf32, #tpu.memory_space<hbm>>)
    %dma_wait3A_72 = arith.constant 0 : i32
    %dma_wait3A_73 = arith.constant 0 : i32
    %dma_wait3A_74 = tpu.memref_slice %arg10[%dma_wait3A_72, %dma_wait3A_73] : memref<256x128xf32, #tpu.memory_space<vmem>> -> memref<32x128xf32, #tpu.memory_space<vmem>>
    %dma_wait3A_75 = arith.constant 0 : i32
    %dma_wait3A_76 = arith.constant 0 : i32
    %dma_wait3A_77 = tpu.memref_slice %arg5[%dma_wait3A_75, %dma_wait3A_76] : memref<524288x128xf32, #tpu.memory_space<hbm>> -> memref<32x128xf32, #tpu.memory_space<hbm>>
    %dma_wait3A_78 = arith.constant 0 : i32
    %dma_wait3A_79 = arith.constant 0 : i32
    %dma_wait3A_80 = tpu.memref_slice %arg5[%dma_wait3A_78, %dma_wait3A_79] : memref<524288x128xf32, #tpu.memory_space<hbm>> -> memref<32x128xf32, #tpu.memory_space<hbm>>
    %dma_wait3A_81 = arith.constant 0 : i32
    %dma_wait3A_82 = arith.constant 0 : i32
    %dma_wait3A_83 = tpu.memref_slice %arg10[%dma_wait3A_81, %dma_wait3A_82] : memref<256x128xf32, #tpu.memory_space<vmem>> -> memref<32x128xf32, #tpu.memory_space<vmem>>
    tpu.wait_dma2 semaphore(%arg14 : memref<!tpu.dma_semaphore, #tpu.memory_space<semaphore_mem>>) src(%dma_wait3A_83 : memref<32x128xf32, #tpu.memory_space<vmem>>) dst(%dma_wait3A_80 : memref<32x128xf32, #tpu.memory_space<hbm>>)
    %dma_wait3A_84 = arith.constant 0 : i32
    %dma_wait3A_85 = arith.constant 0 : i32
    %dma_wait3A_86 = tpu.memref_slice %arg10[%dma_wait3A_84, %dma_wait3A_85] : memref<256x128xf32, #tpu.memory_space<vmem>> -> memref<32x128xf32, #tpu.memory_space<vmem>>
    %dma_wait3A_87 = arith.constant 0 : i32
    %dma_wait3A_88 = arith.constant 0 : i32
    %dma_wait3A_89 = tpu.memref_slice %arg5[%dma_wait3A_87, %dma_wait3A_88] : memref<524288x128xf32, #tpu.memory_space<hbm>> -> memref<32x128xf32, #tpu.memory_space<hbm>>
    %dma_wait3A_90 = arith.constant 0 : i32
    %dma_wait3A_91 = arith.constant 0 : i32
    %dma_wait3A_92 = tpu.memref_slice %arg5[%dma_wait3A_90, %dma_wait3A_91] : memref<524288x128xf32, #tpu.memory_space<hbm>> -> memref<32x128xf32, #tpu.memory_space<hbm>>
    %dma_wait3A_93 = arith.constant 0 : i32
    %dma_wait3A_94 = arith.constant 0 : i32
    %dma_wait3A_95 = tpu.memref_slice %arg10[%dma_wait3A_93, %dma_wait3A_94] : memref<256x128xf32, #tpu.memory_space<vmem>> -> memref<32x128xf32, #tpu.memory_space<vmem>>
    tpu.wait_dma2 semaphore(%arg14 : memref<!tpu.dma_semaphore, #tpu.memory_space<semaphore_mem>>) src(%dma_wait3A_95 : memref<32x128xf32, #tpu.memory_space<vmem>>) dst(%dma_wait3A_92 : memref<32x128xf32, #tpu.memory_space<hbm>>)
    %dma_wait3A_96 = arith.constant 0 : i32
    %dma_wait3A_97 = arith.constant 0 : i32
    %dma_wait3A_98 = tpu.memref_slice %arg10[%dma_wait3A_96, %dma_wait3A_97] : memref<256x128xf32, #tpu.memory_space<vmem>> -> memref<32x128xf32, #tpu.memory_space<vmem>>
    %dma_wait3A_99 = arith.constant 0 : i32
    %dma_wait3A_100 = arith.constant 0 : i32
    %dma_wait3A_101 = tpu.memref_slice %arg5[%dma_wait3A_99, %dma_wait3A_100] : memref<524288x128xf32, #tpu.memory_space<hbm>> -> memref<32x128xf32, #tpu.memory_space<hbm>>
    %dma_wait3A_102 = arith.constant 0 : i32
    %dma_wait3A_103 = arith.constant 0 : i32
    %dma_wait3A_104 = tpu.memref_slice %arg5[%dma_wait3A_102, %dma_wait3A_103] : memref<524288x128xf32, #tpu.memory_space<hbm>> -> memref<32x128xf32, #tpu.memory_space<hbm>>
    %dma_wait3A_105 = arith.constant 0 : i32
    %dma_wait3A_106 = arith.constant 0 : i32
    %dma_wait3A_107 = tpu.memref_slice %arg10[%dma_wait3A_105, %dma_wait3A_106] : memref<256x128xf32, #tpu.memory_space<vmem>> -> memref<32x128xf32, #tpu.memory_space<vmem>>
    tpu.wait_dma2 semaphore(%arg14 : memref<!tpu.dma_semaphore, #tpu.memory_space<semaphore_mem>>) src(%dma_wait3A_107 : memref<32x128xf32, #tpu.memory_space<vmem>>) dst(%dma_wait3A_104 : memref<32x128xf32, #tpu.memory_space<hbm>>)
    %dma_wait3A_108 = arith.constant 0 : i32
    %dma_wait3A_109 = arith.constant 0 : i32
    %dma_wait3A_110 = tpu.memref_slice %arg11[%dma_wait3A_108, %dma_wait3A_109] : memref<256x128xf32, #tpu.memory_space<vmem>> -> memref<32x128xf32, #tpu.memory_space<vmem>>
    %dma_wait3A_111 = arith.constant 0 : i32
    %dma_wait3A_112 = arith.constant 0 : i32
    %dma_wait3A_113 = tpu.memref_slice %arg5[%dma_wait3A_111, %dma_wait3A_112] : memref<524288x128xf32, #tpu.memory_space<hbm>> -> memref<32x128xf32, #tpu.memory_space<hbm>>
    %dma_wait3A_114 = arith.constant 0 : i32
    %dma_wait3A_115 = arith.constant 0 : i32
    %dma_wait3A_116 = tpu.memref_slice %arg5[%dma_wait3A_114, %dma_wait3A_115] : memref<524288x128xf32, #tpu.memory_space<hbm>> -> memref<32x128xf32, #tpu.memory_space<hbm>>
    %dma_wait3A_117 = arith.constant 0 : i32
    %dma_wait3A_118 = arith.constant 0 : i32
    %dma_wait3A_119 = tpu.memref_slice %arg11[%dma_wait3A_117, %dma_wait3A_118] : memref<256x128xf32, #tpu.memory_space<vmem>> -> memref<32x128xf32, #tpu.memory_space<vmem>>
    tpu.wait_dma2 semaphore(%arg15 : memref<!tpu.dma_semaphore, #tpu.memory_space<semaphore_mem>>) src(%dma_wait3A_119 : memref<32x128xf32, #tpu.memory_space<vmem>>) dst(%dma_wait3A_116 : memref<32x128xf32, #tpu.memory_space<hbm>>)
    %dma_wait3A_120 = arith.constant 0 : i32
    %dma_wait3A_121 = arith.constant 0 : i32
    %dma_wait3A_122 = tpu.memref_slice %arg11[%dma_wait3A_120, %dma_wait3A_121] : memref<256x128xf32, #tpu.memory_space<vmem>> -> memref<32x128xf32, #tpu.memory_space<vmem>>
    %dma_wait3A_123 = arith.constant 0 : i32
    %dma_wait3A_124 = arith.constant 0 : i32
    %dma_wait3A_125 = tpu.memref_slice %arg5[%dma_wait3A_123, %dma_wait3A_124] : memref<524288x128xf32, #tpu.memory_space<hbm>> -> memref<32x128xf32, #tpu.memory_space<hbm>>
    %dma_wait3A_126 = arith.constant 0 : i32
    %dma_wait3A_127 = arith.constant 0 : i32
    %dma_wait3A_128 = tpu.memref_slice %arg5[%dma_wait3A_126, %dma_wait3A_127] : memref<524288x128xf32, #tpu.memory_space<hbm>> -> memref<32x128xf32, #tpu.memory_space<hbm>>
    %dma_wait3A_129 = arith.constant 0 : i32
    %dma_wait3A_130 = arith.constant 0 : i32
    %dma_wait3A_131 = tpu.memref_slice %arg11[%dma_wait3A_129, %dma_wait3A_130] : memref<256x128xf32, #tpu.memory_space<vmem>> -> memref<32x128xf32, #tpu.memory_space<vmem>>
    tpu.wait_dma2 semaphore(%arg15 : memref<!tpu.dma_semaphore, #tpu.memory_space<semaphore_mem>>) src(%dma_wait3A_131 : memref<32x128xf32, #tpu.memory_space<vmem>>) dst(%dma_wait3A_128 : memref<32x128xf32, #tpu.memory_space<hbm>>)
    %dma_wait3A_132 = arith.constant 0 : i32
    %dma_wait3A_133 = arith.constant 0 : i32
    %dma_wait3A_134 = tpu.memref_slice %arg11[%dma_wait3A_132, %dma_wait3A_133] : memref<256x128xf32, #tpu.memory_space<vmem>> -> memref<32x128xf32, #tpu.memory_space<vmem>>
    %dma_wait3A_135 = arith.constant 0 : i32
    %dma_wait3A_136 = arith.constant 0 : i32
    %dma_wait3A_137 = tpu.memref_slice %arg5[%dma_wait3A_135, %dma_wait3A_136] : memref<524288x128xf32, #tpu.memory_space<hbm>> -> memref<32x128xf32, #tpu.memory_space<hbm>>
    %dma_wait3A_138 = arith.constant 0 : i32
    %dma_wait3A_139 = arith.constant 0 : i32
    %dma_wait3A_140 = tpu.memref_slice %arg5[%dma_wait3A_138, %dma_wait3A_139] : memref<524288x128xf32, #tpu.memory_space<hbm>> -> memref<32x128xf32, #tpu.memory_space<hbm>>
    %dma_wait3A_141 = arith.constant 0 : i32
    %dma_wait3A_142 = arith.constant 0 : i32
    %dma_wait3A_143 = tpu.memref_slice %arg11[%dma_wait3A_141, %dma_wait3A_142] : memref<256x128xf32, #tpu.memory_space<vmem>> -> memref<32x128xf32, #tpu.memory_space<vmem>>
    tpu.wait_dma2 semaphore(%arg15 : memref<!tpu.dma_semaphore, #tpu.memory_space<semaphore_mem>>) src(%dma_wait3A_143 : memref<32x128xf32, #tpu.memory_space<vmem>>) dst(%dma_wait3A_140 : memref<32x128xf32, #tpu.memory_space<hbm>>)
    %dma_wait3A_144 = arith.constant 0 : i32
    %dma_wait3A_145 = arith.constant 0 : i32
    %dma_wait3A_146 = tpu.memref_slice %arg11[%dma_wait3A_144, %dma_wait3A_145] : memref<256x128xf32, #tpu.memory_space<vmem>> -> memref<32x128xf32, #tpu.memory_space<vmem>>
    %dma_wait3A_147 = arith.constant 0 : i32
    %dma_wait3A_148 = arith.constant 0 : i32
    %dma_wait3A_149 = tpu.memref_slice %arg5[%dma_wait3A_147, %dma_wait3A_148] : memref<524288x128xf32, #tpu.memory_space<hbm>> -> memref<32x128xf32, #tpu.memory_space<hbm>>
    %dma_wait3A_150 = arith.constant 0 : i32
    %dma_wait3A_151 = arith.constant 0 : i32
    %dma_wait3A_152 = tpu.memref_slice %arg5[%dma_wait3A_150, %dma_wait3A_151] : memref<524288x128xf32, #tpu.memory_space<hbm>> -> memref<32x128xf32, #tpu.memory_space<hbm>>
    %dma_wait3A_153 = arith.constant 0 : i32
    %dma_wait3A_154 = arith.constant 0 : i32
    %dma_wait3A_155 = tpu.memref_slice %arg11[%dma_wait3A_153, %dma_wait3A_154] : memref<256x128xf32, #tpu.memory_space<vmem>> -> memref<32x128xf32, #tpu.memory_space<vmem>>
    tpu.wait_dma2 semaphore(%arg15 : memref<!tpu.dma_semaphore, #tpu.memory_space<semaphore_mem>>) src(%dma_wait3A_155 : memref<32x128xf32, #tpu.memory_space<vmem>>) dst(%dma_wait3A_152 : memref<32x128xf32, #tpu.memory_space<hbm>>)
    %dma_wait3A_156 = arith.constant 0 : i32
    %dma_wait3A_157 = arith.constant 0 : i32
    %dma_wait3A_158 = tpu.memref_slice %arg11[%dma_wait3A_156, %dma_wait3A_157] : memref<256x128xf32, #tpu.memory_space<vmem>> -> memref<32x128xf32, #tpu.memory_space<vmem>>
    %dma_wait3A_159 = arith.constant 0 : i32
    %dma_wait3A_160 = arith.constant 0 : i32
    %dma_wait3A_161 = tpu.memref_slice %arg5[%dma_wait3A_159, %dma_wait3A_160] : memref<524288x128xf32, #tpu.memory_space<hbm>> -> memref<32x128xf32, #tpu.memory_space<hbm>>
    %dma_wait3A_162 = arith.constant 0 : i32
    %dma_wait3A_163 = arith.constant 0 : i32
    %dma_wait3A_164 = tpu.memref_slice %arg5[%dma_wait3A_162, %dma_wait3A_163] : memref<524288x128xf32, #tpu.memory_space<hbm>> -> memref<32x128xf32, #tpu.memory_space<hbm>>
    %dma_wait3A_165 = arith.constant 0 : i32
    %dma_wait3A_166 = arith.constant 0 : i32
    %dma_wait3A_167 = tpu.memref_slice %arg11[%dma_wait3A_165, %dma_wait3A_166] : memref<256x128xf32, #tpu.memory_space<vmem>> -> memref<32x128xf32, #tpu.memory_space<vmem>>
    tpu.wait_dma2 semaphore(%arg15 : memref<!tpu.dma_semaphore, #tpu.memory_space<semaphore_mem>>) src(%dma_wait3A_167 : memref<32x128xf32, #tpu.memory_space<vmem>>) dst(%dma_wait3A_164 : memref<32x128xf32, #tpu.memory_space<hbm>>)
    %dma_wait3A_168 = arith.constant 0 : i32
    %dma_wait3A_169 = arith.constant 0 : i32
    %dma_wait3A_170 = tpu.memref_slice %arg11[%dma_wait3A_168, %dma_wait3A_169] : memref<256x128xf32, #tpu.memory_space<vmem>> -> memref<32x128xf32, #tpu.memory_space<vmem>>
    %dma_wait3A_171 = arith.constant 0 : i32
    %dma_wait3A_172 = arith.constant 0 : i32
    %dma_wait3A_173 = tpu.memref_slice %arg5[%dma_wait3A_171, %dma_wait3A_172] : memref<524288x128xf32, #tpu.memory_space<hbm>> -> memref<32x128xf32, #tpu.memory_space<hbm>>
    %dma_wait3A_174 = arith.constant 0 : i32
    %dma_wait3A_175 = arith.constant 0 : i32
    %dma_wait3A_176 = tpu.memref_slice %arg5[%dma_wait3A_174, %dma_wait3A_175] : memref<524288x128xf32, #tpu.memory_space<hbm>> -> memref<32x128xf32, #tpu.memory_space<hbm>>
    %dma_wait3A_177 = arith.constant 0 : i32
    %dma_wait3A_178 = arith.constant 0 : i32
    %dma_wait3A_179 = tpu.memref_slice %arg11[%dma_wait3A_177, %dma_wait3A_178] : memref<256x128xf32, #tpu.memory_space<vmem>> -> memref<32x128xf32, #tpu.memory_space<vmem>>
    tpu.wait_dma2 semaphore(%arg15 : memref<!tpu.dma_semaphore, #tpu.memory_space<semaphore_mem>>) src(%dma_wait3A_179 : memref<32x128xf32, #tpu.memory_space<vmem>>) dst(%dma_wait3A_176 : memref<32x128xf32, #tpu.memory_space<hbm>>)
    %dma_wait3A_180 = arith.constant 0 : i32
    %dma_wait3A_181 = arith.constant 0 : i32
    %dma_wait3A_182 = tpu.memref_slice %arg11[%dma_wait3A_180, %dma_wait3A_181] : memref<256x128xf32, #tpu.memory_space<vmem>> -> memref<32x128xf32, #tpu.memory_space<vmem>>
    %dma_wait3A_183 = arith.constant 0 : i32
    %dma_wait3A_184 = arith.constant 0 : i32
    %dma_wait3A_185 = tpu.memref_slice %arg5[%dma_wait3A_183, %dma_wait3A_184] : memref<524288x128xf32, #tpu.memory_space<hbm>> -> memref<32x128xf32, #tpu.memory_space<hbm>>
    %dma_wait3A_186 = arith.constant 0 : i32
    %dma_wait3A_187 = arith.constant 0 : i32
    %dma_wait3A_188 = tpu.memref_slice %arg5[%dma_wait3A_186, %dma_wait3A_187] : memref<524288x128xf32, #tpu.memory_space<hbm>> -> memref<32x128xf32, #tpu.memory_space<hbm>>
    %dma_wait3A_189 = arith.constant 0 : i32
    %dma_wait3A_190 = arith.constant 0 : i32
    %dma_wait3A_191 = tpu.memref_slice %arg11[%dma_wait3A_189, %dma_wait3A_190] : memref<256x128xf32, #tpu.memory_space<vmem>> -> memref<32x128xf32, #tpu.memory_space<vmem>>
    tpu.wait_dma2 semaphore(%arg15 : memref<!tpu.dma_semaphore, #tpu.memory_space<semaphore_mem>>) src(%dma_wait3A_191 : memref<32x128xf32, #tpu.memory_space<vmem>>) dst(%dma_wait3A_188 : memref<32x128xf32, #tpu.memory_space<hbm>>)
    %dma_wait3A_192 = arith.constant 0 : i32
    %dma_wait3A_193 = arith.constant 0 : i32
    %dma_wait3A_194 = tpu.memref_slice %arg11[%dma_wait3A_192, %dma_wait3A_193] : memref<256x128xf32, #tpu.memory_space<vmem>> -> memref<32x128xf32, #tpu.memory_space<vmem>>
    %dma_wait3A_195 = arith.constant 0 : i32
    %dma_wait3A_196 = arith.constant 0 : i32
    %dma_wait3A_197 = tpu.memref_slice %arg5[%dma_wait3A_195, %dma_wait3A_196] : memref<524288x128xf32, #tpu.memory_space<hbm>> -> memref<32x128xf32, #tpu.memory_space<hbm>>
    %dma_wait3A_198 = arith.constant 0 : i32
    %dma_wait3A_199 = arith.constant 0 : i32
    %dma_wait3A_200 = tpu.memref_slice %arg5[%dma_wait3A_198, %dma_wait3A_199] : memref<524288x128xf32, #tpu.memory_space<hbm>> -> memref<32x128xf32, #tpu.memory_space<hbm>>
    %dma_wait3A_201 = arith.constant 0 : i32
    %dma_wait3A_202 = arith.constant 0 : i32
    %dma_wait3A_203 = tpu.memref_slice %arg11[%dma_wait3A_201, %dma_wait3A_202] : memref<256x128xf32, #tpu.memory_space<vmem>> -> memref<32x128xf32, #tpu.memory_space<vmem>>
    tpu.wait_dma2 semaphore(%arg15 : memref<!tpu.dma_semaphore, #tpu.memory_space<semaphore_mem>>) src(%dma_wait3A_203 : memref<32x128xf32, #tpu.memory_space<vmem>>) dst(%dma_wait3A_200 : memref<32x128xf32, #tpu.memory_space<hbm>>)
    return
  }
}

</mosaic_0001>

<sc_bundles>
// kernel: kernel.3.cloned.1.call-start
scs
__scs_entry_jumppad:
0x0: {  	(pc) =	sbr.rel $0x88, $3  }
0x1: {  	(tag) =	ssettag $0x0;
	lr =	simm.s32 $0x1  }
0x2: {  	[smem:$0x3F9E] =	sst lr;
	_ =	strace $0xD0000000  }
0x3: {  	_ = 	snop  }
0x4: {  	_ = 	snop  }
0x5: {  	_ = 	snop  }
0x6: {  	_ = 	snop  }
0x7: {  	_ = 	snop  }
__scs_overlays_trampoline_lowered:
0x8: {  	[smem:$0x3FAD] =	sst s0  }
0x9: {  	[smem:$0x3FAE] =	sst s1  }
0xa: {  	[smem:$0x3FAF] =	sst s2  }
0xb: {  	[smem:$0x3FB0] =	sst s3  }
0xc: {  	[smem:$0x3FB1] =	sst s4  }
0xd: {  	[smem:$0x3FB2] =	sst s5  }
0xe: {  	[smem:$0x3FB3] =	sst s6  }
0xf: {  	[smem:$0x3FB4] =	sst s7  }
0x10: {  	[smem:$0x3FB5] =	sst s8  }
0x11: {  	[smem:$0x3FB6] =	sst s9;
	s0 =	simm.s32 @!p0 $0x0  }
0x12: {  	s1 =	sld [smem:$0x3F9C];
	s0 =	simm.s32 @p0 $0x1  }
0x13: {  	[smem:$0x3FB7] =	sst s0;
	s0 =	simm.s32 @!p1 $0x0  }
0x14: {  	s2 =	sld [smem:$0x3F9B];
	s0 =	simm.s32 @p1 $0x1  }
0x15: {  	[smem:$0x3FB8] =	sst s0;
	s0 =	simm.s32 @!p2 $0x0  }
0x16: {  	s3 =	sld [smem:$0x3FDB];
	s0 =	simm.s32 @p2 $0x1  }
0x17: {  	s4 =	simm.s32 $0x1BF5;
	[smem:$0x3FBA] =	sst s0  }
0x18: {  	s0 =	sld [smem:$0x3F9D];
	_ =	swait.ge [sflag:s4], $0x0  }
0x19: {  	s7 =	sld [smem:$0x3F9E]  }
0x1a: {  	s8 =	sadd.s32 $0xFFFFE003, lr  }
0x1b: {  	s9 =	sadd.s32 $0xFFFFFEF7, lr;
	s5 =	simm.s32 $0xFFFFFFFF;
	p2 =	slt.u32 s8, $0xFFFFF086  }
0x1c: {  	p1 =	slt.u32 s9, $0xF7A;
	s5 =	simm.s32 @!p2 $0x0  }
0x1d: {  	s5 =	simm.s32 @p1 $0x1;
	p0 =	seq.s32 s7, s2  }
0x1e: {  	s7 =	smul.u32 @!p0 $0xF7A, s2;
	p2 =	seq.s32 @!p0 s5, $0x0  }
0x1f: {  	s9 =	smul.u32 $0xF7A, s1;
	s8 =	simm.s32 @!p0 $0x1BF5;
	p2 =	por !p2, p0  }
0x20: {  	[sflag:s8] =	ssyncset.s32 @!p0 $0xFFFFF086;
	s6 =	sadd.s32 @!p0 s3, s7;
	s7 =	simm.s32 @!p0 $0x108  }
0x21: {  	s3 =	sadd.s32 s3, s9;
	s6 =	sadd.s32 @!p0 $0x88, s6;
	s7 =	simm.s32 @p2 $0x1082  }
0x22: {  	[simem:s7], [sflag:s8] =	dma.local @!p0 [hbm:s6], $0xF7A  }
0x23: {  	s9 =	sor.u32 $0xD0000000, s2;
	s6 =	simm.s32 $0x108;
	_ =	swait.ge @!p0 [sflag:s8], $0x0  }
0x24: {  	s3 =	sadd.s32 $0x88, s3;
	s6 =	simm.s32 @!p1 $0x1082;
	[sflag:s4] =	ssyncset.s32 $0xFFFFF086  }
0x25: {  	[simem:s6], [sflag:s4] =	dma.local [hbm:s3], $0xF7A  }
0x26: {  	[smem:$0x3F9E] =	sst s1;
	(tag) =	ssettag s2;
	_ =	strace s9  }
0x27: {  	s1 =	sld [smem:$0x3FAE]  }
0x28: {  	s2 =	sld [smem:$0x3FAF]  }
0x29: {  	s4 =	sld [smem:$0x3FB1]  }
0x2a: {  	p0 =	seq.s32 s5, $0x0;
	s5 =	sld [smem:$0x3FB2]  }
0x2b: {  	s6 =	sld [smem:$0x3FB3]  }
0x2c: {  	s7 =	sld [smem:$0x3FB4]  }
0x2d: {  	s3 =	simm.s32 $0x108;
	s8 =	sld [smem:$0x3FB5]  }
0x2e: {  	s3 =	simm.s32 @!p0 $0x1082;
	s9 =	sld [smem:$0x3FB6]  }
0x2f: {  	lr =	sadd.s32 s0, s3;
	s0 =	sld [smem:$0x3FAD]  }
0x30: {  	s3 =	sld [smem:$0x3FB0]  }
0x31: {  	[smem:$0x3FB9] =	sst s10  }
0x32: {  	s10 =	sld [smem:$0x3FB7];
	_ =	sdelay $0x3  }
0x33: {  	p0 =	seq.s32 s10, $0x1;
	s10 =	sld [smem:$0x3FB9];
	_ =	sdelay $0x3  }
0x34: {  	[smem:$0x3FB9] =	sst s10  }
0x35: {  	s10 =	sld [smem:$0x3FB8];
	_ =	sdelay $0x3  }
0x36: {  	p1 =	seq.s32 s10, $0x1;
	s10 =	sld [smem:$0x3FB9];
	_ =	sdelay $0x3  }
0x37: {  	[smem:$0x3FB9] =	sst s10  }
0x38: {  	s10 =	sld [smem:$0x3FBA]  }
0x39: {  	_ = 	snop;
	(pc) =	sbr.ind lr, $3  }
0x3a: {  	_ = 	snop  }
0x3b: {  	_ = 	snop  }
0x3c: {  	p2 =	seq.s32 s10, $0x1;
	s10 =	sld [smem:$0x3FB9]  }
0x3d: {  	_ =	shalt  }
0x3e: {  	_ =	shalt  }
0x3f: {  	_ =	shalt  }
0x40: {  	_ =	shalt  }
0x41: {  	_ =	shalt  }
0x42: {  	_ =	shalt  }
0x43: {  	_ =	shalt  }
0x44: {  	_ =	shalt  }
0x45: {  	_ =	shalt  }
0x46: {  	_ =	shalt  }
0x47: {  	_ =	shalt  }
0x48: {  	_ =	shalt  }
0x49: {  	_ =	shalt  }
0x4a: {  	_ =	shalt  }
0x4b: {  	_ =	shalt  }
0x4c: {  	_ =	shalt  }
0x4d: {  	_ =	shalt  }
0x4e: {  	_ =	shalt  }
0x4f: {  	_ =	shalt  }
0x50: {  	_ =	shalt  }
0x51: {  	_ =	shalt  }
0x52: {  	_ =	shalt  }
0x53: {  	_ =	shalt  }
0x54: {  	_ =	shalt  }
0x55: {  	_ =	shalt  }
0x56: {  	_ =	shalt  }
0x57: {  	_ =	shalt  }
0x58: {  	_ =	shalt  }
0x59: {  	_ =	shalt  }
0x5a: {  	_ =	shalt  }
0x5b: {  	_ =	shalt  }
0x5c: {  	_ =	shalt  }
0x5d: {  	_ =	shalt  }
0x5e: {  	_ =	shalt  }
0x5f: {  	_ =	shalt  }
0x60: {  	_ =	shalt  }
0x61: {  	_ =	shalt  }
0x62: {  	_ =	shalt  }
0x63: {  	_ =	shalt  }
0x64: {  	_ =	shalt  }
0x65: {  	_ =	shalt  }
0x66: {  	_ =	shalt  }
0x67: {  	_ =	shalt  }
0x68: {  	_ =	shalt  }
0x69: {  	_ =	shalt  }
0x6a: {  	_ =	shalt  }
0x6b: {  	_ =	shalt  }
0x6c: {  	_ =	shalt  }
0x6d: {  	_ =	shalt  }
0x6e: {  	_ =	shalt  }
0x6f: {  	_ =	shalt  }
0x70: {  	_ =	shalt  }
0x71: {  	_ =	shalt  }
0x72: {  	_ =	shalt  }
0x73: {  	_ =	shalt  }
0x74: {  	_ =	shalt  }
0x75: {  	_ =	shalt  }
0x76: {  	_ =	shalt  }
0x77: {  	_ =	shalt  }
0x78: {  	_ =	shalt  }
0x79: {  	_ =	shalt  }
0x7a: {  	_ =	shalt  }
0x7b: {  	_ =	shalt  }
0x7c: {  	_ =	shalt  }
0x7d: {  	_ =	shalt  }
0x7e: {  	_ =	shalt  }
0x7f: {  	_ =	shalt  }
0x80: {  	_ =	shalt  }
0x81: {  	_ =	shalt  }
0x82: {  	_ =	shalt  }
0x83: {  	_ =	shalt  }
0x84: {  	_ =	shalt  }
0x85: {  	_ =	shalt  }
0x86: {  	_ =	shalt  }
0x87: {  	_ =	shalt  }
.Lfunc_end0:
.L_simem_size_0:
called_computation_lowered:
.L_overlay_start_0:
0x88: {  	s2 =	sld [smem:$0x3FD9]  }
0x89: {  	s3 =	sld [smem:$0x3FFE];
	_ =	sdelay $0x1  }
0x8a: {  	s1 =	srdreg.scid  }
0x8b: {  	s0 =	sand.u32 $0x1, s1  }
0x8c: {  	s17 =	sshll.u32 s0, $0xA;
	s2 =	sadd.s32 s3, s2  }
0x8d: {  	s2 =	sadd.s32 s2, s17  }
0x8e: {  	[smem:$0x3FC5] =	sst s2  }
0x8f: {  	_ = 	snop  }
0x90: {  	s2 =	sld [smem:$0x3FC8]  }
0x91: {  	s18 =	sld [smem:$0x3FC7]  }
0x92: {  	s4 =	sld [smem:$0x3FD0];
	(tm) =	ssettm $0x1  }
0x93: {  	s5 =	sld [smem:$0x3FFB];
	_ =	sdelay $0x3  }
0x94: {  	_ =	strace s5  }
0x95: {  	s5 =	sld [smem:$0x3FFC];
	_ =	sdelay $0x3  }
0x96: {  	_ =	strace s5  }
0x97: {  	s5 =	sld [smem:$0x3FFD];
	_ =	sdelay $0x3  }
0x98: {  	_ =	strace s5  }
0x99: {  	_ =	strace $0x8FFFFFFF  }
0x9a: {  	s19 =	sld [smem:$0x3FDB];
	_ =	sdelay $0x1  }
0x9b: {  	s6 =	simm.s32 $_scs_section_size  }
0x9c: {  	s7 =	simm.s32 $_size__tile_overlayer_lowered;
	s8 =	simm.s32 $_tile_overlayer_lowered  }
0x9d: {  	s22 =	simm.s32 $0x1BFF;
	s21 =	sshll.u32 s8, $0x1;
	s5 =	sadd.s32 s6, s19  }
0x9e: {  	s9 =	simm.s32 $0x0;
	s20 =	sshll.u32 s7, $0x1;
	s7 =	sadd.s32 s21, s5  }
0x9f: {  	[timem:s9], [sflag:s22] =	dma.local [hbm:s7], s20  }
0xa0: {  	_ =	swait.ge [sflag:s22], s20  }
0xa1: {  	s6 =	ssub.s32 $0x0, s20;
	[sflag:s22] =	ssyncset.done $0x0  }
0xa2: {  	[sflag:s22] =	ssyncadd.s32 s6;
	_ =	sdelay $0x1  }
0xa3: {  	s23 =	simm.s32 $0x1B8B  }
0xa4: {  	_ =	swait.ge [sflag:s23], $0x1  }
0xa5: {  	[sflag:s23] =	ssyncset.done $0x0  }
0xa6: {  	s25 =	simm.s32 $0x1B8E;
	s24 =	sld [smem:$0x3FFE];
	[sflag:s23] =	ssyncadd.s32 $0xFFFFFFFF  }
0xa7: {  	s26 =	simm.s32 $execute0_lowered;
	[smem:$0x3FD2] =	sst s25  }
0xa8: {  	s7 =	sshll.u32 s26, $0x1;
	_ =	strace $0x80000046;
	[dreg:$0x1] =	wrdreg $0xFFFFFFFF  }
0xa9: {  	s28 =	simm.s32 $_size_execute0_lowered;
	s5 =	sadd.s32 s5, s7;
	[dreg:$0x0] =	wrdreg $0x0  }
0xaa: {  	s7 =	sshll.u32 s28, $0x1;
	[dreg:$0x2] =	wrdreg s5  }
0xab: {  	[dreg:$0x3] =	wrdreg s7  }
0xac: {  	[dreg:$0x4] =	wrdreg $0xC0  }
0xad: {  	_ =	task [dreg:s9], $0x5FFFF  }
0xae: {  	[dreg:$0x1] =	wrdreg $0xFFFFFFFF  }
0xaf: {  	[dreg:$0x0] =	wrdreg $0x60  }
0xb0: {  	[dreg:$0x2] =	wrdreg s24  }
0xb1: {  	[dreg:$0x3] =	wrdreg s2  }
0xb2: {  	[dreg:$0x4] =	wrdreg s18  }
0xb3: {  	[dreg:$0x5] =	wrdreg s4  }
0xb4: {  	[dreg:$0x6] =	wrdreg $0x9  }
0xb5: {  	_ =	task.clear_ibuf [dreg:s9], $0x7FFFF;
	_ =	strace $0x90000046  }
0xb6: {  	s29 =	simm.s32 $0x9;
	_ =	strace $0x80000048  }
0xb7: {  	_ =	swait.ge [sflag:s29], $0x1  }
0xb8: {  	[sflag:s29] =	ssyncadd.s32 $0xFFFFFFFF  }
0xb9: {  	_ =	strace $0x90000048  }
0xba: {  	_ =	sfence  }
0xbb: {  	s30 =	sld [smem:$0x0];
	_ =	sdelay $0x2  }
0xbc: {  	s31 =	sshll.u32 s1, $0xD;
	s1 =	sshrl.u32 s1, $0x2  }
0xbd: {  	s3 =	sand.u32 $0x4000, s31;
	s1 =	sadd.s32 s1, s30  }
0xbe: {  	s0 =	sor.u32 s3, s0;
	s1 =	sshll.u32 s1, $0x11  }
0xbf: {  	s0 =	sor.u32 s1, s0  }
0xc0: {  	s0 =	sadd.s32 $0x8F2B, s0  }
0xc1: {  	[sflag:s0] =	ssyncadd.remote.s32 $0x1  }
0xc2: {  	_ =	sfence.sel $0xFFFF  }
0xc3: {  	[dreg:$0x0] =	wrdreg $0xFFFFFFFF;
	(pc) =	sbr.abs _section_cstart, $3  }
0xc4: {  	[dreg:$0x1] =	wrdreg $0xFFFFFFFF  }
0xc5: {  	_ =	task.clear_ibuf [dreg:s9], $0x2FFFF;
	_ =	strace $0x9FFFFFFF  }
0xc6: {  	(tm) =	ssettm $0x7FFFFFFF  }
0xc7: {  	_ =	shalt  }
tec
execute0_lowered:
.L_overlay_start_1:
0x0: {  	(tag) =	ssettag $0x1  }
0x1: {  	s0 =	rddreg [dreg:$0x0];
	s1 =	srdreg.scid  }
0x2: {  	s3 =	rddreg [dreg:$0x2];
	s2 =	stileid.u32  }
0x3: {  	s4 =	rddreg [dreg:$0x3];
	s6 =	simm.s32 $0x0;
	s20 =	simm.s32 $0x1  }
0x4: {  	s30 =	simm.s32 $0x2;
	s17 =	simm.s32 $0x16000;
	s18 =	simm.s32 $0x17000  }
0x5: {  	s7 =	simm.s32 $0x18000;
	s15 =	simm.s32 $0x19000;
	s1 =	sand.u32 $0x1, s1  }
0x6: {  	s16 =	simm.s32 $0x4;
	s2 =	sshll.u32 s2, $0xF;
	s5 =	sshll.u32 s1, $0xE  }
0x7: {  	[smem:$0x7FF] =	sst s6;
	s1 =	ssub.s32 $0x2, s1;
	s5 =	sor.u32 s5, s2  }
0x8: {  	_ =	strace $0x80000047;
	s29 =	sshrl.u32 s1, $0x1;
	s2 =	sshrl.u32 s5, $0x3  }
0x9: {  	s1 =	ssub.s32 s1, s29;
	s8 =	sor.u32 $0x200, s5;
	s9 =	sor.u32 $0x400, s5  }
0xa: {  	s10 =	sor.u32 $0x600, s5;
	s11 =	sor.u32 $0x800, s5;
	s12 =	sor.u32 $0xA00, s5  }
0xb: {  	s13 =	sor.u32 $0xC00, s5;
	s0 =	sadd.s32 s2, s0;
	s31 =	smax.u32 s1, $0x1  }
0xc: {  	s14 =	sor.u32 $0xE00, s5;
	s0 =	sadd.s32 $0x400, s0;
	[dreg:$0x6] =	wrdreg s31  }
0xd: {  	s1 =	simm.s32 $0x15000;
	s2 =	simm.s32 $0x0;
	[dreg:$0x5] =	wrdreg s0  }
.LBB2_1:
0xe: {  	[dreg:$0x7] =	wrdreg s2  }
0xf: {  	s0 =	rddreg [dreg:$0x5];
	s28 =	simm.s32 $0x5  }
0x10: {  	[tilespmem:s6], [sflag:$0x5] =	stream.linear.gather [hbm4b:s0+s6], $0x4000, $0x38;
	[tilespmem:$0x1A000] =	vst v63  }
0x11: {  	_ =	swait.ge [sflag:s28], $0x4000  }
0x12: {  	[sflag:s28] =	ssyncset.done $0x0  }
0x13: {  	[sflag:s28] =	ssyncadd.s32 $0xFFFFC000  }
0x14: {  	s19 =	simm.s32 $0x4000;
	s29 =	rddreg [dreg:$0x1]  }
0x15: {  	[tilespmem:s19], [sflag:$0x5] =	stream.linear.gather [hbm4b:s29+s6], $0x4000, $0x38;
	[tilespmem:$0x1A000] =	vst v63  }
0x16: {  	_ =	swait.ge [sflag:s28], $0x4000  }
0x17: {  	[sflag:s28] =	ssyncset.done $0x0  }
0x18: {  	s31 =	simm.s32 $0x8000;
	s19 =	simm.s32 $0x0;
	[sflag:s28] =	ssyncadd.s32 $0xFFFFC000  }
0x19: {  	[tilespmem:s31], [sflag:$0x1] =	stream.linear.gather [hbm4b:s3+s6], $0x1000, $0x38;
	[tilespmem:$0x1A000] =	vst v63  }
.LBB2_2:
0x1a: {  	s2 =	sshrl.u32 s19, $0x1  }
0x1b: {  	s21 =	sshll.u32 s2, $0x9  }
0x1c: {  	s0 =	simm.s32 $0x9000;
	p0 =	seq.s32 s19, $0x0;
	s21 =	sadd.s32 s3, s21  }
0x1d: {  	[tilespmem:s0], [sflag:$0x2] =	stream.linear.gather [hbm4b:s21+s6], $0x1000, $0x38;
	[tilespmem:$0x1A000] =	vst v63  }
0x1e: {  	s21 =	simm.s32 @!p0 $0x3  }
0x1f: {  	_ =	swait.ge @!p0 [sflag:s21], $0x1000  }
0x20: {  	[sflag:s21] =	ssyncset.done @!p0 $0x0  }
0x21: {  	[sflag:s21] =	ssyncadd.s32 @!p0 $0xFFFFF000  }
0x22: {  	_ =	swait.ge @!p0 [sflag:s21], $0x1000  }
0x23: {  	[sflag:s21] =	ssyncset.done @!p0 $0x0  }
0x24: {  	[sflag:s21] =	ssyncadd.s32 @!p0 $0xFFFFF000  }
0x25: {  	_ =	swait.ge @!p0 [sflag:s21], $0x1000  }
0x26: {  	[sflag:s21] =	ssyncset.done @!p0 $0x0  }
0x27: {  	[sflag:s21] =	ssyncadd.s32 @!p0 $0xFFFFF000  }
0x28: {  	_ =	swait.ge @!p0 [sflag:s21], $0x1000  }
0x29: {  	[sflag:s21] =	ssyncset.done @!p0 $0x0  }
0x2a: {  	[sflag:s21] =	ssyncadd.s32 @!p0 $0xFFFFF000  }
0x2b: {  	_ =	swait.ge @!p0 [sflag:s21], $0x1000  }
0x2c: {  	[sflag:s21] =	ssyncset.done @!p0 $0x0  }
0x2d: {  	[sflag:s21] =	ssyncadd.s32 @!p0 $0xFFFFF000  }
0x2e: {  	_ =	swait.ge @!p0 [sflag:s21], $0x1000  }
0x2f: {  	[sflag:s21] =	ssyncset.done @!p0 $0x0  }
0x30: {  	[sflag:s21] =	ssyncadd.s32 @!p0 $0xFFFFF000  }
0x31: {  	_ =	swait.ge @!p0 [sflag:s21], $0x1000  }
0x32: {  	[sflag:s21] =	ssyncset.done @!p0 $0x0  }
0x33: {  	[sflag:s21] =	ssyncadd.s32 @!p0 $0xFFFFF000  }
0x34: {  	s22 =	sshll.u32 s19, $0x4;
	s26 =	sshll.u32 s19, $0x9;
	_ =	swait.ge @!p0 [sflag:s21], $0x1000  }
0x35: {  	s24 =	sshll.u32 s19, $0x8;
	s28 =	simm.s32 $0x0;
	[sflag:s21] =	ssyncset.done @!p0 $0x0  }
0x36: {  	s29 =	simm.s32 $0x0;
	s31 =	simm.s32 $0x0;
	[sflag:s21] =	ssyncadd.s32 @!p0 $0xFFFFF000  }
0x37: {  	s25 =	sand.u32 $0x1E0, s22;
	s22 =	sshllo.u32 s19, $0x1;
	_ =	swait.ge [sflag:s20], $0x1000  }
0x38: {  	s23 =	sand.u32 $0x3800, s26;
	s26 =	sand.u32 $0x300, s24;
	[sflag:s20] =	ssyncset.done $0x0  }
0x39: {  	s26 =	sor.u32 s26, s23;
	s21 =	sshll.u32 s2, $0x5;
	[sflag:s20] =	ssyncadd.s32 $0xFFFFF000  }
.LBB2_3:
0x3a: {  	s2 =	sand.u32 $0x400, s28  }
0x3b: {  	s0 =	sand.u32 $0x70, s29;
	s2 =	sadd.s32 s2, s26  }
0x3c: {  	s0 =	sadd.s32 s0, s2  }
0x3d: {  	v0 =	vld [tilespmem:s0+$0x0];
	_ =	sdelay $0x4  }
0x3e: {  	v0 =	vshll.u32 v0, $0x9  }
0x3f: {  	v16 =	vshra.s32 v0, $0x2  }
0x40: {  	(v2sf) =	vpush v16, $0x0;
	_ =	sdelay $0x7  }
0x41: {  	s2 =	sshra.s32 s31, $0x2;
	(v2sf) =	vpush v16, $0x8  }
0x42: {  	v5 =	vld [tilespmem:s2+$0x8000]  }
0x43: {  	v3 =	vld [tilespmem:s2+$0x8010]  }
0x44: {  	v1 =	vld [tilespmem:s2+$0x8020]  }
0x45: {  	v6 =	vld [tilespmem:s2+$0x8080]  }
0x46: {  	v4 =	vld [tilespmem:s2+$0x8090]  }
0x47: {  	v2 =	vld [tilespmem:s2+$0x80A0]  }
0x48: {  	v0 =	vld [tilespmem:s2+$0x8030];
	s0 =	spop (v2sf)  }
0x49: {  	v7 =	vld [tilespmem:s0+$0x4000]  }
0x4a: {  	v8 =	vld [tilespmem:s0+$0x4010]  }
0x4b: {  	v10 =	vld [tilespmem:s0+$0x4020]  }
0x4c: {  	v12 =	vld [tilespmem:s0+$0x4030]  }
0x4d: {  	v14 =	vld [tilespmem:s0+$0x4040]  }
0x4e: {  	v17 =	vld [tilespmem:s0+$0x4050]  }
0x4f: {  	v18 =	vld [tilespmem:s0+$0x4060]  }
0x50: {  	v19 =	vld [tilespmem:s0+$0x4070];
	s0 =	spop (v2sf)  }
0x51: {  	v9 =	vld [tilespmem:s0+$0x4000]  }
0x52: {  	v11 =	vld [tilespmem:s0+$0x4010]  }
0x53: {  	v13 =	vld [tilespmem:s0+$0x4020]  }
0x54: {  	v15 =	vld [tilespmem:s0+$0x4030]  }
0x55: {  	v20 =	vld [tilespmem:s0+$0x4040]  }
0x56: {  	v21 =	vld [tilespmem:s0+$0x4050]  }
0x57: {  	v22 =	vld [tilespmem:s0+$0x4060];
	v23 =	vadd.f32 v7, v5  }
0x58: {  	v24 =	vld [tilespmem:s0+$0x4070];
	v27 =	vadd.f32 v8, v3  }
0x59: {  	(v2sf) =	vpush v16, $0x1;
	v7 =	vld [tilespmem:s2+$0x80B0];
	v28 =	vadd.f32 v10, v1;
	[tilespmem:s2+$0xA000] =	vst v23  }
0x5a: {  	v8 =	vld [tilespmem:s2+$0x8040];
	v29 =	vadd.f32 v12, v0;
	[tilespmem:s2+$0xA010] =	vst v27  }
0x5b: {  	v10 =	vld [tilespmem:s2+$0x8050];
	v9 =	vadd.f32 v9, v6;
	[tilespmem:s2+$0xA020] =	vst v28  }
0x5c: {  	v12 =	vld [tilespmem:s2+$0x8060];
	v11 =	vadd.f32 v11, v4;
	[tilespmem:s2+$0xA030] =	vst v29  }
0x5d: {  	v13 =	vadd.f32 v13, v2;
	[tilespmem:s2+$0xA080] =	vst v9;
	v9 =	vld [tilespmem:s2+$0x80C0]  }
0x5e: {  	[tilespmem:s2+$0xA090] =	vst v11;
	v11 =	vld [tilespmem:s2+$0x80D0];
	v15 =	vadd.f32 v15, v7  }
0x5f: {  	[tilespmem:s2+$0xA0A0] =	vst v13;
	v13 =	vld [tilespmem:s2+$0x80E0];
	v30 =	vadd.f32 v14, v8  }
0x60: {  	v14 =	vld [tilespmem:s2+$0x8070];
	v17 =	vadd.f32 v17, v10;
	[tilespmem:s2+$0xA0B0] =	vst v15  }
0x61: {  	(v2sf) =	vpush v16, $0x9;
	v32 =	vadd.f32 v18, v12;
	v15 =	vld [tilespmem:s2+$0x80F0];
	[tilespmem:s2+$0xA040] =	vst v30  }
0x62: {  	[tilespmem:s2+$0xA050] =	vst v17;
	v20 =	vadd.f32 v20, v9  }
0x63: {  	[tilespmem:s2+$0xA060] =	vst v32;
	v31 =	vadd.f32 v21, v11  }
0x64: {  	v33 =	vadd.f32 v22, v13;
	[tilespmem:s2+$0xA0C0] =	vst v20  }
0x65: {  	[tilespmem:s2+$0xA0D0] =	vst v31;
	v34 =	vadd.f32 v19, v14  }
0x66: {  	[tilespmem:s2+$0xA0E0] =	vst v33;
	v35 =	vadd.f32 v24, v15  }
0x67: {  	[tilespmem:s2+$0xA070] =	vst v34  }
0x68: {  	s0 =	spop (v2sf);
	[tilespmem:s2+$0xA0F0] =	vst v35  }
0x69: {  	v17 =	vld [tilespmem:s0+$0x4000]  }
0x6a: {  	v18 =	vld [tilespmem:s0+$0x4010]  }
0x6b: {  	v36 =	vld [tilespmem:s0+$0x4020]  }
0x6c: {  	v20 =	vld [tilespmem:s0+$0x4030]  }
0x6d: {  	v37 =	vld [tilespmem:s0+$0x4040]  }
0x6e: {  	v38 =	vld [tilespmem:s0+$0x4050]  }
0x6f: {  	v23 =	vld [tilespmem:s0+$0x4060]  }
0x70: {  	v39 =	vld [tilespmem:s0+$0x4070];
	s0 =	spop (v2sf)  }
0x71: {  	v25 =	vld [tilespmem:s0+$0x4000]  }
0x72: {  	v26 =	vld [tilespmem:s0+$0x4010]  }
0x73: {  	v27 =	vld [tilespmem:s0+$0x4020]  }
0x74: {  	v28 =	vld [tilespmem:s0+$0x4030]  }
0x75: {  	v29 =	vld [tilespmem:s0+$0x4040]  }
0x76: {  	v30 =	vld [tilespmem:s0+$0x4050];
	v17 =	vadd.f32 v17, v5  }
0x77: {  	v31 =	vld [tilespmem:s0+$0x4060];
	v40 =	vadd.f32 v18, v3  }
0x78: {  	(v2sf) =	vpush v16, $0x2;
	v32 =	vld [tilespmem:s0+$0x4070];
	v42 =	vadd.f32 v36, v1;
	[tilespmem:s2+$0xB000] =	vst v17  }
0x79: {  	v44 =	vadd.f32 v20, v0;
	[tilespmem:s2+$0xB010] =	vst v40  }
0x7a: {  	v46 =	vadd.f32 v37, v8;
	[tilespmem:s2+$0xB020] =	vst v42  }
0x7b: {  	v48 =	vadd.f32 v38, v10;
	[tilespmem:s2+$0xB030] =	vst v44  }
0x7c: {  	v50 =	vadd.f32 v23, v12;
	[tilespmem:s2+$0xB040] =	vst v46  }
0x7d: {  	v52 =	vadd.f32 v39, v14;
	[tilespmem:s2+$0xB050] =	vst v48  }
0x7e: {  	v25 =	vadd.f32 v25, v6;
	[tilespmem:s2+$0xB060] =	vst v50  }
0x7f: {  	v41 =	vadd.f32 v26, v4;
	[tilespmem:s2+$0xB070] =	vst v52  }
0x80: {  	(v2sf) =	vpush v16, $0xA;
	v43 =	vadd.f32 v27, v2;
	[tilespmem:s2+$0xB080] =	vst v25  }
0x81: {  	v45 =	vadd.f32 v28, v7;
	[tilespmem:s2+$0xB090] =	vst v41  }
0x82: {  	v47 =	vadd.f32 v29, v9;
	[tilespmem:s2+$0xB0A0] =	vst v43  }
0x83: {  	v49 =	vadd.f32 v30, v11;
	[tilespmem:s2+$0xB0B0] =	vst v45  }
0x84: {  	v51 =	vadd.f32 v31, v13;
	[tilespmem:s2+$0xB0C0] =	vst v47  }
0x85: {  	v53 =	vadd.f32 v32, v15;
	[tilespmem:s2+$0xB0D0] =	vst v49  }
0x86: {  	[tilespmem:s2+$0xB0E0] =	vst v51  }
0x87: {  	[tilespmem:s2+$0xB0F0] =	vst v53;
	s0 =	spop (v2sf)  }
0x88: {  	v17 =	vld [tilespmem:s0+$0x4000]  }
0x89: {  	v18 =	vld [tilespmem:s0+$0x4010]  }
0x8a: {  	v54 =	vld [tilespmem:s0+$0x4020]  }
0x8b: {  	v55 =	vld [tilespmem:s0+$0x4030]  }
0x8c: {  	v56 =	vld [tilespmem:s0+$0x4040]  }
0x8d: {  	v57 =	vld [tilespmem:s0+$0x4050]  }
0x8e: {  	v58 =	vld [tilespmem:s0+$0x4060]  }
0x8f: {  	v59 =	vld [tilespmem:s0+$0x4070];
	s0 =	spop (v2sf)  }
0x90: {  	v25 =	vld [tilespmem:s0+$0x4000]  }
0x91: {  	v60 =	vld [tilespmem:s0+$0x4010]  }
0x92: {  	v61 =	vld [tilespmem:s0+$0x4020]  }
0x93: {  	v62 =	vld [tilespmem:s0+$0x4030]  }
0x94: {  	v63 =	vld [tilespmem:s0+$0x4040]  }
0x95: {  	v17 =	vadd.f32 v17, v5;
	v36 =	vld [tilespmem:s0+$0x4050]  }
0x96: {  	v39 =	vadd.f32 v18, v3;
	v37 =	vld [tilespmem:s0+$0x4060]  }
0x97: {  	(v2sf) =	vpush v16, $0x3;
	v41 =	vadd.f32 v54, v1;
	v38 =	vld [tilespmem:s0+$0x4070];
	[tilespmem:s2+$0xC000] =	vst v17  }
0x98: {  	v43 =	vadd.f32 v55, v0;
	[tilespmem:s2+$0xC010] =	vst v39  }
0x99: {  	v45 =	vadd.f32 v56, v8;
	[tilespmem:s2+$0xC020] =	vst v41  }
0x9a: {  	v47 =	vadd.f32 v57, v10;
	[tilespmem:s2+$0xC030] =	vst v43  }
0x9b: {  	v49 =	vadd.f32 v58, v12;
	[tilespmem:s2+$0xC040] =	vst v45  }
0x9c: {  	v51 =	vadd.f32 v59, v14;
	[tilespmem:s2+$0xC050] =	vst v47  }
0x9d: {  	[tilespmem:s2+$0xC060] =	vst v49;
	v25 =	vadd.f32 v25, v6  }
0x9e: {  	[tilespmem:s2+$0xC070] =	vst v51;
	v40 =	vadd.f32 v60, v4  }
0x9f: {  	(v2sf) =	vpush v16, $0xB;
	v42 =	vadd.f32 v61, v2;
	[tilespmem:s2+$0xC080] =	vst v25  }
0xa0: {  	v44 =	vadd.f32 v62, v7;
	[tilespmem:s2+$0xC090] =	vst v40  }
0xa1: {  	v46 =	vadd.f32 v63, v9;
	[tilespmem:s2+$0xC0A0] =	vst v42  }
0xa2: {  	v48 =	vadd.f32 v36, v11;
	[tilespmem:s2+$0xC0B0] =	vst v44  }
0xa3: {  	v50 =	vadd.f32 v37, v13;
	[tilespmem:s2+$0xC0C0] =	vst v46  }
0xa4: {  	v52 =	vadd.f32 v38, v15;
	[tilespmem:s2+$0xC0D0] =	vst v48  }
0xa5: {  	[tilespmem:s2+$0xC0E0] =	vst v50  }
0xa6: {  	[tilespmem:s2+$0xC0F0] =	vst v52;
	s0 =	spop (v2sf)  }
0xa7: {  	v17 =	vld [tilespmem:s0+$0x4000]  }
0xa8: {  	v18 =	vld [tilespmem:s0+$0x4010]  }
0xa9: {  	v53 =	vld [tilespmem:s0+$0x4020]  }
0xaa: {  	v54 =	vld [tilespmem:s0+$0x4030]  }
0xab: {  	v55 =	vld [tilespmem:s0+$0x4040]  }
0xac: {  	v56 =	vld [tilespmem:s0+$0x4050]  }
0xad: {  	v57 =	vld [tilespmem:s0+$0x4060]  }
0xae: {  	v58 =	vld [tilespmem:s0+$0x4070];
	s0 =	spop (v2sf)  }
0xaf: {  	v25 =	vld [tilespmem:s0+$0x4000]  }
0xb0: {  	v59 =	vld [tilespmem:s0+$0x4010]  }
0xb1: {  	v60 =	vld [tilespmem:s0+$0x4020]  }
0xb2: {  	v61 =	vld [tilespmem:s0+$0x4030]  }
0xb3: {  	v62 =	vld [tilespmem:s0+$0x4040]  }
0xb4: {  	v17 =	vadd.f32 v17, v5;
	v63 =	vld [tilespmem:s0+$0x4050]  }
0xb5: {  	v38 =	vadd.f32 v18, v3;
	v36 =	vld [tilespmem:s0+$0x4060]  }
0xb6: {  	(v2sf) =	vpush v16, $0x4;
	v40 =	vadd.f32 v53, v1;
	v37 =	vld [tilespmem:s0+$0x4070];
	[tilespmem:s2+$0xD000] =	vst v17  }
0xb7: {  	v42 =	vadd.f32 v54, v0;
	[tilespmem:s2+$0xD010] =	vst v38  }
0xb8: {  	v44 =	vadd.f32 v55, v8;
	[tilespmem:s2+$0xD020] =	vst v40  }
0xb9: {  	v46 =	vadd.f32 v56, v10;
	[tilespmem:s2+$0xD030] =	vst v42  }
0xba: {  	v48 =	vadd.f32 v57, v12;
	[tilespmem:s2+$0xD040] =	vst v44  }
0xbb: {  	v50 =	vadd.f32 v58, v14;
	[tilespmem:s2+$0xD050] =	vst v46  }
0xbc: {  	[tilespmem:s2+$0xD060] =	vst v48;
	v25 =	vadd.f32 v25, v6  }
0xbd: {  	[tilespmem:s2+$0xD070] =	vst v50;
	v39 =	vadd.f32 v59, v4  }
0xbe: {  	(v2sf) =	vpush v16, $0xC;
	v41 =	vadd.f32 v60, v2;
	[tilespmem:s2+$0xD080] =	vst v25  }
0xbf: {  	v43 =	vadd.f32 v61, v7;
	[tilespmem:s2+$0xD090] =	vst v39  }
0xc0: {  	v45 =	vadd.f32 v62, v9;
	[tilespmem:s2+$0xD0A0] =	vst v41  }
0xc1: {  	v47 =	vadd.f32 v63, v11;
	[tilespmem:s2+$0xD0B0] =	vst v43  }
0xc2: {  	v49 =	vadd.f32 v36, v13;
	[tilespmem:s2+$0xD0C0] =	vst v45  }
0xc3: {  	v51 =	vadd.f32 v37, v15;
	[tilespmem:s2+$0xD0D0] =	vst v47  }
0xc4: {  	[tilespmem:s2+$0xD0E0] =	vst v49  }
0xc5: {  	[tilespmem:s2+$0xD0F0] =	vst v51;
	s0 =	spop (v2sf)  }
0xc6: {  	v17 =	vld [tilespmem:s0+$0x4000]  }
0xc7: {  	v18 =	vld [tilespmem:s0+$0x4010]  }
0xc8: {  	v52 =	vld [tilespmem:s0+$0x4020]  }
0xc9: {  	v53 =	vld [tilespmem:s0+$0x4030]  }
0xca: {  	v54 =	vld [tilespmem:s0+$0x4040]  }
0xcb: {  	v55 =	vld [tilespmem:s0+$0x4050]  }
0xcc: {  	v56 =	vld [tilespmem:s0+$0x4060]  }
0xcd: {  	v57 =	vld [tilespmem:s0+$0x4070];
	s0 =	spop (v2sf)  }
0xce: {  	v25 =	vld [tilespmem:s0+$0x4000]  }
0xcf: {  	v58 =	vld [tilespmem:s0+$0x4010]  }
0xd0: {  	v59 =	vld [tilespmem:s0+$0x4020]  }
0xd1: {  	v60 =	vld [tilespmem:s0+$0x4030]  }
0xd2: {  	v61 =	vld [tilespmem:s0+$0x4040]  }
0xd3: {  	v17 =	vadd.f32 v17, v5;
	v62 =	vld [tilespmem:s0+$0x4050]  }
0xd4: {  	v37 =	vadd.f32 v18, v3;
	v63 =	vld [tilespmem:s0+$0x4060]  }
0xd5: {  	(v2sf) =	vpush v16, $0x5;
	v39 =	vadd.f32 v52, v1;
	v36 =	vld [tilespmem:s0+$0x4070];
	[tilespmem:s2+$0xE000] =	vst v17  }
0xd6: {  	v41 =	vadd.f32 v53, v0;
	[tilespmem:s2+$0xE010] =	vst v37  }
0xd7: {  	v43 =	vadd.f32 v54, v8;
	[tilespmem:s2+$0xE020] =	vst v39  }
0xd8: {  	v45 =	vadd.f32 v55, v10;
	[tilespmem:s2+$0xE030] =	vst v41  }
0xd9: {  	v47 =	vadd.f32 v56, v12;
	[tilespmem:s2+$0xE040] =	vst v43  }
0xda: {  	v49 =	vadd.f32 v57, v14;
	[tilespmem:s2+$0xE050] =	vst v45  }
0xdb: {  	[tilespmem:s2+$0xE060] =	vst v47;
	v25 =	vadd.f32 v25, v6  }
0xdc: {  	[tilespmem:s2+$0xE070] =	vst v49;
	v38 =	vadd.f32 v58, v4  }
0xdd: {  	(v2sf) =	vpush v16, $0xD;
	v40 =	vadd.f32 v59, v2;
	[tilespmem:s2+$0xE080] =	vst v25  }
0xde: {  	v42 =	vadd.f32 v60, v7;
	[tilespmem:s2+$0xE090] =	vst v38  }
0xdf: {  	v44 =	vadd.f32 v61, v9;
	[tilespmem:s2+$0xE0A0] =	vst v40  }
0xe0: {  	v46 =	vadd.f32 v62, v11;
	[tilespmem:s2+$0xE0B0] =	vst v42  }
0xe1: {  	v48 =	vadd.f32 v63, v13;
	[tilespmem:s2+$0xE0C0] =	vst v44  }
0xe2: {  	v50 =	vadd.f32 v36, v15;
	[tilespmem:s2+$0xE0D0] =	vst v46  }
0xe3: {  	[tilespmem:s2+$0xE0E0] =	vst v48  }
0xe4: {  	[tilespmem:s2+$0xE0F0] =	vst v50;
	s0 =	spop (v2sf)  }
0xe5: {  	v17 =	vld [tilespmem:s0+$0x4000]  }
0xe6: {  	v18 =	vld [tilespmem:s0+$0x4010]  }
0xe7: {  	v51 =	vld [tilespmem:s0+$0x4020]  }
0xe8: {  	v52 =	vld [tilespmem:s0+$0x4030]  }
0xe9: {  	v53 =	vld [tilespmem:s0+$0x4040]  }
0xea: {  	v54 =	vld [tilespmem:s0+$0x4050]  }
0xeb: {  	v55 =	vld [tilespmem:s0+$0x4060]  }
0xec: {  	v56 =	vld [tilespmem:s0+$0x4070];
	s0 =	spop (v2sf)  }
0xed: {  	v25 =	vld [tilespmem:s0+$0x4000]  }
0xee: {  	v57 =	vld [tilespmem:s0+$0x4010]  }
0xef: {  	v58 =	vld [tilespmem:s0+$0x4020]  }
0xf0: {  	v59 =	vld [tilespmem:s0+$0x4030]  }
0xf1: {  	v60 =	vld [tilespmem:s0+$0x4040]  }
0xf2: {  	v17 =	vadd.f32 v17, v5;
	v61 =	vld [tilespmem:s0+$0x4050]  }
0xf3: {  	v36 =	vadd.f32 v18, v3;
	v62 =	vld [tilespmem:s0+$0x4060]  }
0xf4: {  	(v2sf) =	vpush v16, $0x6;
	v38 =	vadd.f32 v51, v1;
	v63 =	vld [tilespmem:s0+$0x4070];
	[tilespmem:s2+$0xF000] =	vst v17  }
0xf5: {  	v40 =	vadd.f32 v52, v0;
	[tilespmem:s2+$0xF010] =	vst v36  }
0xf6: {  	v42 =	vadd.f32 v53, v8;
	[tilespmem:s2+$0xF020] =	vst v38  }
0xf7: {  	v44 =	vadd.f32 v54, v10;
	[tilespmem:s2+$0xF030] =	vst v40  }
0xf8: {  	v46 =	vadd.f32 v55, v12;
	[tilespmem:s2+$0xF040] =	vst v42  }
0xf9: {  	v48 =	vadd.f32 v56, v14;
	[tilespmem:s2+$0xF050] =	vst v44  }
0xfa: {  	[tilespmem:s2+$0xF060] =	vst v46;
	v25 =	vadd.f32 v25, v6  }
0xfb: {  	[tilespmem:s2+$0xF070] =	vst v48;
	v37 =	vadd.f32 v57, v4  }
0xfc: {  	(v2sf) =	vpush v16, $0xE;
	v39 =	vadd.f32 v58, v2;
	[tilespmem:s2+$0xF080] =	vst v25  }
0xfd: {  	v41 =	vadd.f32 v59, v7;
	[tilespmem:s2+$0xF090] =	vst v37  }
0xfe: {  	v43 =	vadd.f32 v60, v9;
	[tilespmem:s2+$0xF0A0] =	vst v39  }
0xff: {  	v45 =	vadd.f32 v61, v11;
	[tilespmem:s2+$0xF0B0] =	vst v41  }
0x100: {  	v47 =	vadd.f32 v62, v13;
	[tilespmem:s2+$0xF0C0] =	vst v43  }
0x101: {  	v49 =	vadd.f32 v63, v15;
	[tilespmem:s2+$0xF0D0] =	vst v45  }
0x102: {  	[tilespmem:s2+$0xF0E0] =	vst v47  }
0x103: {  	[tilespmem:s2+$0xF0F0] =	vst v49;
	s0 =	spop (v2sf)  }
0x104: {  	v17 =	vld [tilespmem:s0+$0x4000]  }
0x105: {  	v18 =	vld [tilespmem:s0+$0x4010]  }
0x106: {  	v50 =	vld [tilespmem:s0+$0x4020]  }
0x107: {  	v51 =	vld [tilespmem:s0+$0x4030]  }
0x108: {  	v52 =	vld [tilespmem:s0+$0x4040]  }
0x109: {  	v53 =	vld [tilespmem:s0+$0x4050]  }
0x10a: {  	v54 =	vld [tilespmem:s0+$0x4060]  }
0x10b: {  	v55 =	vld [tilespmem:s0+$0x4070];
	s0 =	spop (v2sf)  }
0x10c: {  	v25 =	vld [tilespmem:s0+$0x4000]  }
0x10d: {  	v56 =	vld [tilespmem:s0+$0x4010]  }
0x10e: {  	v57 =	vld [tilespmem:s0+$0x4020]  }
0x10f: {  	v58 =	vld [tilespmem:s0+$0x4030]  }
0x110: {  	v59 =	vld [tilespmem:s0+$0x4040]  }
0x111: {  	v17 =	vadd.f32 v17, v5;
	v60 =	vld [tilespmem:s0+$0x4050]  }
0x112: {  	v63 =	vadd.f32 v18, v3;
	v61 =	vld [tilespmem:s0+$0x4060]  }
0x113: {  	(v2sf) =	vpush v16, $0x7;
	v26 =	vadd.f32 v50, v1;
	v62 =	vld [tilespmem:s0+$0x4070];
	[tilespmem:s2+$0x10000] =	vst v17  }
0x114: {  	v33 =	vadd.f32 v51, v0;
	[tilespmem:s2+$0x10010] =	vst v63  }
0x115: {  	v35 =	vadd.f32 v52, v8;
	[tilespmem:s2+$0x10020] =	vst v26  }
0x116: {  	v37 =	vadd.f32 v53, v10;
	[tilespmem:s2+$0x10030] =	vst v33  }
0x117: {  	v39 =	vadd.f32 v54, v12;
	[tilespmem:s2+$0x10040] =	vst v35  }
0x118: {  	v41 =	vadd.f32 v55, v14;
	[tilespmem:s2+$0x10050] =	vst v37  }
0x119: {  	[tilespmem:s2+$0x10060] =	vst v39;
	v25 =	vadd.f32 v25, v6  }
0x11a: {  	[tilespmem:s2+$0x10070] =	vst v41;
	v27 =	vadd.f32 v57, v2  }
0x11b: {  	(v2sf) =	vpush v16, $0xF;
	v34 =	vadd.f32 v58, v7;
	[tilespmem:s2+$0x10080] =	vst v25  }
0x11c: {  	v36 =	vadd.f32 v59, v9;
	[tilespmem:s2+$0x100A0] =	vst v27  }
0x11d: {  	v38 =	vadd.f32 v60, v11;
	[tilespmem:s2+$0x100B0] =	vst v34  }
0x11e: {  	v40 =	vadd.f32 v61, v13;
	[tilespmem:s2+$0x100C0] =	vst v36  }
0x11f: {  	v42 =	vadd.f32 v62, v15;
	[tilespmem:s2+$0x100D0] =	vst v38  }
0x120: {  	v25 =	vadd.f32 v56, v4;
	[tilespmem:s2+$0x100E0] =	vst v40  }
0x121: {  	[tilespmem:s2+$0x100F0] =	vst v42  }
0x122: {  	s0 =	spop (v2sf);
	[tilespmem:s2+$0x10090] =	vst v25  }
0x123: {  	v16 =	vld [tilespmem:s0+$0x4000]  }
0x124: {  	v17 =	vld [tilespmem:s0+$0x4010]  }
0x125: {  	v18 =	vld [tilespmem:s0+$0x4020]  }
0x126: {  	v43 =	vld [tilespmem:s0+$0x4030]  }
0x127: {  	v44 =	vld [tilespmem:s0+$0x4040]  }
0x128: {  	v45 =	vld [tilespmem:s0+$0x4050]  }
0x129: {  	v46 =	vld [tilespmem:s0+$0x4060]  }
0x12a: {  	v47 =	vld [tilespmem:s0+$0x4070];
	s0 =	spop (v2sf)  }
0x12b: {  	v48 =	vld [tilespmem:s0+$0x4000]  }
0x12c: {  	v25 =	vld [tilespmem:s0+$0x4010]  }
0x12d: {  	v49 =	vld [tilespmem:s0+$0x4020]  }
0x12e: {  	v50 =	vld [tilespmem:s0+$0x4030]  }
0x12f: {  	v51 =	vld [tilespmem:s0+$0x4040]  }
0x130: {  	v52 =	vld [tilespmem:s0+$0x4050];
	v5 =	vadd.f32 v16, v5  }
0x131: {  	v53 =	vld [tilespmem:s0+$0x4060];
	v3 =	vadd.f32 v17, v3  }
0x132: {  	v54 =	vld [tilespmem:s0+$0x4070];
	v1 =	vadd.f32 v18, v1;
	[tilespmem:s2+$0x11000] =	vst v5  }
0x133: {  	v0 =	vadd.f32 v43, v0;
	[tilespmem:s2+$0x11010] =	vst v3  }
0x134: {  	v56 =	vadd.f32 v44, v8;
	[tilespmem:s2+$0x11020] =	vst v1  }
0x135: {  	v58 =	vadd.f32 v45, v10;
	[tilespmem:s2+$0x11030] =	vst v0  }
0x136: {  	v60 =	vadd.f32 v46, v12;
	[tilespmem:s2+$0x11040] =	vst v56  }
0x137: {  	v62 =	vadd.f32 v47, v14;
	[tilespmem:s2+$0x11050] =	vst v58  }
0x138: {  	[tilespmem:s2+$0x11060] =	vst v60;
	v6 =	vadd.f32 v48, v6  }
0x139: {  	[tilespmem:s2+$0x11070] =	vst v62;
	v4 =	vadd.f32 v25, v4  }
0x13a: {  	v2 =	vadd.f32 v49, v2;
	[tilespmem:s2+$0x11080] =	vst v6  }
0x13b: {  	v55 =	vadd.f32 v50, v7;
	[tilespmem:s2+$0x11090] =	vst v4  }
0x13c: {  	p0 =	sne.s32 s31, $0x3C00;
	v57 =	vadd.f32 v51, v9;
	[tilespmem:s2+$0x110A0] =	vst v2  }
.Ltmp0:
0x13d: {  	v59 =	vadd.f32 v52, v11;
	[tilespmem:s2+$0x110B0] =	vst v55;
	(pc) =	sbr.rel @p0 .LBB2_3-.Ltmp0, $4  }
0x13e: {  	v61 =	vadd.f32 v53, v13;
	[tilespmem:s2+$0x110C0] =	vst v57  }
0x13f: {  	v63 =	vadd.f32 v54, v15;
	[tilespmem:s2+$0x110D0] =	vst v59  }
0x140: {  	[tilespmem:s2+$0x110E0] =	vst v61  }
0x141: {  	s29 =	sadd.s32 $0x10, s29;
	s28 =	sadd.s32 $0x80, s28;
	s31 =	sadd.s32 $0x400, s31;
	[tilespmem:s2+$0x110F0] =	vst v63  }
0x142: {  	s0 =	sshll.u32 s19, $0xD  }
0x143: {  	s0 =	sand.u32 $0x2000, s0  }
0x144: {  	s0 =	sor.u32 s25, s0  }
0x145: {  	s0 =	sor.u32 s5, s0  }
0x146: {  	s0 =	sshll.u32 s0, $0x4  }
0x147: {  	s2 =	simm.s32 $0xA000;
	s0 =	sadd.s32 s4, s0  }
0x148: {  	[hbm4b:s0+s6] =	stream.linear.scatter [tilespmem:s2], [sflag:$0x3], $0x1000, $0x38;
	[tilespmem:$0x1A000] =	vst v63  }
0x149: {  	s31 =	simm.s32 $0xB000;
	s29 =	sadd.s32 $0x2000, s0  }
0x14a: {  	[hbm4b:s29+s6] =	stream.linear.scatter [tilespmem:s31], [sflag:$0x3], $0x1000, $0x38;
	[tilespmem:$0x1A000] =	vst v63  }
0x14b: {  	s28 =	simm.s32 $0xC000;
	s26 =	sadd.s32 $0x4000, s0  }
0x14c: {  	[hbm4b:s26+s6] =	stream.linear.scatter [tilespmem:s28], [sflag:$0x3], $0x1000, $0x38;
	[tilespmem:$0x1A000] =	vst v63  }
0x14d: {  	s29 =	sadd.s32 $0x6000, s0;
	s31 =	simm.s32 $0xD000  }
0x14e: {  	[hbm4b:s29+s6] =	stream.linear.scatter [tilespmem:s31], [sflag:$0x3], $0x1000, $0x38;
	[tilespmem:$0x1A000] =	vst v63  }
0x14f: {  	s26 =	sadd.s32 $0x8000, s0;
	s28 =	simm.s32 $0xE000  }
0x150: {  	[hbm4b:s26+s6] =	stream.linear.scatter [tilespmem:s28], [sflag:$0x3], $0x1000, $0x38;
	[tilespmem:$0x1A000] =	vst v63  }
0x151: {  	s29 =	sadd.s32 $0xA000, s0;
	s31 =	simm.s32 $0xF000  }
0x152: {  	[hbm4b:s29+s6] =	stream.linear.scatter [tilespmem:s31], [sflag:$0x3], $0x1000, $0x38;
	[tilespmem:$0x1A000] =	vst v63  }
0x153: {  	s26 =	sadd.s32 $0xC000, s0;
	s28 =	simm.s32 $0x10000  }
0x154: {  	[hbm4b:s26+s6] =	stream.linear.scatter [tilespmem:s28], [sflag:$0x3], $0x1000, $0x38;
	[tilespmem:$0x1A000] =	vst v63  }
0x155: {  	p0 =	seq.s32 s19, $0x1F;
	s0 =	sadd.s32 $0xE000, s0;
	s29 =	simm.s32 $0x11000  }
0x156: {  	[hbm4b:s0+s6] =	stream.linear.scatter [tilespmem:s29], [sflag:$0x3], $0x1000, $0x38;
	[tilespmem:$0x1A000] =	vst v63  }
0x157: {  	s0 =	sadd.s32 @!p0 $0x100, s24  }
0x158: {  	p1 =	seq.s32 @!p0 s19, $0x0;
	s0 =	sand.u32 @!p0 $0x3E00, s0  }
0x159: {  	s2 =	simm.s32 @!p0 $0x0;
	s24 =	simm.s32 @!p0 $0x8000;
	s0 =	sadd.s32 @!p0 s3, s0  }
0x15a: {  	[tilespmem:s24], [sflag:$0x1] =	stream.linear.gather @!p0 [hbm4b:s0+s2], $0x1000, $0x38;
	[tilespmem:$0x1A000] =	vst v63  }
0x15b: {  	p0 =	por p0, !p1  }
0x15c: {  	_ =	swait.ge @p0 [sflag:s16], $0x1000  }
0x15d: {  	[sflag:s16] =	ssyncset.done @p0 $0x0  }
0x15e: {  	[sflag:s16] =	ssyncadd.s32 @p0 $0xFFFFF000  }
0x15f: {  	_ =	swait.ge @p0 [sflag:s16], $0x1000  }
0x160: {  	[sflag:s16] =	ssyncset.done @p0 $0x0  }
0x161: {  	[sflag:s16] =	ssyncadd.s32 @p0 $0xFFFFF000  }
0x162: {  	_ =	swait.ge @p0 [sflag:s16], $0x1000  }
0x163: {  	[sflag:s16] =	ssyncset.done @p0 $0x0  }
0x164: {  	[sflag:s16] =	ssyncadd.s32 @p0 $0xFFFFF000  }
0x165: {  	_ =	swait.ge @p0 [sflag:s16], $0x1000  }
0x166: {  	[sflag:s16] =	ssyncset.done @p0 $0x0  }
0x167: {  	[sflag:s16] =	ssyncadd.s32 @p0 $0xFFFFF000  }
0x168: {  	_ =	swait.ge @p0 [sflag:s16], $0x1000  }
0x169: {  	[sflag:s16] =	ssyncset.done @p0 $0x0  }
0x16a: {  	[sflag:s16] =	ssyncadd.s32 @p0 $0xFFFFF000  }
0x16b: {  	_ =	swait.ge @p0 [sflag:s16], $0x1000  }
0x16c: {  	[sflag:s16] =	ssyncset.done @p0 $0x0  }
0x16d: {  	[sflag:s16] =	ssyncadd.s32 @p0 $0xFFFFF000  }
0x16e: {  	_ =	swait.ge @p0 [sflag:s16], $0x1000  }
0x16f: {  	[sflag:s16] =	ssyncset.done @p0 $0x0  }
0x170: {  	[sflag:s16] =	ssyncadd.s32 @p0 $0xFFFFF000  }
0x171: {  	_ =	swait.ge @p0 [sflag:s16], $0x1000  }
0x172: {  	[sflag:s16] =	ssyncset.done @p0 $0x0  }
0x173: {  	[sflag:s16] =	ssyncadd.s32 @p0 $0xFFFFF000  }
0x174: {  	s25 =	simm.s32 $0x0;
	s31 =	sshll.u32 s22, $0x7;
	_ =	swait.ge [sflag:s30], $0x1000  }
0x175: {  	s26 =	simm.s32 $0x0;
	s0 =	sand.u32 $0x380, s31;
	[sflag:s30] =	ssyncset.done $0x0  }
0x176: {  	s24 =	simm.s32 $0x0;
	s23 =	sadd.s32 s0, s23;
	[sflag:s30] =	ssyncadd.s32 $0xFFFFF000  }
.LBB2_5:
0x177: {  	s0 =	sand.u32 $0x400, s24  }
0x178: {  	s2 =	sand.u32 $0x70, s25;
	s0 =	sadd.s32 s0, s23  }
0x179: {  	s0 =	sadd.s32 s2, s0  }
0x17a: {  	v0 =	vld [tilespmem:s0+$0x0];
	_ =	sdelay $0x4  }
0x17b: {  	v0 =	vshll.u32 v0, $0x9  }
0x17c: {  	v16 =	vshra.s32 v0, $0x2  }
0x17d: {  	(v2sf) =	vpush v16, $0x0;
	_ =	sdelay $0x7  }
0x17e: {  	s2 =	sshra.s32 s26, $0x2;
	(v2sf) =	vpush v16, $0x8  }
0x17f: {  	v5 =	vld [tilespmem:s2+$0x9000]  }
0x180: {  	v3 =	vld [tilespmem:s2+$0x9010]  }
0x181: {  	v1 =	vld [tilespmem:s2+$0x9020]  }
0x182: {  	v6 =	vld [tilespmem:s2+$0x9080]  }
0x183: {  	v4 =	vld [tilespmem:s2+$0x9090]  }
0x184: {  	v2 =	vld [tilespmem:s2+$0x90A0]  }
0x185: {  	v0 =	vld [tilespmem:s2+$0x9030];
	s31 =	spop (v2sf)  }
0x186: {  	v7 =	vld [tilespmem:s31+$0x4000]  }
0x187: {  	v8 =	vld [tilespmem:s31+$0x4010]  }
0x188: {  	v10 =	vld [tilespmem:s31+$0x4020]  }
0x189: {  	v12 =	vld [tilespmem:s31+$0x4030]  }
0x18a: {  	v14 =	vld [tilespmem:s31+$0x4040]  }
0x18b: {  	v17 =	vld [tilespmem:s31+$0x4050]  }
0x18c: {  	v18 =	vld [tilespmem:s31+$0x4060]  }
0x18d: {  	v19 =	vld [tilespmem:s31+$0x4070];
	s28 =	spop (v2sf)  }
0x18e: {  	v9 =	vld [tilespmem:s28+$0x4000]  }
0x18f: {  	v11 =	vld [tilespmem:s28+$0x4010]  }
0x190: {  	v13 =	vld [tilespmem:s28+$0x4020]  }
0x191: {  	v15 =	vld [tilespmem:s28+$0x4030]  }
0x192: {  	v20 =	vld [tilespmem:s28+$0x4040]  }
0x193: {  	v21 =	vld [tilespmem:s28+$0x4050]  }
0x194: {  	v22 =	vld [tilespmem:s28+$0x4060];
	v23 =	vadd.f32 v7, v5  }
0x195: {  	v24 =	vld [tilespmem:s28+$0x4070];
	v27 =	vadd.f32 v8, v3  }
0x196: {  	(v2sf) =	vpush v16, $0x1;
	v7 =	vld [tilespmem:s2+$0x90B0];
	v28 =	vadd.f32 v10, v1;
	[tilespmem:s2+$0x12000] =	vst v23  }
0x197: {  	v8 =	vld [tilespmem:s2+$0x9040];
	v29 =	vadd.f32 v12, v0;
	[tilespmem:s2+$0x12010] =	vst v27  }
0x198: {  	v10 =	vld [tilespmem:s2+$0x9050];
	v9 =	vadd.f32 v9, v6;
	[tilespmem:s2+$0x12020] =	vst v28  }
0x199: {  	v12 =	vld [tilespmem:s2+$0x9060];
	v11 =	vadd.f32 v11, v4;
	[tilespmem:s2+$0x12030] =	vst v29  }
0x19a: {  	v13 =	vadd.f32 v13, v2;
	[tilespmem:s2+$0x12080] =	vst v9;
	v9 =	vld [tilespmem:s2+$0x90C0]  }
0x19b: {  	[tilespmem:s2+$0x12090] =	vst v11;
	v11 =	vld [tilespmem:s2+$0x90D0];
	v15 =	vadd.f32 v15, v7  }
0x19c: {  	[tilespmem:s2+$0x120A0] =	vst v13;
	v13 =	vld [tilespmem:s2+$0x90E0];
	v30 =	vadd.f32 v14, v8  }
0x19d: {  	v14 =	vld [tilespmem:s2+$0x9070];
	v17 =	vadd.f32 v17, v10;
	[tilespmem:s2+$0x120B0] =	vst v15  }
0x19e: {  	(v2sf) =	vpush v16, $0x9;
	v32 =	vadd.f32 v18, v12;
	v15 =	vld [tilespmem:s2+$0x90F0];
	[tilespmem:s2+$0x12040] =	vst v30  }
0x19f: {  	[tilespmem:s2+$0x12050] =	vst v17;
	v20 =	vadd.f32 v20, v9  }
0x1a0: {  	[tilespmem:s2+$0x12060] =	vst v32;
	v31 =	vadd.f32 v21, v11  }
0x1a1: {  	v33 =	vadd.f32 v22, v13;
	[tilespmem:s2+$0x120C0] =	vst v20  }
0x1a2: {  	[tilespmem:s2+$0x120D0] =	vst v31;
	v34 =	vadd.f32 v19, v14  }
0x1a3: {  	[tilespmem:s2+$0x120E0] =	vst v33;
	v35 =	vadd.f32 v24, v15  }
0x1a4: {  	[tilespmem:s2+$0x12070] =	vst v34  }
0x1a5: {  	s29 =	spop (v2sf);
	[tilespmem:s2+$0x120F0] =	vst v35  }
0x1a6: {  	v17 =	vld [tilespmem:s29+$0x4000]  }
0x1a7: {  	v18 =	vld [tilespmem:s29+$0x4010]  }
0x1a8: {  	v36 =	vld [tilespmem:s29+$0x4020]  }
0x1a9: {  	v20 =	vld [tilespmem:s29+$0x4030]  }
0x1aa: {  	v37 =	vld [tilespmem:s29+$0x4040]  }
0x1ab: {  	v38 =	vld [tilespmem:s29+$0x4050]  }
0x1ac: {  	v23 =	vld [tilespmem:s29+$0x4060]  }
0x1ad: {  	s31 =	spop (v2sf);
	v39 =	vld [tilespmem:s29+$0x4070]  }
0x1ae: {  	v25 =	vld [tilespmem:s31+$0x4000]  }
0x1af: {  	v26 =	vld [tilespmem:s31+$0x4010]  }
0x1b0: {  	v27 =	vld [tilespmem:s31+$0x4020]  }
0x1b1: {  	v28 =	vld [tilespmem:s31+$0x4030]  }
0x1b2: {  	v29 =	vld [tilespmem:s31+$0x4040]  }
0x1b3: {  	v30 =	vld [tilespmem:s31+$0x4050];
	v17 =	vadd.f32 v17, v5  }
0x1b4: {  	v31 =	vld [tilespmem:s31+$0x4060];
	v25 =	vadd.f32 v25, v6  }
0x1b5: {  	(v2sf) =	vpush v16, $0x2;
	v32 =	vld [tilespmem:s31+$0x4070];
	v40 =	vadd.f32 v18, v3;
	[tilespmem:s2+$0x13000] =	vst v17  }
0x1b6: {  	v41 =	vadd.f32 v26, v4;
	[tilespmem:s2+$0x13080] =	vst v25  }
0x1b7: {  	v42 =	vadd.f32 v36, v1;
	[tilespmem:s2+$0x13010] =	vst v40  }
0x1b8: {  	v43 =	vadd.f32 v27, v2;
	[tilespmem:s2+$0x13090] =	vst v41  }
0x1b9: {  	v44 =	vadd.f32 v20, v0;
	[tilespmem:s2+$0x13020] =	vst v42  }
0x1ba: {  	v45 =	vadd.f32 v28, v7;
	[tilespmem:s2+$0x130A0] =	vst v43  }
0x1bb: {  	v46 =	vadd.f32 v37, v8;
	[tilespmem:s2+$0x13030] =	vst v44  }
0x1bc: {  	v47 =	vadd.f32 v29, v9;
	[tilespmem:s2+$0x130B0] =	vst v45  }
0x1bd: {  	(v2sf) =	vpush v16, $0xA;
	v48 =	vadd.f32 v38, v10;
	[tilespmem:s2+$0x13040] =	vst v46  }
0x1be: {  	v49 =	vadd.f32 v30, v11;
	[tilespmem:s2+$0x130C0] =	vst v47  }
0x1bf: {  	v50 =	vadd.f32 v23, v12;
	[tilespmem:s2+$0x13050] =	vst v48  }
0x1c0: {  	v51 =	vadd.f32 v31, v13;
	[tilespmem:s2+$0x130D0] =	vst v49  }
0x1c1: {  	v52 =	vadd.f32 v39, v14;
	[tilespmem:s2+$0x13060] =	vst v50  }
0x1c2: {  	v53 =	vadd.f32 v32, v15;
	[tilespmem:s2+$0x130E0] =	vst v51  }
0x1c3: {  	[tilespmem:s2+$0x13070] =	vst v52  }
0x1c4: {  	[tilespmem:s2+$0x130F0] =	vst v53;
	s28 =	spop (v2sf)  }
0x1c5: {  	v17 =	vld [tilespmem:s28+$0x4000]  }
0x1c6: {  	v18 =	vld [tilespmem:s28+$0x4010]  }
0x1c7: {  	v54 =	vld [tilespmem:s28+$0x4020]  }
0x1c8: {  	v55 =	vld [tilespmem:s28+$0x4030]  }
0x1c9: {  	v56 =	vld [tilespmem:s28+$0x4040]  }
0x1ca: {  	v57 =	vld [tilespmem:s28+$0x4050]  }
0x1cb: {  	v58 =	vld [tilespmem:s28+$0x4060]  }
0x1cc: {  	v59 =	vld [tilespmem:s28+$0x4070];
	s29 =	spop (v2sf)  }
0x1cd: {  	v25 =	vld [tilespmem:s29+$0x4000]  }
0x1ce: {  	v60 =	vld [tilespmem:s29+$0x4010]  }
0x1cf: {  	v61 =	vld [tilespmem:s29+$0x4020]  }
0x1d0: {  	v62 =	vld [tilespmem:s29+$0x4030]  }
0x1d1: {  	v63 =	vld [tilespmem:s29+$0x4040]  }
0x1d2: {  	v36 =	vld [tilespmem:s29+$0x4050];
	v17 =	vadd.f32 v17, v5  }
0x1d3: {  	v37 =	vld [tilespmem:s29+$0x4060];
	v39 =	vadd.f32 v18, v3  }
0x1d4: {  	(v2sf) =	vpush v16, $0x3;
	v38 =	vld [tilespmem:s29+$0x4070];
	v41 =	vadd.f32 v54, v1;
	[tilespmem:s2+$0x14000] =	vst v17  }
0x1d5: {  	v43 =	vadd.f32 v55, v0;
	[tilespmem:s2+$0x14010] =	vst v39  }
0x1d6: {  	v45 =	vadd.f32 v56, v8;
	[tilespmem:s2+$0x14020] =	vst v41  }
0x1d7: {  	v47 =	vadd.f32 v57, v10;
	[tilespmem:s2+$0x14030] =	vst v43  }
0x1d8: {  	v49 =	vadd.f32 v58, v12;
	[tilespmem:s2+$0x14040] =	vst v45  }
0x1d9: {  	v51 =	vadd.f32 v59, v14;
	[tilespmem:s2+$0x14050] =	vst v47  }
0x1da: {  	v25 =	vadd.f32 v25, v6;
	[tilespmem:s2+$0x14060] =	vst v49  }
0x1db: {  	v40 =	vadd.f32 v60, v4;
	[tilespmem:s2+$0x14070] =	vst v51  }
0x1dc: {  	(v2sf) =	vpush v16, $0xB;
	v42 =	vadd.f32 v61, v2;
	[tilespmem:s2+$0x14080] =	vst v25  }
0x1dd: {  	v44 =	vadd.f32 v62, v7;
	[tilespmem:s2+$0x14090] =	vst v40  }
0x1de: {  	v46 =	vadd.f32 v63, v9;
	[tilespmem:s2+$0x140A0] =	vst v42  }
0x1df: {  	v48 =	vadd.f32 v36, v11;
	[tilespmem:s2+$0x140B0] =	vst v44  }
0x1e0: {  	v50 =	vadd.f32 v37, v13;
	[tilespmem:s2+$0x140C0] =	vst v46  }
0x1e1: {  	v52 =	vadd.f32 v38, v15;
	[tilespmem:s2+$0x140D0] =	vst v48  }
0x1e2: {  	[tilespmem:s2+$0x140E0] =	vst v50  }
0x1e3: {  	[tilespmem:s2+$0x140F0] =	vst v52;
	s31 =	spop (v2sf)  }
0x1e4: {  	v17 =	vld [tilespmem:s31+$0x4000]  }
0x1e5: {  	v18 =	vld [tilespmem:s31+$0x4010]  }
0x1e6: {  	v53 =	vld [tilespmem:s31+$0x4020]  }
0x1e7: {  	v54 =	vld [tilespmem:s31+$0x4030]  }
0x1e8: {  	v55 =	vld [tilespmem:s31+$0x4040]  }
0x1e9: {  	v56 =	vld [tilespmem:s31+$0x4050]  }
0x1ea: {  	v57 =	vld [tilespmem:s31+$0x4060]  }
0x1eb: {  	v58 =	vld [tilespmem:s31+$0x4070];
	s28 =	spop (v2sf)  }
0x1ec: {  	v25 =	vld [tilespmem:s28+$0x4000]  }
0x1ed: {  	v59 =	vld [tilespmem:s28+$0x4010]  }
0x1ee: {  	v60 =	vld [tilespmem:s28+$0x4020]  }
0x1ef: {  	v61 =	vld [tilespmem:s28+$0x4030]  }
0x1f0: {  	v62 =	vld [tilespmem:s28+$0x4040]  }
0x1f1: {  	v63 =	vld [tilespmem:s28+$0x4050];
	v17 =	vadd.f32 v17, v5  }
0x1f2: {  	v36 =	vld [tilespmem:s28+$0x4060];
	v38 =	vadd.f32 v18, v3  }
0x1f3: {  	(v2sf) =	vpush v16, $0x4;
	v37 =	vld [tilespmem:s28+$0x4070];
	v40 =	vadd.f32 v53, v1;
	[tilespmem:s2+$0x15000] =	vst v17  }
0x1f4: {  	v42 =	vadd.f32 v54, v0;
	[tilespmem:s2+$0x15010] =	vst v38  }
0x1f5: {  	v44 =	vadd.f32 v55, v8;
	[tilespmem:s2+$0x15020] =	vst v40  }
0x1f6: {  	v46 =	vadd.f32 v56, v10;
	[tilespmem:s2+$0x15030] =	vst v42  }
0x1f7: {  	v48 =	vadd.f32 v57, v12;
	[tilespmem:s2+$0x15040] =	vst v44  }
0x1f8: {  	v50 =	vadd.f32 v58, v14;
	[tilespmem:s2+$0x15050] =	vst v46  }
0x1f9: {  	v25 =	vadd.f32 v25, v6;
	[tilespmem:s2+$0x15060] =	vst v48  }
0x1fa: {  	v39 =	vadd.f32 v59, v4;
	[tilespmem:s2+$0x15070] =	vst v50  }
0x1fb: {  	(v2sf) =	vpush v16, $0xC;
	v41 =	vadd.f32 v60, v2;
	[tilespmem:s2+$0x15080] =	vst v25  }
0x1fc: {  	v43 =	vadd.f32 v61, v7;
	[tilespmem:s2+$0x15090] =	vst v39  }
0x1fd: {  	v45 =	vadd.f32 v62, v9;
	[tilespmem:s2+$0x150A0] =	vst v41  }
0x1fe: {  	v47 =	vadd.f32 v63, v11;
	[tilespmem:s2+$0x150B0] =	vst v43  }
0x1ff: {  	v49 =	vadd.f32 v36, v13;
	[tilespmem:s2+$0x150C0] =	vst v45  }
0x200: {  	v51 =	vadd.f32 v37, v15;
	[tilespmem:s2+$0x150D0] =	vst v47  }
0x201: {  	[tilespmem:s2+$0x150E0] =	vst v49  }
0x202: {  	[tilespmem:s2+$0x150F0] =	vst v51;
	s29 =	spop (v2sf)  }
0x203: {  	v17 =	vld [tilespmem:s29+$0x4000]  }
0x204: {  	v18 =	vld [tilespmem:s29+$0x4010]  }
0x205: {  	v52 =	vld [tilespmem:s29+$0x4020]  }
0x206: {  	v53 =	vld [tilespmem:s29+$0x4030]  }
0x207: {  	v54 =	vld [tilespmem:s29+$0x4040]  }
0x208: {  	v55 =	vld [tilespmem:s29+$0x4050]  }
0x209: {  	v56 =	vld [tilespmem:s29+$0x4060]  }
0x20a: {  	v57 =	vld [tilespmem:s29+$0x4070];
	s31 =	spop (v2sf)  }
0x20b: {  	v25 =	vld [tilespmem:s31+$0x4000]  }
0x20c: {  	v58 =	vld [tilespmem:s31+$0x4010]  }
0x20d: {  	v59 =	vld [tilespmem:s31+$0x4020]  }
0x20e: {  	v60 =	vld [tilespmem:s31+$0x4030]  }
0x20f: {  	v61 =	vld [tilespmem:s31+$0x4040]  }
0x210: {  	v62 =	vld [tilespmem:s31+$0x4050];
	v17 =	vadd.f32 v17, v5  }
0x211: {  	v63 =	vld [tilespmem:s31+$0x4060];
	v37 =	vadd.f32 v18, v3  }
0x212: {  	(v2sf) =	vpush v16, $0x5;
	v36 =	vld [tilespmem:s31+$0x4070];
	v39 =	vadd.f32 v52, v1;
	[tilespmem:s2+$0x16000] =	vst v17  }
0x213: {  	v41 =	vadd.f32 v53, v0;
	[tilespmem:s2+$0x16010] =	vst v37  }
0x214: {  	v43 =	vadd.f32 v54, v8;
	[tilespmem:s2+$0x16020] =	vst v39  }
0x215: {  	v45 =	vadd.f32 v55, v10;
	[tilespmem:s2+$0x16030] =	vst v41  }
0x216: {  	v47 =	vadd.f32 v56, v12;
	[tilespmem:s2+$0x16040] =	vst v43  }
0x217: {  	v49 =	vadd.f32 v57, v14;
	[tilespmem:s2+$0x16050] =	vst v45  }
0x218: {  	v25 =	vadd.f32 v25, v6;
	[tilespmem:s2+$0x16060] =	vst v47  }
0x219: {  	v38 =	vadd.f32 v58, v4;
	[tilespmem:s2+$0x16070] =	vst v49  }
0x21a: {  	(v2sf) =	vpush v16, $0xD;
	v40 =	vadd.f32 v59, v2;
	[tilespmem:s2+$0x16080] =	vst v25  }
0x21b: {  	v42 =	vadd.f32 v60, v7;
	[tilespmem:s2+$0x16090] =	vst v38  }
0x21c: {  	v44 =	vadd.f32 v61, v9;
	[tilespmem:s2+$0x160A0] =	vst v40  }
0x21d: {  	v46 =	vadd.f32 v62, v11;
	[tilespmem:s2+$0x160B0] =	vst v42  }
0x21e: {  	v48 =	vadd.f32 v63, v13;
	[tilespmem:s2+$0x160C0] =	vst v44  }
0x21f: {  	v50 =	vadd.f32 v36, v15;
	[tilespmem:s2+$0x160D0] =	vst v46  }
0x220: {  	[tilespmem:s2+$0x160E0] =	vst v48  }
0x221: {  	[tilespmem:s2+$0x160F0] =	vst v50;
	s28 =	spop (v2sf)  }
0x222: {  	v17 =	vld [tilespmem:s28+$0x4000]  }
0x223: {  	v18 =	vld [tilespmem:s28+$0x4010]  }
0x224: {  	v51 =	vld [tilespmem:s28+$0x4020]  }
0x225: {  	v52 =	vld [tilespmem:s28+$0x4030]  }
0x226: {  	v53 =	vld [tilespmem:s28+$0x4040]  }
0x227: {  	v54 =	vld [tilespmem:s28+$0x4050]  }
0x228: {  	v55 =	vld [tilespmem:s28+$0x4060]  }
0x229: {  	v56 =	vld [tilespmem:s28+$0x4070];
	s29 =	spop (v2sf)  }
0x22a: {  	v25 =	vld [tilespmem:s29+$0x4000]  }
0x22b: {  	v57 =	vld [tilespmem:s29+$0x4010]  }
0x22c: {  	v58 =	vld [tilespmem:s29+$0x4020]  }
0x22d: {  	v59 =	vld [tilespmem:s29+$0x4030]  }
0x22e: {  	v60 =	vld [tilespmem:s29+$0x4040]  }
0x22f: {  	v61 =	vld [tilespmem:s29+$0x4050];
	v17 =	vadd.f32 v17, v5  }
0x230: {  	v62 =	vld [tilespmem:s29+$0x4060];
	v36 =	vadd.f32 v18, v3  }
0x231: {  	(v2sf) =	vpush v16, $0x6;
	v63 =	vld [tilespmem:s29+$0x4070];
	v38 =	vadd.f32 v51, v1;
	[tilespmem:s2+$0x17000] =	vst v17  }
0x232: {  	v40 =	vadd.f32 v52, v0;
	[tilespmem:s2+$0x17010] =	vst v36  }
0x233: {  	v42 =	vadd.f32 v53, v8;
	[tilespmem:s2+$0x17020] =	vst v38  }
0x234: {  	v44 =	vadd.f32 v54, v10;
	[tilespmem:s2+$0x17030] =	vst v40  }
0x235: {  	v46 =	vadd.f32 v55, v12;
	[tilespmem:s2+$0x17040] =	vst v42  }
0x236: {  	v48 =	vadd.f32 v56, v14;
	[tilespmem:s2+$0x17050] =	vst v44  }
0x237: {  	v25 =	vadd.f32 v25, v6;
	[tilespmem:s2+$0x17060] =	vst v46  }
0x238: {  	v37 =	vadd.f32 v57, v4;
	[tilespmem:s2+$0x17070] =	vst v48  }
0x239: {  	(v2sf) =	vpush v16, $0xE;
	v39 =	vadd.f32 v58, v2;
	[tilespmem:s2+$0x17080] =	vst v25  }
0x23a: {  	v41 =	vadd.f32 v59, v7;
	[tilespmem:s2+$0x17090] =	vst v37  }
0x23b: {  	v43 =	vadd.f32 v60, v9;
	[tilespmem:s2+$0x170A0] =	vst v39  }
0x23c: {  	v45 =	vadd.f32 v61, v11;
	[tilespmem:s2+$0x170B0] =	vst v41  }
0x23d: {  	v47 =	vadd.f32 v62, v13;
	[tilespmem:s2+$0x170C0] =	vst v43  }
0x23e: {  	v49 =	vadd.f32 v63, v15;
	[tilespmem:s2+$0x170D0] =	vst v45  }
0x23f: {  	[tilespmem:s2+$0x170E0] =	vst v47  }
0x240: {  	[tilespmem:s2+$0x170F0] =	vst v49;
	s31 =	spop (v2sf)  }
0x241: {  	v17 =	vld [tilespmem:s31+$0x4000]  }
0x242: {  	v18 =	vld [tilespmem:s31+$0x4010]  }
0x243: {  	v50 =	vld [tilespmem:s31+$0x4020]  }
0x244: {  	v51 =	vld [tilespmem:s31+$0x4030]  }
0x245: {  	v52 =	vld [tilespmem:s31+$0x4040]  }
0x246: {  	v53 =	vld [tilespmem:s31+$0x4050]  }
0x247: {  	v54 =	vld [tilespmem:s31+$0x4060]  }
0x248: {  	v55 =	vld [tilespmem:s31+$0x4070];
	s28 =	spop (v2sf)  }
0x249: {  	v25 =	vld [tilespmem:s28+$0x4000]  }
0x24a: {  	v56 =	vld [tilespmem:s28+$0x4010]  }
0x24b: {  	v57 =	vld [tilespmem:s28+$0x4020]  }
0x24c: {  	v58 =	vld [tilespmem:s28+$0x4030]  }
0x24d: {  	v59 =	vld [tilespmem:s28+$0x4040]  }
0x24e: {  	v60 =	vld [tilespmem:s28+$0x4050];
	v17 =	vadd.f32 v17, v5  }
0x24f: {  	v61 =	vld [tilespmem:s28+$0x4060];
	v63 =	vadd.f32 v18, v3  }
0x250: {  	(v2sf) =	vpush v16, $0x7;
	v62 =	vld [tilespmem:s28+$0x4070];
	v26 =	vadd.f32 v50, v1;
	[tilespmem:s2+$0x18000] =	vst v17  }
0x251: {  	v33 =	vadd.f32 v51, v0;
	[tilespmem:s2+$0x18010] =	vst v63  }
0x252: {  	v35 =	vadd.f32 v52, v8;
	[tilespmem:s2+$0x18020] =	vst v26  }
0x253: {  	v37 =	vadd.f32 v53, v10;
	[tilespmem:s2+$0x18030] =	vst v33  }
0x254: {  	v39 =	vadd.f32 v54, v12;
	[tilespmem:s2+$0x18040] =	vst v35  }
0x255: {  	v41 =	vadd.f32 v55, v14;
	[tilespmem:s2+$0x18050] =	vst v37  }
0x256: {  	v25 =	vadd.f32 v25, v6;
	[tilespmem:s2+$0x18060] =	vst v39  }
0x257: {  	v27 =	vadd.f32 v57, v2;
	[tilespmem:s2+$0x18070] =	vst v41  }
0x258: {  	(v2sf) =	vpush v16, $0xF;
	v34 =	vadd.f32 v58, v7;
	[tilespmem:s2+$0x18080] =	vst v25  }
0x259: {  	v36 =	vadd.f32 v59, v9;
	[tilespmem:s2+$0x180A0] =	vst v27  }
0x25a: {  	v38 =	vadd.f32 v60, v11;
	[tilespmem:s2+$0x180B0] =	vst v34  }
0x25b: {  	v40 =	vadd.f32 v61, v13;
	[tilespmem:s2+$0x180C0] =	vst v36  }
0x25c: {  	v42 =	vadd.f32 v62, v15;
	[tilespmem:s2+$0x180D0] =	vst v38  }
0x25d: {  	v25 =	vadd.f32 v56, v4;
	[tilespmem:s2+$0x180E0] =	vst v40  }
0x25e: {  	[tilespmem:s2+$0x180F0] =	vst v42  }
0x25f: {  	[tilespmem:s2+$0x18090] =	vst v25;
	s29 =	spop (v2sf)  }
0x260: {  	v16 =	vld [tilespmem:s29+$0x4000]  }
0x261: {  	v17 =	vld [tilespmem:s29+$0x4010]  }
0x262: {  	v18 =	vld [tilespmem:s29+$0x4020]  }
0x263: {  	v43 =	vld [tilespmem:s29+$0x4030]  }
0x264: {  	v44 =	vld [tilespmem:s29+$0x4040]  }
0x265: {  	v45 =	vld [tilespmem:s29+$0x4050]  }
0x266: {  	v46 =	vld [tilespmem:s29+$0x4060]  }
0x267: {  	v47 =	vld [tilespmem:s29+$0x4070];
	s31 =	spop (v2sf)  }
0x268: {  	v48 =	vld [tilespmem:s31+$0x4000]  }
0x269: {  	v25 =	vld [tilespmem:s31+$0x4010]  }
0x26a: {  	v49 =	vld [tilespmem:s31+$0x4020]  }
0x26b: {  	v50 =	vld [tilespmem:s31+$0x4030]  }
0x26c: {  	v51 =	vld [tilespmem:s31+$0x4040]  }
0x26d: {  	v52 =	vld [tilespmem:s31+$0x4050];
	v5 =	vadd.f32 v16, v5  }
0x26e: {  	v53 =	vld [tilespmem:s31+$0x4060];
	v3 =	vadd.f32 v17, v3  }
0x26f: {  	v54 =	vld [tilespmem:s31+$0x4070];
	v1 =	vadd.f32 v18, v1;
	[tilespmem:s2+$0x19000] =	vst v5  }
0x270: {  	v0 =	vadd.f32 v43, v0;
	[tilespmem:s2+$0x19010] =	vst v3  }
0x271: {  	v56 =	vadd.f32 v44, v8;
	[tilespmem:s2+$0x19020] =	vst v1  }
0x272: {  	v58 =	vadd.f32 v45, v10;
	[tilespmem:s2+$0x19030] =	vst v0  }
0x273: {  	v60 =	vadd.f32 v46, v12;
	[tilespmem:s2+$0x19040] =	vst v56  }
0x274: {  	v62 =	vadd.f32 v47, v14;
	[tilespmem:s2+$0x19050] =	vst v58  }
0x275: {  	v6 =	vadd.f32 v48, v6;
	[tilespmem:s2+$0x19060] =	vst v60  }
0x276: {  	v4 =	vadd.f32 v25, v4;
	[tilespmem:s2+$0x19070] =	vst v62  }
0x277: {  	v2 =	vadd.f32 v49, v2;
	[tilespmem:s2+$0x19080] =	vst v6  }
0x278: {  	v55 =	vadd.f32 v50, v7;
	[tilespmem:s2+$0x19090] =	vst v4  }
0x279: {  	p0 =	sne.s32 s26, $0x3C00;
	v57 =	vadd.f32 v51, v9;
	[tilespmem:s2+$0x190A0] =	vst v2  }
.Ltmp1:
0x27a: {  	v59 =	vadd.f32 v52, v11;
	[tilespmem:s2+$0x190B0] =	vst v55;
	(pc) =	sbr.rel @p0 .LBB2_5-.Ltmp1, $4  }
0x27b: {  	v61 =	vadd.f32 v53, v13;
	[tilespmem:s2+$0x190C0] =	vst v57  }
0x27c: {  	v63 =	vadd.f32 v54, v15;
	[tilespmem:s2+$0x190D0] =	vst v59  }
0x27d: {  	[tilespmem:s2+$0x190E0] =	vst v61  }
0x27e: {  	s25 =	sadd.s32 $0x10, s25;
	s24 =	sadd.s32 $0x80, s24;
	s26 =	sadd.s32 $0x400, s26;
	[tilespmem:s2+$0x190F0] =	vst v63  }
0x27f: {  	s0 =	sshll.u32 s22, $0xC  }
0x280: {  	s0 =	sand.u32 $0x3000, s0  }
0x281: {  	s2 =	sor.u32 s0, s5  }
0x282: {  	s2 =	sadd.s32 s21, s2  }
0x283: {  	s2 =	sshll.u32 s2, $0x4  }
0x284: {  	s28 =	simm.s32 $0x12000;
	s29 =	sadd.s32 s21, s8;
	s2 =	sadd.s32 s4, s2  }
0x285: {  	[hbm4b:s2+s6] =	stream.linear.scatter [tilespmem:s28], [sflag:$0x4], $0x1000, $0x38;
	[tilespmem:$0x1A000] =	vst v63  }
0x286: {  	s2 =	sadd.s32 s0, s29  }
0x287: {  	s2 =	sshll.u32 s2, $0x4  }
0x288: {  	s31 =	simm.s32 $0x13000;
	s23 =	sadd.s32 s21, s9;
	s2 =	sadd.s32 s4, s2  }
0x289: {  	[hbm4b:s2+s6] =	stream.linear.scatter [tilespmem:s31], [sflag:$0x4], $0x1000, $0x38;
	[tilespmem:$0x1A000] =	vst v63  }
0x28a: {  	s2 =	sadd.s32 s0, s23  }
0x28b: {  	s2 =	sshll.u32 s2, $0x4  }
0x28c: {  	s24 =	simm.s32 $0x14000;
	s25 =	sadd.s32 s21, s10;
	s2 =	sadd.s32 s4, s2  }
0x28d: {  	[hbm4b:s2+s6] =	stream.linear.scatter [tilespmem:s24], [sflag:$0x4], $0x1000, $0x38;
	[tilespmem:$0x1A000] =	vst v63  }
0x28e: {  	s2 =	sadd.s32 s0, s25  }
0x28f: {  	s2 =	sshll.u32 s2, $0x4  }
0x290: {  	s26 =	sadd.s32 s21, s11;
	s2 =	sadd.s32 s4, s2  }
0x291: {  	[hbm4b:s2+s6] =	stream.linear.scatter [tilespmem:s1], [sflag:$0x4], $0x1000, $0x38;
	[tilespmem:$0x1A000] =	vst v63  }
0x292: {  	s2 =	sadd.s32 s0, s26  }
0x293: {  	s2 =	sshll.u32 s2, $0x4  }
0x294: {  	s28 =	sadd.s32 s21, s12;
	s2 =	sadd.s32 s4, s2  }
0x295: {  	[hbm4b:s2+s6] =	stream.linear.scatter [tilespmem:s17], [sflag:$0x4], $0x1000, $0x38;
	[tilespmem:$0x1A000] =	vst v63  }
0x296: {  	s2 =	sadd.s32 s0, s28  }
0x297: {  	s2 =	sshll.u32 s2, $0x4  }
0x298: {  	s19 =	sadd.s32 $0x1, s19;
	s29 =	sadd.s32 s21, s13;
	s2 =	sadd.s32 s4, s2  }
0x299: {  	[hbm4b:s2+s6] =	stream.linear.scatter [tilespmem:s18], [sflag:$0x4], $0x1000, $0x38;
	[tilespmem:$0x1A000] =	vst v63  }
0x29a: {  	p0 =	sne.s32 s19, $0x20;
	s31 =	sadd.s32 s21, s14;
	s2 =	sadd.s32 s0, s29  }
.Ltmp2:
0x29b: {  	s0 =	sadd.s32 s0, s31;
	s2 =	sshll.u32 s2, $0x4;
	(pc) =	sbr.rel @p0 .LBB2_2-.Ltmp2, $4  }
0x29c: {  	s0 =	sshll.u32 s0, $0x4;
	s2 =	sadd.s32 s4, s2  }
0x29d: {  	[hbm4b:s2+s6] =	stream.linear.scatter [tilespmem:s7], [sflag:$0x4], $0x1000, $0x38;
	[tilespmem:$0x1A000] =	vst v63  }
0x29e: {  	s0 =	sadd.s32 s4, s0  }
0x29f: {  	[hbm4b:s0+s6] =	stream.linear.scatter [tilespmem:s15], [sflag:$0x4], $0x1000, $0x38;
	[tilespmem:$0x1A000] =	vst v63  }
0x2a0: {  	s0 =	simm.s32 $0x3  }
0x2a1: {  	_ =	swait.ge [sflag:s0], $0x1000  }
0x2a2: {  	[sflag:s0] =	ssyncset.done $0x0  }
0x2a3: {  	[sflag:s0] =	ssyncadd.s32 $0xFFFFF000  }
0x2a4: {  	_ =	swait.ge [sflag:s0], $0x1000  }
0x2a5: {  	[sflag:s0] =	ssyncset.done $0x0  }
0x2a6: {  	[sflag:s0] =	ssyncadd.s32 $0xFFFFF000  }
0x2a7: {  	_ =	swait.ge [sflag:s0], $0x1000  }
0x2a8: {  	[sflag:s0] =	ssyncset.done $0x0  }
0x2a9: {  	[sflag:s0] =	ssyncadd.s32 $0xFFFFF000  }
0x2aa: {  	_ =	swait.ge [sflag:s0], $0x1000  }
0x2ab: {  	[sflag:s0] =	ssyncset.done $0x0  }
0x2ac: {  	[sflag:s0] =	ssyncadd.s32 $0xFFFFF000  }
0x2ad: {  	_ =	swait.ge [sflag:s0], $0x1000  }
0x2ae: {  	[sflag:s0] =	ssyncset.done $0x0  }
0x2af: {  	[sflag:s0] =	ssyncadd.s32 $0xFFFFF000  }
0x2b0: {  	_ =	swait.ge [sflag:s0], $0x1000  }
0x2b1: {  	[sflag:s0] =	ssyncset.done $0x0  }
0x2b2: {  	[sflag:s0] =	ssyncadd.s32 $0xFFFFF000  }
0x2b3: {  	_ =	swait.ge [sflag:s0], $0x1000  }
0x2b4: {  	[sflag:s0] =	ssyncset.done $0x0  }
0x2b5: {  	[sflag:s0] =	ssyncadd.s32 $0xFFFFF000  }
0x2b6: {  	_ =	swait.ge [sflag:s0], $0x1000  }
0x2b7: {  	[sflag:s0] =	ssyncset.done $0x0  }
0x2b8: {  	[sflag:s0] =	ssyncadd.s32 $0xFFFFF000  }
0x2b9: {  	_ =	swait.ge [sflag:s16], $0x1000  }
0x2ba: {  	[sflag:s16] =	ssyncset.done $0x0  }
0x2bb: {  	[sflag:s16] =	ssyncadd.s32 $0xFFFFF000  }
0x2bc: {  	_ =	swait.ge [sflag:s16], $0x1000  }
0x2bd: {  	[sflag:s16] =	ssyncset.done $0x0  }
0x2be: {  	[sflag:s16] =	ssyncadd.s32 $0xFFFFF000  }
0x2bf: {  	_ =	swait.ge [sflag:s16], $0x1000  }
0x2c0: {  	[sflag:s16] =	ssyncset.done $0x0  }
0x2c1: {  	[sflag:s16] =	ssyncadd.s32 $0xFFFFF000  }
0x2c2: {  	_ =	swait.ge [sflag:s16], $0x1000  }
0x2c3: {  	[sflag:s16] =	ssyncset.done $0x0  }
0x2c4: {  	[sflag:s16] =	ssyncadd.s32 $0xFFFFF000  }
0x2c5: {  	_ =	swait.ge [sflag:s16], $0x1000  }
0x2c6: {  	[sflag:s16] =	ssyncset.done $0x0  }
0x2c7: {  	[sflag:s16] =	ssyncadd.s32 $0xFFFFF000  }
0x2c8: {  	_ =	swait.ge [sflag:s16], $0x1000  }
0x2c9: {  	[sflag:s16] =	ssyncset.done $0x0  }
0x2ca: {  	[sflag:s16] =	ssyncadd.s32 $0xFFFFF000  }
0x2cb: {  	_ =	swait.ge [sflag:s16], $0x1000  }
0x2cc: {  	[sflag:s16] =	ssyncset.done $0x0  }
0x2cd: {  	[sflag:s16] =	ssyncadd.s32 $0xFFFFF000  }
0x2ce: {  	_ =	swait.ge [sflag:s16], $0x1000  }
0x2cf: {  	s2 =	rddreg [dreg:$0x7]  }
0x2d0: {  	s31 =	rddreg [dreg:$0x6];
	s2 =	sadd.s32 $0x1, s2  }
0x2d1: {  	p0 =	sne.s32 s2, s31  }
.Ltmp3:
0x2d2: {  	_ = 	snop;
	(pc) =	sbr.rel @p0 .LBB2_1-.Ltmp3, $3  }
0x2d3: {  	_ =	sdelay $0x1  }
0x2d4: {  	[sflag:s16] =	ssyncset.done $0x0  }
0x2d5: {  	[sflag:s16] =	ssyncadd.s32 $0xFFFFF000  }
0x2d6: {  	_ =	sfence.sel $0x180000  }
0x2d7: {  	[bflag:$0x0] =	sbarrier.arrive $0xFFFF  }
0x2d8: {  	_ =	strace $0x90000047  }
0x2d9: {  	s0 =	stileid.u32;
	[bflag:$0x2] =	sbarrier.arrive $0xFFFF  }
0x2da: {  	p0 =	sne.s32 s0, $0x0;
	s0 =	rddreg [dreg:$0x4]  }
0x2db: {  	s0 =	sadd.s32 @!p0 $0x100000, s0  }
0x2dc: {  	[sflag:s0] =	ssyncadd.tile.s32 @!p0 $0x1;
	_ =	shalt  }
.Lfunc_end2:
_tile_overlayer_lowered:
.L_overlay_start_2:
0x2dd: {  	(tag) =	ssettag $0x2  }
0x2de: {  	s0 =	rddreg [dreg:$0x0];
	s2 =	stileid.u32  }
0x2df: {  	s1 =	rddreg [dreg:$0x1];
	p0 =	sne.s32 s2, $0x0  }
0x2e0: {  	s3 =	rddreg [dreg:$0x2];
	[bflag:$0x3] =	sbarrier.arrive $0xFFFF;
	s2 =	simm.s32 @!p0 $0x1C05  }
0x2e1: {  	[timem:s3], [sflag:s2] =	dma.local @!p0 [hbm:s0], s1  }
0x2e2: {  	s0 =	simm.s32 @!p0 $0x5  }
0x2e3: {  	_ =	swait.ge @!p0 [sflag:s0], s1  }
0x2e4: {  	s1 =	ssub.s32 @!p0 $0x0, s1;
	[sflag:s0] =	ssyncset.done @!p0 $0x0  }
0x2e5: {  	[sflag:s0] =	ssyncadd.s32 @!p0 s1  }
0x2e6: {  	[bflag:$0x3] =	sbarrier.arrive $0xFFFF  }
0x2e7: {  	_ =	shalt  }

</sc_bundles>
